<compile_context>
chip_gen: v7x
topology: tpu7x:2x2x1
jax: 0.10.2.dev20260603
libtpu: 0.0.44.dev20260713+nightly
codegen_flags: <defaults>
</compile_context>

<pallas_src>
import functools

import jax
import jax.numpy as jnp
from jax import lax
from jax.experimental import pallas as pl
from jax.experimental.pallas import tpu as pltpu
from jax.experimental.pallas import tpu_sc as plsc

N = 10000
E = 320000
D = 128
LANES = 16
NC, NS = 2, 16
NW = NC * NS
EPW = E // NW
C = 80
NCHUNK = EPW // C
ZCH = 80
NZCHUNK = N // ZCH


def _sc_message_kernel(h, packed_idx, e_emb):
  mesh = plsc.VectorSubcoreMesh(core_axis_name="c", subcore_axis_name="s")

  @functools.partial(
      pl.kernel,
      out_type=jax.ShapeDtypeStruct((NC, N, D), jnp.float32),
      mesh=mesh,
      scratch_types=[
          pltpu.VMEM((C,), jnp.int32),
          pltpu.VMEM((C,), jnp.int32),
          pltpu.VMEM((C,), jnp.int32),
          pltpu.VMEM((C,), jnp.int32),
          pltpu.VMEM((C, D), jnp.float32),
          pltpu.VMEM((C, D), jnp.float32),
          pltpu.VMEM((C, D), jnp.float32),
          pltpu.VMEM((C, D), jnp.float32),
          pltpu.VMEM_SHARED((N, D), jnp.float32),
          pltpu.SemaphoreType.DMA,
          pltpu.SemaphoreType.DMA,
          pltpu.SemaphoreType.DMA,
          pltpu.SemaphoreType.DMA,
          pltpu.SemaphoreType.DMA,
          pltpu.SemaphoreType.DMA,
          pltpu.SemaphoreType.DMA,
          pltpu.SemaphoreType.DMA,
      ],
  )
  def body(h_hbm, pk_hbm, e_hbm, out_hbm,
           src_v0, src_v1, dst_v0, dst_v1,
           rows_v0, rows_v1, e_v0, e_v1,
           agg_sp, si0, si1, sg0, sg1, se0, se1, ss0, ss1):
    cid = lax.axis_index("c")
    sid = lax.axis_index("s")
    wid = cid * NS + sid
    src_v = (src_v0, src_v1)
    dst_v = (dst_v0, dst_v1)
    rows_v = (rows_v0, rows_v1)
    e_v = (e_v0, e_v1)
    si = (si0, si1)
    sg = (sg0, sg1)
    se = (se0, se1)
    ss = (ss0, ss1)

    def zero_row(r, carry):
      for k in range(D // LANES):
        rows_v0[r, pl.ds(k * LANES, LANES)] = jnp.zeros((LANES,), jnp.float32)
      return carry
    lax.fori_loop(0, ZCH, zero_row, 0)
    def zero_chunk(t, carry):
      zc = sid + NS * t
      @pl.when(zc < NZCHUNK)
      def _():
        pltpu.sync_copy(rows_v0, agg_sp.at[pl.ds(zc * ZCH, ZCH)])
      return carry
    lax.fori_loop(0, (NZCHUNK + NS - 1) // NS, zero_chunk, 0)
    plsc.subcore_barrier()

    def idx_issue(j, b):
      base = wid * EPW + j * C
      pltpu.async_copy(pk_hbm.at[pl.ds(base, C)], src_v[b], si[b])

    def idx_wait(j, b):
      base = wid * EPW + j * C
      pltpu.make_async_copy(pk_hbm.at[pl.ds(base, C)], src_v[b], si[b]).wait()

    def unpack_idx(b):
      for g in range(C // LANES):
        sl = pl.ds(g * LANES, LANES)
        w = src_v[b][sl]
        dst_v[b][sl] = lax.bitwise_and(w, 16383)
        src_v[b][sl] = lax.shift_right_logical(w, 14)

    def ge_issue(j, b):
      pltpu.async_copy(h_hbm.at[src_v[b]], rows_v[b], sg[b])
      pltpu.async_copy(e_hbm.at[pl.ds(wid * EPW + j * C, C)], e_v[b], se[b])

    def ge_wait(j, b):
      pltpu.make_async_copy(h_hbm.at[src_v[b]], rows_v[b], sg[b]).wait()
      pltpu.make_async_copy(e_hbm.at[pl.ds(wid * EPW + j * C, C)],
                            e_v[b], se[b]).wait()

    def compute(b):
      rv, ev = rows_v[b], e_v[b]
      @plsc.parallel_loop(0, C, 1, unroll=4)
      def _(e):
        for k in range(D // LANES):
          sl = pl.ds(k * LANES, LANES)
          rv[e, sl] = jnp.maximum(rv[e, sl] + ev[e, sl], 0.0)

    def scat_wait(b):
      pltpu.make_async_copy(rows_v[b], agg_sp.at[dst_v[b]], ss[b]).wait()

    def phase(j, b):
      ge_wait(j, b)
      @pl.when(j >= 1)
      def _():
        scat_wait(1 - b)
      @pl.when(j + 1 < NCHUNK)
      def _():
        idx_wait(j + 1, 1 - b)
        unpack_idx(1 - b)
        ge_issue(j + 1, 1 - b)
      compute(b)
      pltpu.async_copy(rows_v[b], agg_sp.at[dst_v[b]], ss[b], add=True)
      @pl.when(j + 2 < NCHUNK)
      def _():
        idx_issue(j + 2, b)

    idx_issue(0, 0)
    idx_wait(0, 0)
    unpack_idx(0)
    ge_issue(0, 0)
    idx_issue(1, 1)
    def pair(jj, carry):
      phase(2 * jj, 0)
      phase(2 * jj + 1, 1)
      return carry
    lax.fori_loop(0, NCHUNK // 2, pair, 0)
    phase(NCHUNK - 1, 0)
    scat_wait(0)
    plsc.subcore_barrier()

    def flush_chunk(t, carry):
      zc = sid + NS * t
      @pl.when(zc < NZCHUNK)
      def _():
        row0 = zc * ZCH
        pltpu.sync_copy(agg_sp.at[pl.ds(row0, ZCH)],
                        out_hbm.at[cid, pl.ds(row0, ZCH)])
      return carry
    lax.fori_loop(0, (NZCHUNK + NS - 1) // NS, flush_chunk, 0)

  return body(h, packed_idx, e_emb)


def _tc_atom_encoder(x, atom_W, atom_b):
  def body(x_ref, w_ref, b_ref, o_ref):
    o_ref[...] = jnp.dot(x_ref[...], w_ref[...],
                         preferred_element_type=jnp.float32) + b_ref[...]
  return pl.pallas_call(
      body, out_shape=jax.ShapeDtypeStruct((N, D), jnp.float32),
  )(x, atom_W, atom_b.reshape(1, D))


def _tc_edge_embed(edge_attr, edge_W, edge_b):
  L, K, _ = edge_W.shape
  BE = 8000

  def body(ea_ref, w_ref, b_ref, o0_ref, o1_ref):
    ea = ea_ref[...]
    o0_ref[...] = jnp.dot(ea, w_ref[0],
                          preferred_element_type=jnp.float32) + b_ref[0]
    o1_ref[...] = jnp.dot(ea, w_ref[1],
                          preferred_element_type=jnp.float32) + b_ref[1]

  return pl.pallas_call(
      body,
      grid=(E // BE,),
      in_specs=[
          pl.BlockSpec((BE, K), lambda i: (i, 0)),
          pl.BlockSpec((L, K, D), lambda i: (0, 0, 0)),
          pl.BlockSpec((L, 1, D), lambda i: (0, 0, 0)),
      ],
      out_specs=[
          pl.BlockSpec((BE, D), lambda i: (i, 0)),
          pl.BlockSpec((BE, D), lambda i: (i, 0)),
      ],
      out_shape=[
          jax.ShapeDtypeStruct((E, D), jnp.float32),
          jax.ShapeDtypeStruct((E, D), jnp.float32),
      ],
  )(edge_attr, edge_W, edge_b.reshape(L, 1, D))


def _tc_update(h, agg_parts, W1, b1, W2, b2, eps, gamma, beta, relu_out):
  def body(h_ref, a_ref, w1_ref, b1_ref, w2_ref, b2_ref, eps_ref,
           g_ref, bt_ref, o_ref):
    z = (1.0 + eps_ref[0, 0]) * h_ref[...] + a_ref[0] + a_ref[1]
    t = jnp.maximum(jnp.dot(z, w1_ref[...],
                            preferred_element_type=jnp.float32)
                    + b1_ref[...], 0.0)
    t = jnp.dot(t, w2_ref[...], preferred_element_type=jnp.float32) + b2_ref[...]
    mean = jnp.mean(t, axis=0, keepdims=True)
    ctr = t - mean
    var = jnp.mean(ctr * ctr, axis=0, keepdims=True)
    out = g_ref[...] * ctr * lax.rsqrt(var + 1e-5) + bt_ref[...]
    if relu_out:
      out = jnp.maximum(out, 0.0)
    o_ref[...] = out

  return pl.pallas_call(
      body, out_shape=jax.ShapeDtypeStruct((N, D), jnp.float32),
  )(h, agg_parts, W1, b1.reshape(1, D), W2, b2.reshape(1, D),
    eps.reshape(1, 1), gamma.reshape(1, D), beta.reshape(1, D))


def kernel(x, edge_index, edge_attr, atom_W, atom_b, edge_W, edge_b,
           W1, b1, W2, b2, eps, gamma, beta):
  L = edge_W.shape[0]
  packed_idx = edge_index[0] * 16384 + edge_index[1]
  h = _tc_atom_encoder(x, atom_W, atom_b)
  e_emb = _tc_edge_embed(edge_attr, edge_W, edge_b)
  for l in range(L):
    agg_parts = _sc_message_kernel(h, packed_idx, e_emb[l])
    h = _tc_update(h, agg_parts, W1[l], b1[l], W2[l], b2[l],
                   eps[l], gamma[l], beta[l], relu_out=(l != L - 1))
  return h

# --- scband reference (transcript-rebuilt; emitter-appended) ---
"""Pipeline reference for scband-gnnnode-embedding-2362232012848 (READ-ONLY COPY).

The authoritative reference and input builder live on the scoring server;
editing this copy changes nothing except your own understanding.
"""

import jax, jax.numpy as jnp
import numpy as np

N = 10000
E = 320000
D = 128
L = 2
X_DIM = 92
E_DIM = 50


def setup_inputs(seed: int = 0) -> dict:
    key = jax.random.key(seed)
    ks = jax.random.split(key, 12)
    x = jax.random.normal(ks[0], (N, X_DIM), dtype=jnp.float32)
    edge_index = jax.random.randint(ks[1], (2, E), 0, N, dtype=jnp.int32)
    edge_attr = jax.random.normal(ks[2], (E, E_DIM), dtype=jnp.float32)
    atom_W = jax.random.normal(ks[3], (X_DIM, D), dtype=jnp.float32) * 0.1
    atom_b = jnp.zeros((D,), dtype=jnp.float32)
    edge_W = jax.random.normal(ks[4], (L, E_DIM, D), dtype=jnp.float32) * 0.1
    edge_b = jnp.zeros((L, D), dtype=jnp.float32)
    W1 = jax.random.normal(ks[5], (L, D, D), dtype=jnp.float32) * 0.1
    b1 = jnp.zeros((L, D), dtype=jnp.float32)
    W2 = jax.random.normal(ks[6], (L, D, D), dtype=jnp.float32) * 0.1
    b2 = jnp.zeros((L, D), dtype=jnp.float32)
    eps = jnp.zeros((L,), dtype=jnp.float32)
    gamma = jnp.ones((L, D), dtype=jnp.float32)
    beta = jnp.zeros((L, D), dtype=jnp.float32)
    return {"x": x, "edge_index": edge_index, "edge_attr": edge_attr,
            "atom_W": atom_W, "atom_b": atom_b, "edge_W": edge_W, "edge_b": edge_b,
            "W1": W1, "b1": b1, "W2": W2, "b2": b2,
            "eps": eps, "gamma": gamma, "beta": beta}


def reference(x, edge_index, edge_attr, atom_W, atom_b, edge_W, edge_b, W1, b1, W2, b2, eps, gamma, beta):
    # SparseTensor(row=ei[0], col=ei[1]).t() => messages flow src=ei[0] -> dst=ei[1]
    src = edge_index[0]
    dst = edge_index[1]
    h = x @ atom_W + atom_b  # atom_encoder
    for l in range(L):
        # GINEConv: out_i = nn((1+eps)*x_i + sum_j ReLU(x_j + lin(edge_attr_ji)))
        e_emb = edge_attr @ edge_W[l] + edge_b[l]
        m = jax.nn.relu(jnp.take(h, src, axis=0) + e_emb)
        agg = jnp.zeros_like(h).at[dst].add(m)
        z = (1.0 + eps[l]) * h + agg
        z = jax.nn.relu(z @ W1[l] + b1[l]) @ W2[l] + b2[l]
        # BatchNorm1d (batch statistics)
        mean = jnp.mean(z, axis=0)
        var = jnp.var(z, axis=0)
        z = gamma[l] * (z - mean) / jnp.sqrt(var + 1e-5) + beta[l]
        # dropout is identity in eval mode
        if l == L - 1:
            h = z
        else:
            h = jax.nn.relu(z)
    return h  # JK == 'last'

if __name__ == "__main__":
    import jax
    _d = setup_inputs()
    print(jax.jit(kernel)(*tuple(_d.values())))

</pallas_src>

<mosaic_0001>
#map = affine_map<(d0, d1) -> (0, 0)>
#map1 = affine_map<(d0, d1) -> (0)>
#map2 = affine_map<(d0, d1) -> (0, 0, 0)>
module attributes {stable_mosaic.version = 14 : i64} {
  func.func @body(%arg0: i32, %arg1: i32, %arg2: memref<10000x128xf32, #tpu.memory_space<hbm>>, %arg3: memref<320000xi32, #tpu.memory_space<hbm>>, %arg4: memref<320000x128xf32, #tpu.memory_space<hbm>>, %arg5: memref<2x10000x128xf32, #tpu.memory_space<hbm>>, %arg6: memref<80xi32, #tpu.memory_space<vmem>>, %arg7: memref<80xi32, #tpu.memory_space<vmem>>, %arg8: memref<80xi32, #tpu.memory_space<vmem>>, %arg9: memref<80xi32, #tpu.memory_space<vmem>>, %arg10: memref<80x128xf32, #tpu.memory_space<vmem>>, %arg11: memref<80x128xf32, #tpu.memory_space<vmem>>, %arg12: memref<80x128xf32, #tpu.memory_space<vmem>>, %arg13: memref<80x128xf32, #tpu.memory_space<vmem>>, %arg14: memref<10000x128xf32, #tpu.memory_space<vmem_shared>>, %arg15: memref<!tpu.dma_semaphore, #tpu.memory_space<semaphore_mem>>, %arg16: memref<!tpu.dma_semaphore, #tpu.memory_space<semaphore_mem>>, %arg17: memref<!tpu.dma_semaphore, #tpu.memory_space<semaphore_mem>>, %arg18: memref<!tpu.dma_semaphore, #tpu.memory_space<semaphore_mem>>, %arg19: memref<!tpu.dma_semaphore, #tpu.memory_space<semaphore_mem>>, %arg20: memref<!tpu.dma_semaphore, #tpu.memory_space<semaphore_mem>>, %arg21: memref<!tpu.dma_semaphore, #tpu.memory_space<semaphore_mem>>, %arg22: memref<!tpu.dma_semaphore, #tpu.memory_space<semaphore_mem>>) attributes {dimension_semantics = [#tpu.dimension_semantics<core_parallel>, #tpu.dimension_semantics<subcore_parallel>], iteration_bounds = array<i64: 2, 16>, scalar_prefetch = 0 : i64, scratch_operands = 17 : i64, tpu.core_type = #tpu.core_type<sc_vector_subcore>, window_params = [{transform_indices = #map}, {transform_indices = #map1}, {transform_indices = #map}, {transform_indices = #map2}]} {
    %mul3A = arith.constant 16 : i32
    %mul3A_0 = arith.muli %arg0, %mul3A : i32
    %add3A = arith.addi %mul3A_0, %arg1 : i32
    %scan3A = arith.constant 0 : i32
    %scan3A_1 = arith.constant 0 : i32
    %scan3A_2 = arith.constant 80 : i32
    %scan3A_3 = arith.addi %scan3A_1, %scan3A_2 : i32
    %scan3A_4 = arith.constant 1 : i32
    scf.for %scan3A_155 = %scan3A_1 to %scan3A_3 step %scan3A_4  : i32 {
      %broadcast_in_dim3A = arith.constant 0.000000e+00 : f32
      %broadcast_in_dim3A_156 = vector.broadcast %broadcast_in_dim3A : f32 to vector<16xf32>
      %swap3A_157 = arith.index_cast %scan3A_155 : i32 to index
      %swap3A_158 = arith.constant 0 : index
      %swap3A_159 = tpu.vector_load %arg10[%swap3A_157, %swap3A_158] {strides = array<i32>} : memref<80x128xf32, #tpu.memory_space<vmem>>, vector<1x16xf32>,
      %swap3A_160 = vector.shape_cast %swap3A_159 : vector<1x16xf32> to vector<16xf32>
      %swap3A_161 = vector.shape_cast %broadcast_in_dim3A_156 : vector<16xf32> to vector<1x16xf32>
      tpu.vector_store %arg10[%swap3A_157, %swap3A_158], %swap3A_161 {strides = array<i32>} : memref<80x128xf32, #tpu.memory_space<vmem>>, vector<1x16xf32>,
      %broadcast_in_dim3A_162 = arith.constant 0.000000e+00 : f32
      %broadcast_in_dim3A_163 = vector.broadcast %broadcast_in_dim3A_162 : f32 to vector<16xf32>
      %swap3A_164 = arith.index_cast %scan3A_155 : i32 to index
      %swap3A_165 = arith.constant 16 : index
      %swap3A_166 = tpu.vector_load %arg10[%swap3A_164, %swap3A_165] {strides = array<i32>} : memref<80x128xf32, #tpu.memory_space<vmem>>, vector<1x16xf32>,
      %swap3A_167 = vector.shape_cast %swap3A_166 : vector<1x16xf32> to vector<16xf32>
      %swap3A_168 = vector.shape_cast %broadcast_in_dim3A_163 : vector<16xf32> to vector<1x16xf32>
      tpu.vector_store %arg10[%swap3A_164, %swap3A_165], %swap3A_168 {strides = array<i32>} : memref<80x128xf32, #tpu.memory_space<vmem>>, vector<1x16xf32>,
      %broadcast_in_dim3A_169 = arith.constant 0.000000e+00 : f32
      %broadcast_in_dim3A_170 = vector.broadcast %broadcast_in_dim3A_169 : f32 to vector<16xf32>
      %swap3A_171 = arith.index_cast %scan3A_155 : i32 to index
      %swap3A_172 = arith.constant 32 : index
      %swap3A_173 = tpu.vector_load %arg10[%swap3A_171, %swap3A_172] {strides = array<i32>} : memref<80x128xf32, #tpu.memory_space<vmem>>, vector<1x16xf32>,
      %swap3A_174 = vector.shape_cast %swap3A_173 : vector<1x16xf32> to vector<16xf32>
      %swap3A_175 = vector.shape_cast %broadcast_in_dim3A_170 : vector<16xf32> to vector<1x16xf32>
      tpu.vector_store %arg10[%swap3A_171, %swap3A_172], %swap3A_175 {strides = array<i32>} : memref<80x128xf32, #tpu.memory_space<vmem>>, vector<1x16xf32>,
      %broadcast_in_dim3A_176 = arith.constant 0.000000e+00 : f32
      %broadcast_in_dim3A_177 = vector.broadcast %broadcast_in_dim3A_176 : f32 to vector<16xf32>
      %swap3A_178 = arith.index_cast %scan3A_155 : i32 to index
      %swap3A_179 = arith.constant 48 : index
      %swap3A_180 = tpu.vector_load %arg10[%swap3A_178, %swap3A_179] {strides = array<i32>} : memref<80x128xf32, #tpu.memory_space<vmem>>, vector<1x16xf32>,
      %swap3A_181 = vector.shape_cast %swap3A_180 : vector<1x16xf32> to vector<16xf32>
      %swap3A_182 = vector.shape_cast %broadcast_in_dim3A_177 : vector<16xf32> to vector<1x16xf32>
      tpu.vector_store %arg10[%swap3A_178, %swap3A_179], %swap3A_182 {strides = array<i32>} : memref<80x128xf32, #tpu.memory_space<vmem>>, vector<1x16xf32>,
      %broadcast_in_dim3A_183 = arith.constant 0.000000e+00 : f32
      %broadcast_in_dim3A_184 = vector.broadcast %broadcast_in_dim3A_183 : f32 to vector<16xf32>
      %swap3A_185 = arith.index_cast %scan3A_155 : i32 to index
      %swap3A_186 = arith.constant 64 : index
      %swap3A_187 = tpu.vector_load %arg10[%swap3A_185, %swap3A_186] {strides = array<i32>} : memref<80x128xf32, #tpu.memory_space<vmem>>, vector<1x16xf32>,
      %swap3A_188 = vector.shape_cast %swap3A_187 : vector<1x16xf32> to vector<16xf32>
      %swap3A_189 = vector.shape_cast %broadcast_in_dim3A_184 : vector<16xf32> to vector<1x16xf32>
      tpu.vector_store %arg10[%swap3A_185, %swap3A_186], %swap3A_189 {strides = array<i32>} : memref<80x128xf32, #tpu.memory_space<vmem>>, vector<1x16xf32>,
      %broadcast_in_dim3A_190 = arith.constant 0.000000e+00 : f32
      %broadcast_in_dim3A_191 = vector.broadcast %broadcast_in_dim3A_190 : f32 to vector<16xf32>
      %swap3A_192 = arith.index_cast %scan3A_155 : i32 to index
      %swap3A_193 = arith.constant 80 : index
      %swap3A_194 = tpu.vector_load %arg10[%swap3A_192, %swap3A_193] {strides = array<i32>} : memref<80x128xf32, #tpu.memory_space<vmem>>, vector<1x16xf32>,
      %swap3A_195 = vector.shape_cast %swap3A_194 : vector<1x16xf32> to vector<16xf32>
      %swap3A_196 = vector.shape_cast %broadcast_in_dim3A_191 : vector<16xf32> to vector<1x16xf32>
      tpu.vector_store %arg10[%swap3A_192, %swap3A_193], %swap3A_196 {strides = array<i32>} : memref<80x128xf32, #tpu.memory_space<vmem>>, vector<1x16xf32>,
      %broadcast_in_dim3A_197 = arith.constant 0.000000e+00 : f32
      %broadcast_in_dim3A_198 = vector.broadcast %broadcast_in_dim3A_197 : f32 to vector<16xf32>
      %swap3A_199 = arith.index_cast %scan3A_155 : i32 to index
      %swap3A_200 = arith.constant 96 : index
      %swap3A_201 = tpu.vector_load %arg10[%swap3A_199, %swap3A_200] {strides = array<i32>} : memref<80x128xf32, #tpu.memory_space<vmem>>, vector<1x16xf32>,
      %swap3A_202 = vector.shape_cast %swap3A_201 : vector<1x16xf32> to vector<16xf32>
      %swap3A_203 = vector.shape_cast %broadcast_in_dim3A_198 : vector<16xf32> to vector<1x16xf32>
      tpu.vector_store %arg10[%swap3A_199, %swap3A_200], %swap3A_203 {strides = array<i32>} : memref<80x128xf32, #tpu.memory_space<vmem>>, vector<1x16xf32>,
      %broadcast_in_dim3A_204 = arith.constant 0.000000e+00 : f32
      %broadcast_in_dim3A_205 = vector.broadcast %broadcast_in_dim3A_204 : f32 to vector<16xf32>
      %swap3A_206 = arith.index_cast %scan3A_155 : i32 to index
      %swap3A_207 = arith.constant 112 : index
      %swap3A_208 = tpu.vector_load %arg10[%swap3A_206, %swap3A_207] {strides = array<i32>} : memref<80x128xf32, #tpu.memory_space<vmem>>, vector<1x16xf32>,
      %swap3A_209 = vector.shape_cast %swap3A_208 : vector<1x16xf32> to vector<16xf32>
      %swap3A_210 = vector.shape_cast %broadcast_in_dim3A_205 : vector<16xf32> to vector<1x16xf32>
      tpu.vector_store %arg10[%swap3A_206, %swap3A_207], %swap3A_210 {strides = array<i32>} : memref<80x128xf32, #tpu.memory_space<vmem>>, vector<1x16xf32>,
    }
    %scan3A_5 = arith.constant 80 : i32
    %scan3A_6 = arith.constant 0 : i32
    %scan3A_7 = arith.constant 0 : i32
    %scan3A_8 = arith.constant 8 : i32
    %scan3A_9 = arith.addi %scan3A_7, %scan3A_8 : i32
    %scan3A_10 = arith.constant 1 : i32
    scf.for %scan3A_155 = %scan3A_7 to %scan3A_9 step %scan3A_10  : i32 {
      %mul3A_156 = arith.constant 16 : i32
      %mul3A_157 = arith.muli %mul3A_156, %scan3A_155 : i32
      %add3A_158 = arith.addi %arg1, %mul3A_157 : i32
      %lt3A = arith.constant 125 : i32
      %lt3A_159 = arith.cmpi slt, %add3A_158, %lt3A : i32
      %convert_element_type3A = arith.extui %lt3A_159 : i1 to i32
      %cond3A = arith.constant 0 : i32
      %cond3A_160 = arith.cmpi ne, %convert_element_type3A, %cond3A : i32
      scf.if %cond3A_160 {
        %mul3A_161 = arith.constant 80 : i32
        %mul3A_162 = arith.muli %add3A_158, %mul3A_161 : i32
        "tpu.region"() ({
          %run_scoped3A = tpu.sem_alloc : memref<!tpu.dma_semaphore, #tpu.memory_space<semaphore_mem>>
          %dma_start3A_163 = arith.constant 0 : i32
          %dma_start3A_164 = tpu.memref_slice %arg14[%mul3A_162, %dma_start3A_163] : memref<10000x128xf32, #tpu.memory_space<vmem_shared>> -> memref<80x128xf32, #tpu.memory_space<vmem_shared>>
          %dma_start3A_165 = arith.constant 0 : i32
          %dma_start3A_166 = tpu.memref_slice %arg14[%mul3A_162, %dma_start3A_165] : memref<10000x128xf32, #tpu.memory_space<vmem_shared>> -> memref<80x128xf32, #tpu.memory_space<vmem_shared>>
          tpu.enqueue_dma source(%arg10 : memref<80x128xf32, #tpu.memory_space<vmem>>) target(%dma_start3A_166 : memref<80x128xf32, #tpu.memory_space<vmem_shared>>) target_semaphore(%run_scoped3A : memref<!tpu.dma_semaphore, #tpu.memory_space<semaphore_mem>>)
          %dma_wait3A_167 = arith.constant 0 : i32
          %dma_wait3A_168 = tpu.memref_slice %arg14[%mul3A_162, %dma_wait3A_167] : memref<10000x128xf32, #tpu.memory_space<vmem_shared>> -> memref<80x128xf32, #tpu.memory_space<vmem_shared>>
          %dma_wait3A_169 = arith.constant 0 : i32
          %dma_wait3A_170 = tpu.memref_slice %arg14[%mul3A_162, %dma_wait3A_169] : memref<10000x128xf32, #tpu.memory_space<vmem_shared>> -> memref<80x128xf32, #tpu.memory_space<vmem_shared>>
          tpu.wait_dma2 semaphore(%run_scoped3A : memref<!tpu.dma_semaphore, #tpu.memory_space<semaphore_mem>>) src(%arg10 : memref<80x128xf32, #tpu.memory_space<vmem>>) dst(%dma_wait3A_170 : memref<80x128xf32, #tpu.memory_space<vmem_shared>>)
          tpu.yield
        }) : () -> ()
      } else {
      }
    }
    %scan3A_11 = arith.constant 8 : i32
    %barrier3A = arith.constant 0 : index
    tpu.barrier barrier_id(%barrier3A)
    %mul3A_12 = arith.constant 10000 : i32
    %mul3A_13 = arith.muli %add3A, %mul3A_12 : i32
    %add3A_14 = arith.constant 0 : i32
    %add3A_15 = arith.addi %mul3A_13, %add3A_14 : i32
    %dma_start3A = tpu.memref_slice %arg3[%add3A_15] : memref<320000xi32, #tpu.memory_space<hbm>> -> memref<80xi32, #tpu.memory_space<hbm>>
    %dma_start3A_16 = tpu.memref_slice %arg3[%add3A_15] : memref<320000xi32, #tpu.memory_space<hbm>> -> memref<80xi32, #tpu.memory_space<hbm>>
    tpu.enqueue_dma source(%dma_start3A_16 : memref<80xi32, #tpu.memory_space<hbm>>) target(%arg6 : memref<80xi32, #tpu.memory_space<vmem>>) target_semaphore(%arg15 : memref<!tpu.dma_semaphore, #tpu.memory_space<semaphore_mem>>)
    %mul3A_17 = arith.constant 10000 : i32
    %mul3A_18 = arith.muli %add3A, %mul3A_17 : i32
    %add3A_19 = arith.constant 0 : i32
    %add3A_20 = arith.addi %mul3A_18, %add3A_19 : i32
    %dma_wait3A = tpu.memref_slice %arg3[%add3A_20] : memref<320000xi32, #tpu.memory_space<hbm>> -> memref<80xi32, #tpu.memory_space<hbm>>
    %dma_wait3A_21 = tpu.memref_slice %arg3[%add3A_20] : memref<320000xi32, #tpu.memory_space<hbm>> -> memref<80xi32, #tpu.memory_space<hbm>>
    tpu.wait_dma2 semaphore(%arg15 : memref<!tpu.dma_semaphore, #tpu.memory_space<semaphore_mem>>) src(%dma_wait3A_21 : memref<80xi32, #tpu.memory_space<hbm>>) dst(%arg6 : memref<80xi32, #tpu.memory_space<vmem>>)
    %get3A = arith.constant 0 : index
    %get3A_22 = tpu.vector_load %arg6[%get3A] {strides = array<i32>} : memref<80xi32, #tpu.memory_space<vmem>>, vector<16xi32>,
    %get3A_23 = vector.shape_cast %get3A_22 : vector<16xi32> to vector<16xi32>
    %and3A = arith.constant 16383 : i32
    %and3A_24 = vector.broadcast %and3A : i32 to vector<16xi32>
    %and3A_25 = arith.andi %get3A_23, %and3A_24 : vector<16xi32>
    %swap3A = arith.constant 0 : index
    %swap3A_26 = tpu.vector_load %arg8[%swap3A] {strides = array<i32>} : memref<80xi32, #tpu.memory_space<vmem>>, vector<16xi32>,
    %swap3A_27 = vector.shape_cast %swap3A_26 : vector<16xi32> to vector<16xi32>
    %swap3A_28 = vector.shape_cast %and3A_25 : vector<16xi32> to vector<16xi32>
    tpu.vector_store %arg8[%swap3A], %swap3A_28 {strides = array<i32>} : memref<80xi32, #tpu.memory_space<vmem>>, vector<16xi32>,
    %shift_right_logical3A = arith.constant 14 : i32
    %shift_right_logical3A_29 = vector.broadcast %shift_right_logical3A : i32 to vector<16xi32>
    %shift_right_logical3A_30 = arith.shrui %get3A_23, %shift_right_logical3A_29 : vector<16xi32>
    %swap3A_31 = arith.constant 0 : index
    %swap3A_32 = tpu.vector_load %arg6[%swap3A_31] {strides = array<i32>} : memref<80xi32, #tpu.memory_space<vmem>>, vector<16xi32>,
    %swap3A_33 = vector.shape_cast %swap3A_32 : vector<16xi32> to vector<16xi32>
    %swap3A_34 = vector.shape_cast %shift_right_logical3A_30 : vector<16xi32> to vector<16xi32>
    tpu.vector_store %arg6[%swap3A_31], %swap3A_34 {strides = array<i32>} : memref<80xi32, #tpu.memory_space<vmem>>, vector<16xi32>,
    %get3A_35 = arith.constant 16 : index
    %get3A_36 = tpu.vector_load %arg6[%get3A_35] {strides = array<i32>} : memref<80xi32, #tpu.memory_space<vmem>>, vector<16xi32>,
    %get3A_37 = vector.shape_cast %get3A_36 : vector<16xi32> to vector<16xi32>
    %and3A_38 = arith.constant 16383 : i32
    %and3A_39 = vector.broadcast %and3A_38 : i32 to vector<16xi32>
    %and3A_40 = arith.andi %get3A_37, %and3A_39 : vector<16xi32>
    %swap3A_41 = arith.constant 16 : index
    %swap3A_42 = tpu.vector_load %arg8[%swap3A_41] {strides = array<i32>} : memref<80xi32, #tpu.memory_space<vmem>>, vector<16xi32>,
    %swap3A_43 = vector.shape_cast %swap3A_42 : vector<16xi32> to vector<16xi32>
    %swap3A_44 = vector.shape_cast %and3A_40 : vector<16xi32> to vector<16xi32>
    tpu.vector_store %arg8[%swap3A_41], %swap3A_44 {strides = array<i32>} : memref<80xi32, #tpu.memory_space<vmem>>, vector<16xi32>,
    %shift_right_logical3A_45 = arith.constant 14 : i32
    %shift_right_logical3A_46 = vector.broadcast %shift_right_logical3A_45 : i32 to vector<16xi32>
    %shift_right_logical3A_47 = arith.shrui %get3A_37, %shift_right_logical3A_46 : vector<16xi32>
    %swap3A_48 = arith.constant 16 : index
    %swap3A_49 = tpu.vector_load %arg6[%swap3A_48] {strides = array<i32>} : memref<80xi32, #tpu.memory_space<vmem>>, vector<16xi32>,
    %swap3A_50 = vector.shape_cast %swap3A_49 : vector<16xi32> to vector<16xi32>
    %swap3A_51 = vector.shape_cast %shift_right_logical3A_47 : vector<16xi32> to vector<16xi32>
    tpu.vector_store %arg6[%swap3A_48], %swap3A_51 {strides = array<i32>} : memref<80xi32, #tpu.memory_space<vmem>>, vector<16xi32>,
    %get3A_52 = arith.constant 32 : index
    %get3A_53 = tpu.vector_load %arg6[%get3A_52] {strides = array<i32>} : memref<80xi32, #tpu.memory_space<vmem>>, vector<16xi32>,
    %get3A_54 = vector.shape_cast %get3A_53 : vector<16xi32> to vector<16xi32>
    %and3A_55 = arith.constant 16383 : i32
    %and3A_56 = vector.broadcast %and3A_55 : i32 to vector<16xi32>
    %and3A_57 = arith.andi %get3A_54, %and3A_56 : vector<16xi32>
    %swap3A_58 = arith.constant 32 : index
    %swap3A_59 = tpu.vector_load %arg8[%swap3A_58] {strides = array<i32>} : memref<80xi32, #tpu.memory_space<vmem>>, vector<16xi32>,
    %swap3A_60 = vector.shape_cast %swap3A_59 : vector<16xi32> to vector<16xi32>
    %swap3A_61 = vector.shape_cast %and3A_57 : vector<16xi32> to vector<16xi32>
    tpu.vector_store %arg8[%swap3A_58], %swap3A_61 {strides = array<i32>} : memref<80xi32, #tpu.memory_space<vmem>>, vector<16xi32>,
    %shift_right_logical3A_62 = arith.constant 14 : i32
    %shift_right_logical3A_63 = vector.broadcast %shift_right_logical3A_62 : i32 to vector<16xi32>
    %shift_right_logical3A_64 = arith.shrui %get3A_54, %shift_right_logical3A_63 : vector<16xi32>
    %swap3A_65 = arith.constant 32 : index
    %swap3A_66 = tpu.vector_load %arg6[%swap3A_65] {strides = array<i32>} : memref<80xi32, #tpu.memory_space<vmem>>, vector<16xi32>,
    %swap3A_67 = vector.shape_cast %swap3A_66 : vector<16xi32> to vector<16xi32>
    %swap3A_68 = vector.shape_cast %shift_right_logical3A_64 : vector<16xi32> to vector<16xi32>
    tpu.vector_store %arg6[%swap3A_65], %swap3A_68 {strides = array<i32>} : memref<80xi32, #tpu.memory_space<vmem>>, vector<16xi32>,
    %get3A_69 = arith.constant 48 : index
    %get3A_70 = tpu.vector_load %arg6[%get3A_69] {strides = array<i32>} : memref<80xi32, #tpu.memory_space<vmem>>, vector<16xi32>,
    %get3A_71 = vector.shape_cast %get3A_70 : vector<16xi32> to vector<16xi32>
    %and3A_72 = arith.constant 16383 : i32
    %and3A_73 = vector.broadcast %and3A_72 : i32 to vector<16xi32>
    %and3A_74 = arith.andi %get3A_71, %and3A_73 : vector<16xi32>
    %swap3A_75 = arith.constant 48 : index
    %swap3A_76 = tpu.vector_load %arg8[%swap3A_75] {strides = array<i32>} : memref<80xi32, #tpu.memory_space<vmem>>, vector<16xi32>,
    %swap3A_77 = vector.shape_cast %swap3A_76 : vector<16xi32> to vector<16xi32>
    %swap3A_78 = vector.shape_cast %and3A_74 : vector<16xi32> to vector<16xi32>
    tpu.vector_store %arg8[%swap3A_75], %swap3A_78 {strides = array<i32>} : memref<80xi32, #tpu.memory_space<vmem>>, vector<16xi32>,
    %shift_right_logical3A_79 = arith.constant 14 : i32
    %shift_right_logical3A_80 = vector.broadcast %shift_right_logical3A_79 : i32 to vector<16xi32>
    %shift_right_logical3A_81 = arith.shrui %get3A_71, %shift_right_logical3A_80 : vector<16xi32>
    %swap3A_82 = arith.constant 48 : index
    %swap3A_83 = tpu.vector_load %arg6[%swap3A_82] {strides = array<i32>} : memref<80xi32, #tpu.memory_space<vmem>>, vector<16xi32>,
    %swap3A_84 = vector.shape_cast %swap3A_83 : vector<16xi32> to vector<16xi32>
    %swap3A_85 = vector.shape_cast %shift_right_logical3A_81 : vector<16xi32> to vector<16xi32>
    tpu.vector_store %arg6[%swap3A_82], %swap3A_85 {strides = array<i32>} : memref<80xi32, #tpu.memory_space<vmem>>, vector<16xi32>,
    %get3A_86 = arith.constant 64 : index
    %get3A_87 = tpu.vector_load %arg6[%get3A_86] {strides = array<i32>} : memref<80xi32, #tpu.memory_space<vmem>>, vector<16xi32>,
    %get3A_88 = vector.shape_cast %get3A_87 : vector<16xi32> to vector<16xi32>
    %and3A_89 = arith.constant 16383 : i32
    %and3A_90 = vector.broadcast %and3A_89 : i32 to vector<16xi32>
    %and3A_91 = arith.andi %get3A_88, %and3A_90 : vector<16xi32>
    %swap3A_92 = arith.constant 64 : index
    %swap3A_93 = tpu.vector_load %arg8[%swap3A_92] {strides = array<i32>} : memref<80xi32, #tpu.memory_space<vmem>>, vector<16xi32>,
    %swap3A_94 = vector.shape_cast %swap3A_93 : vector<16xi32> to vector<16xi32>
    %swap3A_95 = vector.shape_cast %and3A_91 : vector<16xi32> to vector<16xi32>
    tpu.vector_store %arg8[%swap3A_92], %swap3A_95 {strides = array<i32>} : memref<80xi32, #tpu.memory_space<vmem>>, vector<16xi32>,
    %shift_right_logical3A_96 = arith.constant 14 : i32
    %shift_right_logical3A_97 = vector.broadcast %shift_right_logical3A_96 : i32 to vector<16xi32>
    %shift_right_logical3A_98 = arith.shrui %get3A_88, %shift_right_logical3A_97 : vector<16xi32>
    %swap3A_99 = arith.constant 64 : index
    %swap3A_100 = tpu.vector_load %arg6[%swap3A_99] {strides = array<i32>} : memref<80xi32, #tpu.memory_space<vmem>>, vector<16xi32>,
    %swap3A_101 = vector.shape_cast %swap3A_100 : vector<16xi32> to vector<16xi32>
    %swap3A_102 = vector.shape_cast %shift_right_logical3A_98 : vector<16xi32> to vector<16xi32>
    tpu.vector_store %arg6[%swap3A_99], %swap3A_102 {strides = array<i32>} : memref<80xi32, #tpu.memory_space<vmem>>, vector<16xi32>,
    %dma_start3A_103 = arith.constant 0 : i32
    %dma_start3A_104 = arith.constant 0 : i32
    %dma_start3A_105 = tpu.memref_slice %arg2[%dma_start3A_103, %dma_start3A_104] : memref<10000x128xf32, #tpu.memory_space<hbm>> -> memref<10000x128xf32, #tpu.memory_space<hbm>>
    tpu.enqueue_indirect_dma source(%dma_start3A_105 : memref<10000x128xf32, #tpu.memory_space<hbm>>) target(%arg10 : memref<80x128xf32, #tpu.memory_space<vmem>>) offsets(%arg6 : memref<80xi32, #tpu.memory_space<vmem>>) semaphore(%arg17 : memref<!tpu.dma_semaphore, #tpu.memory_space<semaphore_mem>>)
    %mul3A_106 = arith.constant 10000 : i32
    %mul3A_107 = arith.muli %add3A, %mul3A_106 : i32
    %add3A_108 = arith.constant 0 : i32
    %add3A_109 = arith.addi %mul3A_107, %add3A_108 : i32
    %dma_start3A_110 = arith.constant 0 : i32
    %dma_start3A_111 = tpu.memref_slice %arg4[%add3A_109, %dma_start3A_110] : memref<320000x128xf32, #tpu.memory_space<hbm>> -> memref<80x128xf32, #tpu.memory_space<hbm>>
    %dma_start3A_112 = arith.constant 0 : i32
    %dma_start3A_113 = tpu.memref_slice %arg4[%add3A_109, %dma_start3A_112] : memref<320000x128xf32, #tpu.memory_space<hbm>> -> memref<80x128xf32, #tpu.memory_space<hbm>>
    tpu.enqueue_dma source(%dma_start3A_113 : memref<80x128xf32, #tpu.memory_space<hbm>>) target(%arg12 : memref<80x128xf32, #tpu.memory_space<vmem>>) target_semaphore(%arg19 : memref<!tpu.dma_semaphore, #tpu.memory_space<semaphore_mem>>)
    %mul3A_114 = arith.constant 10000 : i32
    %mul3A_115 = arith.muli %add3A, %mul3A_114 : i32
    %add3A_116 = arith.constant 80 : i32
    %add3A_117 = arith.addi %mul3A_115, %add3A_116 : i32
    %dma_start3A_118 = tpu.memref_slice %arg3[%add3A_117] : memref<320000xi32, #tpu.memory_space<hbm>> -> memref<80xi32, #tpu.memory_space<hbm>>
    %dma_start3A_119 = tpu.memref_slice %arg3[%add3A_117] : memref<320000xi32, #tpu.memory_space<hbm>> -> memref<80xi32, #tpu.memory_space<hbm>>
    tpu.enqueue_dma source(%dma_start3A_119 : memref<80xi32, #tpu.memory_space<hbm>>) target(%arg7 : memref<80xi32, #tpu.memory_space<vmem>>) target_semaphore(%arg16 : memref<!tpu.dma_semaphore, #tpu.memory_space<semaphore_mem>>)
    %scan3A_120 = arith.constant 0 : i32
    %scan3A_121 = arith.constant 0 : i32
    %scan3A_122 = arith.constant 62 : i32
    %scan3A_123 = arith.addi %scan3A_121, %scan3A_122 : i32
    %scan3A_124 = arith.constant 1 : i32
    scf.for %scan3A_155 = %scan3A_121 to %scan3A_123 step %scan3A_124  : i32 {
      %mul3A_156 = arith.constant 2 : i32
      %mul3A_157 = arith.muli %mul3A_156, %scan3A_155 : i32
      %dma_wait3A_158 = arith.constant 0 : i32
      %dma_wait3A_159 = arith.constant 0 : i32
      %dma_wait3A_160 = tpu.memref_slice %arg2[%dma_wait3A_158, %dma_wait3A_159] : memref<10000x128xf32, #tpu.memory_space<hbm>> -> memref<10000x128xf32, #tpu.memory_space<hbm>>
      tpu.wait_indirect_dma semaphore(%arg17 : memref<!tpu.dma_semaphore, #tpu.memory_space<semaphore_mem>>) src(%dma_wait3A_160 : memref<10000x128xf32, #tpu.memory_space<hbm>>) dst(%arg10 : memref<80x128xf32, #tpu.memory_space<vmem>>)
      %mul3A_161 = arith.constant 10000 : i32
      %mul3A_162 = arith.muli %add3A, %mul3A_161 : i32
      %mul3A_163 = arith.constant 80 : i32
      %mul3A_164 = arith.muli %mul3A_157, %mul3A_163 : i32
      %add3A_165 = arith.addi %mul3A_162, %mul3A_164 : i32
      %dma_wait3A_166 = arith.constant 0 : i32
      %dma_wait3A_167 = tpu.memref_slice %arg4[%add3A_165, %dma_wait3A_166] : memref<320000x128xf32, #tpu.memory_space<hbm>> -> memref<80x128xf32, #tpu.memory_space<hbm>>
      %dma_wait3A_168 = arith.constant 0 : i32
      %dma_wait3A_169 = tpu.memref_slice %arg4[%add3A_165, %dma_wait3A_168] : memref<320000x128xf32, #tpu.memory_space<hbm>> -> memref<80x128xf32, #tpu.memory_space<hbm>>
      tpu.wait_dma2 semaphore(%arg19 : memref<!tpu.dma_semaphore, #tpu.memory_space<semaphore_mem>>) src(%dma_wait3A_169 : memref<80x128xf32, #tpu.memory_space<hbm>>) dst(%arg12 : memref<80x128xf32, #tpu.memory_space<vmem>>)
      %ge3A = arith.constant 1 : i32
      %ge3A_170 = arith.cmpi sge, %mul3A_157, %ge3A : i32
      %convert_element_type3A = arith.extui %ge3A_170 : i1 to i32
      %cond3A = arith.constant 0 : i32
      %cond3A_171 = arith.cmpi ne, %convert_element_type3A, %cond3A : i32
      scf.if %cond3A_171 {
        %dma_wait3A_232 = arith.constant 0 : i32
        %dma_wait3A_233 = arith.constant 0 : i32
        %dma_wait3A_234 = tpu.memref_slice %arg14[%dma_wait3A_232, %dma_wait3A_233] : memref<10000x128xf32, #tpu.memory_space<vmem_shared>> -> memref<10000x128xf32, #tpu.memory_space<vmem_shared>>
        tpu.wait_indirect_dma semaphore(%arg22 : memref<!tpu.dma_semaphore, #tpu.memory_space<semaphore_mem>>) src(%arg11 : memref<80x128xf32, #tpu.memory_space<vmem>>) dst(%dma_wait3A_234 : memref<10000x128xf32, #tpu.memory_space<vmem_shared>>)
      } else {
      }
      %add3A_172 = arith.constant 1 : i32
      %add3A_173 = arith.addi %mul3A_157, %add3A_172 : i32
      %lt3A = arith.constant 125 : i32
      %lt3A_174 = arith.cmpi slt, %add3A_173, %lt3A : i32
      %convert_element_type3A_175 = arith.extui %lt3A_174 : i1 to i32
      %cond3A_176 = arith.constant 0 : i32
      %cond3A_177 = arith.cmpi ne, %convert_element_type3A_175, %cond3A_176 : i32
      scf.if %cond3A_177 {
        %add3A_232 = arith.constant 1 : i32
        %add3A_233 = arith.addi %mul3A_157, %add3A_232 : i32
        %mul3A_234 = arith.constant 10000 : i32
        %mul3A_235 = arith.muli %add3A, %mul3A_234 : i32
        %mul3A_236 = arith.constant 80 : i32
        %mul3A_237 = arith.muli %add3A_233, %mul3A_236 : i32
        %add3A_238 = arith.addi %mul3A_235, %mul3A_237 : i32
        %dma_wait3A_239 = tpu.memref_slice %arg3[%add3A_238] : memref<320000xi32, #tpu.memory_space<hbm>> -> memref<80xi32, #tpu.memory_space<hbm>>
        %dma_wait3A_240 = tpu.memref_slice %arg3[%add3A_238] : memref<320000xi32, #tpu.memory_space<hbm>> -> memref<80xi32, #tpu.memory_space<hbm>>
        tpu.wait_dma2 semaphore(%arg16 : memref<!tpu.dma_semaphore, #tpu.memory_space<semaphore_mem>>) src(%dma_wait3A_240 : memref<80xi32, #tpu.memory_space<hbm>>) dst(%arg7 : memref<80xi32, #tpu.memory_space<vmem>>)
        %get3A_241 = arith.constant 0 : index
        %get3A_242 = tpu.vector_load %arg7[%get3A_241] {strides = array<i32>} : memref<80xi32, #tpu.memory_space<vmem>>, vector<16xi32>,
        %get3A_243 = vector.shape_cast %get3A_242 : vector<16xi32> to vector<16xi32>
        %and3A_244 = arith.constant 16383 : i32
        %and3A_245 = vector.broadcast %and3A_244 : i32 to vector<16xi32>
        %and3A_246 = arith.andi %get3A_243, %and3A_245 : vector<16xi32>
        %swap3A_247 = arith.constant 0 : index
        %swap3A_248 = tpu.vector_load %arg9[%swap3A_247] {strides = array<i32>} : memref<80xi32, #tpu.memory_space<vmem>>, vector<16xi32>,
        %swap3A_249 = vector.shape_cast %swap3A_248 : vector<16xi32> to vector<16xi32>
        %swap3A_250 = vector.shape_cast %and3A_246 : vector<16xi32> to vector<16xi32>
        tpu.vector_store %arg9[%swap3A_247], %swap3A_250 {strides = array<i32>} : memref<80xi32, #tpu.memory_space<vmem>>, vector<16xi32>,
        %shift_right_logical3A_251 = arith.constant 14 : i32
        %shift_right_logical3A_252 = vector.broadcast %shift_right_logical3A_251 : i32 to vector<16xi32>
        %shift_right_logical3A_253 = arith.shrui %get3A_243, %shift_right_logical3A_252 : vector<16xi32>
        %swap3A_254 = arith.constant 0 : index
        %swap3A_255 = tpu.vector_load %arg7[%swap3A_254] {strides = array<i32>} : memref<80xi32, #tpu.memory_space<vmem>>, vector<16xi32>,
        %swap3A_256 = vector.shape_cast %swap3A_255 : vector<16xi32> to vector<16xi32>
        %swap3A_257 = vector.shape_cast %shift_right_logical3A_253 : vector<16xi32> to vector<16xi32>
        tpu.vector_store %arg7[%swap3A_254], %swap3A_257 {strides = array<i32>} : memref<80xi32, #tpu.memory_space<vmem>>, vector<16xi32>,
        %get3A_258 = arith.constant 16 : index
        %get3A_259 = tpu.vector_load %arg7[%get3A_258] {strides = array<i32>} : memref<80xi32, #tpu.memory_space<vmem>>, vector<16xi32>,
        %get3A_260 = vector.shape_cast %get3A_259 : vector<16xi32> to vector<16xi32>
        %and3A_261 = arith.constant 16383 : i32
        %and3A_262 = vector.broadcast %and3A_261 : i32 to vector<16xi32>
        %and3A_263 = arith.andi %get3A_260, %and3A_262 : vector<16xi32>
        %swap3A_264 = arith.constant 16 : index
        %swap3A_265 = tpu.vector_load %arg9[%swap3A_264] {strides = array<i32>} : memref<80xi32, #tpu.memory_space<vmem>>, vector<16xi32>,
        %swap3A_266 = vector.shape_cast %swap3A_265 : vector<16xi32> to vector<16xi32>
        %swap3A_267 = vector.shape_cast %and3A_263 : vector<16xi32> to vector<16xi32>
        tpu.vector_store %arg9[%swap3A_264], %swap3A_267 {strides = array<i32>} : memref<80xi32, #tpu.memory_space<vmem>>, vector<16xi32>,
        %shift_right_logical3A_268 = arith.constant 14 : i32
        %shift_right_logical3A_269 = vector.broadcast %shift_right_logical3A_268 : i32 to vector<16xi32>
        %shift_right_logical3A_270 = arith.shrui %get3A_260, %shift_right_logical3A_269 : vector<16xi32>
        %swap3A_271 = arith.constant 16 : index
        %swap3A_272 = tpu.vector_load %arg7[%swap3A_271] {strides = array<i32>} : memref<80xi32, #tpu.memory_space<vmem>>, vector<16xi32>,
        %swap3A_273 = vector.shape_cast %swap3A_272 : vector<16xi32> to vector<16xi32>
        %swap3A_274 = vector.shape_cast %shift_right_logical3A_270 : vector<16xi32> to vector<16xi32>
        tpu.vector_store %arg7[%swap3A_271], %swap3A_274 {strides = array<i32>} : memref<80xi32, #tpu.memory_space<vmem>>, vector<16xi32>,
        %get3A_275 = arith.constant 32 : index
        %get3A_276 = tpu.vector_load %arg7[%get3A_275] {strides = array<i32>} : memref<80xi32, #tpu.memory_space<vmem>>, vector<16xi32>,
        %get3A_277 = vector.shape_cast %get3A_276 : vector<16xi32> to vector<16xi32>
        %and3A_278 = arith.constant 16383 : i32
        %and3A_279 = vector.broadcast %and3A_278 : i32 to vector<16xi32>
        %and3A_280 = arith.andi %get3A_277, %and3A_279 : vector<16xi32>
        %swap3A_281 = arith.constant 32 : index
        %swap3A_282 = tpu.vector_load %arg9[%swap3A_281] {strides = array<i32>} : memref<80xi32, #tpu.memory_space<vmem>>, vector<16xi32>,
        %swap3A_283 = vector.shape_cast %swap3A_282 : vector<16xi32> to vector<16xi32>
        %swap3A_284 = vector.shape_cast %and3A_280 : vector<16xi32> to vector<16xi32>
        tpu.vector_store %arg9[%swap3A_281], %swap3A_284 {strides = array<i32>} : memref<80xi32, #tpu.memory_space<vmem>>, vector<16xi32>,
        %shift_right_logical3A_285 = arith.constant 14 : i32
        %shift_right_logical3A_286 = vector.broadcast %shift_right_logical3A_285 : i32 to vector<16xi32>
        %shift_right_logical3A_287 = arith.shrui %get3A_277, %shift_right_logical3A_286 : vector<16xi32>
        %swap3A_288 = arith.constant 32 : index
        %swap3A_289 = tpu.vector_load %arg7[%swap3A_288] {strides = array<i32>} : memref<80xi32, #tpu.memory_space<vmem>>, vector<16xi32>,
        %swap3A_290 = vector.shape_cast %swap3A_289 : vector<16xi32> to vector<16xi32>
        %swap3A_291 = vector.shape_cast %shift_right_logical3A_287 : vector<16xi32> to vector<16xi32>
        tpu.vector_store %arg7[%swap3A_288], %swap3A_291 {strides = array<i32>} : memref<80xi32, #tpu.memory_space<vmem>>, vector<16xi32>,
        %get3A_292 = arith.constant 48 : index
        %get3A_293 = tpu.vector_load %arg7[%get3A_292] {strides = array<i32>} : memref<80xi32, #tpu.memory_space<vmem>>, vector<16xi32>,
        %get3A_294 = vector.shape_cast %get3A_293 : vector<16xi32> to vector<16xi32>
        %and3A_295 = arith.constant 16383 : i32
        %and3A_296 = vector.broadcast %and3A_295 : i32 to vector<16xi32>
        %and3A_297 = arith.andi %get3A_294, %and3A_296 : vector<16xi32>
        %swap3A_298 = arith.constant 48 : index
        %swap3A_299 = tpu.vector_load %arg9[%swap3A_298] {strides = array<i32>} : memref<80xi32, #tpu.memory_space<vmem>>, vector<16xi32>,
        %swap3A_300 = vector.shape_cast %swap3A_299 : vector<16xi32> to vector<16xi32>
        %swap3A_301 = vector.shape_cast %and3A_297 : vector<16xi32> to vector<16xi32>
        tpu.vector_store %arg9[%swap3A_298], %swap3A_301 {strides = array<i32>} : memref<80xi32, #tpu.memory_space<vmem>>, vector<16xi32>,
        %shift_right_logical3A_302 = arith.constant 14 : i32
        %shift_right_logical3A_303 = vector.broadcast %shift_right_logical3A_302 : i32 to vector<16xi32>
        %shift_right_logical3A_304 = arith.shrui %get3A_294, %shift_right_logical3A_303 : vector<16xi32>
        %swap3A_305 = arith.constant 48 : index
        %swap3A_306 = tpu.vector_load %arg7[%swap3A_305] {strides = array<i32>} : memref<80xi32, #tpu.memory_space<vmem>>, vector<16xi32>,
        %swap3A_307 = vector.shape_cast %swap3A_306 : vector<16xi32> to vector<16xi32>
        %swap3A_308 = vector.shape_cast %shift_right_logical3A_304 : vector<16xi32> to vector<16xi32>
        tpu.vector_store %arg7[%swap3A_305], %swap3A_308 {strides = array<i32>} : memref<80xi32, #tpu.memory_space<vmem>>, vector<16xi32>,
        %get3A_309 = arith.constant 64 : index
        %get3A_310 = tpu.vector_load %arg7[%get3A_309] {strides = array<i32>} : memref<80xi32, #tpu.memory_space<vmem>>, vector<16xi32>,
        %get3A_311 = vector.shape_cast %get3A_310 : vector<16xi32> to vector<16xi32>
        %and3A_312 = arith.constant 16383 : i32
        %and3A_313 = vector.broadcast %and3A_312 : i32 to vector<16xi32>
        %and3A_314 = arith.andi %get3A_311, %and3A_313 : vector<16xi32>
        %swap3A_315 = arith.constant 64 : index
        %swap3A_316 = tpu.vector_load %arg9[%swap3A_315] {strides = array<i32>} : memref<80xi32, #tpu.memory_space<vmem>>, vector<16xi32>,
        %swap3A_317 = vector.shape_cast %swap3A_316 : vector<16xi32> to vector<16xi32>
        %swap3A_318 = vector.shape_cast %and3A_314 : vector<16xi32> to vector<16xi32>
        tpu.vector_store %arg9[%swap3A_315], %swap3A_318 {strides = array<i32>} : memref<80xi32, #tpu.memory_space<vmem>>, vector<16xi32>,
        %shift_right_logical3A_319 = arith.constant 14 : i32
        %shift_right_logical3A_320 = vector.broadcast %shift_right_logical3A_319 : i32 to vector<16xi32>
        %shift_right_logical3A_321 = arith.shrui %get3A_311, %shift_right_logical3A_320 : vector<16xi32>
        %swap3A_322 = arith.constant 64 : index
        %swap3A_323 = tpu.vector_load %arg7[%swap3A_322] {strides = array<i32>} : memref<80xi32, #tpu.memory_space<vmem>>, vector<16xi32>,
        %swap3A_324 = vector.shape_cast %swap3A_323 : vector<16xi32> to vector<16xi32>
        %swap3A_325 = vector.shape_cast %shift_right_logical3A_321 : vector<16xi32> to vector<16xi32>
        tpu.vector_store %arg7[%swap3A_322], %swap3A_325 {strides = array<i32>} : memref<80xi32, #tpu.memory_space<vmem>>, vector<16xi32>,
        %add3A_326 = arith.constant 1 : i32
        %add3A_327 = arith.addi %mul3A_157, %add3A_326 : i32
        %dma_start3A_328 = arith.constant 0 : i32
        %dma_start3A_329 = arith.constant 0 : i32
        %dma_start3A_330 = tpu.memref_slice %arg2[%dma_start3A_328, %dma_start3A_329] : memref<10000x128xf32, #tpu.memory_space<hbm>> -> memref<10000x128xf32, #tpu.memory_space<hbm>>
        tpu.enqueue_indirect_dma source(%dma_start3A_330 : memref<10000x128xf32, #tpu.memory_space<hbm>>) target(%arg11 : memref<80x128xf32, #tpu.memory_space<vmem>>) offsets(%arg7 : memref<80xi32, #tpu.memory_space<vmem>>) semaphore(%arg18 : memref<!tpu.dma_semaphore, #tpu.memory_space<semaphore_mem>>)
        %mul3A_331 = arith.constant 10000 : i32
        %mul3A_332 = arith.muli %add3A, %mul3A_331 : i32
        %mul3A_333 = arith.constant 80 : i32
        %mul3A_334 = arith.muli %add3A_327, %mul3A_333 : i32
        %add3A_335 = arith.addi %mul3A_332, %mul3A_334 : i32
        %dma_start3A_336 = arith.constant 0 : i32
        %dma_start3A_337 = tpu.memref_slice %arg4[%add3A_335, %dma_start3A_336] : memref<320000x128xf32, #tpu.memory_space<hbm>> -> memref<80x128xf32, #tpu.memory_space<hbm>>
        %dma_start3A_338 = arith.constant 0 : i32
        %dma_start3A_339 = tpu.memref_slice %arg4[%add3A_335, %dma_start3A_338] : memref<320000x128xf32, #tpu.memory_space<hbm>> -> memref<80x128xf32, #tpu.memory_space<hbm>>
        tpu.enqueue_dma source(%dma_start3A_339 : memref<80x128xf32, #tpu.memory_space<hbm>>) target(%arg13 : memref<80x128xf32, #tpu.memory_space<vmem>>) target_semaphore(%arg20 : memref<!tpu.dma_semaphore, #tpu.memory_space<semaphore_mem>>)
      } else {
      }
      %parallel_loop3A_178 = arith.constant 0 : i32
      %parallel_loop3A_179 = arith.constant 80 : i32
      %parallel_loop3A_180 = arith.constant 1 : i32
      scf.for %parallel_loop3A_232 = %parallel_loop3A_178 to %parallel_loop3A_179 step %parallel_loop3A_180  : i32 {
        %parallel_loop3A_233 = arith.index_cast %parallel_loop3A_232 : i32 to index
        %parallel_loop3A_234 = arith.constant 0 : index
        %parallel_loop3A_235 = tpu.vector_load %arg10[%parallel_loop3A_233, %parallel_loop3A_234] {strides = array<i32>} : memref<80x128xf32, #tpu.memory_space<vmem>>, vector<1x16xf32>,
        %parallel_loop3A_236 = vector.shape_cast %parallel_loop3A_235 : vector<1x16xf32> to vector<16xf32>
        %parallel_loop3A_237 = arith.index_cast %parallel_loop3A_232 : i32 to index
        %parallel_loop3A_238 = arith.constant 0 : index
        %parallel_loop3A_239 = tpu.vector_load %arg12[%parallel_loop3A_237, %parallel_loop3A_238] {strides = array<i32>} : memref<80x128xf32, #tpu.memory_space<vmem>>, vector<1x16xf32>,
        %parallel_loop3A_240 = vector.shape_cast %parallel_loop3A_239 : vector<1x16xf32> to vector<16xf32>
        %parallel_loop3A_241 = arith.addf %parallel_loop3A_236, %parallel_loop3A_240 : vector<16xf32>
        %parallel_loop3A_242 = arith.constant 0.000000e+00 : f32
        %parallel_loop3A_243 = vector.broadcast %parallel_loop3A_242 : f32 to vector<16xf32>
        %parallel_loop3A_244 = arith.maximumf %parallel_loop3A_241, %parallel_loop3A_243 : vector<16xf32>
        %parallel_loop3A_245 = arith.index_cast %parallel_loop3A_232 : i32 to index
        %parallel_loop3A_246 = arith.constant 0 : index
        %parallel_loop3A_247 = tpu.vector_load %arg10[%parallel_loop3A_245, %parallel_loop3A_246] {strides = array<i32>} : memref<80x128xf32, #tpu.memory_space<vmem>>, vector<1x16xf32>,
        %parallel_loop3A_248 = vector.shape_cast %parallel_loop3A_247 : vector<1x16xf32> to vector<16xf32>
        %parallel_loop3A_249 = vector.shape_cast %parallel_loop3A_244 : vector<16xf32> to vector<1x16xf32>
        tpu.vector_store %arg10[%parallel_loop3A_245, %parallel_loop3A_246], %parallel_loop3A_249 {strides = array<i32>} : memref<80x128xf32, #tpu.memory_space<vmem>>, vector<1x16xf32>,
        %parallel_loop3A_250 = arith.index_cast %parallel_loop3A_232 : i32 to index
        %parallel_loop3A_251 = arith.constant 16 : index
        %parallel_loop3A_252 = tpu.vector_load %arg10[%parallel_loop3A_250, %parallel_loop3A_251] {strides = array<i32>} : memref<80x128xf32, #tpu.memory_space<vmem>>, vector<1x16xf32>,
        %parallel_loop3A_253 = vector.shape_cast %parallel_loop3A_252 : vector<1x16xf32> to vector<16xf32>
        %parallel_loop3A_254 = arith.index_cast %parallel_loop3A_232 : i32 to index
        %parallel_loop3A_255 = arith.constant 16 : index
        %parallel_loop3A_256 = tpu.vector_load %arg12[%parallel_loop3A_254, %parallel_loop3A_255] {strides = array<i32>} : memref<80x128xf32, #tpu.memory_space<vmem>>, vector<1x16xf32>,
        %parallel_loop3A_257 = vector.shape_cast %parallel_loop3A_256 : vector<1x16xf32> to vector<16xf32>
        %parallel_loop3A_258 = arith.addf %parallel_loop3A_253, %parallel_loop3A_257 : vector<16xf32>
        %parallel_loop3A_259 = arith.constant 0.000000e+00 : f32
        %parallel_loop3A_260 = vector.broadcast %parallel_loop3A_259 : f32 to vector<16xf32>
        %parallel_loop3A_261 = arith.maximumf %parallel_loop3A_258, %parallel_loop3A_260 : vector<16xf32>
        %parallel_loop3A_262 = arith.index_cast %parallel_loop3A_232 : i32 to index
        %parallel_loop3A_263 = arith.constant 16 : index
        %parallel_loop3A_264 = tpu.vector_load %arg10[%parallel_loop3A_262, %parallel_loop3A_263] {strides = array<i32>} : memref<80x128xf32, #tpu.memory_space<vmem>>, vector<1x16xf32>,
        %parallel_loop3A_265 = vector.shape_cast %parallel_loop3A_264 : vector<1x16xf32> to vector<16xf32>
        %parallel_loop3A_266 = vector.shape_cast %parallel_loop3A_261 : vector<16xf32> to vector<1x16xf32>
        tpu.vector_store %arg10[%parallel_loop3A_262, %parallel_loop3A_263], %parallel_loop3A_266 {strides = array<i32>} : memref<80x128xf32, #tpu.memory_space<vmem>>, vector<1x16xf32>,
        %parallel_loop3A_267 = arith.index_cast %parallel_loop3A_232 : i32 to index
        %parallel_loop3A_268 = arith.constant 32 : index
        %parallel_loop3A_269 = tpu.vector_load %arg10[%parallel_loop3A_267, %parallel_loop3A_268] {strides = array<i32>} : memref<80x128xf32, #tpu.memory_space<vmem>>, vector<1x16xf32>,
        %parallel_loop3A_270 = vector.shape_cast %parallel_loop3A_269 : vector<1x16xf32> to vector<16xf32>
        %parallel_loop3A_271 = arith.index_cast %parallel_loop3A_232 : i32 to index
        %parallel_loop3A_272 = arith.constant 32 : index
        %parallel_loop3A_273 = tpu.vector_load %arg12[%parallel_loop3A_271, %parallel_loop3A_272] {strides = array<i32>} : memref<80x128xf32, #tpu.memory_space<vmem>>, vector<1x16xf32>,
        %parallel_loop3A_274 = vector.shape_cast %parallel_loop3A_273 : vector<1x16xf32> to vector<16xf32>
        %parallel_loop3A_275 = arith.addf %parallel_loop3A_270, %parallel_loop3A_274 : vector<16xf32>
        %parallel_loop3A_276 = arith.constant 0.000000e+00 : f32
        %parallel_loop3A_277 = vector.broadcast %parallel_loop3A_276 : f32 to vector<16xf32>
        %parallel_loop3A_278 = arith.maximumf %parallel_loop3A_275, %parallel_loop3A_277 : vector<16xf32>
        %parallel_loop3A_279 = arith.index_cast %parallel_loop3A_232 : i32 to index
        %parallel_loop3A_280 = arith.constant 32 : index
        %parallel_loop3A_281 = tpu.vector_load %arg10[%parallel_loop3A_279, %parallel_loop3A_280] {strides = array<i32>} : memref<80x128xf32, #tpu.memory_space<vmem>>, vector<1x16xf32>,
        %parallel_loop3A_282 = vector.shape_cast %parallel_loop3A_281 : vector<1x16xf32> to vector<16xf32>
        %parallel_loop3A_283 = vector.shape_cast %parallel_loop3A_278 : vector<16xf32> to vector<1x16xf32>
        tpu.vector_store %arg10[%parallel_loop3A_279, %parallel_loop3A_280], %parallel_loop3A_283 {strides = array<i32>} : memref<80x128xf32, #tpu.memory_space<vmem>>, vector<1x16xf32>,
        %parallel_loop3A_284 = arith.index_cast %parallel_loop3A_232 : i32 to index
        %parallel_loop3A_285 = arith.constant 48 : index
        %parallel_loop3A_286 = tpu.vector_load %arg10[%parallel_loop3A_284, %parallel_loop3A_285] {strides = array<i32>} : memref<80x128xf32, #tpu.memory_space<vmem>>, vector<1x16xf32>,
        %parallel_loop3A_287 = vector.shape_cast %parallel_loop3A_286 : vector<1x16xf32> to vector<16xf32>
        %parallel_loop3A_288 = arith.index_cast %parallel_loop3A_232 : i32 to index
        %parallel_loop3A_289 = arith.constant 48 : index
        %parallel_loop3A_290 = tpu.vector_load %arg12[%parallel_loop3A_288, %parallel_loop3A_289] {strides = array<i32>} : memref<80x128xf32, #tpu.memory_space<vmem>>, vector<1x16xf32>,
        %parallel_loop3A_291 = vector.shape_cast %parallel_loop3A_290 : vector<1x16xf32> to vector<16xf32>
        %parallel_loop3A_292 = arith.addf %parallel_loop3A_287, %parallel_loop3A_291 : vector<16xf32>
        %parallel_loop3A_293 = arith.constant 0.000000e+00 : f32
        %parallel_loop3A_294 = vector.broadcast %parallel_loop3A_293 : f32 to vector<16xf32>
        %parallel_loop3A_295 = arith.maximumf %parallel_loop3A_292, %parallel_loop3A_294 : vector<16xf32>
        %parallel_loop3A_296 = arith.index_cast %parallel_loop3A_232 : i32 to index
        %parallel_loop3A_297 = arith.constant 48 : index
        %parallel_loop3A_298 = tpu.vector_load %arg10[%parallel_loop3A_296, %parallel_loop3A_297] {strides = array<i32>} : memref<80x128xf32, #tpu.memory_space<vmem>>, vector<1x16xf32>,
        %parallel_loop3A_299 = vector.shape_cast %parallel_loop3A_298 : vector<1x16xf32> to vector<16xf32>
        %parallel_loop3A_300 = vector.shape_cast %parallel_loop3A_295 : vector<16xf32> to vector<1x16xf32>
        tpu.vector_store %arg10[%parallel_loop3A_296, %parallel_loop3A_297], %parallel_loop3A_300 {strides = array<i32>} : memref<80x128xf32, #tpu.memory_space<vmem>>, vector<1x16xf32>,
        %parallel_loop3A_301 = arith.index_cast %parallel_loop3A_232 : i32 to index
        %parallel_loop3A_302 = arith.constant 64 : index
        %parallel_loop3A_303 = tpu.vector_load %arg10[%parallel_loop3A_301, %parallel_loop3A_302] {strides = array<i32>} : memref<80x128xf32, #tpu.memory_space<vmem>>, vector<1x16xf32>,
        %parallel_loop3A_304 = vector.shape_cast %parallel_loop3A_303 : vector<1x16xf32> to vector<16xf32>
        %parallel_loop3A_305 = arith.index_cast %parallel_loop3A_232 : i32 to index
        %parallel_loop3A_306 = arith.constant 64 : index
        %parallel_loop3A_307 = tpu.vector_load %arg12[%parallel_loop3A_305, %parallel_loop3A_306] {strides = array<i32>} : memref<80x128xf32, #tpu.memory_space<vmem>>, vector<1x16xf32>,
        %parallel_loop3A_308 = vector.shape_cast %parallel_loop3A_307 : vector<1x16xf32> to vector<16xf32>
        %parallel_loop3A_309 = arith.addf %parallel_loop3A_304, %parallel_loop3A_308 : vector<16xf32>
        %parallel_loop3A_310 = arith.constant 0.000000e+00 : f32
        %parallel_loop3A_311 = vector.broadcast %parallel_loop3A_310 : f32 to vector<16xf32>
        %parallel_loop3A_312 = arith.maximumf %parallel_loop3A_309, %parallel_loop3A_311 : vector<16xf32>
        %parallel_loop3A_313 = arith.index_cast %parallel_loop3A_232 : i32 to index
        %parallel_loop3A_314 = arith.constant 64 : index
        %parallel_loop3A_315 = tpu.vector_load %arg10[%parallel_loop3A_313, %parallel_loop3A_314] {strides = array<i32>} : memref<80x128xf32, #tpu.memory_space<vmem>>, vector<1x16xf32>,
        %parallel_loop3A_316 = vector.shape_cast %parallel_loop3A_315 : vector<1x16xf32> to vector<16xf32>
        %parallel_loop3A_317 = vector.shape_cast %parallel_loop3A_312 : vector<16xf32> to vector<1x16xf32>
        tpu.vector_store %arg10[%parallel_loop3A_313, %parallel_loop3A_314], %parallel_loop3A_317 {strides = array<i32>} : memref<80x128xf32, #tpu.memory_space<vmem>>, vector<1x16xf32>,
        %parallel_loop3A_318 = arith.index_cast %parallel_loop3A_232 : i32 to index
        %parallel_loop3A_319 = arith.constant 80 : index
        %parallel_loop3A_320 = tpu.vector_load %arg10[%parallel_loop3A_318, %parallel_loop3A_319] {strides = array<i32>} : memref<80x128xf32, #tpu.memory_space<vmem>>, vector<1x16xf32>,
        %parallel_loop3A_321 = vector.shape_cast %parallel_loop3A_320 : vector<1x16xf32> to vector<16xf32>
        %parallel_loop3A_322 = arith.index_cast %parallel_loop3A_232 : i32 to index
        %parallel_loop3A_323 = arith.constant 80 : index
        %parallel_loop3A_324 = tpu.vector_load %arg12[%parallel_loop3A_322, %parallel_loop3A_323] {strides = array<i32>} : memref<80x128xf32, #tpu.memory_space<vmem>>, vector<1x16xf32>,
        %parallel_loop3A_325 = vector.shape_cast %parallel_loop3A_324 : vector<1x16xf32> to vector<16xf32>
        %parallel_loop3A_326 = arith.addf %parallel_loop3A_321, %parallel_loop3A_325 : vector<16xf32>
        %parallel_loop3A_327 = arith.constant 0.000000e+00 : f32
        %parallel_loop3A_328 = vector.broadcast %parallel_loop3A_327 : f32 to vector<16xf32>
        %parallel_loop3A_329 = arith.maximumf %parallel_loop3A_326, %parallel_loop3A_328 : vector<16xf32>
        %parallel_loop3A_330 = arith.index_cast %parallel_loop3A_232 : i32 to index
        %parallel_loop3A_331 = arith.constant 80 : index
        %parallel_loop3A_332 = tpu.vector_load %arg10[%parallel_loop3A_330, %parallel_loop3A_331] {strides = array<i32>} : memref<80x128xf32, #tpu.memory_space<vmem>>, vector<1x16xf32>,
        %parallel_loop3A_333 = vector.shape_cast %parallel_loop3A_332 : vector<1x16xf32> to vector<16xf32>
        %parallel_loop3A_334 = vector.shape_cast %parallel_loop3A_329 : vector<16xf32> to vector<1x16xf32>
        tpu.vector_store %arg10[%parallel_loop3A_330, %parallel_loop3A_331], %parallel_loop3A_334 {strides = array<i32>} : memref<80x128xf32, #tpu.memory_space<vmem>>, vector<1x16xf32>,
        %parallel_loop3A_335 = arith.index_cast %parallel_loop3A_232 : i32 to index
        %parallel_loop3A_336 = arith.constant 96 : index
        %parallel_loop3A_337 = tpu.vector_load %arg10[%parallel_loop3A_335, %parallel_loop3A_336] {strides = array<i32>} : memref<80x128xf32, #tpu.memory_space<vmem>>, vector<1x16xf32>,
        %parallel_loop3A_338 = vector.shape_cast %parallel_loop3A_337 : vector<1x16xf32> to vector<16xf32>
        %parallel_loop3A_339 = arith.index_cast %parallel_loop3A_232 : i32 to index
        %parallel_loop3A_340 = arith.constant 96 : index
        %parallel_loop3A_341 = tpu.vector_load %arg12[%parallel_loop3A_339, %parallel_loop3A_340] {strides = array<i32>} : memref<80x128xf32, #tpu.memory_space<vmem>>, vector<1x16xf32>,
        %parallel_loop3A_342 = vector.shape_cast %parallel_loop3A_341 : vector<1x16xf32> to vector<16xf32>
        %parallel_loop3A_343 = arith.addf %parallel_loop3A_338, %parallel_loop3A_342 : vector<16xf32>
        %parallel_loop3A_344 = arith.constant 0.000000e+00 : f32
        %parallel_loop3A_345 = vector.broadcast %parallel_loop3A_344 : f32 to vector<16xf32>
        %parallel_loop3A_346 = arith.maximumf %parallel_loop3A_343, %parallel_loop3A_345 : vector<16xf32>
        %parallel_loop3A_347 = arith.index_cast %parallel_loop3A_232 : i32 to index
        %parallel_loop3A_348 = arith.constant 96 : index
        %parallel_loop3A_349 = tpu.vector_load %arg10[%parallel_loop3A_347, %parallel_loop3A_348] {strides = array<i32>} : memref<80x128xf32, #tpu.memory_space<vmem>>, vector<1x16xf32>,
        %parallel_loop3A_350 = vector.shape_cast %parallel_loop3A_349 : vector<1x16xf32> to vector<16xf32>
        %parallel_loop3A_351 = vector.shape_cast %parallel_loop3A_346 : vector<16xf32> to vector<1x16xf32>
        tpu.vector_store %arg10[%parallel_loop3A_347, %parallel_loop3A_348], %parallel_loop3A_351 {strides = array<i32>} : memref<80x128xf32, #tpu.memory_space<vmem>>, vector<1x16xf32>,
        %parallel_loop3A_352 = arith.index_cast %parallel_loop3A_232 : i32 to index
        %parallel_loop3A_353 = arith.constant 112 : index
        %parallel_loop3A_354 = tpu.vector_load %arg10[%parallel_loop3A_352, %parallel_loop3A_353] {strides = array<i32>} : memref<80x128xf32, #tpu.memory_space<vmem>>, vector<1x16xf32>,
        %parallel_loop3A_355 = vector.shape_cast %parallel_loop3A_354 : vector<1x16xf32> to vector<16xf32>
        %parallel_loop3A_356 = arith.index_cast %parallel_loop3A_232 : i32 to index
        %parallel_loop3A_357 = arith.constant 112 : index
        %parallel_loop3A_358 = tpu.vector_load %arg12[%parallel_loop3A_356, %parallel_loop3A_357] {strides = array<i32>} : memref<80x128xf32, #tpu.memory_space<vmem>>, vector<1x16xf32>,
        %parallel_loop3A_359 = vector.shape_cast %parallel_loop3A_358 : vector<1x16xf32> to vector<16xf32>
        %parallel_loop3A_360 = arith.addf %parallel_loop3A_355, %parallel_loop3A_359 : vector<16xf32>
        %parallel_loop3A_361 = arith.constant 0.000000e+00 : f32
        %parallel_loop3A_362 = vector.broadcast %parallel_loop3A_361 : f32 to vector<16xf32>
        %parallel_loop3A_363 = arith.maximumf %parallel_loop3A_360, %parallel_loop3A_362 : vector<16xf32>
        %parallel_loop3A_364 = arith.index_cast %parallel_loop3A_232 : i32 to index
        %parallel_loop3A_365 = arith.constant 112 : index
        %parallel_loop3A_366 = tpu.vector_load %arg10[%parallel_loop3A_364, %parallel_loop3A_365] {strides = array<i32>} : memref<80x128xf32, #tpu.memory_space<vmem>>, vector<1x16xf32>,
        %parallel_loop3A_367 = vector.shape_cast %parallel_loop3A_366 : vector<1x16xf32> to vector<16xf32>
        %parallel_loop3A_368 = vector.shape_cast %parallel_loop3A_363 : vector<16xf32> to vector<1x16xf32>
        tpu.vector_store %arg10[%parallel_loop3A_364, %parallel_loop3A_365], %parallel_loop3A_368 {strides = array<i32>} : memref<80x128xf32, #tpu.memory_space<vmem>>, vector<1x16xf32>,
      } {sc.loop_unroll_factor = 4 : i64, sc.parallel_access}
      %dma_start3A_181 = arith.constant 0 : i32
      %dma_start3A_182 = arith.constant 0 : i32
      %dma_start3A_183 = tpu.memref_slice %arg14[%dma_start3A_181, %dma_start3A_182] : memref<10000x128xf32, #tpu.memory_space<vmem_shared>> -> memref<10000x128xf32, #tpu.memory_space<vmem_shared>>
      tpu.enqueue_indirect_dma source(%arg10 : memref<80x128xf32, #tpu.memory_space<vmem>>) target(%dma_start3A_183 : memref<10000x128xf32, #tpu.memory_space<vmem_shared>>) offsets(%arg8 : memref<80xi32, #tpu.memory_space<vmem>>) semaphore(%arg21 : memref<!tpu.dma_semaphore, #tpu.memory_space<semaphore_mem>>) {add = true}
      %add3A_184 = arith.constant 2 : i32
      %add3A_185 = arith.addi %mul3A_157, %add3A_184 : i32
      %lt3A_186 = arith.constant 125 : i32
      %lt3A_187 = arith.cmpi slt, %add3A_185, %lt3A_186 : i32
      %convert_element_type3A_188 = arith.extui %lt3A_187 : i1 to i32
      %cond3A_189 = arith.constant 0 : i32
      %cond3A_190 = arith.cmpi ne, %convert_element_type3A_188, %cond3A_189 : i32
      scf.if %cond3A_190 {
        %add3A_232 = arith.constant 2 : i32
        %add3A_233 = arith.addi %mul3A_157, %add3A_232 : i32
        %mul3A_234 = arith.constant 10000 : i32
        %mul3A_235 = arith.muli %add3A, %mul3A_234 : i32
        %mul3A_236 = arith.constant 80 : i32
        %mul3A_237 = arith.muli %add3A_233, %mul3A_236 : i32
        %add3A_238 = arith.addi %mul3A_235, %mul3A_237 : i32
        %dma_start3A_239 = tpu.memref_slice %arg3[%add3A_238] : memref<320000xi32, #tpu.memory_space<hbm>> -> memref<80xi32, #tpu.memory_space<hbm>>
        %dma_start3A_240 = tpu.memref_slice %arg3[%add3A_238] : memref<320000xi32, #tpu.memory_space<hbm>> -> memref<80xi32, #tpu.memory_space<hbm>>
        tpu.enqueue_dma source(%dma_start3A_240 : memref<80xi32, #tpu.memory_space<hbm>>) target(%arg6 : memref<80xi32, #tpu.memory_space<vmem>>) target_semaphore(%arg15 : memref<!tpu.dma_semaphore, #tpu.memory_space<semaphore_mem>>)
      } else {
      }
      %mul3A_191 = arith.constant 2 : i32
      %mul3A_192 = arith.muli %mul3A_191, %scan3A_155 : i32
      %add3A_193 = arith.constant 1 : i32
      %add3A_194 = arith.addi %mul3A_192, %add3A_193 : i32
      %dma_wait3A_195 = arith.constant 0 : i32
      %dma_wait3A_196 = arith.constant 0 : i32
      %dma_wait3A_197 = tpu.memref_slice %arg2[%dma_wait3A_195, %dma_wait3A_196] : memref<10000x128xf32, #tpu.memory_space<hbm>> -> memref<10000x128xf32, #tpu.memory_space<hbm>>
      tpu.wait_indirect_dma semaphore(%arg18 : memref<!tpu.dma_semaphore, #tpu.memory_space<semaphore_mem>>) src(%dma_wait3A_197 : memref<10000x128xf32, #tpu.memory_space<hbm>>) dst(%arg11 : memref<80x128xf32, #tpu.memory_space<vmem>>)
      %mul3A_198 = arith.constant 10000 : i32
      %mul3A_199 = arith.muli %add3A, %mul3A_198 : i32
      %mul3A_200 = arith.constant 80 : i32
      %mul3A_201 = arith.muli %add3A_194, %mul3A_200 : i32
      %add3A_202 = arith.addi %mul3A_199, %mul3A_201 : i32
      %dma_wait3A_203 = arith.constant 0 : i32
      %dma_wait3A_204 = tpu.memref_slice %arg4[%add3A_202, %dma_wait3A_203] : memref<320000x128xf32, #tpu.memory_space<hbm>> -> memref<80x128xf32, #tpu.memory_space<hbm>>
      %dma_wait3A_205 = arith.constant 0 : i32
      %dma_wait3A_206 = tpu.memref_slice %arg4[%add3A_202, %dma_wait3A_205] : memref<320000x128xf32, #tpu.memory_space<hbm>> -> memref<80x128xf32, #tpu.memory_space<hbm>>
      tpu.wait_dma2 semaphore(%arg20 : memref<!tpu.dma_semaphore, #tpu.memory_space<semaphore_mem>>) src(%dma_wait3A_206 : memref<80x128xf32, #tpu.memory_space<hbm>>) dst(%arg13 : memref<80x128xf32, #tpu.memory_space<vmem>>)
      %ge3A_207 = arith.constant 1 : i32
      %ge3A_208 = arith.cmpi sge, %add3A_194, %ge3A_207 : i32
      %convert_element_type3A_209 = arith.extui %ge3A_208 : i1 to i32
      %cond3A_210 = arith.constant 0 : i32
      %cond3A_211 = arith.cmpi ne, %convert_element_type3A_209, %cond3A_210 : i32
      scf.if %cond3A_211 {
        %dma_wait3A_232 = arith.constant 0 : i32
        %dma_wait3A_233 = arith.constant 0 : i32
        %dma_wait3A_234 = tpu.memref_slice %arg14[%dma_wait3A_232, %dma_wait3A_233] : memref<10000x128xf32, #tpu.memory_space<vmem_shared>> -> memref<10000x128xf32, #tpu.memory_space<vmem_shared>>
        tpu.wait_indirect_dma semaphore(%arg21 : memref<!tpu.dma_semaphore, #tpu.memory_space<semaphore_mem>>) src(%arg10 : memref<80x128xf32, #tpu.memory_space<vmem>>) dst(%dma_wait3A_234 : memref<10000x128xf32, #tpu.memory_space<vmem_shared>>)
      } else {
      }
      %add3A_212 = arith.constant 1 : i32
      %add3A_213 = arith.addi %add3A_194, %add3A_212 : i32
      %lt3A_214 = arith.constant 125 : i32
      %lt3A_215 = arith.cmpi slt, %add3A_213, %lt3A_214 : i32
      %convert_element_type3A_216 = arith.extui %lt3A_215 : i1 to i32
      %cond3A_217 = arith.constant 0 : i32
      %cond3A_218 = arith.cmpi ne, %convert_element_type3A_216, %cond3A_217 : i32
      scf.if %cond3A_218 {
        %add3A_232 = arith.constant 1 : i32
        %add3A_233 = arith.addi %add3A_194, %add3A_232 : i32
        %mul3A_234 = arith.constant 10000 : i32
        %mul3A_235 = arith.muli %add3A, %mul3A_234 : i32
        %mul3A_236 = arith.constant 80 : i32
        %mul3A_237 = arith.muli %add3A_233, %mul3A_236 : i32
        %add3A_238 = arith.addi %mul3A_235, %mul3A_237 : i32
        %dma_wait3A_239 = tpu.memref_slice %arg3[%add3A_238] : memref<320000xi32, #tpu.memory_space<hbm>> -> memref<80xi32, #tpu.memory_space<hbm>>
        %dma_wait3A_240 = tpu.memref_slice %arg3[%add3A_238] : memref<320000xi32, #tpu.memory_space<hbm>> -> memref<80xi32, #tpu.memory_space<hbm>>
        tpu.wait_dma2 semaphore(%arg15 : memref<!tpu.dma_semaphore, #tpu.memory_space<semaphore_mem>>) src(%dma_wait3A_240 : memref<80xi32, #tpu.memory_space<hbm>>) dst(%arg6 : memref<80xi32, #tpu.memory_space<vmem>>)
        %get3A_241 = arith.constant 0 : index
        %get3A_242 = tpu.vector_load %arg6[%get3A_241] {strides = array<i32>} : memref<80xi32, #tpu.memory_space<vmem>>, vector<16xi32>,
        %get3A_243 = vector.shape_cast %get3A_242 : vector<16xi32> to vector<16xi32>
        %and3A_244 = arith.constant 16383 : i32
        %and3A_245 = vector.broadcast %and3A_244 : i32 to vector<16xi32>
        %and3A_246 = arith.andi %get3A_243, %and3A_245 : vector<16xi32>
        %swap3A_247 = arith.constant 0 : index
        %swap3A_248 = tpu.vector_load %arg8[%swap3A_247] {strides = array<i32>} : memref<80xi32, #tpu.memory_space<vmem>>, vector<16xi32>,
        %swap3A_249 = vector.shape_cast %swap3A_248 : vector<16xi32> to vector<16xi32>
        %swap3A_250 = vector.shape_cast %and3A_246 : vector<16xi32> to vector<16xi32>
        tpu.vector_store %arg8[%swap3A_247], %swap3A_250 {strides = array<i32>} : memref<80xi32, #tpu.memory_space<vmem>>, vector<16xi32>,
        %shift_right_logical3A_251 = arith.constant 14 : i32
        %shift_right_logical3A_252 = vector.broadcast %shift_right_logical3A_251 : i32 to vector<16xi32>
        %shift_right_logical3A_253 = arith.shrui %get3A_243, %shift_right_logical3A_252 : vector<16xi32>
        %swap3A_254 = arith.constant 0 : index
        %swap3A_255 = tpu.vector_load %arg6[%swap3A_254] {strides = array<i32>} : memref<80xi32, #tpu.memory_space<vmem>>, vector<16xi32>,
        %swap3A_256 = vector.shape_cast %swap3A_255 : vector<16xi32> to vector<16xi32>
        %swap3A_257 = vector.shape_cast %shift_right_logical3A_253 : vector<16xi32> to vector<16xi32>
        tpu.vector_store %arg6[%swap3A_254], %swap3A_257 {strides = array<i32>} : memref<80xi32, #tpu.memory_space<vmem>>, vector<16xi32>,
        %get3A_258 = arith.constant 16 : index
        %get3A_259 = tpu.vector_load %arg6[%get3A_258] {strides = array<i32>} : memref<80xi32, #tpu.memory_space<vmem>>, vector<16xi32>,
        %get3A_260 = vector.shape_cast %get3A_259 : vector<16xi32> to vector<16xi32>
        %and3A_261 = arith.constant 16383 : i32
        %and3A_262 = vector.broadcast %and3A_261 : i32 to vector<16xi32>
        %and3A_263 = arith.andi %get3A_260, %and3A_262 : vector<16xi32>
        %swap3A_264 = arith.constant 16 : index
        %swap3A_265 = tpu.vector_load %arg8[%swap3A_264] {strides = array<i32>} : memref<80xi32, #tpu.memory_space<vmem>>, vector<16xi32>,
        %swap3A_266 = vector.shape_cast %swap3A_265 : vector<16xi32> to vector<16xi32>
        %swap3A_267 = vector.shape_cast %and3A_263 : vector<16xi32> to vector<16xi32>
        tpu.vector_store %arg8[%swap3A_264], %swap3A_267 {strides = array<i32>} : memref<80xi32, #tpu.memory_space<vmem>>, vector<16xi32>,
        %shift_right_logical3A_268 = arith.constant 14 : i32
        %shift_right_logical3A_269 = vector.broadcast %shift_right_logical3A_268 : i32 to vector<16xi32>
        %shift_right_logical3A_270 = arith.shrui %get3A_260, %shift_right_logical3A_269 : vector<16xi32>
        %swap3A_271 = arith.constant 16 : index
        %swap3A_272 = tpu.vector_load %arg6[%swap3A_271] {strides = array<i32>} : memref<80xi32, #tpu.memory_space<vmem>>, vector<16xi32>,
        %swap3A_273 = vector.shape_cast %swap3A_272 : vector<16xi32> to vector<16xi32>
        %swap3A_274 = vector.shape_cast %shift_right_logical3A_270 : vector<16xi32> to vector<16xi32>
        tpu.vector_store %arg6[%swap3A_271], %swap3A_274 {strides = array<i32>} : memref<80xi32, #tpu.memory_space<vmem>>, vector<16xi32>,
        %get3A_275 = arith.constant 32 : index
        %get3A_276 = tpu.vector_load %arg6[%get3A_275] {strides = array<i32>} : memref<80xi32, #tpu.memory_space<vmem>>, vector<16xi32>,
        %get3A_277 = vector.shape_cast %get3A_276 : vector<16xi32> to vector<16xi32>
        %and3A_278 = arith.constant 16383 : i32
        %and3A_279 = vector.broadcast %and3A_278 : i32 to vector<16xi32>
        %and3A_280 = arith.andi %get3A_277, %and3A_279 : vector<16xi32>
        %swap3A_281 = arith.constant 32 : index
        %swap3A_282 = tpu.vector_load %arg8[%swap3A_281] {strides = array<i32>} : memref<80xi32, #tpu.memory_space<vmem>>, vector<16xi32>,
        %swap3A_283 = vector.shape_cast %swap3A_282 : vector<16xi32> to vector<16xi32>
        %swap3A_284 = vector.shape_cast %and3A_280 : vector<16xi32> to vector<16xi32>
        tpu.vector_store %arg8[%swap3A_281], %swap3A_284 {strides = array<i32>} : memref<80xi32, #tpu.memory_space<vmem>>, vector<16xi32>,
        %shift_right_logical3A_285 = arith.constant 14 : i32
        %shift_right_logical3A_286 = vector.broadcast %shift_right_logical3A_285 : i32 to vector<16xi32>
        %shift_right_logical3A_287 = arith.shrui %get3A_277, %shift_right_logical3A_286 : vector<16xi32>
        %swap3A_288 = arith.constant 32 : index
        %swap3A_289 = tpu.vector_load %arg6[%swap3A_288] {strides = array<i32>} : memref<80xi32, #tpu.memory_space<vmem>>, vector<16xi32>,
        %swap3A_290 = vector.shape_cast %swap3A_289 : vector<16xi32> to vector<16xi32>
        %swap3A_291 = vector.shape_cast %shift_right_logical3A_287 : vector<16xi32> to vector<16xi32>
        tpu.vector_store %arg6[%swap3A_288], %swap3A_291 {strides = array<i32>} : memref<80xi32, #tpu.memory_space<vmem>>, vector<16xi32>,
        %get3A_292 = arith.constant 48 : index
        %get3A_293 = tpu.vector_load %arg6[%get3A_292] {strides = array<i32>} : memref<80xi32, #tpu.memory_space<vmem>>, vector<16xi32>,
        %get3A_294 = vector.shape_cast %get3A_293 : vector<16xi32> to vector<16xi32>
        %and3A_295 = arith.constant 16383 : i32
        %and3A_296 = vector.broadcast %and3A_295 : i32 to vector<16xi32>
        %and3A_297 = arith.andi %get3A_294, %and3A_296 : vector<16xi32>
        %swap3A_298 = arith.constant 48 : index
        %swap3A_299 = tpu.vector_load %arg8[%swap3A_298] {strides = array<i32>} : memref<80xi32, #tpu.memory_space<vmem>>, vector<16xi32>,
        %swap3A_300 = vector.shape_cast %swap3A_299 : vector<16xi32> to vector<16xi32>
        %swap3A_301 = vector.shape_cast %and3A_297 : vector<16xi32> to vector<16xi32>
        tpu.vector_store %arg8[%swap3A_298], %swap3A_301 {strides = array<i32>} : memref<80xi32, #tpu.memory_space<vmem>>, vector<16xi32>,
        %shift_right_logical3A_302 = arith.constant 14 : i32
        %shift_right_logical3A_303 = vector.broadcast %shift_right_logical3A_302 : i32 to vector<16xi32>
        %shift_right_logical3A_304 = arith.shrui %get3A_294, %shift_right_logical3A_303 : vector<16xi32>
        %swap3A_305 = arith.constant 48 : index
        %swap3A_306 = tpu.vector_load %arg6[%swap3A_305] {strides = array<i32>} : memref<80xi32, #tpu.memory_space<vmem>>, vector<16xi32>,
        %swap3A_307 = vector.shape_cast %swap3A_306 : vector<16xi32> to vector<16xi32>
        %swap3A_308 = vector.shape_cast %shift_right_logical3A_304 : vector<16xi32> to vector<16xi32>
        tpu.vector_store %arg6[%swap3A_305], %swap3A_308 {strides = array<i32>} : memref<80xi32, #tpu.memory_space<vmem>>, vector<16xi32>,
        %get3A_309 = arith.constant 64 : index
        %get3A_310 = tpu.vector_load %arg6[%get3A_309] {strides = array<i32>} : memref<80xi32, #tpu.memory_space<vmem>>, vector<16xi32>,
        %get3A_311 = vector.shape_cast %get3A_310 : vector<16xi32> to vector<16xi32>
        %and3A_312 = arith.constant 16383 : i32
        %and3A_313 = vector.broadcast %and3A_312 : i32 to vector<16xi32>
        %and3A_314 = arith.andi %get3A_311, %and3A_313 : vector<16xi32>
        %swap3A_315 = arith.constant 64 : index
        %swap3A_316 = tpu.vector_load %arg8[%swap3A_315] {strides = array<i32>} : memref<80xi32, #tpu.memory_space<vmem>>, vector<16xi32>,
        %swap3A_317 = vector.shape_cast %swap3A_316 : vector<16xi32> to vector<16xi32>
        %swap3A_318 = vector.shape_cast %and3A_314 : vector<16xi32> to vector<16xi32>
        tpu.vector_store %arg8[%swap3A_315], %swap3A_318 {strides = array<i32>} : memref<80xi32, #tpu.memory_space<vmem>>, vector<16xi32>,
        %shift_right_logical3A_319 = arith.constant 14 : i32
        %shift_right_logical3A_320 = vector.broadcast %shift_right_logical3A_319 : i32 to vector<16xi32>
        %shift_right_logical3A_321 = arith.shrui %get3A_311, %shift_right_logical3A_320 : vector<16xi32>
        %swap3A_322 = arith.constant 64 : index
        %swap3A_323 = tpu.vector_load %arg6[%swap3A_322] {strides = array<i32>} : memref<80xi32, #tpu.memory_space<vmem>>, vector<16xi32>,
        %swap3A_324 = vector.shape_cast %swap3A_323 : vector<16xi32> to vector<16xi32>
        %swap3A_325 = vector.shape_cast %shift_right_logical3A_321 : vector<16xi32> to vector<16xi32>
        tpu.vector_store %arg6[%swap3A_322], %swap3A_325 {strides = array<i32>} : memref<80xi32, #tpu.memory_space<vmem>>, vector<16xi32>,
        %add3A_326 = arith.constant 1 : i32
        %add3A_327 = arith.addi %add3A_194, %add3A_326 : i32
        %dma_start3A_328 = arith.constant 0 : i32
        %dma_start3A_329 = arith.constant 0 : i32
        %dma_start3A_330 = tpu.memref_slice %arg2[%dma_start3A_328, %dma_start3A_329] : memref<10000x128xf32, #tpu.memory_space<hbm>> -> memref<10000x128xf32, #tpu.memory_space<hbm>>
        tpu.enqueue_indirect_dma source(%dma_start3A_330 : memref<10000x128xf32, #tpu.memory_space<hbm>>) target(%arg10 : memref<80x128xf32, #tpu.memory_space<vmem>>) offsets(%arg6 : memref<80xi32, #tpu.memory_space<vmem>>) semaphore(%arg17 : memref<!tpu.dma_semaphore, #tpu.memory_space<semaphore_mem>>)
        %mul3A_331 = arith.constant 10000 : i32
        %mul3A_332 = arith.muli %add3A, %mul3A_331 : i32
        %mul3A_333 = arith.constant 80 : i32
        %mul3A_334 = arith.muli %add3A_327, %mul3A_333 : i32
        %add3A_335 = arith.addi %mul3A_332, %mul3A_334 : i32
        %dma_start3A_336 = arith.constant 0 : i32
        %dma_start3A_337 = tpu.memref_slice %arg4[%add3A_335, %dma_start3A_336] : memref<320000x128xf32, #tpu.memory_space<hbm>> -> memref<80x128xf32, #tpu.memory_space<hbm>>
        %dma_start3A_338 = arith.constant 0 : i32
        %dma_start3A_339 = tpu.memref_slice %arg4[%add3A_335, %dma_start3A_338] : memref<320000x128xf32, #tpu.memory_space<hbm>> -> memref<80x128xf32, #tpu.memory_space<hbm>>
        tpu.enqueue_dma source(%dma_start3A_339 : memref<80x128xf32, #tpu.memory_space<hbm>>) target(%arg12 : memref<80x128xf32, #tpu.memory_space<vmem>>) target_semaphore(%arg19 : memref<!tpu.dma_semaphore, #tpu.memory_space<semaphore_mem>>)
      } else {
      }
      %parallel_loop3A_219 = arith.constant 0 : i32
      %parallel_loop3A_220 = arith.constant 80 : i32
      %parallel_loop3A_221 = arith.constant 1 : i32
      scf.for %parallel_loop3A_232 = %parallel_loop3A_219 to %parallel_loop3A_220 step %parallel_loop3A_221  : i32 {
        %parallel_loop3A_233 = arith.index_cast %parallel_loop3A_232 : i32 to index
        %parallel_loop3A_234 = arith.constant 0 : index
        %parallel_loop3A_235 = tpu.vector_load %arg11[%parallel_loop3A_233, %parallel_loop3A_234] {strides = array<i32>} : memref<80x128xf32, #tpu.memory_space<vmem>>, vector<1x16xf32>,
        %parallel_loop3A_236 = vector.shape_cast %parallel_loop3A_235 : vector<1x16xf32> to vector<16xf32>
        %parallel_loop3A_237 = arith.index_cast %parallel_loop3A_232 : i32 to index
        %parallel_loop3A_238 = arith.constant 0 : index
        %parallel_loop3A_239 = tpu.vector_load %arg13[%parallel_loop3A_237, %parallel_loop3A_238] {strides = array<i32>} : memref<80x128xf32, #tpu.memory_space<vmem>>, vector<1x16xf32>,
        %parallel_loop3A_240 = vector.shape_cast %parallel_loop3A_239 : vector<1x16xf32> to vector<16xf32>
        %parallel_loop3A_241 = arith.addf %parallel_loop3A_236, %parallel_loop3A_240 : vector<16xf32>
        %parallel_loop3A_242 = arith.constant 0.000000e+00 : f32
        %parallel_loop3A_243 = vector.broadcast %parallel_loop3A_242 : f32 to vector<16xf32>
        %parallel_loop3A_244 = arith.maximumf %parallel_loop3A_241, %parallel_loop3A_243 : vector<16xf32>
        %parallel_loop3A_245 = arith.index_cast %parallel_loop3A_232 : i32 to index
        %parallel_loop3A_246 = arith.constant 0 : index
        %parallel_loop3A_247 = tpu.vector_load %arg11[%parallel_loop3A_245, %parallel_loop3A_246] {strides = array<i32>} : memref<80x128xf32, #tpu.memory_space<vmem>>, vector<1x16xf32>,
        %parallel_loop3A_248 = vector.shape_cast %parallel_loop3A_247 : vector<1x16xf32> to vector<16xf32>
        %parallel_loop3A_249 = vector.shape_cast %parallel_loop3A_244 : vector<16xf32> to vector<1x16xf32>
        tpu.vector_store %arg11[%parallel_loop3A_245, %parallel_loop3A_246], %parallel_loop3A_249 {strides = array<i32>} : memref<80x128xf32, #tpu.memory_space<vmem>>, vector<1x16xf32>,
        %parallel_loop3A_250 = arith.index_cast %parallel_loop3A_232 : i32 to index
        %parallel_loop3A_251 = arith.constant 16 : index
        %parallel_loop3A_252 = tpu.vector_load %arg11[%parallel_loop3A_250, %parallel_loop3A_251] {strides = array<i32>} : memref<80x128xf32, #tpu.memory_space<vmem>>, vector<1x16xf32>,
        %parallel_loop3A_253 = vector.shape_cast %parallel_loop3A_252 : vector<1x16xf32> to vector<16xf32>
        %parallel_loop3A_254 = arith.index_cast %parallel_loop3A_232 : i32 to index
        %parallel_loop3A_255 = arith.constant 16 : index
        %parallel_loop3A_256 = tpu.vector_load %arg13[%parallel_loop3A_254, %parallel_loop3A_255] {strides = array<i32>} : memref<80x128xf32, #tpu.memory_space<vmem>>, vector<1x16xf32>,
        %parallel_loop3A_257 = vector.shape_cast %parallel_loop3A_256 : vector<1x16xf32> to vector<16xf32>
        %parallel_loop3A_258 = arith.addf %parallel_loop3A_253, %parallel_loop3A_257 : vector<16xf32>
        %parallel_loop3A_259 = arith.constant 0.000000e+00 : f32
        %parallel_loop3A_260 = vector.broadcast %parallel_loop3A_259 : f32 to vector<16xf32>
        %parallel_loop3A_261 = arith.maximumf %parallel_loop3A_258, %parallel_loop3A_260 : vector<16xf32>
        %parallel_loop3A_262 = arith.index_cast %parallel_loop3A_232 : i32 to index
        %parallel_loop3A_263 = arith.constant 16 : index
        %parallel_loop3A_264 = tpu.vector_load %arg11[%parallel_loop3A_262, %parallel_loop3A_263] {strides = array<i32>} : memref<80x128xf32, #tpu.memory_space<vmem>>, vector<1x16xf32>,
        %parallel_loop3A_265 = vector.shape_cast %parallel_loop3A_264 : vector<1x16xf32> to vector<16xf32>
        %parallel_loop3A_266 = vector.shape_cast %parallel_loop3A_261 : vector<16xf32> to vector<1x16xf32>
        tpu.vector_store %arg11[%parallel_loop3A_262, %parallel_loop3A_263], %parallel_loop3A_266 {strides = array<i32>} : memref<80x128xf32, #tpu.memory_space<vmem>>, vector<1x16xf32>,
        %parallel_loop3A_267 = arith.index_cast %parallel_loop3A_232 : i32 to index
        %parallel_loop3A_268 = arith.constant 32 : index
        %parallel_loop3A_269 = tpu.vector_load %arg11[%parallel_loop3A_267, %parallel_loop3A_268] {strides = array<i32>} : memref<80x128xf32, #tpu.memory_space<vmem>>, vector<1x16xf32>,
        %parallel_loop3A_270 = vector.shape_cast %parallel_loop3A_269 : vector<1x16xf32> to vector<16xf32>
        %parallel_loop3A_271 = arith.index_cast %parallel_loop3A_232 : i32 to index
        %parallel_loop3A_272 = arith.constant 32 : index
        %parallel_loop3A_273 = tpu.vector_load %arg13[%parallel_loop3A_271, %parallel_loop3A_272] {strides = array<i32>} : memref<80x128xf32, #tpu.memory_space<vmem>>, vector<1x16xf32>,
        %parallel_loop3A_274 = vector.shape_cast %parallel_loop3A_273 : vector<1x16xf32> to vector<16xf32>
        %parallel_loop3A_275 = arith.addf %parallel_loop3A_270, %parallel_loop3A_274 : vector<16xf32>
        %parallel_loop3A_276 = arith.constant 0.000000e+00 : f32
        %parallel_loop3A_277 = vector.broadcast %parallel_loop3A_276 : f32 to vector<16xf32>
        %parallel_loop3A_278 = arith.maximumf %parallel_loop3A_275, %parallel_loop3A_277 : vector<16xf32>
        %parallel_loop3A_279 = arith.index_cast %parallel_loop3A_232 : i32 to index
        %parallel_loop3A_280 = arith.constant 32 : index
        %parallel_loop3A_281 = tpu.vector_load %arg11[%parallel_loop3A_279, %parallel_loop3A_280] {strides = array<i32>} : memref<80x128xf32, #tpu.memory_space<vmem>>, vector<1x16xf32>,
        %parallel_loop3A_282 = vector.shape_cast %parallel_loop3A_281 : vector<1x16xf32> to vector<16xf32>
        %parallel_loop3A_283 = vector.shape_cast %parallel_loop3A_278 : vector<16xf32> to vector<1x16xf32>
        tpu.vector_store %arg11[%parallel_loop3A_279, %parallel_loop3A_280], %parallel_loop3A_283 {strides = array<i32>} : memref<80x128xf32, #tpu.memory_space<vmem>>, vector<1x16xf32>,
        %parallel_loop3A_284 = arith.index_cast %parallel_loop3A_232 : i32 to index
        %parallel_loop3A_285 = arith.constant 48 : index
        %parallel_loop3A_286 = tpu.vector_load %arg11[%parallel_loop3A_284, %parallel_loop3A_285] {strides = array<i32>} : memref<80x128xf32, #tpu.memory_space<vmem>>, vector<1x16xf32>,
        %parallel_loop3A_287 = vector.shape_cast %parallel_loop3A_286 : vector<1x16xf32> to vector<16xf32>
        %parallel_loop3A_288 = arith.index_cast %parallel_loop3A_232 : i32 to index
        %parallel_loop3A_289 = arith.constant 48 : index
        %parallel_loop3A_290 = tpu.vector_load %arg13[%parallel_loop3A_288, %parallel_loop3A_289] {strides = array<i32>} : memref<80x128xf32, #tpu.memory_space<vmem>>, vector<1x16xf32>,
        %parallel_loop3A_291 = vector.shape_cast %parallel_loop3A_290 : vector<1x16xf32> to vector<16xf32>
        %parallel_loop3A_292 = arith.addf %parallel_loop3A_287, %parallel_loop3A_291 : vector<16xf32>
        %parallel_loop3A_293 = arith.constant 0.000000e+00 : f32
        %parallel_loop3A_294 = vector.broadcast %parallel_loop3A_293 : f32 to vector<16xf32>
        %parallel_loop3A_295 = arith.maximumf %parallel_loop3A_292, %parallel_loop3A_294 : vector<16xf32>
        %parallel_loop3A_296 = arith.index_cast %parallel_loop3A_232 : i32 to index
        %parallel_loop3A_297 = arith.constant 48 : index
        %parallel_loop3A_298 = tpu.vector_load %arg11[%parallel_loop3A_296, %parallel_loop3A_297] {strides = array<i32>} : memref<80x128xf32, #tpu.memory_space<vmem>>, vector<1x16xf32>,
        %parallel_loop3A_299 = vector.shape_cast %parallel_loop3A_298 : vector<1x16xf32> to vector<16xf32>
        %parallel_loop3A_300 = vector.shape_cast %parallel_loop3A_295 : vector<16xf32> to vector<1x16xf32>
        tpu.vector_store %arg11[%parallel_loop3A_296, %parallel_loop3A_297], %parallel_loop3A_300 {strides = array<i32>} : memref<80x128xf32, #tpu.memory_space<vmem>>, vector<1x16xf32>,
        %parallel_loop3A_301 = arith.index_cast %parallel_loop3A_232 : i32 to index
        %parallel_loop3A_302 = arith.constant 64 : index
        %parallel_loop3A_303 = tpu.vector_load %arg11[%parallel_loop3A_301, %parallel_loop3A_302] {strides = array<i32>} : memref<80x128xf32, #tpu.memory_space<vmem>>, vector<1x16xf32>,
        %parallel_loop3A_304 = vector.shape_cast %parallel_loop3A_303 : vector<1x16xf32> to vector<16xf32>
        %parallel_loop3A_305 = arith.index_cast %parallel_loop3A_232 : i32 to index
        %parallel_loop3A_306 = arith.constant 64 : index
        %parallel_loop3A_307 = tpu.vector_load %arg13[%parallel_loop3A_305, %parallel_loop3A_306] {strides = array<i32>} : memref<80x128xf32, #tpu.memory_space<vmem>>, vector<1x16xf32>,
        %parallel_loop3A_308 = vector.shape_cast %parallel_loop3A_307 : vector<1x16xf32> to vector<16xf32>
        %parallel_loop3A_309 = arith.addf %parallel_loop3A_304, %parallel_loop3A_308 : vector<16xf32>
        %parallel_loop3A_310 = arith.constant 0.000000e+00 : f32
        %parallel_loop3A_311 = vector.broadcast %parallel_loop3A_310 : f32 to vector<16xf32>
        %parallel_loop3A_312 = arith.maximumf %parallel_loop3A_309, %parallel_loop3A_311 : vector<16xf32>
        %parallel_loop3A_313 = arith.index_cast %parallel_loop3A_232 : i32 to index
        %parallel_loop3A_314 = arith.constant 64 : index
        %parallel_loop3A_315 = tpu.vector_load %arg11[%parallel_loop3A_313, %parallel_loop3A_314] {strides = array<i32>} : memref<80x128xf32, #tpu.memory_space<vmem>>, vector<1x16xf32>,
        %parallel_loop3A_316 = vector.shape_cast %parallel_loop3A_315 : vector<1x16xf32> to vector<16xf32>
        %parallel_loop3A_317 = vector.shape_cast %parallel_loop3A_312 : vector<16xf32> to vector<1x16xf32>
        tpu.vector_store %arg11[%parallel_loop3A_313, %parallel_loop3A_314], %parallel_loop3A_317 {strides = array<i32>} : memref<80x128xf32, #tpu.memory_space<vmem>>, vector<1x16xf32>,
        %parallel_loop3A_318 = arith.index_cast %parallel_loop3A_232 : i32 to index
        %parallel_loop3A_319 = arith.constant 80 : index
        %parallel_loop3A_320 = tpu.vector_load %arg11[%parallel_loop3A_318, %parallel_loop3A_319] {strides = array<i32>} : memref<80x128xf32, #tpu.memory_space<vmem>>, vector<1x16xf32>,
        %parallel_loop3A_321 = vector.shape_cast %parallel_loop3A_320 : vector<1x16xf32> to vector<16xf32>
        %parallel_loop3A_322 = arith.index_cast %parallel_loop3A_232 : i32 to index
        %parallel_loop3A_323 = arith.constant 80 : index
        %parallel_loop3A_324 = tpu.vector_load %arg13[%parallel_loop3A_322, %parallel_loop3A_323] {strides = array<i32>} : memref<80x128xf32, #tpu.memory_space<vmem>>, vector<1x16xf32>,
        %parallel_loop3A_325 = vector.shape_cast %parallel_loop3A_324 : vector<1x16xf32> to vector<16xf32>
        %parallel_loop3A_326 = arith.addf %parallel_loop3A_321, %parallel_loop3A_325 : vector<16xf32>
        %parallel_loop3A_327 = arith.constant 0.000000e+00 : f32
        %parallel_loop3A_328 = vector.broadcast %parallel_loop3A_327 : f32 to vector<16xf32>
        %parallel_loop3A_329 = arith.maximumf %parallel_loop3A_326, %parallel_loop3A_328 : vector<16xf32>
        %parallel_loop3A_330 = arith.index_cast %parallel_loop3A_232 : i32 to index
        %parallel_loop3A_331 = arith.constant 80 : index
        %parallel_loop3A_332 = tpu.vector_load %arg11[%parallel_loop3A_330, %parallel_loop3A_331] {strides = array<i32>} : memref<80x128xf32, #tpu.memory_space<vmem>>, vector<1x16xf32>,
        %parallel_loop3A_333 = vector.shape_cast %parallel_loop3A_332 : vector<1x16xf32> to vector<16xf32>
        %parallel_loop3A_334 = vector.shape_cast %parallel_loop3A_329 : vector<16xf32> to vector<1x16xf32>
        tpu.vector_store %arg11[%parallel_loop3A_330, %parallel_loop3A_331], %parallel_loop3A_334 {strides = array<i32>} : memref<80x128xf32, #tpu.memory_space<vmem>>, vector<1x16xf32>,
        %parallel_loop3A_335 = arith.index_cast %parallel_loop3A_232 : i32 to index
        %parallel_loop3A_336 = arith.constant 96 : index
        %parallel_loop3A_337 = tpu.vector_load %arg11[%parallel_loop3A_335, %parallel_loop3A_336] {strides = array<i32>} : memref<80x128xf32, #tpu.memory_space<vmem>>, vector<1x16xf32>,
        %parallel_loop3A_338 = vector.shape_cast %parallel_loop3A_337 : vector<1x16xf32> to vector<16xf32>
        %parallel_loop3A_339 = arith.index_cast %parallel_loop3A_232 : i32 to index
        %parallel_loop3A_340 = arith.constant 96 : index
        %parallel_loop3A_341 = tpu.vector_load %arg13[%parallel_loop3A_339, %parallel_loop3A_340] {strides = array<i32>} : memref<80x128xf32, #tpu.memory_space<vmem>>, vector<1x16xf32>,
        %parallel_loop3A_342 = vector.shape_cast %parallel_loop3A_341 : vector<1x16xf32> to vector<16xf32>
        %parallel_loop3A_343 = arith.addf %parallel_loop3A_338, %parallel_loop3A_342 : vector<16xf32>
        %parallel_loop3A_344 = arith.constant 0.000000e+00 : f32
        %parallel_loop3A_345 = vector.broadcast %parallel_loop3A_344 : f32 to vector<16xf32>
        %parallel_loop3A_346 = arith.maximumf %parallel_loop3A_343, %parallel_loop3A_345 : vector<16xf32>
        %parallel_loop3A_347 = arith.index_cast %parallel_loop3A_232 : i32 to index
        %parallel_loop3A_348 = arith.constant 96 : index
        %parallel_loop3A_349 = tpu.vector_load %arg11[%parallel_loop3A_347, %parallel_loop3A_348] {strides = array<i32>} : memref<80x128xf32, #tpu.memory_space<vmem>>, vector<1x16xf32>,
        %parallel_loop3A_350 = vector.shape_cast %parallel_loop3A_349 : vector<1x16xf32> to vector<16xf32>
        %parallel_loop3A_351 = vector.shape_cast %parallel_loop3A_346 : vector<16xf32> to vector<1x16xf32>
        tpu.vector_store %arg11[%parallel_loop3A_347, %parallel_loop3A_348], %parallel_loop3A_351 {strides = array<i32>} : memref<80x128xf32, #tpu.memory_space<vmem>>, vector<1x16xf32>,
        %parallel_loop3A_352 = arith.index_cast %parallel_loop3A_232 : i32 to index
        %parallel_loop3A_353 = arith.constant 112 : index
        %parallel_loop3A_354 = tpu.vector_load %arg11[%parallel_loop3A_352, %parallel_loop3A_353] {strides = array<i32>} : memref<80x128xf32, #tpu.memory_space<vmem>>, vector<1x16xf32>,
        %parallel_loop3A_355 = vector.shape_cast %parallel_loop3A_354 : vector<1x16xf32> to vector<16xf32>
        %parallel_loop3A_356 = arith.index_cast %parallel_loop3A_232 : i32 to index
        %parallel_loop3A_357 = arith.constant 112 : index
        %parallel_loop3A_358 = tpu.vector_load %arg13[%parallel_loop3A_356, %parallel_loop3A_357] {strides = array<i32>} : memref<80x128xf32, #tpu.memory_space<vmem>>, vector<1x16xf32>,
        %parallel_loop3A_359 = vector.shape_cast %parallel_loop3A_358 : vector<1x16xf32> to vector<16xf32>
        %parallel_loop3A_360 = arith.addf %parallel_loop3A_355, %parallel_loop3A_359 : vector<16xf32>
        %parallel_loop3A_361 = arith.constant 0.000000e+00 : f32
        %parallel_loop3A_362 = vector.broadcast %parallel_loop3A_361 : f32 to vector<16xf32>
        %parallel_loop3A_363 = arith.maximumf %parallel_loop3A_360, %parallel_loop3A_362 : vector<16xf32>
        %parallel_loop3A_364 = arith.index_cast %parallel_loop3A_232 : i32 to index
        %parallel_loop3A_365 = arith.constant 112 : index
        %parallel_loop3A_366 = tpu.vector_load %arg11[%parallel_loop3A_364, %parallel_loop3A_365] {strides = array<i32>} : memref<80x128xf32, #tpu.memory_space<vmem>>, vector<1x16xf32>,
        %parallel_loop3A_367 = vector.shape_cast %parallel_loop3A_366 : vector<1x16xf32> to vector<16xf32>
        %parallel_loop3A_368 = vector.shape_cast %parallel_loop3A_363 : vector<16xf32> to vector<1x16xf32>
        tpu.vector_store %arg11[%parallel_loop3A_364, %parallel_loop3A_365], %parallel_loop3A_368 {strides = array<i32>} : memref<80x128xf32, #tpu.memory_space<vmem>>, vector<1x16xf32>,
      } {sc.loop_unroll_factor = 4 : i64, sc.parallel_access}
      %dma_start3A_222 = arith.constant 0 : i32
      %dma_start3A_223 = arith.constant 0 : i32
      %dma_start3A_224 = tpu.memref_slice %arg14[%dma_start3A_222, %dma_start3A_223] : memref<10000x128xf32, #tpu.memory_space<vmem_shared>> -> memref<10000x128xf32, #tpu.memory_space<vmem_shared>>
      tpu.enqueue_indirect_dma source(%arg11 : memref<80x128xf32, #tpu.memory_space<vmem>>) target(%dma_start3A_224 : memref<10000x128xf32, #tpu.memory_space<vmem_shared>>) offsets(%arg9 : memref<80xi32, #tpu.memory_space<vmem>>) semaphore(%arg22 : memref<!tpu.dma_semaphore, #tpu.memory_space<semaphore_mem>>) {add = true}
      %add3A_225 = arith.constant 2 : i32
      %add3A_226 = arith.addi %add3A_194, %add3A_225 : i32
      %lt3A_227 = arith.constant 125 : i32
      %lt3A_228 = arith.cmpi slt, %add3A_226, %lt3A_227 : i32
      %convert_element_type3A_229 = arith.extui %lt3A_228 : i1 to i32
      %cond3A_230 = arith.constant 0 : i32
      %cond3A_231 = arith.cmpi ne, %convert_element_type3A_229, %cond3A_230 : i32
      scf.if %cond3A_231 {
        %add3A_232 = arith.constant 2 : i32
        %add3A_233 = arith.addi %add3A_194, %add3A_232 : i32
        %mul3A_234 = arith.constant 10000 : i32
        %mul3A_235 = arith.muli %add3A, %mul3A_234 : i32
        %mul3A_236 = arith.constant 80 : i32
        %mul3A_237 = arith.muli %add3A_233, %mul3A_236 : i32
        %add3A_238 = arith.addi %mul3A_235, %mul3A_237 : i32
        %dma_start3A_239 = tpu.memref_slice %arg3[%add3A_238] : memref<320000xi32, #tpu.memory_space<hbm>> -> memref<80xi32, #tpu.memory_space<hbm>>
        %dma_start3A_240 = tpu.memref_slice %arg3[%add3A_238] : memref<320000xi32, #tpu.memory_space<hbm>> -> memref<80xi32, #tpu.memory_space<hbm>>
        tpu.enqueue_dma source(%dma_start3A_240 : memref<80xi32, #tpu.memory_space<hbm>>) target(%arg7 : memref<80xi32, #tpu.memory_space<vmem>>) target_semaphore(%arg16 : memref<!tpu.dma_semaphore, #tpu.memory_space<semaphore_mem>>)
      } else {
      }
    }
    %scan3A_125 = arith.constant 62 : i32
    %dma_wait3A_126 = arith.constant 0 : i32
    %dma_wait3A_127 = arith.constant 0 : i32
    %dma_wait3A_128 = tpu.memref_slice %arg2[%dma_wait3A_126, %dma_wait3A_127] : memref<10000x128xf32, #tpu.memory_space<hbm>> -> memref<10000x128xf32, #tpu.memory_space<hbm>>
    tpu.wait_indirect_dma semaphore(%arg17 : memref<!tpu.dma_semaphore, #tpu.memory_space<semaphore_mem>>) src(%dma_wait3A_128 : memref<10000x128xf32, #tpu.memory_space<hbm>>) dst(%arg10 : memref<80x128xf32, #tpu.memory_space<vmem>>)
    %mul3A_129 = arith.constant 10000 : i32
    %mul3A_130 = arith.muli %add3A, %mul3A_129 : i32
    %add3A_131 = arith.constant 9920 : i32
    %add3A_132 = arith.addi %mul3A_130, %add3A_131 : i32
    %dma_wait3A_133 = arith.constant 0 : i32
    %dma_wait3A_134 = tpu.memref_slice %arg4[%add3A_132, %dma_wait3A_133] : memref<320000x128xf32, #tpu.memory_space<hbm>> -> memref<80x128xf32, #tpu.memory_space<hbm>>
    %dma_wait3A_135 = arith.constant 0 : i32
    %dma_wait3A_136 = tpu.memref_slice %arg4[%add3A_132, %dma_wait3A_135] : memref<320000x128xf32, #tpu.memory_space<hbm>> -> memref<80x128xf32, #tpu.memory_space<hbm>>
    tpu.wait_dma2 semaphore(%arg19 : memref<!tpu.dma_semaphore, #tpu.memory_space<semaphore_mem>>) src(%dma_wait3A_136 : memref<80x128xf32, #tpu.memory_space<hbm>>) dst(%arg12 : memref<80x128xf32, #tpu.memory_space<vmem>>)
    %dma_wait3A_137 = arith.constant 0 : i32
    %dma_wait3A_138 = arith.constant 0 : i32
    %dma_wait3A_139 = tpu.memref_slice %arg14[%dma_wait3A_137, %dma_wait3A_138] : memref<10000x128xf32, #tpu.memory_space<vmem_shared>> -> memref<10000x128xf32, #tpu.memory_space<vmem_shared>>
    tpu.wait_indirect_dma semaphore(%arg22 : memref<!tpu.dma_semaphore, #tpu.memory_space<semaphore_mem>>) src(%arg11 : memref<80x128xf32, #tpu.memory_space<vmem>>) dst(%dma_wait3A_139 : memref<10000x128xf32, #tpu.memory_space<vmem_shared>>)
    %parallel_loop3A = arith.constant 0 : i32
    %parallel_loop3A_140 = arith.constant 80 : i32
    %parallel_loop3A_141 = arith.constant 1 : i32
    scf.for %parallel_loop3A_155 = %parallel_loop3A to %parallel_loop3A_140 step %parallel_loop3A_141  : i32 {
      %parallel_loop3A_156 = arith.index_cast %parallel_loop3A_155 : i32 to index
      %parallel_loop3A_157 = arith.constant 0 : index
      %parallel_loop3A_158 = tpu.vector_load %arg10[%parallel_loop3A_156, %parallel_loop3A_157] {strides = array<i32>} : memref<80x128xf32, #tpu.memory_space<vmem>>, vector<1x16xf32>,
      %parallel_loop3A_159 = vector.shape_cast %parallel_loop3A_158 : vector<1x16xf32> to vector<16xf32>
      %parallel_loop3A_160 = arith.index_cast %parallel_loop3A_155 : i32 to index
      %parallel_loop3A_161 = arith.constant 0 : index
      %parallel_loop3A_162 = tpu.vector_load %arg12[%parallel_loop3A_160, %parallel_loop3A_161] {strides = array<i32>} : memref<80x128xf32, #tpu.memory_space<vmem>>, vector<1x16xf32>,
      %parallel_loop3A_163 = vector.shape_cast %parallel_loop3A_162 : vector<1x16xf32> to vector<16xf32>
      %parallel_loop3A_164 = arith.addf %parallel_loop3A_159, %parallel_loop3A_163 : vector<16xf32>
      %parallel_loop3A_165 = arith.constant 0.000000e+00 : f32
      %parallel_loop3A_166 = vector.broadcast %parallel_loop3A_165 : f32 to vector<16xf32>
      %parallel_loop3A_167 = arith.maximumf %parallel_loop3A_164, %parallel_loop3A_166 : vector<16xf32>
      %parallel_loop3A_168 = arith.index_cast %parallel_loop3A_155 : i32 to index
      %parallel_loop3A_169 = arith.constant 0 : index
      %parallel_loop3A_170 = tpu.vector_load %arg10[%parallel_loop3A_168, %parallel_loop3A_169] {strides = array<i32>} : memref<80x128xf32, #tpu.memory_space<vmem>>, vector<1x16xf32>,
      %parallel_loop3A_171 = vector.shape_cast %parallel_loop3A_170 : vector<1x16xf32> to vector<16xf32>
      %parallel_loop3A_172 = vector.shape_cast %parallel_loop3A_167 : vector<16xf32> to vector<1x16xf32>
      tpu.vector_store %arg10[%parallel_loop3A_168, %parallel_loop3A_169], %parallel_loop3A_172 {strides = array<i32>} : memref<80x128xf32, #tpu.memory_space<vmem>>, vector<1x16xf32>,
      %parallel_loop3A_173 = arith.index_cast %parallel_loop3A_155 : i32 to index
      %parallel_loop3A_174 = arith.constant 16 : index
      %parallel_loop3A_175 = tpu.vector_load %arg10[%parallel_loop3A_173, %parallel_loop3A_174] {strides = array<i32>} : memref<80x128xf32, #tpu.memory_space<vmem>>, vector<1x16xf32>,
      %parallel_loop3A_176 = vector.shape_cast %parallel_loop3A_175 : vector<1x16xf32> to vector<16xf32>
      %parallel_loop3A_177 = arith.index_cast %parallel_loop3A_155 : i32 to index
      %parallel_loop3A_178 = arith.constant 16 : index
      %parallel_loop3A_179 = tpu.vector_load %arg12[%parallel_loop3A_177, %parallel_loop3A_178] {strides = array<i32>} : memref<80x128xf32, #tpu.memory_space<vmem>>, vector<1x16xf32>,
      %parallel_loop3A_180 = vector.shape_cast %parallel_loop3A_179 : vector<1x16xf32> to vector<16xf32>
      %parallel_loop3A_181 = arith.addf %parallel_loop3A_176, %parallel_loop3A_180 : vector<16xf32>
      %parallel_loop3A_182 = arith.constant 0.000000e+00 : f32
      %parallel_loop3A_183 = vector.broadcast %parallel_loop3A_182 : f32 to vector<16xf32>
      %parallel_loop3A_184 = arith.maximumf %parallel_loop3A_181, %parallel_loop3A_183 : vector<16xf32>
      %parallel_loop3A_185 = arith.index_cast %parallel_loop3A_155 : i32 to index
      %parallel_loop3A_186 = arith.constant 16 : index
      %parallel_loop3A_187 = tpu.vector_load %arg10[%parallel_loop3A_185, %parallel_loop3A_186] {strides = array<i32>} : memref<80x128xf32, #tpu.memory_space<vmem>>, vector<1x16xf32>,
      %parallel_loop3A_188 = vector.shape_cast %parallel_loop3A_187 : vector<1x16xf32> to vector<16xf32>
      %parallel_loop3A_189 = vector.shape_cast %parallel_loop3A_184 : vector<16xf32> to vector<1x16xf32>
      tpu.vector_store %arg10[%parallel_loop3A_185, %parallel_loop3A_186], %parallel_loop3A_189 {strides = array<i32>} : memref<80x128xf32, #tpu.memory_space<vmem>>, vector<1x16xf32>,
      %parallel_loop3A_190 = arith.index_cast %parallel_loop3A_155 : i32 to index
      %parallel_loop3A_191 = arith.constant 32 : index
      %parallel_loop3A_192 = tpu.vector_load %arg10[%parallel_loop3A_190, %parallel_loop3A_191] {strides = array<i32>} : memref<80x128xf32, #tpu.memory_space<vmem>>, vector<1x16xf32>,
      %parallel_loop3A_193 = vector.shape_cast %parallel_loop3A_192 : vector<1x16xf32> to vector<16xf32>
      %parallel_loop3A_194 = arith.index_cast %parallel_loop3A_155 : i32 to index
      %parallel_loop3A_195 = arith.constant 32 : index
      %parallel_loop3A_196 = tpu.vector_load %arg12[%parallel_loop3A_194, %parallel_loop3A_195] {strides = array<i32>} : memref<80x128xf32, #tpu.memory_space<vmem>>, vector<1x16xf32>,
      %parallel_loop3A_197 = vector.shape_cast %parallel_loop3A_196 : vector<1x16xf32> to vector<16xf32>
      %parallel_loop3A_198 = arith.addf %parallel_loop3A_193, %parallel_loop3A_197 : vector<16xf32>
      %parallel_loop3A_199 = arith.constant 0.000000e+00 : f32
      %parallel_loop3A_200 = vector.broadcast %parallel_loop3A_199 : f32 to vector<16xf32>
      %parallel_loop3A_201 = arith.maximumf %parallel_loop3A_198, %parallel_loop3A_200 : vector<16xf32>
      %parallel_loop3A_202 = arith.index_cast %parallel_loop3A_155 : i32 to index
      %parallel_loop3A_203 = arith.constant 32 : index
      %parallel_loop3A_204 = tpu.vector_load %arg10[%parallel_loop3A_202, %parallel_loop3A_203] {strides = array<i32>} : memref<80x128xf32, #tpu.memory_space<vmem>>, vector<1x16xf32>,
      %parallel_loop3A_205 = vector.shape_cast %parallel_loop3A_204 : vector<1x16xf32> to vector<16xf32>
      %parallel_loop3A_206 = vector.shape_cast %parallel_loop3A_201 : vector<16xf32> to vector<1x16xf32>
      tpu.vector_store %arg10[%parallel_loop3A_202, %parallel_loop3A_203], %parallel_loop3A_206 {strides = array<i32>} : memref<80x128xf32, #tpu.memory_space<vmem>>, vector<1x16xf32>,
      %parallel_loop3A_207 = arith.index_cast %parallel_loop3A_155 : i32 to index
      %parallel_loop3A_208 = arith.constant 48 : index
      %parallel_loop3A_209 = tpu.vector_load %arg10[%parallel_loop3A_207, %parallel_loop3A_208] {strides = array<i32>} : memref<80x128xf32, #tpu.memory_space<vmem>>, vector<1x16xf32>,
      %parallel_loop3A_210 = vector.shape_cast %parallel_loop3A_209 : vector<1x16xf32> to vector<16xf32>
      %parallel_loop3A_211 = arith.index_cast %parallel_loop3A_155 : i32 to index
      %parallel_loop3A_212 = arith.constant 48 : index
      %parallel_loop3A_213 = tpu.vector_load %arg12[%parallel_loop3A_211, %parallel_loop3A_212] {strides = array<i32>} : memref<80x128xf32, #tpu.memory_space<vmem>>, vector<1x16xf32>,
      %parallel_loop3A_214 = vector.shape_cast %parallel_loop3A_213 : vector<1x16xf32> to vector<16xf32>
      %parallel_loop3A_215 = arith.addf %parallel_loop3A_210, %parallel_loop3A_214 : vector<16xf32>
      %parallel_loop3A_216 = arith.constant 0.000000e+00 : f32
      %parallel_loop3A_217 = vector.broadcast %parallel_loop3A_216 : f32 to vector<16xf32>
      %parallel_loop3A_218 = arith.maximumf %parallel_loop3A_215, %parallel_loop3A_217 : vector<16xf32>
      %parallel_loop3A_219 = arith.index_cast %parallel_loop3A_155 : i32 to index
      %parallel_loop3A_220 = arith.constant 48 : index
      %parallel_loop3A_221 = tpu.vector_load %arg10[%parallel_loop3A_219, %parallel_loop3A_220] {strides = array<i32>} : memref<80x128xf32, #tpu.memory_space<vmem>>, vector<1x16xf32>,
      %parallel_loop3A_222 = vector.shape_cast %parallel_loop3A_221 : vector<1x16xf32> to vector<16xf32>
      %parallel_loop3A_223 = vector.shape_cast %parallel_loop3A_218 : vector<16xf32> to vector<1x16xf32>
      tpu.vector_store %arg10[%parallel_loop3A_219, %parallel_loop3A_220], %parallel_loop3A_223 {strides = array<i32>} : memref<80x128xf32, #tpu.memory_space<vmem>>, vector<1x16xf32>,
      %parallel_loop3A_224 = arith.index_cast %parallel_loop3A_155 : i32 to index
      %parallel_loop3A_225 = arith.constant 64 : index
      %parallel_loop3A_226 = tpu.vector_load %arg10[%parallel_loop3A_224, %parallel_loop3A_225] {strides = array<i32>} : memref<80x128xf32, #tpu.memory_space<vmem>>, vector<1x16xf32>,
      %parallel_loop3A_227 = vector.shape_cast %parallel_loop3A_226 : vector<1x16xf32> to vector<16xf32>
      %parallel_loop3A_228 = arith.index_cast %parallel_loop3A_155 : i32 to index
      %parallel_loop3A_229 = arith.constant 64 : index
      %parallel_loop3A_230 = tpu.vector_load %arg12[%parallel_loop3A_228, %parallel_loop3A_229] {strides = array<i32>} : memref<80x128xf32, #tpu.memory_space<vmem>>, vector<1x16xf32>,
      %parallel_loop3A_231 = vector.shape_cast %parallel_loop3A_230 : vector<1x16xf32> to vector<16xf32>
      %parallel_loop3A_232 = arith.addf %parallel_loop3A_227, %parallel_loop3A_231 : vector<16xf32>
      %parallel_loop3A_233 = arith.constant 0.000000e+00 : f32
      %parallel_loop3A_234 = vector.broadcast %parallel_loop3A_233 : f32 to vector<16xf32>
      %parallel_loop3A_235 = arith.maximumf %parallel_loop3A_232, %parallel_loop3A_234 : vector<16xf32>
      %parallel_loop3A_236 = arith.index_cast %parallel_loop3A_155 : i32 to index
      %parallel_loop3A_237 = arith.constant 64 : index
      %parallel_loop3A_238 = tpu.vector_load %arg10[%parallel_loop3A_236, %parallel_loop3A_237] {strides = array<i32>} : memref<80x128xf32, #tpu.memory_space<vmem>>, vector<1x16xf32>,
      %parallel_loop3A_239 = vector.shape_cast %parallel_loop3A_238 : vector<1x16xf32> to vector<16xf32>
      %parallel_loop3A_240 = vector.shape_cast %parallel_loop3A_235 : vector<16xf32> to vector<1x16xf32>
      tpu.vector_store %arg10[%parallel_loop3A_236, %parallel_loop3A_237], %parallel_loop3A_240 {strides = array<i32>} : memref<80x128xf32, #tpu.memory_space<vmem>>, vector<1x16xf32>,
      %parallel_loop3A_241 = arith.index_cast %parallel_loop3A_155 : i32 to index
      %parallel_loop3A_242 = arith.constant 80 : index
      %parallel_loop3A_243 = tpu.vector_load %arg10[%parallel_loop3A_241, %parallel_loop3A_242] {strides = array<i32>} : memref<80x128xf32, #tpu.memory_space<vmem>>, vector<1x16xf32>,
      %parallel_loop3A_244 = vector.shape_cast %parallel_loop3A_243 : vector<1x16xf32> to vector<16xf32>
      %parallel_loop3A_245 = arith.index_cast %parallel_loop3A_155 : i32 to index
      %parallel_loop3A_246 = arith.constant 80 : index
      %parallel_loop3A_247 = tpu.vector_load %arg12[%parallel_loop3A_245, %parallel_loop3A_246] {strides = array<i32>} : memref<80x128xf32, #tpu.memory_space<vmem>>, vector<1x16xf32>,
      %parallel_loop3A_248 = vector.shape_cast %parallel_loop3A_247 : vector<1x16xf32> to vector<16xf32>
      %parallel_loop3A_249 = arith.addf %parallel_loop3A_244, %parallel_loop3A_248 : vector<16xf32>
      %parallel_loop3A_250 = arith.constant 0.000000e+00 : f32
      %parallel_loop3A_251 = vector.broadcast %parallel_loop3A_250 : f32 to vector<16xf32>
      %parallel_loop3A_252 = arith.maximumf %parallel_loop3A_249, %parallel_loop3A_251 : vector<16xf32>
      %parallel_loop3A_253 = arith.index_cast %parallel_loop3A_155 : i32 to index
      %parallel_loop3A_254 = arith.constant 80 : index
      %parallel_loop3A_255 = tpu.vector_load %arg10[%parallel_loop3A_253, %parallel_loop3A_254] {strides = array<i32>} : memref<80x128xf32, #tpu.memory_space<vmem>>, vector<1x16xf32>,
      %parallel_loop3A_256 = vector.shape_cast %parallel_loop3A_255 : vector<1x16xf32> to vector<16xf32>
      %parallel_loop3A_257 = vector.shape_cast %parallel_loop3A_252 : vector<16xf32> to vector<1x16xf32>
      tpu.vector_store %arg10[%parallel_loop3A_253, %parallel_loop3A_254], %parallel_loop3A_257 {strides = array<i32>} : memref<80x128xf32, #tpu.memory_space<vmem>>, vector<1x16xf32>,
      %parallel_loop3A_258 = arith.index_cast %parallel_loop3A_155 : i32 to index
      %parallel_loop3A_259 = arith.constant 96 : index
      %parallel_loop3A_260 = tpu.vector_load %arg10[%parallel_loop3A_258, %parallel_loop3A_259] {strides = array<i32>} : memref<80x128xf32, #tpu.memory_space<vmem>>, vector<1x16xf32>,
      %parallel_loop3A_261 = vector.shape_cast %parallel_loop3A_260 : vector<1x16xf32> to vector<16xf32>
      %parallel_loop3A_262 = arith.index_cast %parallel_loop3A_155 : i32 to index
      %parallel_loop3A_263 = arith.constant 96 : index
      %parallel_loop3A_264 = tpu.vector_load %arg12[%parallel_loop3A_262, %parallel_loop3A_263] {strides = array<i32>} : memref<80x128xf32, #tpu.memory_space<vmem>>, vector<1x16xf32>,
      %parallel_loop3A_265 = vector.shape_cast %parallel_loop3A_264 : vector<1x16xf32> to vector<16xf32>
      %parallel_loop3A_266 = arith.addf %parallel_loop3A_261, %parallel_loop3A_265 : vector<16xf32>
      %parallel_loop3A_267 = arith.constant 0.000000e+00 : f32
      %parallel_loop3A_268 = vector.broadcast %parallel_loop3A_267 : f32 to vector<16xf32>
      %parallel_loop3A_269 = arith.maximumf %parallel_loop3A_266, %parallel_loop3A_268 : vector<16xf32>
      %parallel_loop3A_270 = arith.index_cast %parallel_loop3A_155 : i32 to index
      %parallel_loop3A_271 = arith.constant 96 : index
      %parallel_loop3A_272 = tpu.vector_load %arg10[%parallel_loop3A_270, %parallel_loop3A_271] {strides = array<i32>} : memref<80x128xf32, #tpu.memory_space<vmem>>, vector<1x16xf32>,
      %parallel_loop3A_273 = vector.shape_cast %parallel_loop3A_272 : vector<1x16xf32> to vector<16xf32>
      %parallel_loop3A_274 = vector.shape_cast %parallel_loop3A_269 : vector<16xf32> to vector<1x16xf32>
      tpu.vector_store %arg10[%parallel_loop3A_270, %parallel_loop3A_271], %parallel_loop3A_274 {strides = array<i32>} : memref<80x128xf32, #tpu.memory_space<vmem>>, vector<1x16xf32>,
      %parallel_loop3A_275 = arith.index_cast %parallel_loop3A_155 : i32 to index
      %parallel_loop3A_276 = arith.constant 112 : index
      %parallel_loop3A_277 = tpu.vector_load %arg10[%parallel_loop3A_275, %parallel_loop3A_276] {strides = array<i32>} : memref<80x128xf32, #tpu.memory_space<vmem>>, vector<1x16xf32>,
      %parallel_loop3A_278 = vector.shape_cast %parallel_loop3A_277 : vector<1x16xf32> to vector<16xf32>
      %parallel_loop3A_279 = arith.index_cast %parallel_loop3A_155 : i32 to index
      %parallel_loop3A_280 = arith.constant 112 : index
      %parallel_loop3A_281 = tpu.vector_load %arg12[%parallel_loop3A_279, %parallel_loop3A_280] {strides = array<i32>} : memref<80x128xf32, #tpu.memory_space<vmem>>, vector<1x16xf32>,
      %parallel_loop3A_282 = vector.shape_cast %parallel_loop3A_281 : vector<1x16xf32> to vector<16xf32>
      %parallel_loop3A_283 = arith.addf %parallel_loop3A_278, %parallel_loop3A_282 : vector<16xf32>
      %parallel_loop3A_284 = arith.constant 0.000000e+00 : f32
      %parallel_loop3A_285 = vector.broadcast %parallel_loop3A_284 : f32 to vector<16xf32>
      %parallel_loop3A_286 = arith.maximumf %parallel_loop3A_283, %parallel_loop3A_285 : vector<16xf32>
      %parallel_loop3A_287 = arith.index_cast %parallel_loop3A_155 : i32 to index
      %parallel_loop3A_288 = arith.constant 112 : index
      %parallel_loop3A_289 = tpu.vector_load %arg10[%parallel_loop3A_287, %parallel_loop3A_288] {strides = array<i32>} : memref<80x128xf32, #tpu.memory_space<vmem>>, vector<1x16xf32>,
      %parallel_loop3A_290 = vector.shape_cast %parallel_loop3A_289 : vector<1x16xf32> to vector<16xf32>
      %parallel_loop3A_291 = vector.shape_cast %parallel_loop3A_286 : vector<16xf32> to vector<1x16xf32>
      tpu.vector_store %arg10[%parallel_loop3A_287, %parallel_loop3A_288], %parallel_loop3A_291 {strides = array<i32>} : memref<80x128xf32, #tpu.memory_space<vmem>>, vector<1x16xf32>,
    } {sc.loop_unroll_factor = 4 : i64, sc.parallel_access}
    %dma_start3A_142 = arith.constant 0 : i32
    %dma_start3A_143 = arith.constant 0 : i32
    %dma_start3A_144 = tpu.memref_slice %arg14[%dma_start3A_142, %dma_start3A_143] : memref<10000x128xf32, #tpu.memory_space<vmem_shared>> -> memref<10000x128xf32, #tpu.memory_space<vmem_shared>>
    tpu.enqueue_indirect_dma source(%arg10 : memref<80x128xf32, #tpu.memory_space<vmem>>) target(%dma_start3A_144 : memref<10000x128xf32, #tpu.memory_space<vmem_shared>>) offsets(%arg8 : memref<80xi32, #tpu.memory_space<vmem>>) semaphore(%arg21 : memref<!tpu.dma_semaphore, #tpu.memory_space<semaphore_mem>>) {add = true}
    %dma_wait3A_145 = arith.constant 0 : i32
    %dma_wait3A_146 = arith.constant 0 : i32
    %dma_wait3A_147 = tpu.memref_slice %arg14[%dma_wait3A_145, %dma_wait3A_146] : memref<10000x128xf32, #tpu.memory_space<vmem_shared>> -> memref<10000x128xf32, #tpu.memory_space<vmem_shared>>
    tpu.wait_indirect_dma semaphore(%arg21 : memref<!tpu.dma_semaphore, #tpu.memory_space<semaphore_mem>>) src(%arg10 : memref<80x128xf32, #tpu.memory_space<vmem>>) dst(%dma_wait3A_147 : memref<10000x128xf32, #tpu.memory_space<vmem_shared>>)
    %barrier3A_148 = arith.constant 0 : index
    tpu.barrier barrier_id(%barrier3A_148)
    %scan3A_149 = arith.constant 0 : i32
    %scan3A_150 = arith.constant 0 : i32
    %scan3A_151 = arith.constant 8 : i32
    %scan3A_152 = arith.addi %scan3A_150, %scan3A_151 : i32
    %scan3A_153 = arith.constant 1 : i32
    scf.for %scan3A_155 = %scan3A_150 to %scan3A_152 step %scan3A_153  : i32 {
      %mul3A_156 = arith.constant 16 : i32
      %mul3A_157 = arith.muli %mul3A_156, %scan3A_155 : i32
      %add3A_158 = arith.addi %arg1, %mul3A_157 : i32
      %lt3A = arith.constant 125 : i32
      %lt3A_159 = arith.cmpi slt, %add3A_158, %lt3A : i32
      %convert_element_type3A = arith.extui %lt3A_159 : i1 to i32
      %cond3A = arith.constant 0 : i32
      %cond3A_160 = arith.cmpi ne, %convert_element_type3A, %cond3A : i32
      scf.if %cond3A_160 {
        %mul3A_161 = arith.constant 80 : i32
        %mul3A_162 = arith.muli %add3A_158, %mul3A_161 : i32
        "tpu.region"() ({
          %run_scoped3A = tpu.sem_alloc : memref<!tpu.dma_semaphore, #tpu.memory_space<semaphore_mem>>
          %dma_start3A_163 = arith.constant 0 : i32
          %dma_start3A_164 = tpu.memref_slice %arg5[%arg0, %mul3A_162, %dma_start3A_163] : memref<2x10000x128xf32, #tpu.memory_space<hbm>> -> memref<1x80x128xf32, #tpu.memory_space<hbm>>
          %dma_start3A_165 = tpu.memref_squeeze %dma_start3A_164 : memref<1x80x128xf32, #tpu.memory_space<hbm>> -> memref<80x128xf32, #tpu.memory_space<hbm>>
          %dma_start3A_166 = arith.constant 0 : i32
          %dma_start3A_167 = tpu.memref_slice %arg14[%mul3A_162, %dma_start3A_166] : memref<10000x128xf32, #tpu.memory_space<vmem_shared>> -> memref<80x128xf32, #tpu.memory_space<vmem_shared>>
          tpu.enqueue_dma source(%dma_start3A_167 : memref<80x128xf32, #tpu.memory_space<vmem_shared>>) target(%dma_start3A_165 : memref<80x128xf32, #tpu.memory_space<hbm>>) target_semaphore(%run_scoped3A : memref<!tpu.dma_semaphore, #tpu.memory_space<semaphore_mem>>)
          %dma_wait3A_168 = arith.constant 0 : i32
          %dma_wait3A_169 = tpu.memref_slice %arg5[%arg0, %mul3A_162, %dma_wait3A_168] : memref<2x10000x128xf32, #tpu.memory_space<hbm>> -> memref<1x80x128xf32, #tpu.memory_space<hbm>>
          %dma_wait3A_170 = tpu.memref_squeeze %dma_wait3A_169 : memref<1x80x128xf32, #tpu.memory_space<hbm>> -> memref<80x128xf32, #tpu.memory_space<hbm>>
          %dma_wait3A_171 = arith.constant 0 : i32
          %dma_wait3A_172 = tpu.memref_slice %arg14[%mul3A_162, %dma_wait3A_171] : memref<10000x128xf32, #tpu.memory_space<vmem_shared>> -> memref<80x128xf32, #tpu.memory_space<vmem_shared>>
          tpu.wait_dma2 semaphore(%run_scoped3A : memref<!tpu.dma_semaphore, #tpu.memory_space<semaphore_mem>>) src(%dma_wait3A_172 : memref<80x128xf32, #tpu.memory_space<vmem_shared>>) dst(%dma_wait3A_170 : memref<80x128xf32, #tpu.memory_space<hbm>>)
          tpu.yield
        }) : () -> ()
      } else {
      }
    }
    %scan3A_154 = arith.constant 8 : i32
    return
  }
}

#map = affine_map<(d0, d1) -> (0, 0)>
#map1 = affine_map<(d0, d1) -> (0)>
#map2 = affine_map<(d0, d1) -> (0, 0, 0)>
module attributes {stable_mosaic.version = 14 : i64} {
  func.func @body(%arg0: i32, %arg1: i32, %arg2: memref<10000x128xf32, #tpu.memory_space<hbm>>, %arg3: memref<320000xi32, #tpu.memory_space<hbm>>, %arg4: memref<320000x128xf32, #tpu.memory_space<hbm>>, %arg5: memref<2x10000x128xf32, #tpu.memory_space<hbm>>, %arg6: memref<80xi32, #tpu.memory_space<vmem>>, %arg7: memref<80xi32, #tpu.memory_space<vmem>>, %arg8: memref<80xi32, #tpu.memory_space<vmem>>, %arg9: memref<80xi32, #tpu.memory_space<vmem>>, %arg10: memref<80x128xf32, #tpu.memory_space<vmem>>, %arg11: memref<80x128xf32, #tpu.memory_space<vmem>>, %arg12: memref<80x128xf32, #tpu.memory_space<vmem>>, %arg13: memref<80x128xf32, #tpu.memory_space<vmem>>, %arg14: memref<10000x128xf32, #tpu.memory_space<vmem_shared>>, %arg15: memref<!tpu.dma_semaphore, #tpu.memory_space<semaphore_mem>>, %arg16: memref<!tpu.dma_semaphore, #tpu.memory_space<semaphore_mem>>, %arg17: memref<!tpu.dma_semaphore, #tpu.memory_space<semaphore_mem>>, %arg18: memref<!tpu.dma_semaphore, #tpu.memory_space<semaphore_mem>>, %arg19: memref<!tpu.dma_semaphore, #tpu.memory_space<semaphore_mem>>, %arg20: memref<!tpu.dma_semaphore, #tpu.memory_space<semaphore_mem>>, %arg21: memref<!tpu.dma_semaphore, #tpu.memory_space<semaphore_mem>>, %arg22: memref<!tpu.dma_semaphore, #tpu.memory_space<semaphore_mem>>) attributes {dimension_semantics = [#tpu.dimension_semantics<core_parallel>, #tpu.dimension_semantics<subcore_parallel>], iteration_bounds = array<i64: 2, 16>, scalar_prefetch = 0 : i64, scratch_operands = 17 : i64, tpu.core_type = #tpu.core_type<sc_vector_subcore>, window_params = [{transform_indices = #map}, {transform_indices = #map1}, {transform_indices = #map}, {transform_indices = #map2}]} {
    %mul3A = arith.constant 16 : i32
    %mul3A_0 = arith.muli %arg0, %mul3A : i32
    %add3A = arith.addi %mul3A_0, %arg1 : i32
    %scan3A = arith.constant 0 : i32
    %scan3A_1 = arith.constant 0 : i32
    %scan3A_2 = arith.constant 80 : i32
    %scan3A_3 = arith.addi %scan3A_1, %scan3A_2 : i32
    %scan3A_4 = arith.constant 1 : i32
    scf.for %scan3A_155 = %scan3A_1 to %scan3A_3 step %scan3A_4  : i32 {
      %broadcast_in_dim3A = arith.constant 0.000000e+00 : f32
      %broadcast_in_dim3A_156 = vector.broadcast %broadcast_in_dim3A : f32 to vector<16xf32>
      %swap3A_157 = arith.index_cast %scan3A_155 : i32 to index
      %swap3A_158 = arith.constant 0 : index
      %swap3A_159 = tpu.vector_load %arg10[%swap3A_157, %swap3A_158] {strides = array<i32>} : memref<80x128xf32, #tpu.memory_space<vmem>>, vector<1x16xf32>,
      %swap3A_160 = vector.shape_cast %swap3A_159 : vector<1x16xf32> to vector<16xf32>
      %swap3A_161 = vector.shape_cast %broadcast_in_dim3A_156 : vector<16xf32> to vector<1x16xf32>
      tpu.vector_store %arg10[%swap3A_157, %swap3A_158], %swap3A_161 {strides = array<i32>} : memref<80x128xf32, #tpu.memory_space<vmem>>, vector<1x16xf32>,
      %broadcast_in_dim3A_162 = arith.constant 0.000000e+00 : f32
      %broadcast_in_dim3A_163 = vector.broadcast %broadcast_in_dim3A_162 : f32 to vector<16xf32>
      %swap3A_164 = arith.index_cast %scan3A_155 : i32 to index
      %swap3A_165 = arith.constant 16 : index
      %swap3A_166 = tpu.vector_load %arg10[%swap3A_164, %swap3A_165] {strides = array<i32>} : memref<80x128xf32, #tpu.memory_space<vmem>>, vector<1x16xf32>,
      %swap3A_167 = vector.shape_cast %swap3A_166 : vector<1x16xf32> to vector<16xf32>
      %swap3A_168 = vector.shape_cast %broadcast_in_dim3A_163 : vector<16xf32> to vector<1x16xf32>
      tpu.vector_store %arg10[%swap3A_164, %swap3A_165], %swap3A_168 {strides = array<i32>} : memref<80x128xf32, #tpu.memory_space<vmem>>, vector<1x16xf32>,
      %broadcast_in_dim3A_169 = arith.constant 0.000000e+00 : f32
      %broadcast_in_dim3A_170 = vector.broadcast %broadcast_in_dim3A_169 : f32 to vector<16xf32>
      %swap3A_171 = arith.index_cast %scan3A_155 : i32 to index
      %swap3A_172 = arith.constant 32 : index
      %swap3A_173 = tpu.vector_load %arg10[%swap3A_171, %swap3A_172] {strides = array<i32>} : memref<80x128xf32, #tpu.memory_space<vmem>>, vector<1x16xf32>,
      %swap3A_174 = vector.shape_cast %swap3A_173 : vector<1x16xf32> to vector<16xf32>
      %swap3A_175 = vector.shape_cast %broadcast_in_dim3A_170 : vector<16xf32> to vector<1x16xf32>
      tpu.vector_store %arg10[%swap3A_171, %swap3A_172], %swap3A_175 {strides = array<i32>} : memref<80x128xf32, #tpu.memory_space<vmem>>, vector<1x16xf32>,
      %broadcast_in_dim3A_176 = arith.constant 0.000000e+00 : f32
      %broadcast_in_dim3A_177 = vector.broadcast %broadcast_in_dim3A_176 : f32 to vector<16xf32>
      %swap3A_178 = arith.index_cast %scan3A_155 : i32 to index
      %swap3A_179 = arith.constant 48 : index
      %swap3A_180 = tpu.vector_load %arg10[%swap3A_178, %swap3A_179] {strides = array<i32>} : memref<80x128xf32, #tpu.memory_space<vmem>>, vector<1x16xf32>,
      %swap3A_181 = vector.shape_cast %swap3A_180 : vector<1x16xf32> to vector<16xf32>
      %swap3A_182 = vector.shape_cast %broadcast_in_dim3A_177 : vector<16xf32> to vector<1x16xf32>
      tpu.vector_store %arg10[%swap3A_178, %swap3A_179], %swap3A_182 {strides = array<i32>} : memref<80x128xf32, #tpu.memory_space<vmem>>, vector<1x16xf32>,
      %broadcast_in_dim3A_183 = arith.constant 0.000000e+00 : f32
      %broadcast_in_dim3A_184 = vector.broadcast %broadcast_in_dim3A_183 : f32 to vector<16xf32>
      %swap3A_185 = arith.index_cast %scan3A_155 : i32 to index
      %swap3A_186 = arith.constant 64 : index
      %swap3A_187 = tpu.vector_load %arg10[%swap3A_185, %swap3A_186] {strides = array<i32>} : memref<80x128xf32, #tpu.memory_space<vmem>>, vector<1x16xf32>,
      %swap3A_188 = vector.shape_cast %swap3A_187 : vector<1x16xf32> to vector<16xf32>
      %swap3A_189 = vector.shape_cast %broadcast_in_dim3A_184 : vector<16xf32> to vector<1x16xf32>
      tpu.vector_store %arg10[%swap3A_185, %swap3A_186], %swap3A_189 {strides = array<i32>} : memref<80x128xf32, #tpu.memory_space<vmem>>, vector<1x16xf32>,
      %broadcast_in_dim3A_190 = arith.constant 0.000000e+00 : f32
      %broadcast_in_dim3A_191 = vector.broadcast %broadcast_in_dim3A_190 : f32 to vector<16xf32>
      %swap3A_192 = arith.index_cast %scan3A_155 : i32 to index
      %swap3A_193 = arith.constant 80 : index
      %swap3A_194 = tpu.vector_load %arg10[%swap3A_192, %swap3A_193] {strides = array<i32>} : memref<80x128xf32, #tpu.memory_space<vmem>>, vector<1x16xf32>,
      %swap3A_195 = vector.shape_cast %swap3A_194 : vector<1x16xf32> to vector<16xf32>
      %swap3A_196 = vector.shape_cast %broadcast_in_dim3A_191 : vector<16xf32> to vector<1x16xf32>
      tpu.vector_store %arg10[%swap3A_192, %swap3A_193], %swap3A_196 {strides = array<i32>} : memref<80x128xf32, #tpu.memory_space<vmem>>, vector<1x16xf32>,
      %broadcast_in_dim3A_197 = arith.constant 0.000000e+00 : f32
      %broadcast_in_dim3A_198 = vector.broadcast %broadcast_in_dim3A_197 : f32 to vector<16xf32>
      %swap3A_199 = arith.index_cast %scan3A_155 : i32 to index
      %swap3A_200 = arith.constant 96 : index
      %swap3A_201 = tpu.vector_load %arg10[%swap3A_199, %swap3A_200] {strides = array<i32>} : memref<80x128xf32, #tpu.memory_space<vmem>>, vector<1x16xf32>,
      %swap3A_202 = vector.shape_cast %swap3A_201 : vector<1x16xf32> to vector<16xf32>
      %swap3A_203 = vector.shape_cast %broadcast_in_dim3A_198 : vector<16xf32> to vector<1x16xf32>
      tpu.vector_store %arg10[%swap3A_199, %swap3A_200], %swap3A_203 {strides = array<i32>} : memref<80x128xf32, #tpu.memory_space<vmem>>, vector<1x16xf32>,
      %broadcast_in_dim3A_204 = arith.constant 0.000000e+00 : f32
      %broadcast_in_dim3A_205 = vector.broadcast %broadcast_in_dim3A_204 : f32 to vector<16xf32>
      %swap3A_206 = arith.index_cast %scan3A_155 : i32 to index
      %swap3A_207 = arith.constant 112 : index
      %swap3A_208 = tpu.vector_load %arg10[%swap3A_206, %swap3A_207] {strides = array<i32>} : memref<80x128xf32, #tpu.memory_space<vmem>>, vector<1x16xf32>,
      %swap3A_209 = vector.shape_cast %swap3A_208 : vector<1x16xf32> to vector<16xf32>
      %swap3A_210 = vector.shape_cast %broadcast_in_dim3A_205 : vector<16xf32> to vector<1x16xf32>
      tpu.vector_store %arg10[%swap3A_206, %swap3A_207], %swap3A_210 {strides = array<i32>} : memref<80x128xf32, #tpu.memory_space<vmem>>, vector<1x16xf32>,
    }
    %scan3A_5 = arith.constant 80 : i32
    %scan3A_6 = arith.constant 0 : i32
    %scan3A_7 = arith.constant 0 : i32
    %scan3A_8 = arith.constant 8 : i32
    %scan3A_9 = arith.addi %scan3A_7, %scan3A_8 : i32
    %scan3A_10 = arith.constant 1 : i32
    scf.for %scan3A_155 = %scan3A_7 to %scan3A_9 step %scan3A_10  : i32 {
      %mul3A_156 = arith.constant 16 : i32
      %mul3A_157 = arith.muli %mul3A_156, %scan3A_155 : i32
      %add3A_158 = arith.addi %arg1, %mul3A_157 : i32
      %lt3A = arith.constant 125 : i32
      %lt3A_159 = arith.cmpi slt, %add3A_158, %lt3A : i32
      %convert_element_type3A = arith.extui %lt3A_159 : i1 to i32
      %cond3A = arith.constant 0 : i32
      %cond3A_160 = arith.cmpi ne, %convert_element_type3A, %cond3A : i32
      scf.if %cond3A_160 {
        %mul3A_161 = arith.constant 80 : i32
        %mul3A_162 = arith.muli %add3A_158, %mul3A_161 : i32
        "tpu.region"() ({
          %run_scoped3A = tpu.sem_alloc : memref<!tpu.dma_semaphore, #tpu.memory_space<semaphore_mem>>
          %dma_start3A_163 = arith.constant 0 : i32
          %dma_start3A_164 = tpu.memref_slice %arg14[%mul3A_162, %dma_start3A_163] : memref<10000x128xf32, #tpu.memory_space<vmem_shared>> -> memref<80x128xf32, #tpu.memory_space<vmem_shared>>
          %dma_start3A_165 = arith.constant 0 : i32
          %dma_start3A_166 = tpu.memref_slice %arg14[%mul3A_162, %dma_start3A_165] : memref<10000x128xf32, #tpu.memory_space<vmem_shared>> -> memref<80x128xf32, #tpu.memory_space<vmem_shared>>
          tpu.enqueue_dma source(%arg10 : memref<80x128xf32, #tpu.memory_space<vmem>>) target(%dma_start3A_166 : memref<80x128xf32, #tpu.memory_space<vmem_shared>>) target_semaphore(%run_scoped3A : memref<!tpu.dma_semaphore, #tpu.memory_space<semaphore_mem>>)
          %dma_wait3A_167 = arith.constant 0 : i32
          %dma_wait3A_168 = tpu.memref_slice %arg14[%mul3A_162, %dma_wait3A_167] : memref<10000x128xf32, #tpu.memory_space<vmem_shared>> -> memref<80x128xf32, #tpu.memory_space<vmem_shared>>
          %dma_wait3A_169 = arith.constant 0 : i32
          %dma_wait3A_170 = tpu.memref_slice %arg14[%mul3A_162, %dma_wait3A_169] : memref<10000x128xf32, #tpu.memory_space<vmem_shared>> -> memref<80x128xf32, #tpu.memory_space<vmem_shared>>
          tpu.wait_dma2 semaphore(%run_scoped3A : memref<!tpu.dma_semaphore, #tpu.memory_space<semaphore_mem>>) src(%arg10 : memref<80x128xf32, #tpu.memory_space<vmem>>) dst(%dma_wait3A_170 : memref<80x128xf32, #tpu.memory_space<vmem_shared>>)
          tpu.yield
        }) : () -> ()
      } else {
      }
    }
    %scan3A_11 = arith.constant 8 : i32
    %barrier3A = arith.constant 0 : index
    tpu.barrier barrier_id(%barrier3A)
    %mul3A_12 = arith.constant 10000 : i32
    %mul3A_13 = arith.muli %add3A, %mul3A_12 : i32
    %add3A_14 = arith.constant 0 : i32
    %add3A_15 = arith.addi %mul3A_13, %add3A_14 : i32
    %dma_start3A = tpu.memref_slice %arg3[%add3A_15] : memref<320000xi32, #tpu.memory_space<hbm>> -> memref<80xi32, #tpu.memory_space<hbm>>
    %dma_start3A_16 = tpu.memref_slice %arg3[%add3A_15] : memref<320000xi32, #tpu.memory_space<hbm>> -> memref<80xi32, #tpu.memory_space<hbm>>
    tpu.enqueue_dma source(%dma_start3A_16 : memref<80xi32, #tpu.memory_space<hbm>>) target(%arg6 : memref<80xi32, #tpu.memory_space<vmem>>) target_semaphore(%arg15 : memref<!tpu.dma_semaphore, #tpu.memory_space<semaphore_mem>>)
    %mul3A_17 = arith.constant 10000 : i32
    %mul3A_18 = arith.muli %add3A, %mul3A_17 : i32
    %add3A_19 = arith.constant 0 : i32
    %add3A_20 = arith.addi %mul3A_18, %add3A_19 : i32
    %dma_wait3A = tpu.memref_slice %arg3[%add3A_20] : memref<320000xi32, #tpu.memory_space<hbm>> -> memref<80xi32, #tpu.memory_space<hbm>>
    %dma_wait3A_21 = tpu.memref_slice %arg3[%add3A_20] : memref<320000xi32, #tpu.memory_space<hbm>> -> memref<80xi32, #tpu.memory_space<hbm>>
    tpu.wait_dma2 semaphore(%arg15 : memref<!tpu.dma_semaphore, #tpu.memory_space<semaphore_mem>>) src(%dma_wait3A_21 : memref<80xi32, #tpu.memory_space<hbm>>) dst(%arg6 : memref<80xi32, #tpu.memory_space<vmem>>)
    %get3A = arith.constant 0 : index
    %get3A_22 = tpu.vector_load %arg6[%get3A] {strides = array<i32>} : memref<80xi32, #tpu.memory_space<vmem>>, vector<16xi32>,
    %get3A_23 = vector.shape_cast %get3A_22 : vector<16xi32> to vector<16xi32>
    %and3A = arith.constant 16383 : i32
    %and3A_24 = vector.broadcast %and3A : i32 to vector<16xi32>
    %and3A_25 = arith.andi %get3A_23, %and3A_24 : vector<16xi32>
    %swap3A = arith.constant 0 : index
    %swap3A_26 = tpu.vector_load %arg8[%swap3A] {strides = array<i32>} : memref<80xi32, #tpu.memory_space<vmem>>, vector<16xi32>,
    %swap3A_27 = vector.shape_cast %swap3A_26 : vector<16xi32> to vector<16xi32>
    %swap3A_28 = vector.shape_cast %and3A_25 : vector<16xi32> to vector<16xi32>
    tpu.vector_store %arg8[%swap3A], %swap3A_28 {strides = array<i32>} : memref<80xi32, #tpu.memory_space<vmem>>, vector<16xi32>,
    %shift_right_logical3A = arith.constant 14 : i32
    %shift_right_logical3A_29 = vector.broadcast %shift_right_logical3A : i32 to vector<16xi32>
    %shift_right_logical3A_30 = arith.shrui %get3A_23, %shift_right_logical3A_29 : vector<16xi32>
    %swap3A_31 = arith.constant 0 : index
    %swap3A_32 = tpu.vector_load %arg6[%swap3A_31] {strides = array<i32>} : memref<80xi32, #tpu.memory_space<vmem>>, vector<16xi32>,
    %swap3A_33 = vector.shape_cast %swap3A_32 : vector<16xi32> to vector<16xi32>
    %swap3A_34 = vector.shape_cast %shift_right_logical3A_30 : vector<16xi32> to vector<16xi32>
    tpu.vector_store %arg6[%swap3A_31], %swap3A_34 {strides = array<i32>} : memref<80xi32, #tpu.memory_space<vmem>>, vector<16xi32>,
    %get3A_35 = arith.constant 16 : index
    %get3A_36 = tpu.vector_load %arg6[%get3A_35] {strides = array<i32>} : memref<80xi32, #tpu.memory_space<vmem>>, vector<16xi32>,
    %get3A_37 = vector.shape_cast %get3A_36 : vector<16xi32> to vector<16xi32>
    %and3A_38 = arith.constant 16383 : i32
    %and3A_39 = vector.broadcast %and3A_38 : i32 to vector<16xi32>
    %and3A_40 = arith.andi %get3A_37, %and3A_39 : vector<16xi32>
    %swap3A_41 = arith.constant 16 : index
    %swap3A_42 = tpu.vector_load %arg8[%swap3A_41] {strides = array<i32>} : memref<80xi32, #tpu.memory_space<vmem>>, vector<16xi32>,
    %swap3A_43 = vector.shape_cast %swap3A_42 : vector<16xi32> to vector<16xi32>
    %swap3A_44 = vector.shape_cast %and3A_40 : vector<16xi32> to vector<16xi32>
    tpu.vector_store %arg8[%swap3A_41], %swap3A_44 {strides = array<i32>} : memref<80xi32, #tpu.memory_space<vmem>>, vector<16xi32>,
    %shift_right_logical3A_45 = arith.constant 14 : i32
    %shift_right_logical3A_46 = vector.broadcast %shift_right_logical3A_45 : i32 to vector<16xi32>
    %shift_right_logical3A_47 = arith.shrui %get3A_37, %shift_right_logical3A_46 : vector<16xi32>
    %swap3A_48 = arith.constant 16 : index
    %swap3A_49 = tpu.vector_load %arg6[%swap3A_48] {strides = array<i32>} : memref<80xi32, #tpu.memory_space<vmem>>, vector<16xi32>,
    %swap3A_50 = vector.shape_cast %swap3A_49 : vector<16xi32> to vector<16xi32>
    %swap3A_51 = vector.shape_cast %shift_right_logical3A_47 : vector<16xi32> to vector<16xi32>
    tpu.vector_store %arg6[%swap3A_48], %swap3A_51 {strides = array<i32>} : memref<80xi32, #tpu.memory_space<vmem>>, vector<16xi32>,
    %get3A_52 = arith.constant 32 : index
    %get3A_53 = tpu.vector_load %arg6[%get3A_52] {strides = array<i32>} : memref<80xi32, #tpu.memory_space<vmem>>, vector<16xi32>,
    %get3A_54 = vector.shape_cast %get3A_53 : vector<16xi32> to vector<16xi32>
    %and3A_55 = arith.constant 16383 : i32
    %and3A_56 = vector.broadcast %and3A_55 : i32 to vector<16xi32>
    %and3A_57 = arith.andi %get3A_54, %and3A_56 : vector<16xi32>
    %swap3A_58 = arith.constant 32 : index
    %swap3A_59 = tpu.vector_load %arg8[%swap3A_58] {strides = array<i32>} : memref<80xi32, #tpu.memory_space<vmem>>, vector<16xi32>,
    %swap3A_60 = vector.shape_cast %swap3A_59 : vector<16xi32> to vector<16xi32>
    %swap3A_61 = vector.shape_cast %and3A_57 : vector<16xi32> to vector<16xi32>
    tpu.vector_store %arg8[%swap3A_58], %swap3A_61 {strides = array<i32>} : memref<80xi32, #tpu.memory_space<vmem>>, vector<16xi32>,
    %shift_right_logical3A_62 = arith.constant 14 : i32
    %shift_right_logical3A_63 = vector.broadcast %shift_right_logical3A_62 : i32 to vector<16xi32>
    %shift_right_logical3A_64 = arith.shrui %get3A_54, %shift_right_logical3A_63 : vector<16xi32>
    %swap3A_65 = arith.constant 32 : index
    %swap3A_66 = tpu.vector_load %arg6[%swap3A_65] {strides = array<i32>} : memref<80xi32, #tpu.memory_space<vmem>>, vector<16xi32>,
    %swap3A_67 = vector.shape_cast %swap3A_66 : vector<16xi32> to vector<16xi32>
    %swap3A_68 = vector.shape_cast %shift_right_logical3A_64 : vector<16xi32> to vector<16xi32>
    tpu.vector_store %arg6[%swap3A_65], %swap3A_68 {strides = array<i32>} : memref<80xi32, #tpu.memory_space<vmem>>, vector<16xi32>,
    %get3A_69 = arith.constant 48 : index
    %get3A_70 = tpu.vector_load %arg6[%get3A_69] {strides = array<i32>} : memref<80xi32, #tpu.memory_space<vmem>>, vector<16xi32>,
    %get3A_71 = vector.shape_cast %get3A_70 : vector<16xi32> to vector<16xi32>
    %and3A_72 = arith.constant 16383 : i32
    %and3A_73 = vector.broadcast %and3A_72 : i32 to vector<16xi32>
    %and3A_74 = arith.andi %get3A_71, %and3A_73 : vector<16xi32>
    %swap3A_75 = arith.constant 48 : index
    %swap3A_76 = tpu.vector_load %arg8[%swap3A_75] {strides = array<i32>} : memref<80xi32, #tpu.memory_space<vmem>>, vector<16xi32>,
    %swap3A_77 = vector.shape_cast %swap3A_76 : vector<16xi32> to vector<16xi32>
    %swap3A_78 = vector.shape_cast %and3A_74 : vector<16xi32> to vector<16xi32>
    tpu.vector_store %arg8[%swap3A_75], %swap3A_78 {strides = array<i32>} : memref<80xi32, #tpu.memory_space<vmem>>, vector<16xi32>,
    %shift_right_logical3A_79 = arith.constant 14 : i32
    %shift_right_logical3A_80 = vector.broadcast %shift_right_logical3A_79 : i32 to vector<16xi32>
    %shift_right_logical3A_81 = arith.shrui %get3A_71, %shift_right_logical3A_80 : vector<16xi32>
    %swap3A_82 = arith.constant 48 : index
    %swap3A_83 = tpu.vector_load %arg6[%swap3A_82] {strides = array<i32>} : memref<80xi32, #tpu.memory_space<vmem>>, vector<16xi32>,
    %swap3A_84 = vector.shape_cast %swap3A_83 : vector<16xi32> to vector<16xi32>
    %swap3A_85 = vector.shape_cast %shift_right_logical3A_81 : vector<16xi32> to vector<16xi32>
    tpu.vector_store %arg6[%swap3A_82], %swap3A_85 {strides = array<i32>} : memref<80xi32, #tpu.memory_space<vmem>>, vector<16xi32>,
    %get3A_86 = arith.constant 64 : index
    %get3A_87 = tpu.vector_load %arg6[%get3A_86] {strides = array<i32>} : memref<80xi32, #tpu.memory_space<vmem>>, vector<16xi32>,
    %get3A_88 = vector.shape_cast %get3A_87 : vector<16xi32> to vector<16xi32>
    %and3A_89 = arith.constant 16383 : i32
    %and3A_90 = vector.broadcast %and3A_89 : i32 to vector<16xi32>
    %and3A_91 = arith.andi %get3A_88, %and3A_90 : vector<16xi32>
    %swap3A_92 = arith.constant 64 : index
    %swap3A_93 = tpu.vector_load %arg8[%swap3A_92] {strides = array<i32>} : memref<80xi32, #tpu.memory_space<vmem>>, vector<16xi32>,
    %swap3A_94 = vector.shape_cast %swap3A_93 : vector<16xi32> to vector<16xi32>
    %swap3A_95 = vector.shape_cast %and3A_91 : vector<16xi32> to vector<16xi32>
    tpu.vector_store %arg8[%swap3A_92], %swap3A_95 {strides = array<i32>} : memref<80xi32, #tpu.memory_space<vmem>>, vector<16xi32>,
    %shift_right_logical3A_96 = arith.constant 14 : i32
    %shift_right_logical3A_97 = vector.broadcast %shift_right_logical3A_96 : i32 to vector<16xi32>
    %shift_right_logical3A_98 = arith.shrui %get3A_88, %shift_right_logical3A_97 : vector<16xi32>
    %swap3A_99 = arith.constant 64 : index
    %swap3A_100 = tpu.vector_load %arg6[%swap3A_99] {strides = array<i32>} : memref<80xi32, #tpu.memory_space<vmem>>, vector<16xi32>,
    %swap3A_101 = vector.shape_cast %swap3A_100 : vector<16xi32> to vector<16xi32>
    %swap3A_102 = vector.shape_cast %shift_right_logical3A_98 : vector<16xi32> to vector<16xi32>
    tpu.vector_store %arg6[%swap3A_99], %swap3A_102 {strides = array<i32>} : memref<80xi32, #tpu.memory_space<vmem>>, vector<16xi32>,
    %dma_start3A_103 = arith.constant 0 : i32
    %dma_start3A_104 = arith.constant 0 : i32
    %dma_start3A_105 = tpu.memref_slice %arg2[%dma_start3A_103, %dma_start3A_104] : memref<10000x128xf32, #tpu.memory_space<hbm>> -> memref<10000x128xf32, #tpu.memory_space<hbm>>
    tpu.enqueue_indirect_dma source(%dma_start3A_105 : memref<10000x128xf32, #tpu.memory_space<hbm>>) target(%arg10 : memref<80x128xf32, #tpu.memory_space<vmem>>) offsets(%arg6 : memref<80xi32, #tpu.memory_space<vmem>>) semaphore(%arg17 : memref<!tpu.dma_semaphore, #tpu.memory_space<semaphore_mem>>)
    %mul3A_106 = arith.constant 10000 : i32
    %mul3A_107 = arith.muli %add3A, %mul3A_106 : i32
    %add3A_108 = arith.constant 0 : i32
    %add3A_109 = arith.addi %mul3A_107, %add3A_108 : i32
    %dma_start3A_110 = arith.constant 0 : i32
    %dma_start3A_111 = tpu.memref_slice %arg4[%add3A_109, %dma_start3A_110] : memref<320000x128xf32, #tpu.memory_space<hbm>> -> memref<80x128xf32, #tpu.memory_space<hbm>>
    %dma_start3A_112 = arith.constant 0 : i32
    %dma_start3A_113 = tpu.memref_slice %arg4[%add3A_109, %dma_start3A_112] : memref<320000x128xf32, #tpu.memory_space<hbm>> -> memref<80x128xf32, #tpu.memory_space<hbm>>
    tpu.enqueue_dma source(%dma_start3A_113 : memref<80x128xf32, #tpu.memory_space<hbm>>) target(%arg12 : memref<80x128xf32, #tpu.memory_space<vmem>>) target_semaphore(%arg19 : memref<!tpu.dma_semaphore, #tpu.memory_space<semaphore_mem>>)
    %mul3A_114 = arith.constant 10000 : i32
    %mul3A_115 = arith.muli %add3A, %mul3A_114 : i32
    %add3A_116 = arith.constant 80 : i32
    %add3A_117 = arith.addi %mul3A_115, %add3A_116 : i32
    %dma_start3A_118 = tpu.memref_slice %arg3[%add3A_117] : memref<320000xi32, #tpu.memory_space<hbm>> -> memref<80xi32, #tpu.memory_space<hbm>>
    %dma_start3A_119 = tpu.memref_slice %arg3[%add3A_117] : memref<320000xi32, #tpu.memory_space<hbm>> -> memref<80xi32, #tpu.memory_space<hbm>>
    tpu.enqueue_dma source(%dma_start3A_119 : memref<80xi32, #tpu.memory_space<hbm>>) target(%arg7 : memref<80xi32, #tpu.memory_space<vmem>>) target_semaphore(%arg16 : memref<!tpu.dma_semaphore, #tpu.memory_space<semaphore_mem>>)
    %scan3A_120 = arith.constant 0 : i32
    %scan3A_121 = arith.constant 0 : i32
    %scan3A_122 = arith.constant 62 : i32
    %scan3A_123 = arith.addi %scan3A_121, %scan3A_122 : i32
    %scan3A_124 = arith.constant 1 : i32
    scf.for %scan3A_155 = %scan3A_121 to %scan3A_123 step %scan3A_124  : i32 {
      %mul3A_156 = arith.constant 2 : i32
      %mul3A_157 = arith.muli %mul3A_156, %scan3A_155 : i32
      %dma_wait3A_158 = arith.constant 0 : i32
      %dma_wait3A_159 = arith.constant 0 : i32
      %dma_wait3A_160 = tpu.memref_slice %arg2[%dma_wait3A_158, %dma_wait3A_159] : memref<10000x128xf32, #tpu.memory_space<hbm>> -> memref<10000x128xf32, #tpu.memory_space<hbm>>
      tpu.wait_indirect_dma semaphore(%arg17 : memref<!tpu.dma_semaphore, #tpu.memory_space<semaphore_mem>>) src(%dma_wait3A_160 : memref<10000x128xf32, #tpu.memory_space<hbm>>) dst(%arg10 : memref<80x128xf32, #tpu.memory_space<vmem>>)
      %mul3A_161 = arith.constant 10000 : i32
      %mul3A_162 = arith.muli %add3A, %mul3A_161 : i32
      %mul3A_163 = arith.constant 80 : i32
      %mul3A_164 = arith.muli %mul3A_157, %mul3A_163 : i32
      %add3A_165 = arith.addi %mul3A_162, %mul3A_164 : i32
      %dma_wait3A_166 = arith.constant 0 : i32
      %dma_wait3A_167 = tpu.memref_slice %arg4[%add3A_165, %dma_wait3A_166] : memref<320000x128xf32, #tpu.memory_space<hbm>> -> memref<80x128xf32, #tpu.memory_space<hbm>>
      %dma_wait3A_168 = arith.constant 0 : i32
      %dma_wait3A_169 = tpu.memref_slice %arg4[%add3A_165, %dma_wait3A_168] : memref<320000x128xf32, #tpu.memory_space<hbm>> -> memref<80x128xf32, #tpu.memory_space<hbm>>
      tpu.wait_dma2 semaphore(%arg19 : memref<!tpu.dma_semaphore, #tpu.memory_space<semaphore_mem>>) src(%dma_wait3A_169 : memref<80x128xf32, #tpu.memory_space<hbm>>) dst(%arg12 : memref<80x128xf32, #tpu.memory_space<vmem>>)
      %ge3A = arith.constant 1 : i32
      %ge3A_170 = arith.cmpi sge, %mul3A_157, %ge3A : i32
      %convert_element_type3A = arith.extui %ge3A_170 : i1 to i32
      %cond3A = arith.constant 0 : i32
      %cond3A_171 = arith.cmpi ne, %convert_element_type3A, %cond3A : i32
      scf.if %cond3A_171 {
        %dma_wait3A_232 = arith.constant 0 : i32
        %dma_wait3A_233 = arith.constant 0 : i32
        %dma_wait3A_234 = tpu.memref_slice %arg14[%dma_wait3A_232, %dma_wait3A_233] : memref<10000x128xf32, #tpu.memory_space<vmem_shared>> -> memref<10000x128xf32, #tpu.memory_space<vmem_shared>>
        tpu.wait_indirect_dma semaphore(%arg22 : memref<!tpu.dma_semaphore, #tpu.memory_space<semaphore_mem>>) src(%arg11 : memref<80x128xf32, #tpu.memory_space<vmem>>) dst(%dma_wait3A_234 : memref<10000x128xf32, #tpu.memory_space<vmem_shared>>)
      } else {
      }
      %add3A_172 = arith.constant 1 : i32
      %add3A_173 = arith.addi %mul3A_157, %add3A_172 : i32
      %lt3A = arith.constant 125 : i32
      %lt3A_174 = arith.cmpi slt, %add3A_173, %lt3A : i32
      %convert_element_type3A_175 = arith.extui %lt3A_174 : i1 to i32
      %cond3A_176 = arith.constant 0 : i32
      %cond3A_177 = arith.cmpi ne, %convert_element_type3A_175, %cond3A_176 : i32
      scf.if %cond3A_177 {
        %add3A_232 = arith.constant 1 : i32
        %add3A_233 = arith.addi %mul3A_157, %add3A_232 : i32
        %mul3A_234 = arith.constant 10000 : i32
        %mul3A_235 = arith.muli %add3A, %mul3A_234 : i32
        %mul3A_236 = arith.constant 80 : i32
        %mul3A_237 = arith.muli %add3A_233, %mul3A_236 : i32
        %add3A_238 = arith.addi %mul3A_235, %mul3A_237 : i32
        %dma_wait3A_239 = tpu.memref_slice %arg3[%add3A_238] : memref<320000xi32, #tpu.memory_space<hbm>> -> memref<80xi32, #tpu.memory_space<hbm>>
        %dma_wait3A_240 = tpu.memref_slice %arg3[%add3A_238] : memref<320000xi32, #tpu.memory_space<hbm>> -> memref<80xi32, #tpu.memory_space<hbm>>
        tpu.wait_dma2 semaphore(%arg16 : memref<!tpu.dma_semaphore, #tpu.memory_space<semaphore_mem>>) src(%dma_wait3A_240 : memref<80xi32, #tpu.memory_space<hbm>>) dst(%arg7 : memref<80xi32, #tpu.memory_space<vmem>>)
        %get3A_241 = arith.constant 0 : index
        %get3A_242 = tpu.vector_load %arg7[%get3A_241] {strides = array<i32>} : memref<80xi32, #tpu.memory_space<vmem>>, vector<16xi32>,
        %get3A_243 = vector.shape_cast %get3A_242 : vector<16xi32> to vector<16xi32>
        %and3A_244 = arith.constant 16383 : i32
        %and3A_245 = vector.broadcast %and3A_244 : i32 to vector<16xi32>
        %and3A_246 = arith.andi %get3A_243, %and3A_245 : vector<16xi32>
        %swap3A_247 = arith.constant 0 : index
        %swap3A_248 = tpu.vector_load %arg9[%swap3A_247] {strides = array<i32>} : memref<80xi32, #tpu.memory_space<vmem>>, vector<16xi32>,
        %swap3A_249 = vector.shape_cast %swap3A_248 : vector<16xi32> to vector<16xi32>
        %swap3A_250 = vector.shape_cast %and3A_246 : vector<16xi32> to vector<16xi32>
        tpu.vector_store %arg9[%swap3A_247], %swap3A_250 {strides = array<i32>} : memref<80xi32, #tpu.memory_space<vmem>>, vector<16xi32>,
        %shift_right_logical3A_251 = arith.constant 14 : i32
        %shift_right_logical3A_252 = vector.broadcast %shift_right_logical3A_251 : i32 to vector<16xi32>
        %shift_right_logical3A_253 = arith.shrui %get3A_243, %shift_right_logical3A_252 : vector<16xi32>
        %swap3A_254 = arith.constant 0 : index
        %swap3A_255 = tpu.vector_load %arg7[%swap3A_254] {strides = array<i32>} : memref<80xi32, #tpu.memory_space<vmem>>, vector<16xi32>,
        %swap3A_256 = vector.shape_cast %swap3A_255 : vector<16xi32> to vector<16xi32>
        %swap3A_257 = vector.shape_cast %shift_right_logical3A_253 : vector<16xi32> to vector<16xi32>
        tpu.vector_store %arg7[%swap3A_254], %swap3A_257 {strides = array<i32>} : memref<80xi32, #tpu.memory_space<vmem>>, vector<16xi32>,
        %get3A_258 = arith.constant 16 : index
        %get3A_259 = tpu.vector_load %arg7[%get3A_258] {strides = array<i32>} : memref<80xi32, #tpu.memory_space<vmem>>, vector<16xi32>,
        %get3A_260 = vector.shape_cast %get3A_259 : vector<16xi32> to vector<16xi32>
        %and3A_261 = arith.constant 16383 : i32
        %and3A_262 = vector.broadcast %and3A_261 : i32 to vector<16xi32>
        %and3A_263 = arith.andi %get3A_260, %and3A_262 : vector<16xi32>
        %swap3A_264 = arith.constant 16 : index
        %swap3A_265 = tpu.vector_load %arg9[%swap3A_264] {strides = array<i32>} : memref<80xi32, #tpu.memory_space<vmem>>, vector<16xi32>,
        %swap3A_266 = vector.shape_cast %swap3A_265 : vector<16xi32> to vector<16xi32>
        %swap3A_267 = vector.shape_cast %and3A_263 : vector<16xi32> to vector<16xi32>
        tpu.vector_store %arg9[%swap3A_264], %swap3A_267 {strides = array<i32>} : memref<80xi32, #tpu.memory_space<vmem>>, vector<16xi32>,
        %shift_right_logical3A_268 = arith.constant 14 : i32
        %shift_right_logical3A_269 = vector.broadcast %shift_right_logical3A_268 : i32 to vector<16xi32>
        %shift_right_logical3A_270 = arith.shrui %get3A_260, %shift_right_logical3A_269 : vector<16xi32>
        %swap3A_271 = arith.constant 16 : index
        %swap3A_272 = tpu.vector_load %arg7[%swap3A_271] {strides = array<i32>} : memref<80xi32, #tpu.memory_space<vmem>>, vector<16xi32>,
        %swap3A_273 = vector.shape_cast %swap3A_272 : vector<16xi32> to vector<16xi32>
        %swap3A_274 = vector.shape_cast %shift_right_logical3A_270 : vector<16xi32> to vector<16xi32>
        tpu.vector_store %arg7[%swap3A_271], %swap3A_274 {strides = array<i32>} : memref<80xi32, #tpu.memory_space<vmem>>, vector<16xi32>,
        %get3A_275 = arith.constant 32 : index
        %get3A_276 = tpu.vector_load %arg7[%get3A_275] {strides = array<i32>} : memref<80xi32, #tpu.memory_space<vmem>>, vector<16xi32>,
        %get3A_277 = vector.shape_cast %get3A_276 : vector<16xi32> to vector<16xi32>
        %and3A_278 = arith.constant 16383 : i32
        %and3A_279 = vector.broadcast %and3A_278 : i32 to vector<16xi32>
        %and3A_280 = arith.andi %get3A_277, %and3A_279 : vector<16xi32>
        %swap3A_281 = arith.constant 32 : index
        %swap3A_282 = tpu.vector_load %arg9[%swap3A_281] {strides = array<i32>} : memref<80xi32, #tpu.memory_space<vmem>>, vector<16xi32>,
        %swap3A_283 = vector.shape_cast %swap3A_282 : vector<16xi32> to vector<16xi32>
        %swap3A_284 = vector.shape_cast %and3A_280 : vector<16xi32> to vector<16xi32>
        tpu.vector_store %arg9[%swap3A_281], %swap3A_284 {strides = array<i32>} : memref<80xi32, #tpu.memory_space<vmem>>, vector<16xi32>,
        %shift_right_logical3A_285 = arith.constant 14 : i32
        %shift_right_logical3A_286 = vector.broadcast %shift_right_logical3A_285 : i32 to vector<16xi32>
        %shift_right_logical3A_287 = arith.shrui %get3A_277, %shift_right_logical3A_286 : vector<16xi32>
        %swap3A_288 = arith.constant 32 : index
        %swap3A_289 = tpu.vector_load %arg7[%swap3A_288] {strides = array<i32>} : memref<80xi32, #tpu.memory_space<vmem>>, vector<16xi32>,
        %swap3A_290 = vector.shape_cast %swap3A_289 : vector<16xi32> to vector<16xi32>
        %swap3A_291 = vector.shape_cast %shift_right_logical3A_287 : vector<16xi32> to vector<16xi32>
        tpu.vector_store %arg7[%swap3A_288], %swap3A_291 {strides = array<i32>} : memref<80xi32, #tpu.memory_space<vmem>>, vector<16xi32>,
        %get3A_292 = arith.constant 48 : index
        %get3A_293 = tpu.vector_load %arg7[%get3A_292] {strides = array<i32>} : memref<80xi32, #tpu.memory_space<vmem>>, vector<16xi32>,
        %get3A_294 = vector.shape_cast %get3A_293 : vector<16xi32> to vector<16xi32>
        %and3A_295 = arith.constant 16383 : i32
        %and3A_296 = vector.broadcast %and3A_295 : i32 to vector<16xi32>
        %and3A_297 = arith.andi %get3A_294, %and3A_296 : vector<16xi32>
        %swap3A_298 = arith.constant 48 : index
        %swap3A_299 = tpu.vector_load %arg9[%swap3A_298] {strides = array<i32>} : memref<80xi32, #tpu.memory_space<vmem>>, vector<16xi32>,
        %swap3A_300 = vector.shape_cast %swap3A_299 : vector<16xi32> to vector<16xi32>
        %swap3A_301 = vector.shape_cast %and3A_297 : vector<16xi32> to vector<16xi32>
        tpu.vector_store %arg9[%swap3A_298], %swap3A_301 {strides = array<i32>} : memref<80xi32, #tpu.memory_space<vmem>>, vector<16xi32>,
        %shift_right_logical3A_302 = arith.constant 14 : i32
        %shift_right_logical3A_303 = vector.broadcast %shift_right_logical3A_302 : i32 to vector<16xi32>
        %shift_right_logical3A_304 = arith.shrui %get3A_294, %shift_right_logical3A_303 : vector<16xi32>
        %swap3A_305 = arith.constant 48 : index
        %swap3A_306 = tpu.vector_load %arg7[%swap3A_305] {strides = array<i32>} : memref<80xi32, #tpu.memory_space<vmem>>, vector<16xi32>,
        %swap3A_307 = vector.shape_cast %swap3A_306 : vector<16xi32> to vector<16xi32>
        %swap3A_308 = vector.shape_cast %shift_right_logical3A_304 : vector<16xi32> to vector<16xi32>
        tpu.vector_store %arg7[%swap3A_305], %swap3A_308 {strides = array<i32>} : memref<80xi32, #tpu.memory_space<vmem>>, vector<16xi32>,
        %get3A_309 = arith.constant 64 : index
        %get3A_310 = tpu.vector_load %arg7[%get3A_309] {strides = array<i32>} : memref<80xi32, #tpu.memory_space<vmem>>, vector<16xi32>,
        %get3A_311 = vector.shape_cast %get3A_310 : vector<16xi32> to vector<16xi32>
        %and3A_312 = arith.constant 16383 : i32
        %and3A_313 = vector.broadcast %and3A_312 : i32 to vector<16xi32>
        %and3A_314 = arith.andi %get3A_311, %and3A_313 : vector<16xi32>
        %swap3A_315 = arith.constant 64 : index
        %swap3A_316 = tpu.vector_load %arg9[%swap3A_315] {strides = array<i32>} : memref<80xi32, #tpu.memory_space<vmem>>, vector<16xi32>,
        %swap3A_317 = vector.shape_cast %swap3A_316 : vector<16xi32> to vector<16xi32>
        %swap3A_318 = vector.shape_cast %and3A_314 : vector<16xi32> to vector<16xi32>
        tpu.vector_store %arg9[%swap3A_315], %swap3A_318 {strides = array<i32>} : memref<80xi32, #tpu.memory_space<vmem>>, vector<16xi32>,
        %shift_right_logical3A_319 = arith.constant 14 : i32
        %shift_right_logical3A_320 = vector.broadcast %shift_right_logical3A_319 : i32 to vector<16xi32>
        %shift_right_logical3A_321 = arith.shrui %get3A_311, %shift_right_logical3A_320 : vector<16xi32>
        %swap3A_322 = arith.constant 64 : index
        %swap3A_323 = tpu.vector_load %arg7[%swap3A_322] {strides = array<i32>} : memref<80xi32, #tpu.memory_space<vmem>>, vector<16xi32>,
        %swap3A_324 = vector.shape_cast %swap3A_323 : vector<16xi32> to vector<16xi32>
        %swap3A_325 = vector.shape_cast %shift_right_logical3A_321 : vector<16xi32> to vector<16xi32>
        tpu.vector_store %arg7[%swap3A_322], %swap3A_325 {strides = array<i32>} : memref<80xi32, #tpu.memory_space<vmem>>, vector<16xi32>,
        %add3A_326 = arith.constant 1 : i32
        %add3A_327 = arith.addi %mul3A_157, %add3A_326 : i32
        %dma_start3A_328 = arith.constant 0 : i32
        %dma_start3A_329 = arith.constant 0 : i32
        %dma_start3A_330 = tpu.memref_slice %arg2[%dma_start3A_328, %dma_start3A_329] : memref<10000x128xf32, #tpu.memory_space<hbm>> -> memref<10000x128xf32, #tpu.memory_space<hbm>>
        tpu.enqueue_indirect_dma source(%dma_start3A_330 : memref<10000x128xf32, #tpu.memory_space<hbm>>) target(%arg11 : memref<80x128xf32, #tpu.memory_space<vmem>>) offsets(%arg7 : memref<80xi32, #tpu.memory_space<vmem>>) semaphore(%arg18 : memref<!tpu.dma_semaphore, #tpu.memory_space<semaphore_mem>>)
        %mul3A_331 = arith.constant 10000 : i32
        %mul3A_332 = arith.muli %add3A, %mul3A_331 : i32
        %mul3A_333 = arith.constant 80 : i32
        %mul3A_334 = arith.muli %add3A_327, %mul3A_333 : i32
        %add3A_335 = arith.addi %mul3A_332, %mul3A_334 : i32
        %dma_start3A_336 = arith.constant 0 : i32
        %dma_start3A_337 = tpu.memref_slice %arg4[%add3A_335, %dma_start3A_336] : memref<320000x128xf32, #tpu.memory_space<hbm>> -> memref<80x128xf32, #tpu.memory_space<hbm>>
        %dma_start3A_338 = arith.constant 0 : i32
        %dma_start3A_339 = tpu.memref_slice %arg4[%add3A_335, %dma_start3A_338] : memref<320000x128xf32, #tpu.memory_space<hbm>> -> memref<80x128xf32, #tpu.memory_space<hbm>>
        tpu.enqueue_dma source(%dma_start3A_339 : memref<80x128xf32, #tpu.memory_space<hbm>>) target(%arg13 : memref<80x128xf32, #tpu.memory_space<vmem>>) target_semaphore(%arg20 : memref<!tpu.dma_semaphore, #tpu.memory_space<semaphore_mem>>)
      } else {
      }
      %parallel_loop3A_178 = arith.constant 0 : i32
      %parallel_loop3A_179 = arith.constant 80 : i32
      %parallel_loop3A_180 = arith.constant 1 : i32
      scf.for %parallel_loop3A_232 = %parallel_loop3A_178 to %parallel_loop3A_179 step %parallel_loop3A_180  : i32 {
        %parallel_loop3A_233 = arith.index_cast %parallel_loop3A_232 : i32 to index
        %parallel_loop3A_234 = arith.constant 0 : index
        %parallel_loop3A_235 = tpu.vector_load %arg10[%parallel_loop3A_233, %parallel_loop3A_234] {strides = array<i32>} : memref<80x128xf32, #tpu.memory_space<vmem>>, vector<1x16xf32>,
        %parallel_loop3A_236 = vector.shape_cast %parallel_loop3A_235 : vector<1x16xf32> to vector<16xf32>
        %parallel_loop3A_237 = arith.index_cast %parallel_loop3A_232 : i32 to index
        %parallel_loop3A_238 = arith.constant 0 : index
        %parallel_loop3A_239 = tpu.vector_load %arg12[%parallel_loop3A_237, %parallel_loop3A_238] {strides = array<i32>} : memref<80x128xf32, #tpu.memory_space<vmem>>, vector<1x16xf32>,
        %parallel_loop3A_240 = vector.shape_cast %parallel_loop3A_239 : vector<1x16xf32> to vector<16xf32>
        %parallel_loop3A_241 = arith.addf %parallel_loop3A_236, %parallel_loop3A_240 : vector<16xf32>
        %parallel_loop3A_242 = arith.constant 0.000000e+00 : f32
        %parallel_loop3A_243 = vector.broadcast %parallel_loop3A_242 : f32 to vector<16xf32>
        %parallel_loop3A_244 = arith.maximumf %parallel_loop3A_241, %parallel_loop3A_243 : vector<16xf32>
        %parallel_loop3A_245 = arith.index_cast %parallel_loop3A_232 : i32 to index
        %parallel_loop3A_246 = arith.constant 0 : index
        %parallel_loop3A_247 = tpu.vector_load %arg10[%parallel_loop3A_245, %parallel_loop3A_246] {strides = array<i32>} : memref<80x128xf32, #tpu.memory_space<vmem>>, vector<1x16xf32>,
        %parallel_loop3A_248 = vector.shape_cast %parallel_loop3A_247 : vector<1x16xf32> to vector<16xf32>
        %parallel_loop3A_249 = vector.shape_cast %parallel_loop3A_244 : vector<16xf32> to vector<1x16xf32>
        tpu.vector_store %arg10[%parallel_loop3A_245, %parallel_loop3A_246], %parallel_loop3A_249 {strides = array<i32>} : memref<80x128xf32, #tpu.memory_space<vmem>>, vector<1x16xf32>,
        %parallel_loop3A_250 = arith.index_cast %parallel_loop3A_232 : i32 to index
        %parallel_loop3A_251 = arith.constant 16 : index
        %parallel_loop3A_252 = tpu.vector_load %arg10[%parallel_loop3A_250, %parallel_loop3A_251] {strides = array<i32>} : memref<80x128xf32, #tpu.memory_space<vmem>>, vector<1x16xf32>,
        %parallel_loop3A_253 = vector.shape_cast %parallel_loop3A_252 : vector<1x16xf32> to vector<16xf32>
        %parallel_loop3A_254 = arith.index_cast %parallel_loop3A_232 : i32 to index
        %parallel_loop3A_255 = arith.constant 16 : index
        %parallel_loop3A_256 = tpu.vector_load %arg12[%parallel_loop3A_254, %parallel_loop3A_255] {strides = array<i32>} : memref<80x128xf32, #tpu.memory_space<vmem>>, vector<1x16xf32>,
        %parallel_loop3A_257 = vector.shape_cast %parallel_loop3A_256 : vector<1x16xf32> to vector<16xf32>
        %parallel_loop3A_258 = arith.addf %parallel_loop3A_253, %parallel_loop3A_257 : vector<16xf32>
        %parallel_loop3A_259 = arith.constant 0.000000e+00 : f32
        %parallel_loop3A_260 = vector.broadcast %parallel_loop3A_259 : f32 to vector<16xf32>
        %parallel_loop3A_261 = arith.maximumf %parallel_loop3A_258, %parallel_loop3A_260 : vector<16xf32>
        %parallel_loop3A_262 = arith.index_cast %parallel_loop3A_232 : i32 to index
        %parallel_loop3A_263 = arith.constant 16 : index
        %parallel_loop3A_264 = tpu.vector_load %arg10[%parallel_loop3A_262, %parallel_loop3A_263] {strides = array<i32>} : memref<80x128xf32, #tpu.memory_space<vmem>>, vector<1x16xf32>,
        %parallel_loop3A_265 = vector.shape_cast %parallel_loop3A_264 : vector<1x16xf32> to vector<16xf32>
        %parallel_loop3A_266 = vector.shape_cast %parallel_loop3A_261 : vector<16xf32> to vector<1x16xf32>
        tpu.vector_store %arg10[%parallel_loop3A_262, %parallel_loop3A_263], %parallel_loop3A_266 {strides = array<i32>} : memref<80x128xf32, #tpu.memory_space<vmem>>, vector<1x16xf32>,
        %parallel_loop3A_267 = arith.index_cast %parallel_loop3A_232 : i32 to index
        %parallel_loop3A_268 = arith.constant 32 : index
        %parallel_loop3A_269 = tpu.vector_load %arg10[%parallel_loop3A_267, %parallel_loop3A_268] {strides = array<i32>} : memref<80x128xf32, #tpu.memory_space<vmem>>, vector<1x16xf32>,
        %parallel_loop3A_270 = vector.shape_cast %parallel_loop3A_269 : vector<1x16xf32> to vector<16xf32>
        %parallel_loop3A_271 = arith.index_cast %parallel_loop3A_232 : i32 to index
        %parallel_loop3A_272 = arith.constant 32 : index
        %parallel_loop3A_273 = tpu.vector_load %arg12[%parallel_loop3A_271, %parallel_loop3A_272] {strides = array<i32>} : memref<80x128xf32, #tpu.memory_space<vmem>>, vector<1x16xf32>,
        %parallel_loop3A_274 = vector.shape_cast %parallel_loop3A_273 : vector<1x16xf32> to vector<16xf32>
        %parallel_loop3A_275 = arith.addf %parallel_loop3A_270, %parallel_loop3A_274 : vector<16xf32>
        %parallel_loop3A_276 = arith.constant 0.000000e+00 : f32
        %parallel_loop3A_277 = vector.broadcast %parallel_loop3A_276 : f32 to vector<16xf32>
        %parallel_loop3A_278 = arith.maximumf %parallel_loop3A_275, %parallel_loop3A_277 : vector<16xf32>
        %parallel_loop3A_279 = arith.index_cast %parallel_loop3A_232 : i32 to index
        %parallel_loop3A_280 = arith.constant 32 : index
        %parallel_loop3A_281 = tpu.vector_load %arg10[%parallel_loop3A_279, %parallel_loop3A_280] {strides = array<i32>} : memref<80x128xf32, #tpu.memory_space<vmem>>, vector<1x16xf32>,
        %parallel_loop3A_282 = vector.shape_cast %parallel_loop3A_281 : vector<1x16xf32> to vector<16xf32>
        %parallel_loop3A_283 = vector.shape_cast %parallel_loop3A_278 : vector<16xf32> to vector<1x16xf32>
        tpu.vector_store %arg10[%parallel_loop3A_279, %parallel_loop3A_280], %parallel_loop3A_283 {strides = array<i32>} : memref<80x128xf32, #tpu.memory_space<vmem>>, vector<1x16xf32>,
        %parallel_loop3A_284 = arith.index_cast %parallel_loop3A_232 : i32 to index
        %parallel_loop3A_285 = arith.constant 48 : index
        %parallel_loop3A_286 = tpu.vector_load %arg10[%parallel_loop3A_284, %parallel_loop3A_285] {strides = array<i32>} : memref<80x128xf32, #tpu.memory_space<vmem>>, vector<1x16xf32>,
        %parallel_loop3A_287 = vector.shape_cast %parallel_loop3A_286 : vector<1x16xf32> to vector<16xf32>
        %parallel_loop3A_288 = arith.index_cast %parallel_loop3A_232 : i32 to index
        %parallel_loop3A_289 = arith.constant 48 : index
        %parallel_loop3A_290 = tpu.vector_load %arg12[%parallel_loop3A_288, %parallel_loop3A_289] {strides = array<i32>} : memref<80x128xf32, #tpu.memory_space<vmem>>, vector<1x16xf32>,
        %parallel_loop3A_291 = vector.shape_cast %parallel_loop3A_290 : vector<1x16xf32> to vector<16xf32>
        %parallel_loop3A_292 = arith.addf %parallel_loop3A_287, %parallel_loop3A_291 : vector<16xf32>
        %parallel_loop3A_293 = arith.constant 0.000000e+00 : f32
        %parallel_loop3A_294 = vector.broadcast %parallel_loop3A_293 : f32 to vector<16xf32>
        %parallel_loop3A_295 = arith.maximumf %parallel_loop3A_292, %parallel_loop3A_294 : vector<16xf32>
        %parallel_loop3A_296 = arith.index_cast %parallel_loop3A_232 : i32 to index
        %parallel_loop3A_297 = arith.constant 48 : index
        %parallel_loop3A_298 = tpu.vector_load %arg10[%parallel_loop3A_296, %parallel_loop3A_297] {strides = array<i32>} : memref<80x128xf32, #tpu.memory_space<vmem>>, vector<1x16xf32>,
        %parallel_loop3A_299 = vector.shape_cast %parallel_loop3A_298 : vector<1x16xf32> to vector<16xf32>
        %parallel_loop3A_300 = vector.shape_cast %parallel_loop3A_295 : vector<16xf32> to vector<1x16xf32>
        tpu.vector_store %arg10[%parallel_loop3A_296, %parallel_loop3A_297], %parallel_loop3A_300 {strides = array<i32>} : memref<80x128xf32, #tpu.memory_space<vmem>>, vector<1x16xf32>,
        %parallel_loop3A_301 = arith.index_cast %parallel_loop3A_232 : i32 to index
        %parallel_loop3A_302 = arith.constant 64 : index
        %parallel_loop3A_303 = tpu.vector_load %arg10[%parallel_loop3A_301, %parallel_loop3A_302] {strides = array<i32>} : memref<80x128xf32, #tpu.memory_space<vmem>>, vector<1x16xf32>,
        %parallel_loop3A_304 = vector.shape_cast %parallel_loop3A_303 : vector<1x16xf32> to vector<16xf32>
        %parallel_loop3A_305 = arith.index_cast %parallel_loop3A_232 : i32 to index
        %parallel_loop3A_306 = arith.constant 64 : index
        %parallel_loop3A_307 = tpu.vector_load %arg12[%parallel_loop3A_305, %parallel_loop3A_306] {strides = array<i32>} : memref<80x128xf32, #tpu.memory_space<vmem>>, vector<1x16xf32>,
        %parallel_loop3A_308 = vector.shape_cast %parallel_loop3A_307 : vector<1x16xf32> to vector<16xf32>
        %parallel_loop3A_309 = arith.addf %parallel_loop3A_304, %parallel_loop3A_308 : vector<16xf32>
        %parallel_loop3A_310 = arith.constant 0.000000e+00 : f32
        %parallel_loop3A_311 = vector.broadcast %parallel_loop3A_310 : f32 to vector<16xf32>
        %parallel_loop3A_312 = arith.maximumf %parallel_loop3A_309, %parallel_loop3A_311 : vector<16xf32>
        %parallel_loop3A_313 = arith.index_cast %parallel_loop3A_232 : i32 to index
        %parallel_loop3A_314 = arith.constant 64 : index
        %parallel_loop3A_315 = tpu.vector_load %arg10[%parallel_loop3A_313, %parallel_loop3A_314] {strides = array<i32>} : memref<80x128xf32, #tpu.memory_space<vmem>>, vector<1x16xf32>,
        %parallel_loop3A_316 = vector.shape_cast %parallel_loop3A_315 : vector<1x16xf32> to vector<16xf32>
        %parallel_loop3A_317 = vector.shape_cast %parallel_loop3A_312 : vector<16xf32> to vector<1x16xf32>
        tpu.vector_store %arg10[%parallel_loop3A_313, %parallel_loop3A_314], %parallel_loop3A_317 {strides = array<i32>} : memref<80x128xf32, #tpu.memory_space<vmem>>, vector<1x16xf32>,
        %parallel_loop3A_318 = arith.index_cast %parallel_loop3A_232 : i32 to index
        %parallel_loop3A_319 = arith.constant 80 : index
        %parallel_loop3A_320 = tpu.vector_load %arg10[%parallel_loop3A_318, %parallel_loop3A_319] {strides = array<i32>} : memref<80x128xf32, #tpu.memory_space<vmem>>, vector<1x16xf32>,
        %parallel_loop3A_321 = vector.shape_cast %parallel_loop3A_320 : vector<1x16xf32> to vector<16xf32>
        %parallel_loop3A_322 = arith.index_cast %parallel_loop3A_232 : i32 to index
        %parallel_loop3A_323 = arith.constant 80 : index
        %parallel_loop3A_324 = tpu.vector_load %arg12[%parallel_loop3A_322, %parallel_loop3A_323] {strides = array<i32>} : memref<80x128xf32, #tpu.memory_space<vmem>>, vector<1x16xf32>,
        %parallel_loop3A_325 = vector.shape_cast %parallel_loop3A_324 : vector<1x16xf32> to vector<16xf32>
        %parallel_loop3A_326 = arith.addf %parallel_loop3A_321, %parallel_loop3A_325 : vector<16xf32>
        %parallel_loop3A_327 = arith.constant 0.000000e+00 : f32
        %parallel_loop3A_328 = vector.broadcast %parallel_loop3A_327 : f32 to vector<16xf32>
        %parallel_loop3A_329 = arith.maximumf %parallel_loop3A_326, %parallel_loop3A_328 : vector<16xf32>
        %parallel_loop3A_330 = arith.index_cast %parallel_loop3A_232 : i32 to index
        %parallel_loop3A_331 = arith.constant 80 : index
        %parallel_loop3A_332 = tpu.vector_load %arg10[%parallel_loop3A_330, %parallel_loop3A_331] {strides = array<i32>} : memref<80x128xf32, #tpu.memory_space<vmem>>, vector<1x16xf32>,
        %parallel_loop3A_333 = vector.shape_cast %parallel_loop3A_332 : vector<1x16xf32> to vector<16xf32>
        %parallel_loop3A_334 = vector.shape_cast %parallel_loop3A_329 : vector<16xf32> to vector<1x16xf32>
        tpu.vector_store %arg10[%parallel_loop3A_330, %parallel_loop3A_331], %parallel_loop3A_334 {strides = array<i32>} : memref<80x128xf32, #tpu.memory_space<vmem>>, vector<1x16xf32>,
        %parallel_loop3A_335 = arith.index_cast %parallel_loop3A_232 : i32 to index
        %parallel_loop3A_336 = arith.constant 96 : index
        %parallel_loop3A_337 = tpu.vector_load %arg10[%parallel_loop3A_335, %parallel_loop3A_336] {strides = array<i32>} : memref<80x128xf32, #tpu.memory_space<vmem>>, vector<1x16xf32>,
        %parallel_loop3A_338 = vector.shape_cast %parallel_loop3A_337 : vector<1x16xf32> to vector<16xf32>
        %parallel_loop3A_339 = arith.index_cast %parallel_loop3A_232 : i32 to index
        %parallel_loop3A_340 = arith.constant 96 : index
        %parallel_loop3A_341 = tpu.vector_load %arg12[%parallel_loop3A_339, %parallel_loop3A_340] {strides = array<i32>} : memref<80x128xf32, #tpu.memory_space<vmem>>, vector<1x16xf32>,
        %parallel_loop3A_342 = vector.shape_cast %parallel_loop3A_341 : vector<1x16xf32> to vector<16xf32>
        %parallel_loop3A_343 = arith.addf %parallel_loop3A_338, %parallel_loop3A_342 : vector<16xf32>
        %parallel_loop3A_344 = arith.constant 0.000000e+00 : f32
        %parallel_loop3A_345 = vector.broadcast %parallel_loop3A_344 : f32 to vector<16xf32>
        %parallel_loop3A_346 = arith.maximumf %parallel_loop3A_343, %parallel_loop3A_345 : vector<16xf32>
        %parallel_loop3A_347 = arith.index_cast %parallel_loop3A_232 : i32 to index
        %parallel_loop3A_348 = arith.constant 96 : index
        %parallel_loop3A_349 = tpu.vector_load %arg10[%parallel_loop3A_347, %parallel_loop3A_348] {strides = array<i32>} : memref<80x128xf32, #tpu.memory_space<vmem>>, vector<1x16xf32>,
        %parallel_loop3A_350 = vector.shape_cast %parallel_loop3A_349 : vector<1x16xf32> to vector<16xf32>
        %parallel_loop3A_351 = vector.shape_cast %parallel_loop3A_346 : vector<16xf32> to vector<1x16xf32>
        tpu.vector_store %arg10[%parallel_loop3A_347, %parallel_loop3A_348], %parallel_loop3A_351 {strides = array<i32>} : memref<80x128xf32, #tpu.memory_space<vmem>>, vector<1x16xf32>,
        %parallel_loop3A_352 = arith.index_cast %parallel_loop3A_232 : i32 to index
        %parallel_loop3A_353 = arith.constant 112 : index
        %parallel_loop3A_354 = tpu.vector_load %arg10[%parallel_loop3A_352, %parallel_loop3A_353] {strides = array<i32>} : memref<80x128xf32, #tpu.memory_space<vmem>>, vector<1x16xf32>,
        %parallel_loop3A_355 = vector.shape_cast %parallel_loop3A_354 : vector<1x16xf32> to vector<16xf32>
        %parallel_loop3A_356 = arith.index_cast %parallel_loop3A_232 : i32 to index
        %parallel_loop3A_357 = arith.constant 112 : index
        %parallel_loop3A_358 = tpu.vector_load %arg12[%parallel_loop3A_356, %parallel_loop3A_357] {strides = array<i32>} : memref<80x128xf32, #tpu.memory_space<vmem>>, vector<1x16xf32>,
        %parallel_loop3A_359 = vector.shape_cast %parallel_loop3A_358 : vector<1x16xf32> to vector<16xf32>
        %parallel_loop3A_360 = arith.addf %parallel_loop3A_355, %parallel_loop3A_359 : vector<16xf32>
        %parallel_loop3A_361 = arith.constant 0.000000e+00 : f32
        %parallel_loop3A_362 = vector.broadcast %parallel_loop3A_361 : f32 to vector<16xf32>
        %parallel_loop3A_363 = arith.maximumf %parallel_loop3A_360, %parallel_loop3A_362 : vector<16xf32>
        %parallel_loop3A_364 = arith.index_cast %parallel_loop3A_232 : i32 to index
        %parallel_loop3A_365 = arith.constant 112 : index
        %parallel_loop3A_366 = tpu.vector_load %arg10[%parallel_loop3A_364, %parallel_loop3A_365] {strides = array<i32>} : memref<80x128xf32, #tpu.memory_space<vmem>>, vector<1x16xf32>,
        %parallel_loop3A_367 = vector.shape_cast %parallel_loop3A_366 : vector<1x16xf32> to vector<16xf32>
        %parallel_loop3A_368 = vector.shape_cast %parallel_loop3A_363 : vector<16xf32> to vector<1x16xf32>
        tpu.vector_store %arg10[%parallel_loop3A_364, %parallel_loop3A_365], %parallel_loop3A_368 {strides = array<i32>} : memref<80x128xf32, #tpu.memory_space<vmem>>, vector<1x16xf32>,
      } {sc.loop_unroll_factor = 4 : i64, sc.parallel_access}
      %dma_start3A_181 = arith.constant 0 : i32
      %dma_start3A_182 = arith.constant 0 : i32
      %dma_start3A_183 = tpu.memref_slice %arg14[%dma_start3A_181, %dma_start3A_182] : memref<10000x128xf32, #tpu.memory_space<vmem_shared>> -> memref<10000x128xf32, #tpu.memory_space<vmem_shared>>
      tpu.enqueue_indirect_dma source(%arg10 : memref<80x128xf32, #tpu.memory_space<vmem>>) target(%dma_start3A_183 : memref<10000x128xf32, #tpu.memory_space<vmem_shared>>) offsets(%arg8 : memref<80xi32, #tpu.memory_space<vmem>>) semaphore(%arg21 : memref<!tpu.dma_semaphore, #tpu.memory_space<semaphore_mem>>) {add = true}
      %add3A_184 = arith.constant 2 : i32
      %add3A_185 = arith.addi %mul3A_157, %add3A_184 : i32
      %lt3A_186 = arith.constant 125 : i32
      %lt3A_187 = arith.cmpi slt, %add3A_185, %lt3A_186 : i32
      %convert_element_type3A_188 = arith.extui %lt3A_187 : i1 to i32
      %cond3A_189 = arith.constant 0 : i32
      %cond3A_190 = arith.cmpi ne, %convert_element_type3A_188, %cond3A_189 : i32
      scf.if %cond3A_190 {
        %add3A_232 = arith.constant 2 : i32
        %add3A_233 = arith.addi %mul3A_157, %add3A_232 : i32
        %mul3A_234 = arith.constant 10000 : i32
        %mul3A_235 = arith.muli %add3A, %mul3A_234 : i32
        %mul3A_236 = arith.constant 80 : i32
        %mul3A_237 = arith.muli %add3A_233, %mul3A_236 : i32
        %add3A_238 = arith.addi %mul3A_235, %mul3A_237 : i32
        %dma_start3A_239 = tpu.memref_slice %arg3[%add3A_238] : memref<320000xi32, #tpu.memory_space<hbm>> -> memref<80xi32, #tpu.memory_space<hbm>>
        %dma_start3A_240 = tpu.memref_slice %arg3[%add3A_238] : memref<320000xi32, #tpu.memory_space<hbm>> -> memref<80xi32, #tpu.memory_space<hbm>>
        tpu.enqueue_dma source(%dma_start3A_240 : memref<80xi32, #tpu.memory_space<hbm>>) target(%arg6 : memref<80xi32, #tpu.memory_space<vmem>>) target_semaphore(%arg15 : memref<!tpu.dma_semaphore, #tpu.memory_space<semaphore_mem>>)
      } else {
      }
      %mul3A_191 = arith.constant 2 : i32
      %mul3A_192 = arith.muli %mul3A_191, %scan3A_155 : i32
      %add3A_193 = arith.constant 1 : i32
      %add3A_194 = arith.addi %mul3A_192, %add3A_193 : i32
      %dma_wait3A_195 = arith.constant 0 : i32
      %dma_wait3A_196 = arith.constant 0 : i32
      %dma_wait3A_197 = tpu.memref_slice %arg2[%dma_wait3A_195, %dma_wait3A_196] : memref<10000x128xf32, #tpu.memory_space<hbm>> -> memref<10000x128xf32, #tpu.memory_space<hbm>>
      tpu.wait_indirect_dma semaphore(%arg18 : memref<!tpu.dma_semaphore, #tpu.memory_space<semaphore_mem>>) src(%dma_wait3A_197 : memref<10000x128xf32, #tpu.memory_space<hbm>>) dst(%arg11 : memref<80x128xf32, #tpu.memory_space<vmem>>)
      %mul3A_198 = arith.constant 10000 : i32
      %mul3A_199 = arith.muli %add3A, %mul3A_198 : i32
      %mul3A_200 = arith.constant 80 : i32
      %mul3A_201 = arith.muli %add3A_194, %mul3A_200 : i32
      %add3A_202 = arith.addi %mul3A_199, %mul3A_201 : i32
      %dma_wait3A_203 = arith.constant 0 : i32
      %dma_wait3A_204 = tpu.memref_slice %arg4[%add3A_202, %dma_wait3A_203] : memref<320000x128xf32, #tpu.memory_space<hbm>> -> memref<80x128xf32, #tpu.memory_space<hbm>>
      %dma_wait3A_205 = arith.constant 0 : i32
      %dma_wait3A_206 = tpu.memref_slice %arg4[%add3A_202, %dma_wait3A_205] : memref<320000x128xf32, #tpu.memory_space<hbm>> -> memref<80x128xf32, #tpu.memory_space<hbm>>
      tpu.wait_dma2 semaphore(%arg20 : memref<!tpu.dma_semaphore, #tpu.memory_space<semaphore_mem>>) src(%dma_wait3A_206 : memref<80x128xf32, #tpu.memory_space<hbm>>) dst(%arg13 : memref<80x128xf32, #tpu.memory_space<vmem>>)
      %ge3A_207 = arith.constant 1 : i32
      %ge3A_208 = arith.cmpi sge, %add3A_194, %ge3A_207 : i32
      %convert_element_type3A_209 = arith.extui %ge3A_208 : i1 to i32
      %cond3A_210 = arith.constant 0 : i32
      %cond3A_211 = arith.cmpi ne, %convert_element_type3A_209, %cond3A_210 : i32
      scf.if %cond3A_211 {
        %dma_wait3A_232 = arith.constant 0 : i32
        %dma_wait3A_233 = arith.constant 0 : i32
        %dma_wait3A_234 = tpu.memref_slice %arg14[%dma_wait3A_232, %dma_wait3A_233] : memref<10000x128xf32, #tpu.memory_space<vmem_shared>> -> memref<10000x128xf32, #tpu.memory_space<vmem_shared>>
        tpu.wait_indirect_dma semaphore(%arg21 : memref<!tpu.dma_semaphore, #tpu.memory_space<semaphore_mem>>) src(%arg10 : memref<80x128xf32, #tpu.memory_space<vmem>>) dst(%dma_wait3A_234 : memref<10000x128xf32, #tpu.memory_space<vmem_shared>>)
      } else {
      }
      %add3A_212 = arith.constant 1 : i32
      %add3A_213 = arith.addi %add3A_194, %add3A_212 : i32
      %lt3A_214 = arith.constant 125 : i32
      %lt3A_215 = arith.cmpi slt, %add3A_213, %lt3A_214 : i32
      %convert_element_type3A_216 = arith.extui %lt3A_215 : i1 to i32
      %cond3A_217 = arith.constant 0 : i32
      %cond3A_218 = arith.cmpi ne, %convert_element_type3A_216, %cond3A_217 : i32
      scf.if %cond3A_218 {
        %add3A_232 = arith.constant 1 : i32
        %add3A_233 = arith.addi %add3A_194, %add3A_232 : i32
        %mul3A_234 = arith.constant 10000 : i32
        %mul3A_235 = arith.muli %add3A, %mul3A_234 : i32
        %mul3A_236 = arith.constant 80 : i32
        %mul3A_237 = arith.muli %add3A_233, %mul3A_236 : i32
        %add3A_238 = arith.addi %mul3A_235, %mul3A_237 : i32
        %dma_wait3A_239 = tpu.memref_slice %arg3[%add3A_238] : memref<320000xi32, #tpu.memory_space<hbm>> -> memref<80xi32, #tpu.memory_space<hbm>>
        %dma_wait3A_240 = tpu.memref_slice %arg3[%add3A_238] : memref<320000xi32, #tpu.memory_space<hbm>> -> memref<80xi32, #tpu.memory_space<hbm>>
        tpu.wait_dma2 semaphore(%arg15 : memref<!tpu.dma_semaphore, #tpu.memory_space<semaphore_mem>>) src(%dma_wait3A_240 : memref<80xi32, #tpu.memory_space<hbm>>) dst(%arg6 : memref<80xi32, #tpu.memory_space<vmem>>)
        %get3A_241 = arith.constant 0 : index
        %get3A_242 = tpu.vector_load %arg6[%get3A_241] {strides = array<i32>} : memref<80xi32, #tpu.memory_space<vmem>>, vector<16xi32>,
        %get3A_243 = vector.shape_cast %get3A_242 : vector<16xi32> to vector<16xi32>
        %and3A_244 = arith.constant 16383 : i32
        %and3A_245 = vector.broadcast %and3A_244 : i32 to vector<16xi32>
        %and3A_246 = arith.andi %get3A_243, %and3A_245 : vector<16xi32>
        %swap3A_247 = arith.constant 0 : index
        %swap3A_248 = tpu.vector_load %arg8[%swap3A_247] {strides = array<i32>} : memref<80xi32, #tpu.memory_space<vmem>>, vector<16xi32>,
        %swap3A_249 = vector.shape_cast %swap3A_248 : vector<16xi32> to vector<16xi32>
        %swap3A_250 = vector.shape_cast %and3A_246 : vector<16xi32> to vector<16xi32>
        tpu.vector_store %arg8[%swap3A_247], %swap3A_250 {strides = array<i32>} : memref<80xi32, #tpu.memory_space<vmem>>, vector<16xi32>,
        %shift_right_logical3A_251 = arith.constant 14 : i32
        %shift_right_logical3A_252 = vector.broadcast %shift_right_logical3A_251 : i32 to vector<16xi32>
        %shift_right_logical3A_253 = arith.shrui %get3A_243, %shift_right_logical3A_252 : vector<16xi32>
        %swap3A_254 = arith.constant 0 : index
        %swap3A_255 = tpu.vector_load %arg6[%swap3A_254] {strides = array<i32>} : memref<80xi32, #tpu.memory_space<vmem>>, vector<16xi32>,
        %swap3A_256 = vector.shape_cast %swap3A_255 : vector<16xi32> to vector<16xi32>
        %swap3A_257 = vector.shape_cast %shift_right_logical3A_253 : vector<16xi32> to vector<16xi32>
        tpu.vector_store %arg6[%swap3A_254], %swap3A_257 {strides = array<i32>} : memref<80xi32, #tpu.memory_space<vmem>>, vector<16xi32>,
        %get3A_258 = arith.constant 16 : index
        %get3A_259 = tpu.vector_load %arg6[%get3A_258] {strides = array<i32>} : memref<80xi32, #tpu.memory_space<vmem>>, vector<16xi32>,
        %get3A_260 = vector.shape_cast %get3A_259 : vector<16xi32> to vector<16xi32>
        %and3A_261 = arith.constant 16383 : i32
        %and3A_262 = vector.broadcast %and3A_261 : i32 to vector<16xi32>
        %and3A_263 = arith.andi %get3A_260, %and3A_262 : vector<16xi32>
        %swap3A_264 = arith.constant 16 : index
        %swap3A_265 = tpu.vector_load %arg8[%swap3A_264] {strides = array<i32>} : memref<80xi32, #tpu.memory_space<vmem>>, vector<16xi32>,
        %swap3A_266 = vector.shape_cast %swap3A_265 : vector<16xi32> to vector<16xi32>
        %swap3A_267 = vector.shape_cast %and3A_263 : vector<16xi32> to vector<16xi32>
        tpu.vector_store %arg8[%swap3A_264], %swap3A_267 {strides = array<i32>} : memref<80xi32, #tpu.memory_space<vmem>>, vector<16xi32>,
        %shift_right_logical3A_268 = arith.constant 14 : i32
        %shift_right_logical3A_269 = vector.broadcast %shift_right_logical3A_268 : i32 to vector<16xi32>
        %shift_right_logical3A_270 = arith.shrui %get3A_260, %shift_right_logical3A_269 : vector<16xi32>
        %swap3A_271 = arith.constant 16 : index
        %swap3A_272 = tpu.vector_load %arg6[%swap3A_271] {strides = array<i32>} : memref<80xi32, #tpu.memory_space<vmem>>, vector<16xi32>,
        %swap3A_273 = vector.shape_cast %swap3A_272 : vector<16xi32> to vector<16xi32>
        %swap3A_274 = vector.shape_cast %shift_right_logical3A_270 : vector<16xi32> to vector<16xi32>
        tpu.vector_store %arg6[%swap3A_271], %swap3A_274 {strides = array<i32>} : memref<80xi32, #tpu.memory_space<vmem>>, vector<16xi32>,
        %get3A_275 = arith.constant 32 : index
        %get3A_276 = tpu.vector_load %arg6[%get3A_275] {strides = array<i32>} : memref<80xi32, #tpu.memory_space<vmem>>, vector<16xi32>,
        %get3A_277 = vector.shape_cast %get3A_276 : vector<16xi32> to vector<16xi32>
        %and3A_278 = arith.constant 16383 : i32
        %and3A_279 = vector.broadcast %and3A_278 : i32 to vector<16xi32>
        %and3A_280 = arith.andi %get3A_277, %and3A_279 : vector<16xi32>
        %swap3A_281 = arith.constant 32 : index
        %swap3A_282 = tpu.vector_load %arg8[%swap3A_281] {strides = array<i32>} : memref<80xi32, #tpu.memory_space<vmem>>, vector<16xi32>,
        %swap3A_283 = vector.shape_cast %swap3A_282 : vector<16xi32> to vector<16xi32>
        %swap3A_284 = vector.shape_cast %and3A_280 : vector<16xi32> to vector<16xi32>
        tpu.vector_store %arg8[%swap3A_281], %swap3A_284 {strides = array<i32>} : memref<80xi32, #tpu.memory_space<vmem>>, vector<16xi32>,
        %shift_right_logical3A_285 = arith.constant 14 : i32
        %shift_right_logical3A_286 = vector.broadcast %shift_right_logical3A_285 : i32 to vector<16xi32>
        %shift_right_logical3A_287 = arith.shrui %get3A_277, %shift_right_logical3A_286 : vector<16xi32>
        %swap3A_288 = arith.constant 32 : index
        %swap3A_289 = tpu.vector_load %arg6[%swap3A_288] {strides = array<i32>} : memref<80xi32, #tpu.memory_space<vmem>>, vector<16xi32>,
        %swap3A_290 = vector.shape_cast %swap3A_289 : vector<16xi32> to vector<16xi32>
        %swap3A_291 = vector.shape_cast %shift_right_logical3A_287 : vector<16xi32> to vector<16xi32>
        tpu.vector_store %arg6[%swap3A_288], %swap3A_291 {strides = array<i32>} : memref<80xi32, #tpu.memory_space<vmem>>, vector<16xi32>,
        %get3A_292 = arith.constant 48 : index
        %get3A_293 = tpu.vector_load %arg6[%get3A_292] {strides = array<i32>} : memref<80xi32, #tpu.memory_space<vmem>>, vector<16xi32>,
        %get3A_294 = vector.shape_cast %get3A_293 : vector<16xi32> to vector<16xi32>
        %and3A_295 = arith.constant 16383 : i32
        %and3A_296 = vector.broadcast %and3A_295 : i32 to vector<16xi32>
        %and3A_297 = arith.andi %get3A_294, %and3A_296 : vector<16xi32>
        %swap3A_298 = arith.constant 48 : index
        %swap3A_299 = tpu.vector_load %arg8[%swap3A_298] {strides = array<i32>} : memref<80xi32, #tpu.memory_space<vmem>>, vector<16xi32>,
        %swap3A_300 = vector.shape_cast %swap3A_299 : vector<16xi32> to vector<16xi32>
        %swap3A_301 = vector.shape_cast %and3A_297 : vector<16xi32> to vector<16xi32>
        tpu.vector_store %arg8[%swap3A_298], %swap3A_301 {strides = array<i32>} : memref<80xi32, #tpu.memory_space<vmem>>, vector<16xi32>,
        %shift_right_logical3A_302 = arith.constant 14 : i32
        %shift_right_logical3A_303 = vector.broadcast %shift_right_logical3A_302 : i32 to vector<16xi32>
        %shift_right_logical3A_304 = arith.shrui %get3A_294, %shift_right_logical3A_303 : vector<16xi32>
        %swap3A_305 = arith.constant 48 : index
        %swap3A_306 = tpu.vector_load %arg6[%swap3A_305] {strides = array<i32>} : memref<80xi32, #tpu.memory_space<vmem>>, vector<16xi32>,
        %swap3A_307 = vector.shape_cast %swap3A_306 : vector<16xi32> to vector<16xi32>
        %swap3A_308 = vector.shape_cast %shift_right_logical3A_304 : vector<16xi32> to vector<16xi32>
        tpu.vector_store %arg6[%swap3A_305], %swap3A_308 {strides = array<i32>} : memref<80xi32, #tpu.memory_space<vmem>>, vector<16xi32>,
        %get3A_309 = arith.constant 64 : index
        %get3A_310 = tpu.vector_load %arg6[%get3A_309] {strides = array<i32>} : memref<80xi32, #tpu.memory_space<vmem>>, vector<16xi32>,
        %get3A_311 = vector.shape_cast %get3A_310 : vector<16xi32> to vector<16xi32>
        %and3A_312 = arith.constant 16383 : i32
        %and3A_313 = vector.broadcast %and3A_312 : i32 to vector<16xi32>
        %and3A_314 = arith.andi %get3A_311, %and3A_313 : vector<16xi32>
        %swap3A_315 = arith.constant 64 : index
        %swap3A_316 = tpu.vector_load %arg8[%swap3A_315] {strides = array<i32>} : memref<80xi32, #tpu.memory_space<vmem>>, vector<16xi32>,
        %swap3A_317 = vector.shape_cast %swap3A_316 : vector<16xi32> to vector<16xi32>
        %swap3A_318 = vector.shape_cast %and3A_314 : vector<16xi32> to vector<16xi32>
        tpu.vector_store %arg8[%swap3A_315], %swap3A_318 {strides = array<i32>} : memref<80xi32, #tpu.memory_space<vmem>>, vector<16xi32>,
        %shift_right_logical3A_319 = arith.constant 14 : i32
        %shift_right_logical3A_320 = vector.broadcast %shift_right_logical3A_319 : i32 to vector<16xi32>
        %shift_right_logical3A_321 = arith.shrui %get3A_311, %shift_right_logical3A_320 : vector<16xi32>
        %swap3A_322 = arith.constant 64 : index
        %swap3A_323 = tpu.vector_load %arg6[%swap3A_322] {strides = array<i32>} : memref<80xi32, #tpu.memory_space<vmem>>, vector<16xi32>,
        %swap3A_324 = vector.shape_cast %swap3A_323 : vector<16xi32> to vector<16xi32>
        %swap3A_325 = vector.shape_cast %shift_right_logical3A_321 : vector<16xi32> to vector<16xi32>
        tpu.vector_store %arg6[%swap3A_322], %swap3A_325 {strides = array<i32>} : memref<80xi32, #tpu.memory_space<vmem>>, vector<16xi32>,
        %add3A_326 = arith.constant 1 : i32
        %add3A_327 = arith.addi %add3A_194, %add3A_326 : i32
        %dma_start3A_328 = arith.constant 0 : i32
        %dma_start3A_329 = arith.constant 0 : i32
        %dma_start3A_330 = tpu.memref_slice %arg2[%dma_start3A_328, %dma_start3A_329] : memref<10000x128xf32, #tpu.memory_space<hbm>> -> memref<10000x128xf32, #tpu.memory_space<hbm>>
        tpu.enqueue_indirect_dma source(%dma_start3A_330 : memref<10000x128xf32, #tpu.memory_space<hbm>>) target(%arg10 : memref<80x128xf32, #tpu.memory_space<vmem>>) offsets(%arg6 : memref<80xi32, #tpu.memory_space<vmem>>) semaphore(%arg17 : memref<!tpu.dma_semaphore, #tpu.memory_space<semaphore_mem>>)
        %mul3A_331 = arith.constant 10000 : i32
        %mul3A_332 = arith.muli %add3A, %mul3A_331 : i32
        %mul3A_333 = arith.constant 80 : i32
        %mul3A_334 = arith.muli %add3A_327, %mul3A_333 : i32
        %add3A_335 = arith.addi %mul3A_332, %mul3A_334 : i32
        %dma_start3A_336 = arith.constant 0 : i32
        %dma_start3A_337 = tpu.memref_slice %arg4[%add3A_335, %dma_start3A_336] : memref<320000x128xf32, #tpu.memory_space<hbm>> -> memref<80x128xf32, #tpu.memory_space<hbm>>
        %dma_start3A_338 = arith.constant 0 : i32
        %dma_start3A_339 = tpu.memref_slice %arg4[%add3A_335, %dma_start3A_338] : memref<320000x128xf32, #tpu.memory_space<hbm>> -> memref<80x128xf32, #tpu.memory_space<hbm>>
        tpu.enqueue_dma source(%dma_start3A_339 : memref<80x128xf32, #tpu.memory_space<hbm>>) target(%arg12 : memref<80x128xf32, #tpu.memory_space<vmem>>) target_semaphore(%arg19 : memref<!tpu.dma_semaphore, #tpu.memory_space<semaphore_mem>>)
      } else {
      }
      %parallel_loop3A_219 = arith.constant 0 : i32
      %parallel_loop3A_220 = arith.constant 80 : i32
      %parallel_loop3A_221 = arith.constant 1 : i32
      scf.for %parallel_loop3A_232 = %parallel_loop3A_219 to %parallel_loop3A_220 step %parallel_loop3A_221  : i32 {
        %parallel_loop3A_233 = arith.index_cast %parallel_loop3A_232 : i32 to index
        %parallel_loop3A_234 = arith.constant 0 : index
        %parallel_loop3A_235 = tpu.vector_load %arg11[%parallel_loop3A_233, %parallel_loop3A_234] {strides = array<i32>} : memref<80x128xf32, #tpu.memory_space<vmem>>, vector<1x16xf32>,
        %parallel_loop3A_236 = vector.shape_cast %parallel_loop3A_235 : vector<1x16xf32> to vector<16xf32>
        %parallel_loop3A_237 = arith.index_cast %parallel_loop3A_232 : i32 to index
        %parallel_loop3A_238 = arith.constant 0 : index
        %parallel_loop3A_239 = tpu.vector_load %arg13[%parallel_loop3A_237, %parallel_loop3A_238] {strides = array<i32>} : memref<80x128xf32, #tpu.memory_space<vmem>>, vector<1x16xf32>,
        %parallel_loop3A_240 = vector.shape_cast %parallel_loop3A_239 : vector<1x16xf32> to vector<16xf32>
        %parallel_loop3A_241 = arith.addf %parallel_loop3A_236, %parallel_loop3A_240 : vector<16xf32>
        %parallel_loop3A_242 = arith.constant 0.000000e+00 : f32
        %parallel_loop3A_243 = vector.broadcast %parallel_loop3A_242 : f32 to vector<16xf32>
        %parallel_loop3A_244 = arith.maximumf %parallel_loop3A_241, %parallel_loop3A_243 : vector<16xf32>
        %parallel_loop3A_245 = arith.index_cast %parallel_loop3A_232 : i32 to index
        %parallel_loop3A_246 = arith.constant 0 : index
        %parallel_loop3A_247 = tpu.vector_load %arg11[%parallel_loop3A_245, %parallel_loop3A_246] {strides = array<i32>} : memref<80x128xf32, #tpu.memory_space<vmem>>, vector<1x16xf32>,
        %parallel_loop3A_248 = vector.shape_cast %parallel_loop3A_247 : vector<1x16xf32> to vector<16xf32>
        %parallel_loop3A_249 = vector.shape_cast %parallel_loop3A_244 : vector<16xf32> to vector<1x16xf32>
        tpu.vector_store %arg11[%parallel_loop3A_245, %parallel_loop3A_246], %parallel_loop3A_249 {strides = array<i32>} : memref<80x128xf32, #tpu.memory_space<vmem>>, vector<1x16xf32>,
        %parallel_loop3A_250 = arith.index_cast %parallel_loop3A_232 : i32 to index
        %parallel_loop3A_251 = arith.constant 16 : index
        %parallel_loop3A_252 = tpu.vector_load %arg11[%parallel_loop3A_250, %parallel_loop3A_251] {strides = array<i32>} : memref<80x128xf32, #tpu.memory_space<vmem>>, vector<1x16xf32>,
        %parallel_loop3A_253 = vector.shape_cast %parallel_loop3A_252 : vector<1x16xf32> to vector<16xf32>
        %parallel_loop3A_254 = arith.index_cast %parallel_loop3A_232 : i32 to index
        %parallel_loop3A_255 = arith.constant 16 : index
        %parallel_loop3A_256 = tpu.vector_load %arg13[%parallel_loop3A_254, %parallel_loop3A_255] {strides = array<i32>} : memref<80x128xf32, #tpu.memory_space<vmem>>, vector<1x16xf32>,
        %parallel_loop3A_257 = vector.shape_cast %parallel_loop3A_256 : vector<1x16xf32> to vector<16xf32>
        %parallel_loop3A_258 = arith.addf %parallel_loop3A_253, %parallel_loop3A_257 : vector<16xf32>
        %parallel_loop3A_259 = arith.constant 0.000000e+00 : f32
        %parallel_loop3A_260 = vector.broadcast %parallel_loop3A_259 : f32 to vector<16xf32>
        %parallel_loop3A_261 = arith.maximumf %parallel_loop3A_258, %parallel_loop3A_260 : vector<16xf32>
        %parallel_loop3A_262 = arith.index_cast %parallel_loop3A_232 : i32 to index
        %parallel_loop3A_263 = arith.constant 16 : index
        %parallel_loop3A_264 = tpu.vector_load %arg11[%parallel_loop3A_262, %parallel_loop3A_263] {strides = array<i32>} : memref<80x128xf32, #tpu.memory_space<vmem>>, vector<1x16xf32>,
        %parallel_loop3A_265 = vector.shape_cast %parallel_loop3A_264 : vector<1x16xf32> to vector<16xf32>
        %parallel_loop3A_266 = vector.shape_cast %parallel_loop3A_261 : vector<16xf32> to vector<1x16xf32>
        tpu.vector_store %arg11[%parallel_loop3A_262, %parallel_loop3A_263], %parallel_loop3A_266 {strides = array<i32>} : memref<80x128xf32, #tpu.memory_space<vmem>>, vector<1x16xf32>,
        %parallel_loop3A_267 = arith.index_cast %parallel_loop3A_232 : i32 to index
        %parallel_loop3A_268 = arith.constant 32 : index
        %parallel_loop3A_269 = tpu.vector_load %arg11[%parallel_loop3A_267, %parallel_loop3A_268] {strides = array<i32>} : memref<80x128xf32, #tpu.memory_space<vmem>>, vector<1x16xf32>,
        %parallel_loop3A_270 = vector.shape_cast %parallel_loop3A_269 : vector<1x16xf32> to vector<16xf32>
        %parallel_loop3A_271 = arith.index_cast %parallel_loop3A_232 : i32 to index
        %parallel_loop3A_272 = arith.constant 32 : index
        %parallel_loop3A_273 = tpu.vector_load %arg13[%parallel_loop3A_271, %parallel_loop3A_272] {strides = array<i32>} : memref<80x128xf32, #tpu.memory_space<vmem>>, vector<1x16xf32>,
        %parallel_loop3A_274 = vector.shape_cast %parallel_loop3A_273 : vector<1x16xf32> to vector<16xf32>
        %parallel_loop3A_275 = arith.addf %parallel_loop3A_270, %parallel_loop3A_274 : vector<16xf32>
        %parallel_loop3A_276 = arith.constant 0.000000e+00 : f32
        %parallel_loop3A_277 = vector.broadcast %parallel_loop3A_276 : f32 to vector<16xf32>
        %parallel_loop3A_278 = arith.maximumf %parallel_loop3A_275, %parallel_loop3A_277 : vector<16xf32>
        %parallel_loop3A_279 = arith.index_cast %parallel_loop3A_232 : i32 to index
        %parallel_loop3A_280 = arith.constant 32 : index
        %parallel_loop3A_281 = tpu.vector_load %arg11[%parallel_loop3A_279, %parallel_loop3A_280] {strides = array<i32>} : memref<80x128xf32, #tpu.memory_space<vmem>>, vector<1x16xf32>,
        %parallel_loop3A_282 = vector.shape_cast %parallel_loop3A_281 : vector<1x16xf32> to vector<16xf32>
        %parallel_loop3A_283 = vector.shape_cast %parallel_loop3A_278 : vector<16xf32> to vector<1x16xf32>
        tpu.vector_store %arg11[%parallel_loop3A_279, %parallel_loop3A_280], %parallel_loop3A_283 {strides = array<i32>} : memref<80x128xf32, #tpu.memory_space<vmem>>, vector<1x16xf32>,
        %parallel_loop3A_284 = arith.index_cast %parallel_loop3A_232 : i32 to index
        %parallel_loop3A_285 = arith.constant 48 : index
        %parallel_loop3A_286 = tpu.vector_load %arg11[%parallel_loop3A_284, %parallel_loop3A_285] {strides = array<i32>} : memref<80x128xf32, #tpu.memory_space<vmem>>, vector<1x16xf32>,
        %parallel_loop3A_287 = vector.shape_cast %parallel_loop3A_286 : vector<1x16xf32> to vector<16xf32>
        %parallel_loop3A_288 = arith.index_cast %parallel_loop3A_232 : i32 to index
        %parallel_loop3A_289 = arith.constant 48 : index
        %parallel_loop3A_290 = tpu.vector_load %arg13[%parallel_loop3A_288, %parallel_loop3A_289] {strides = array<i32>} : memref<80x128xf32, #tpu.memory_space<vmem>>, vector<1x16xf32>,
        %parallel_loop3A_291 = vector.shape_cast %parallel_loop3A_290 : vector<1x16xf32> to vector<16xf32>
        %parallel_loop3A_292 = arith.addf %parallel_loop3A_287, %parallel_loop3A_291 : vector<16xf32>
        %parallel_loop3A_293 = arith.constant 0.000000e+00 : f32
        %parallel_loop3A_294 = vector.broadcast %parallel_loop3A_293 : f32 to vector<16xf32>
        %parallel_loop3A_295 = arith.maximumf %parallel_loop3A_292, %parallel_loop3A_294 : vector<16xf32>
        %parallel_loop3A_296 = arith.index_cast %parallel_loop3A_232 : i32 to index
        %parallel_loop3A_297 = arith.constant 48 : index
        %parallel_loop3A_298 = tpu.vector_load %arg11[%parallel_loop3A_296, %parallel_loop3A_297] {strides = array<i32>} : memref<80x128xf32, #tpu.memory_space<vmem>>, vector<1x16xf32>,
        %parallel_loop3A_299 = vector.shape_cast %parallel_loop3A_298 : vector<1x16xf32> to vector<16xf32>
        %parallel_loop3A_300 = vector.shape_cast %parallel_loop3A_295 : vector<16xf32> to vector<1x16xf32>
        tpu.vector_store %arg11[%parallel_loop3A_296, %parallel_loop3A_297], %parallel_loop3A_300 {strides = array<i32>} : memref<80x128xf32, #tpu.memory_space<vmem>>, vector<1x16xf32>,
        %parallel_loop3A_301 = arith.index_cast %parallel_loop3A_232 : i32 to index
        %parallel_loop3A_302 = arith.constant 64 : index
        %parallel_loop3A_303 = tpu.vector_load %arg11[%parallel_loop3A_301, %parallel_loop3A_302] {strides = array<i32>} : memref<80x128xf32, #tpu.memory_space<vmem>>, vector<1x16xf32>,
        %parallel_loop3A_304 = vector.shape_cast %parallel_loop3A_303 : vector<1x16xf32> to vector<16xf32>
        %parallel_loop3A_305 = arith.index_cast %parallel_loop3A_232 : i32 to index
        %parallel_loop3A_306 = arith.constant 64 : index
        %parallel_loop3A_307 = tpu.vector_load %arg13[%parallel_loop3A_305, %parallel_loop3A_306] {strides = array<i32>} : memref<80x128xf32, #tpu.memory_space<vmem>>, vector<1x16xf32>,
        %parallel_loop3A_308 = vector.shape_cast %parallel_loop3A_307 : vector<1x16xf32> to vector<16xf32>
        %parallel_loop3A_309 = arith.addf %parallel_loop3A_304, %parallel_loop3A_308 : vector<16xf32>
        %parallel_loop3A_310 = arith.constant 0.000000e+00 : f32
        %parallel_loop3A_311 = vector.broadcast %parallel_loop3A_310 : f32 to vector<16xf32>
        %parallel_loop3A_312 = arith.maximumf %parallel_loop3A_309, %parallel_loop3A_311 : vector<16xf32>
        %parallel_loop3A_313 = arith.index_cast %parallel_loop3A_232 : i32 to index
        %parallel_loop3A_314 = arith.constant 64 : index
        %parallel_loop3A_315 = tpu.vector_load %arg11[%parallel_loop3A_313, %parallel_loop3A_314] {strides = array<i32>} : memref<80x128xf32, #tpu.memory_space<vmem>>, vector<1x16xf32>,
        %parallel_loop3A_316 = vector.shape_cast %parallel_loop3A_315 : vector<1x16xf32> to vector<16xf32>
        %parallel_loop3A_317 = vector.shape_cast %parallel_loop3A_312 : vector<16xf32> to vector<1x16xf32>
        tpu.vector_store %arg11[%parallel_loop3A_313, %parallel_loop3A_314], %parallel_loop3A_317 {strides = array<i32>} : memref<80x128xf32, #tpu.memory_space<vmem>>, vector<1x16xf32>,
        %parallel_loop3A_318 = arith.index_cast %parallel_loop3A_232 : i32 to index
        %parallel_loop3A_319 = arith.constant 80 : index
        %parallel_loop3A_320 = tpu.vector_load %arg11[%parallel_loop3A_318, %parallel_loop3A_319] {strides = array<i32>} : memref<80x128xf32, #tpu.memory_space<vmem>>, vector<1x16xf32>,
        %parallel_loop3A_321 = vector.shape_cast %parallel_loop3A_320 : vector<1x16xf32> to vector<16xf32>
        %parallel_loop3A_322 = arith.index_cast %parallel_loop3A_232 : i32 to index
        %parallel_loop3A_323 = arith.constant 80 : index
        %parallel_loop3A_324 = tpu.vector_load %arg13[%parallel_loop3A_322, %parallel_loop3A_323] {strides = array<i32>} : memref<80x128xf32, #tpu.memory_space<vmem>>, vector<1x16xf32>,
        %parallel_loop3A_325 = vector.shape_cast %parallel_loop3A_324 : vector<1x16xf32> to vector<16xf32>
        %parallel_loop3A_326 = arith.addf %parallel_loop3A_321, %parallel_loop3A_325 : vector<16xf32>
        %parallel_loop3A_327 = arith.constant 0.000000e+00 : f32
        %parallel_loop3A_328 = vector.broadcast %parallel_loop3A_327 : f32 to vector<16xf32>
        %parallel_loop3A_329 = arith.maximumf %parallel_loop3A_326, %parallel_loop3A_328 : vector<16xf32>
        %parallel_loop3A_330 = arith.index_cast %parallel_loop3A_232 : i32 to index
        %parallel_loop3A_331 = arith.constant 80 : index
        %parallel_loop3A_332 = tpu.vector_load %arg11[%parallel_loop3A_330, %parallel_loop3A_331] {strides = array<i32>} : memref<80x128xf32, #tpu.memory_space<vmem>>, vector<1x16xf32>,
        %parallel_loop3A_333 = vector.shape_cast %parallel_loop3A_332 : vector<1x16xf32> to vector<16xf32>
        %parallel_loop3A_334 = vector.shape_cast %parallel_loop3A_329 : vector<16xf32> to vector<1x16xf32>
        tpu.vector_store %arg11[%parallel_loop3A_330, %parallel_loop3A_331], %parallel_loop3A_334 {strides = array<i32>} : memref<80x128xf32, #tpu.memory_space<vmem>>, vector<1x16xf32>,
        %parallel_loop3A_335 = arith.index_cast %parallel_loop3A_232 : i32 to index
        %parallel_loop3A_336 = arith.constant 96 : index
        %parallel_loop3A_337 = tpu.vector_load %arg11[%parallel_loop3A_335, %parallel_loop3A_336] {strides = array<i32>} : memref<80x128xf32, #tpu.memory_space<vmem>>, vector<1x16xf32>,
        %parallel_loop3A_338 = vector.shape_cast %parallel_loop3A_337 : vector<1x16xf32> to vector<16xf32>
        %parallel_loop3A_339 = arith.index_cast %parallel_loop3A_232 : i32 to index
        %parallel_loop3A_340 = arith.constant 96 : index
        %parallel_loop3A_341 = tpu.vector_load %arg13[%parallel_loop3A_339, %parallel_loop3A_340] {strides = array<i32>} : memref<80x128xf32, #tpu.memory_space<vmem>>, vector<1x16xf32>,
        %parallel_loop3A_342 = vector.shape_cast %parallel_loop3A_341 : vector<1x16xf32> to vector<16xf32>
        %parallel_loop3A_343 = arith.addf %parallel_loop3A_338, %parallel_loop3A_342 : vector<16xf32>
        %parallel_loop3A_344 = arith.constant 0.000000e+00 : f32
        %parallel_loop3A_345 = vector.broadcast %parallel_loop3A_344 : f32 to vector<16xf32>
        %parallel_loop3A_346 = arith.maximumf %parallel_loop3A_343, %parallel_loop3A_345 : vector<16xf32>
        %parallel_loop3A_347 = arith.index_cast %parallel_loop3A_232 : i32 to index
        %parallel_loop3A_348 = arith.constant 96 : index
        %parallel_loop3A_349 = tpu.vector_load %arg11[%parallel_loop3A_347, %parallel_loop3A_348] {strides = array<i32>} : memref<80x128xf32, #tpu.memory_space<vmem>>, vector<1x16xf32>,
        %parallel_loop3A_350 = vector.shape_cast %parallel_loop3A_349 : vector<1x16xf32> to vector<16xf32>
        %parallel_loop3A_351 = vector.shape_cast %parallel_loop3A_346 : vector<16xf32> to vector<1x16xf32>
        tpu.vector_store %arg11[%parallel_loop3A_347, %parallel_loop3A_348], %parallel_loop3A_351 {strides = array<i32>} : memref<80x128xf32, #tpu.memory_space<vmem>>, vector<1x16xf32>,
        %parallel_loop3A_352 = arith.index_cast %parallel_loop3A_232 : i32 to index
        %parallel_loop3A_353 = arith.constant 112 : index
        %parallel_loop3A_354 = tpu.vector_load %arg11[%parallel_loop3A_352, %parallel_loop3A_353] {strides = array<i32>} : memref<80x128xf32, #tpu.memory_space<vmem>>, vector<1x16xf32>,
        %parallel_loop3A_355 = vector.shape_cast %parallel_loop3A_354 : vector<1x16xf32> to vector<16xf32>
        %parallel_loop3A_356 = arith.index_cast %parallel_loop3A_232 : i32 to index
        %parallel_loop3A_357 = arith.constant 112 : index
        %parallel_loop3A_358 = tpu.vector_load %arg13[%parallel_loop3A_356, %parallel_loop3A_357] {strides = array<i32>} : memref<80x128xf32, #tpu.memory_space<vmem>>, vector<1x16xf32>,
        %parallel_loop3A_359 = vector.shape_cast %parallel_loop3A_358 : vector<1x16xf32> to vector<16xf32>
        %parallel_loop3A_360 = arith.addf %parallel_loop3A_355, %parallel_loop3A_359 : vector<16xf32>
        %parallel_loop3A_361 = arith.constant 0.000000e+00 : f32
        %parallel_loop3A_362 = vector.broadcast %parallel_loop3A_361 : f32 to vector<16xf32>
        %parallel_loop3A_363 = arith.maximumf %parallel_loop3A_360, %parallel_loop3A_362 : vector<16xf32>
        %parallel_loop3A_364 = arith.index_cast %parallel_loop3A_232 : i32 to index
        %parallel_loop3A_365 = arith.constant 112 : index
        %parallel_loop3A_366 = tpu.vector_load %arg11[%parallel_loop3A_364, %parallel_loop3A_365] {strides = array<i32>} : memref<80x128xf32, #tpu.memory_space<vmem>>, vector<1x16xf32>,
        %parallel_loop3A_367 = vector.shape_cast %parallel_loop3A_366 : vector<1x16xf32> to vector<16xf32>
        %parallel_loop3A_368 = vector.shape_cast %parallel_loop3A_363 : vector<16xf32> to vector<1x16xf32>
        tpu.vector_store %arg11[%parallel_loop3A_364, %parallel_loop3A_365], %parallel_loop3A_368 {strides = array<i32>} : memref<80x128xf32, #tpu.memory_space<vmem>>, vector<1x16xf32>,
      } {sc.loop_unroll_factor = 4 : i64, sc.parallel_access}
      %dma_start3A_222 = arith.constant 0 : i32
      %dma_start3A_223 = arith.constant 0 : i32
      %dma_start3A_224 = tpu.memref_slice %arg14[%dma_start3A_222, %dma_start3A_223] : memref<10000x128xf32, #tpu.memory_space<vmem_shared>> -> memref<10000x128xf32, #tpu.memory_space<vmem_shared>>
      tpu.enqueue_indirect_dma source(%arg11 : memref<80x128xf32, #tpu.memory_space<vmem>>) target(%dma_start3A_224 : memref<10000x128xf32, #tpu.memory_space<vmem_shared>>) offsets(%arg9 : memref<80xi32, #tpu.memory_space<vmem>>) semaphore(%arg22 : memref<!tpu.dma_semaphore, #tpu.memory_space<semaphore_mem>>) {add = true}
      %add3A_225 = arith.constant 2 : i32
      %add3A_226 = arith.addi %add3A_194, %add3A_225 : i32
      %lt3A_227 = arith.constant 125 : i32
      %lt3A_228 = arith.cmpi slt, %add3A_226, %lt3A_227 : i32
      %convert_element_type3A_229 = arith.extui %lt3A_228 : i1 to i32
      %cond3A_230 = arith.constant 0 : i32
      %cond3A_231 = arith.cmpi ne, %convert_element_type3A_229, %cond3A_230 : i32
      scf.if %cond3A_231 {
        %add3A_232 = arith.constant 2 : i32
        %add3A_233 = arith.addi %add3A_194, %add3A_232 : i32
        %mul3A_234 = arith.constant 10000 : i32
        %mul3A_235 = arith.muli %add3A, %mul3A_234 : i32
        %mul3A_236 = arith.constant 80 : i32
        %mul3A_237 = arith.muli %add3A_233, %mul3A_236 : i32
        %add3A_238 = arith.addi %mul3A_235, %mul3A_237 : i32
        %dma_start3A_239 = tpu.memref_slice %arg3[%add3A_238] : memref<320000xi32, #tpu.memory_space<hbm>> -> memref<80xi32, #tpu.memory_space<hbm>>
        %dma_start3A_240 = tpu.memref_slice %arg3[%add3A_238] : memref<320000xi32, #tpu.memory_space<hbm>> -> memref<80xi32, #tpu.memory_space<hbm>>
        tpu.enqueue_dma source(%dma_start3A_240 : memref<80xi32, #tpu.memory_space<hbm>>) target(%arg7 : memref<80xi32, #tpu.memory_space<vmem>>) target_semaphore(%arg16 : memref<!tpu.dma_semaphore, #tpu.memory_space<semaphore_mem>>)
      } else {
      }
    }
    %scan3A_125 = arith.constant 62 : i32
    %dma_wait3A_126 = arith.constant 0 : i32
    %dma_wait3A_127 = arith.constant 0 : i32
    %dma_wait3A_128 = tpu.memref_slice %arg2[%dma_wait3A_126, %dma_wait3A_127] : memref<10000x128xf32, #tpu.memory_space<hbm>> -> memref<10000x128xf32, #tpu.memory_space<hbm>>
    tpu.wait_indirect_dma semaphore(%arg17 : memref<!tpu.dma_semaphore, #tpu.memory_space<semaphore_mem>>) src(%dma_wait3A_128 : memref<10000x128xf32, #tpu.memory_space<hbm>>) dst(%arg10 : memref<80x128xf32, #tpu.memory_space<vmem>>)
    %mul3A_129 = arith.constant 10000 : i32
    %mul3A_130 = arith.muli %add3A, %mul3A_129 : i32
    %add3A_131 = arith.constant 9920 : i32
    %add3A_132 = arith.addi %mul3A_130, %add3A_131 : i32
    %dma_wait3A_133 = arith.constant 0 : i32
    %dma_wait3A_134 = tpu.memref_slice %arg4[%add3A_132, %dma_wait3A_133] : memref<320000x128xf32, #tpu.memory_space<hbm>> -> memref<80x128xf32, #tpu.memory_space<hbm>>
    %dma_wait3A_135 = arith.constant 0 : i32
    %dma_wait3A_136 = tpu.memref_slice %arg4[%add3A_132, %dma_wait3A_135] : memref<320000x128xf32, #tpu.memory_space<hbm>> -> memref<80x128xf32, #tpu.memory_space<hbm>>
    tpu.wait_dma2 semaphore(%arg19 : memref<!tpu.dma_semaphore, #tpu.memory_space<semaphore_mem>>) src(%dma_wait3A_136 : memref<80x128xf32, #tpu.memory_space<hbm>>) dst(%arg12 : memref<80x128xf32, #tpu.memory_space<vmem>>)
    %dma_wait3A_137 = arith.constant 0 : i32
    %dma_wait3A_138 = arith.constant 0 : i32
    %dma_wait3A_139 = tpu.memref_slice %arg14[%dma_wait3A_137, %dma_wait3A_138] : memref<10000x128xf32, #tpu.memory_space<vmem_shared>> -> memref<10000x128xf32, #tpu.memory_space<vmem_shared>>
    tpu.wait_indirect_dma semaphore(%arg22 : memref<!tpu.dma_semaphore, #tpu.memory_space<semaphore_mem>>) src(%arg11 : memref<80x128xf32, #tpu.memory_space<vmem>>) dst(%dma_wait3A_139 : memref<10000x128xf32, #tpu.memory_space<vmem_shared>>)
    %parallel_loop3A = arith.constant 0 : i32
    %parallel_loop3A_140 = arith.constant 80 : i32
    %parallel_loop3A_141 = arith.constant 1 : i32
    scf.for %parallel_loop3A_155 = %parallel_loop3A to %parallel_loop3A_140 step %parallel_loop3A_141  : i32 {
      %parallel_loop3A_156 = arith.index_cast %parallel_loop3A_155 : i32 to index
      %parallel_loop3A_157 = arith.constant 0 : index
      %parallel_loop3A_158 = tpu.vector_load %arg10[%parallel_loop3A_156, %parallel_loop3A_157] {strides = array<i32>} : memref<80x128xf32, #tpu.memory_space<vmem>>, vector<1x16xf32>,
      %parallel_loop3A_159 = vector.shape_cast %parallel_loop3A_158 : vector<1x16xf32> to vector<16xf32>
      %parallel_loop3A_160 = arith.index_cast %parallel_loop3A_155 : i32 to index
      %parallel_loop3A_161 = arith.constant 0 : index
      %parallel_loop3A_162 = tpu.vector_load %arg12[%parallel_loop3A_160, %parallel_loop3A_161] {strides = array<i32>} : memref<80x128xf32, #tpu.memory_space<vmem>>, vector<1x16xf32>,
      %parallel_loop3A_163 = vector.shape_cast %parallel_loop3A_162 : vector<1x16xf32> to vector<16xf32>
      %parallel_loop3A_164 = arith.addf %parallel_loop3A_159, %parallel_loop3A_163 : vector<16xf32>
      %parallel_loop3A_165 = arith.constant 0.000000e+00 : f32
      %parallel_loop3A_166 = vector.broadcast %parallel_loop3A_165 : f32 to vector<16xf32>
      %parallel_loop3A_167 = arith.maximumf %parallel_loop3A_164, %parallel_loop3A_166 : vector<16xf32>
      %parallel_loop3A_168 = arith.index_cast %parallel_loop3A_155 : i32 to index
      %parallel_loop3A_169 = arith.constant 0 : index
      %parallel_loop3A_170 = tpu.vector_load %arg10[%parallel_loop3A_168, %parallel_loop3A_169] {strides = array<i32>} : memref<80x128xf32, #tpu.memory_space<vmem>>, vector<1x16xf32>,
      %parallel_loop3A_171 = vector.shape_cast %parallel_loop3A_170 : vector<1x16xf32> to vector<16xf32>
      %parallel_loop3A_172 = vector.shape_cast %parallel_loop3A_167 : vector<16xf32> to vector<1x16xf32>
      tpu.vector_store %arg10[%parallel_loop3A_168, %parallel_loop3A_169], %parallel_loop3A_172 {strides = array<i32>} : memref<80x128xf32, #tpu.memory_space<vmem>>, vector<1x16xf32>,
      %parallel_loop3A_173 = arith.index_cast %parallel_loop3A_155 : i32 to index
      %parallel_loop3A_174 = arith.constant 16 : index
      %parallel_loop3A_175 = tpu.vector_load %arg10[%parallel_loop3A_173, %parallel_loop3A_174] {strides = array<i32>} : memref<80x128xf32, #tpu.memory_space<vmem>>, vector<1x16xf32>,
      %parallel_loop3A_176 = vector.shape_cast %parallel_loop3A_175 : vector<1x16xf32> to vector<16xf32>
      %parallel_loop3A_177 = arith.index_cast %parallel_loop3A_155 : i32 to index
      %parallel_loop3A_178 = arith.constant 16 : index
      %parallel_loop3A_179 = tpu.vector_load %arg12[%parallel_loop3A_177, %parallel_loop3A_178] {strides = array<i32>} : memref<80x128xf32, #tpu.memory_space<vmem>>, vector<1x16xf32>,
      %parallel_loop3A_180 = vector.shape_cast %parallel_loop3A_179 : vector<1x16xf32> to vector<16xf32>
      %parallel_loop3A_181 = arith.addf %parallel_loop3A_176, %parallel_loop3A_180 : vector<16xf32>
      %parallel_loop3A_182 = arith.constant 0.000000e+00 : f32
      %parallel_loop3A_183 = vector.broadcast %parallel_loop3A_182 : f32 to vector<16xf32>
      %parallel_loop3A_184 = arith.maximumf %parallel_loop3A_181, %parallel_loop3A_183 : vector<16xf32>
      %parallel_loop3A_185 = arith.index_cast %parallel_loop3A_155 : i32 to index
      %parallel_loop3A_186 = arith.constant 16 : index
      %parallel_loop3A_187 = tpu.vector_load %arg10[%parallel_loop3A_185, %parallel_loop3A_186] {strides = array<i32>} : memref<80x128xf32, #tpu.memory_space<vmem>>, vector<1x16xf32>,
      %parallel_loop3A_188 = vector.shape_cast %parallel_loop3A_187 : vector<1x16xf32> to vector<16xf32>
      %parallel_loop3A_189 = vector.shape_cast %parallel_loop3A_184 : vector<16xf32> to vector<1x16xf32>
      tpu.vector_store %arg10[%parallel_loop3A_185, %parallel_loop3A_186], %parallel_loop3A_189 {strides = array<i32>} : memref<80x128xf32, #tpu.memory_space<vmem>>, vector<1x16xf32>,
      %parallel_loop3A_190 = arith.index_cast %parallel_loop3A_155 : i32 to index
      %parallel_loop3A_191 = arith.constant 32 : index
      %parallel_loop3A_192 = tpu.vector_load %arg10[%parallel_loop3A_190, %parallel_loop3A_191] {strides = array<i32>} : memref<80x128xf32, #tpu.memory_space<vmem>>, vector<1x16xf32>,
      %parallel_loop3A_193 = vector.shape_cast %parallel_loop3A_192 : vector<1x16xf32> to vector<16xf32>
      %parallel_loop3A_194 = arith.index_cast %parallel_loop3A_155 : i32 to index
      %parallel_loop3A_195 = arith.constant 32 : index
      %parallel_loop3A_196 = tpu.vector_load %arg12[%parallel_loop3A_194, %parallel_loop3A_195] {strides = array<i32>} : memref<80x128xf32, #tpu.memory_space<vmem>>, vector<1x16xf32>,
      %parallel_loop3A_197 = vector.shape_cast %parallel_loop3A_196 : vector<1x16xf32> to vector<16xf32>
      %parallel_loop3A_198 = arith.addf %parallel_loop3A_193, %parallel_loop3A_197 : vector<16xf32>
      %parallel_loop3A_199 = arith.constant 0.000000e+00 : f32
      %parallel_loop3A_200 = vector.broadcast %parallel_loop3A_199 : f32 to vector<16xf32>
      %parallel_loop3A_201 = arith.maximumf %parallel_loop3A_198, %parallel_loop3A_200 : vector<16xf32>
      %parallel_loop3A_202 = arith.index_cast %parallel_loop3A_155 : i32 to index
      %parallel_loop3A_203 = arith.constant 32 : index
      %parallel_loop3A_204 = tpu.vector_load %arg10[%parallel_loop3A_202, %parallel_loop3A_203] {strides = array<i32>} : memref<80x128xf32, #tpu.memory_space<vmem>>, vector<1x16xf32>,
      %parallel_loop3A_205 = vector.shape_cast %parallel_loop3A_204 : vector<1x16xf32> to vector<16xf32>
      %parallel_loop3A_206 = vector.shape_cast %parallel_loop3A_201 : vector<16xf32> to vector<1x16xf32>
      tpu.vector_store %arg10[%parallel_loop3A_202, %parallel_loop3A_203], %parallel_loop3A_206 {strides = array<i32>} : memref<80x128xf32, #tpu.memory_space<vmem>>, vector<1x16xf32>,
      %parallel_loop3A_207 = arith.index_cast %parallel_loop3A_155 : i32 to index
      %parallel_loop3A_208 = arith.constant 48 : index
      %parallel_loop3A_209 = tpu.vector_load %arg10[%parallel_loop3A_207, %parallel_loop3A_208] {strides = array<i32>} : memref<80x128xf32, #tpu.memory_space<vmem>>, vector<1x16xf32>,
      %parallel_loop3A_210 = vector.shape_cast %parallel_loop3A_209 : vector<1x16xf32> to vector<16xf32>
      %parallel_loop3A_211 = arith.index_cast %parallel_loop3A_155 : i32 to index
      %parallel_loop3A_212 = arith.constant 48 : index
      %parallel_loop3A_213 = tpu.vector_load %arg12[%parallel_loop3A_211, %parallel_loop3A_212] {strides = array<i32>} : memref<80x128xf32, #tpu.memory_space<vmem>>, vector<1x16xf32>,
      %parallel_loop3A_214 = vector.shape_cast %parallel_loop3A_213 : vector<1x16xf32> to vector<16xf32>
      %parallel_loop3A_215 = arith.addf %parallel_loop3A_210, %parallel_loop3A_214 : vector<16xf32>
      %parallel_loop3A_216 = arith.constant 0.000000e+00 : f32
      %parallel_loop3A_217 = vector.broadcast %parallel_loop3A_216 : f32 to vector<16xf32>
      %parallel_loop3A_218 = arith.maximumf %parallel_loop3A_215, %parallel_loop3A_217 : vector<16xf32>
      %parallel_loop3A_219 = arith.index_cast %parallel_loop3A_155 : i32 to index
      %parallel_loop3A_220 = arith.constant 48 : index
      %parallel_loop3A_221 = tpu.vector_load %arg10[%parallel_loop3A_219, %parallel_loop3A_220] {strides = array<i32>} : memref<80x128xf32, #tpu.memory_space<vmem>>, vector<1x16xf32>,
      %parallel_loop3A_222 = vector.shape_cast %parallel_loop3A_221 : vector<1x16xf32> to vector<16xf32>
      %parallel_loop3A_223 = vector.shape_cast %parallel_loop3A_218 : vector<16xf32> to vector<1x16xf32>
      tpu.vector_store %arg10[%parallel_loop3A_219, %parallel_loop3A_220], %parallel_loop3A_223 {strides = array<i32>} : memref<80x128xf32, #tpu.memory_space<vmem>>, vector<1x16xf32>,
      %parallel_loop3A_224 = arith.index_cast %parallel_loop3A_155 : i32 to index
      %parallel_loop3A_225 = arith.constant 64 : index
      %parallel_loop3A_226 = tpu.vector_load %arg10[%parallel_loop3A_224, %parallel_loop3A_225] {strides = array<i32>} : memref<80x128xf32, #tpu.memory_space<vmem>>, vector<1x16xf32>,
      %parallel_loop3A_227 = vector.shape_cast %parallel_loop3A_226 : vector<1x16xf32> to vector<16xf32>
      %parallel_loop3A_228 = arith.index_cast %parallel_loop3A_155 : i32 to index
      %parallel_loop3A_229 = arith.constant 64 : index
      %parallel_loop3A_230 = tpu.vector_load %arg12[%parallel_loop3A_228, %parallel_loop3A_229] {strides = array<i32>} : memref<80x128xf32, #tpu.memory_space<vmem>>, vector<1x16xf32>,
      %parallel_loop3A_231 = vector.shape_cast %parallel_loop3A_230 : vector<1x16xf32> to vector<16xf32>
      %parallel_loop3A_232 = arith.addf %parallel_loop3A_227, %parallel_loop3A_231 : vector<16xf32>
      %parallel_loop3A_233 = arith.constant 0.000000e+00 : f32
      %parallel_loop3A_234 = vector.broadcast %parallel_loop3A_233 : f32 to vector<16xf32>
      %parallel_loop3A_235 = arith.maximumf %parallel_loop3A_232, %parallel_loop3A_234 : vector<16xf32>
      %parallel_loop3A_236 = arith.index_cast %parallel_loop3A_155 : i32 to index
      %parallel_loop3A_237 = arith.constant 64 : index
      %parallel_loop3A_238 = tpu.vector_load %arg10[%parallel_loop3A_236, %parallel_loop3A_237] {strides = array<i32>} : memref<80x128xf32, #tpu.memory_space<vmem>>, vector<1x16xf32>,
      %parallel_loop3A_239 = vector.shape_cast %parallel_loop3A_238 : vector<1x16xf32> to vector<16xf32>
      %parallel_loop3A_240 = vector.shape_cast %parallel_loop3A_235 : vector<16xf32> to vector<1x16xf32>
      tpu.vector_store %arg10[%parallel_loop3A_236, %parallel_loop3A_237], %parallel_loop3A_240 {strides = array<i32>} : memref<80x128xf32, #tpu.memory_space<vmem>>, vector<1x16xf32>,
      %parallel_loop3A_241 = arith.index_cast %parallel_loop3A_155 : i32 to index
      %parallel_loop3A_242 = arith.constant 80 : index
      %parallel_loop3A_243 = tpu.vector_load %arg10[%parallel_loop3A_241, %parallel_loop3A_242] {strides = array<i32>} : memref<80x128xf32, #tpu.memory_space<vmem>>, vector<1x16xf32>,
      %parallel_loop3A_244 = vector.shape_cast %parallel_loop3A_243 : vector<1x16xf32> to vector<16xf32>
      %parallel_loop3A_245 = arith.index_cast %parallel_loop3A_155 : i32 to index
      %parallel_loop3A_246 = arith.constant 80 : index
      %parallel_loop3A_247 = tpu.vector_load %arg12[%parallel_loop3A_245, %parallel_loop3A_246] {strides = array<i32>} : memref<80x128xf32, #tpu.memory_space<vmem>>, vector<1x16xf32>,
      %parallel_loop3A_248 = vector.shape_cast %parallel_loop3A_247 : vector<1x16xf32> to vector<16xf32>
      %parallel_loop3A_249 = arith.addf %parallel_loop3A_244, %parallel_loop3A_248 : vector<16xf32>
      %parallel_loop3A_250 = arith.constant 0.000000e+00 : f32
      %parallel_loop3A_251 = vector.broadcast %parallel_loop3A_250 : f32 to vector<16xf32>
      %parallel_loop3A_252 = arith.maximumf %parallel_loop3A_249, %parallel_loop3A_251 : vector<16xf32>
      %parallel_loop3A_253 = arith.index_cast %parallel_loop3A_155 : i32 to index
      %parallel_loop3A_254 = arith.constant 80 : index
      %parallel_loop3A_255 = tpu.vector_load %arg10[%parallel_loop3A_253, %parallel_loop3A_254] {strides = array<i32>} : memref<80x128xf32, #tpu.memory_space<vmem>>, vector<1x16xf32>,
      %parallel_loop3A_256 = vector.shape_cast %parallel_loop3A_255 : vector<1x16xf32> to vector<16xf32>
      %parallel_loop3A_257 = vector.shape_cast %parallel_loop3A_252 : vector<16xf32> to vector<1x16xf32>
      tpu.vector_store %arg10[%parallel_loop3A_253, %parallel_loop3A_254], %parallel_loop3A_257 {strides = array<i32>} : memref<80x128xf32, #tpu.memory_space<vmem>>, vector<1x16xf32>,
      %parallel_loop3A_258 = arith.index_cast %parallel_loop3A_155 : i32 to index
      %parallel_loop3A_259 = arith.constant 96 : index
      %parallel_loop3A_260 = tpu.vector_load %arg10[%parallel_loop3A_258, %parallel_loop3A_259] {strides = array<i32>} : memref<80x128xf32, #tpu.memory_space<vmem>>, vector<1x16xf32>,
      %parallel_loop3A_261 = vector.shape_cast %parallel_loop3A_260 : vector<1x16xf32> to vector<16xf32>
      %parallel_loop3A_262 = arith.index_cast %parallel_loop3A_155 : i32 to index
      %parallel_loop3A_263 = arith.constant 96 : index
      %parallel_loop3A_264 = tpu.vector_load %arg12[%parallel_loop3A_262, %parallel_loop3A_263] {strides = array<i32>} : memref<80x128xf32, #tpu.memory_space<vmem>>, vector<1x16xf32>,
      %parallel_loop3A_265 = vector.shape_cast %parallel_loop3A_264 : vector<1x16xf32> to vector<16xf32>
      %parallel_loop3A_266 = arith.addf %parallel_loop3A_261, %parallel_loop3A_265 : vector<16xf32>
      %parallel_loop3A_267 = arith.constant 0.000000e+00 : f32
      %parallel_loop3A_268 = vector.broadcast %parallel_loop3A_267 : f32 to vector<16xf32>
      %parallel_loop3A_269 = arith.maximumf %parallel_loop3A_266, %parallel_loop3A_268 : vector<16xf32>
      %parallel_loop3A_270 = arith.index_cast %parallel_loop3A_155 : i32 to index
      %parallel_loop3A_271 = arith.constant 96 : index
      %parallel_loop3A_272 = tpu.vector_load %arg10[%parallel_loop3A_270, %parallel_loop3A_271] {strides = array<i32>} : memref<80x128xf32, #tpu.memory_space<vmem>>, vector<1x16xf32>,
      %parallel_loop3A_273 = vector.shape_cast %parallel_loop3A_272 : vector<1x16xf32> to vector<16xf32>
      %parallel_loop3A_274 = vector.shape_cast %parallel_loop3A_269 : vector<16xf32> to vector<1x16xf32>
      tpu.vector_store %arg10[%parallel_loop3A_270, %parallel_loop3A_271], %parallel_loop3A_274 {strides = array<i32>} : memref<80x128xf32, #tpu.memory_space<vmem>>, vector<1x16xf32>,
      %parallel_loop3A_275 = arith.index_cast %parallel_loop3A_155 : i32 to index
      %parallel_loop3A_276 = arith.constant 112 : index
      %parallel_loop3A_277 = tpu.vector_load %arg10[%parallel_loop3A_275, %parallel_loop3A_276] {strides = array<i32>} : memref<80x128xf32, #tpu.memory_space<vmem>>, vector<1x16xf32>,
      %parallel_loop3A_278 = vector.shape_cast %parallel_loop3A_277 : vector<1x16xf32> to vector<16xf32>
      %parallel_loop3A_279 = arith.index_cast %parallel_loop3A_155 : i32 to index
      %parallel_loop3A_280 = arith.constant 112 : index
      %parallel_loop3A_281 = tpu.vector_load %arg12[%parallel_loop3A_279, %parallel_loop3A_280] {strides = array<i32>} : memref<80x128xf32, #tpu.memory_space<vmem>>, vector<1x16xf32>,
      %parallel_loop3A_282 = vector.shape_cast %parallel_loop3A_281 : vector<1x16xf32> to vector<16xf32>
      %parallel_loop3A_283 = arith.addf %parallel_loop3A_278, %parallel_loop3A_282 : vector<16xf32>
      %parallel_loop3A_284 = arith.constant 0.000000e+00 : f32
      %parallel_loop3A_285 = vector.broadcast %parallel_loop3A_284 : f32 to vector<16xf32>
      %parallel_loop3A_286 = arith.maximumf %parallel_loop3A_283, %parallel_loop3A_285 : vector<16xf32>
      %parallel_loop3A_287 = arith.index_cast %parallel_loop3A_155 : i32 to index
      %parallel_loop3A_288 = arith.constant 112 : index
      %parallel_loop3A_289 = tpu.vector_load %arg10[%parallel_loop3A_287, %parallel_loop3A_288] {strides = array<i32>} : memref<80x128xf32, #tpu.memory_space<vmem>>, vector<1x16xf32>,
      %parallel_loop3A_290 = vector.shape_cast %parallel_loop3A_289 : vector<1x16xf32> to vector<16xf32>
      %parallel_loop3A_291 = vector.shape_cast %parallel_loop3A_286 : vector<16xf32> to vector<1x16xf32>
      tpu.vector_store %arg10[%parallel_loop3A_287, %parallel_loop3A_288], %parallel_loop3A_291 {strides = array<i32>} : memref<80x128xf32, #tpu.memory_space<vmem>>, vector<1x16xf32>,
    } {sc.loop_unroll_factor = 4 : i64, sc.parallel_access}
    %dma_start3A_142 = arith.constant 0 : i32
    %dma_start3A_143 = arith.constant 0 : i32
    %dma_start3A_144 = tpu.memref_slice %arg14[%dma_start3A_142, %dma_start3A_143] : memref<10000x128xf32, #tpu.memory_space<vmem_shared>> -> memref<10000x128xf32, #tpu.memory_space<vmem_shared>>
    tpu.enqueue_indirect_dma source(%arg10 : memref<80x128xf32, #tpu.memory_space<vmem>>) target(%dma_start3A_144 : memref<10000x128xf32, #tpu.memory_space<vmem_shared>>) offsets(%arg8 : memref<80xi32, #tpu.memory_space<vmem>>) semaphore(%arg21 : memref<!tpu.dma_semaphore, #tpu.memory_space<semaphore_mem>>) {add = true}
    %dma_wait3A_145 = arith.constant 0 : i32
    %dma_wait3A_146 = arith.constant 0 : i32
    %dma_wait3A_147 = tpu.memref_slice %arg14[%dma_wait3A_145, %dma_wait3A_146] : memref<10000x128xf32, #tpu.memory_space<vmem_shared>> -> memref<10000x128xf32, #tpu.memory_space<vmem_shared>>
    tpu.wait_indirect_dma semaphore(%arg21 : memref<!tpu.dma_semaphore, #tpu.memory_space<semaphore_mem>>) src(%arg10 : memref<80x128xf32, #tpu.memory_space<vmem>>) dst(%dma_wait3A_147 : memref<10000x128xf32, #tpu.memory_space<vmem_shared>>)
    %barrier3A_148 = arith.constant 0 : index
    tpu.barrier barrier_id(%barrier3A_148)
    %scan3A_149 = arith.constant 0 : i32
    %scan3A_150 = arith.constant 0 : i32
    %scan3A_151 = arith.constant 8 : i32
    %scan3A_152 = arith.addi %scan3A_150, %scan3A_151 : i32
    %scan3A_153 = arith.constant 1 : i32
    scf.for %scan3A_155 = %scan3A_150 to %scan3A_152 step %scan3A_153  : i32 {
      %mul3A_156 = arith.constant 16 : i32
      %mul3A_157 = arith.muli %mul3A_156, %scan3A_155 : i32
      %add3A_158 = arith.addi %arg1, %mul3A_157 : i32
      %lt3A = arith.constant 125 : i32
      %lt3A_159 = arith.cmpi slt, %add3A_158, %lt3A : i32
      %convert_element_type3A = arith.extui %lt3A_159 : i1 to i32
      %cond3A = arith.constant 0 : i32
      %cond3A_160 = arith.cmpi ne, %convert_element_type3A, %cond3A : i32
      scf.if %cond3A_160 {
        %mul3A_161 = arith.constant 80 : i32
        %mul3A_162 = arith.muli %add3A_158, %mul3A_161 : i32
        "tpu.region"() ({
          %run_scoped3A = tpu.sem_alloc : memref<!tpu.dma_semaphore, #tpu.memory_space<semaphore_mem>>
          %dma_start3A_163 = arith.constant 0 : i32
          %dma_start3A_164 = tpu.memref_slice %arg5[%arg0, %mul3A_162, %dma_start3A_163] : memref<2x10000x128xf32, #tpu.memory_space<hbm>> -> memref<1x80x128xf32, #tpu.memory_space<hbm>>
          %dma_start3A_165 = tpu.memref_squeeze %dma_start3A_164 : memref<1x80x128xf32, #tpu.memory_space<hbm>> -> memref<80x128xf32, #tpu.memory_space<hbm>>
          %dma_start3A_166 = arith.constant 0 : i32
          %dma_start3A_167 = tpu.memref_slice %arg14[%mul3A_162, %dma_start3A_166] : memref<10000x128xf32, #tpu.memory_space<vmem_shared>> -> memref<80x128xf32, #tpu.memory_space<vmem_shared>>
          tpu.enqueue_dma source(%dma_start3A_167 : memref<80x128xf32, #tpu.memory_space<vmem_shared>>) target(%dma_start3A_165 : memref<80x128xf32, #tpu.memory_space<hbm>>) target_semaphore(%run_scoped3A : memref<!tpu.dma_semaphore, #tpu.memory_space<semaphore_mem>>)
          %dma_wait3A_168 = arith.constant 0 : i32
          %dma_wait3A_169 = tpu.memref_slice %arg5[%arg0, %mul3A_162, %dma_wait3A_168] : memref<2x10000x128xf32, #tpu.memory_space<hbm>> -> memref<1x80x128xf32, #tpu.memory_space<hbm>>
          %dma_wait3A_170 = tpu.memref_squeeze %dma_wait3A_169 : memref<1x80x128xf32, #tpu.memory_space<hbm>> -> memref<80x128xf32, #tpu.memory_space<hbm>>
          %dma_wait3A_171 = arith.constant 0 : i32
          %dma_wait3A_172 = tpu.memref_slice %arg14[%mul3A_162, %dma_wait3A_171] : memref<10000x128xf32, #tpu.memory_space<vmem_shared>> -> memref<80x128xf32, #tpu.memory_space<vmem_shared>>
          tpu.wait_dma2 semaphore(%run_scoped3A : memref<!tpu.dma_semaphore, #tpu.memory_space<semaphore_mem>>) src(%dma_wait3A_172 : memref<80x128xf32, #tpu.memory_space<vmem_shared>>) dst(%dma_wait3A_170 : memref<80x128xf32, #tpu.memory_space<hbm>>)
          tpu.yield
        }) : () -> ()
      } else {
      }
    }
    %scan3A_154 = arith.constant 8 : i32
    return
  }
}

module attributes {stable_mosaic.version = 14 : i64} {
  func.func @body(%arg0: memref<10000x92xf32, #tpu.memory_space<vmem>>, %arg1: memref<92x128xf32, #tpu.memory_space<vmem>>, %arg2: memref<1x128xf32, #tpu.memory_space<vmem>>, %arg3: memref<10000x128xf32, #tpu.memory_space<vmem>>) attributes {dimension_semantics = [], scalar_prefetch = 0 : i64, scratch_operands = 0 : i64, tpu.core_type = #tpu.core_type<tc>} {
    %get3A = arith.constant 0 : index
    %get3A_0 = arith.constant 0 : index
    %get3A_1 = vector.load %arg0[%get3A, %get3A_0] : memref<10000x92xf32, #tpu.memory_space<vmem>>, vector<10000x92xf32>
    %get3A_2 = arith.constant 0 : index
    %get3A_3 = arith.constant 0 : index
    %get3A_4 = vector.load %arg1[%get3A_2, %get3A_3] : memref<92x128xf32, #tpu.memory_space<vmem>>, vector<92x128xf32>
    %dot_general3A = arith.constant dense<0.000000e+00> : vector<10000x128xf32>
    %dot_general3A_5 = tpu.matmul %get3A_1, %get3A_4, %dot_general3A {dimension_numbers = #tpu.dot_dimension_numbers<[1], [0], [0], [1], [0, 0, 1, 1], [], []>, transpose_lhs_hint = false} : vector<10000x92xf32>, vector<92x128xf32>, vector<10000x128xf32> -> vector<10000x128xf32>
    %get3A_6 = arith.constant 0 : index
    %get3A_7 = arith.constant 0 : index
    %get3A_8 = vector.load %arg2[%get3A_6, %get3A_7] : memref<1x128xf32, #tpu.memory_space<vmem>>, vector<1x128xf32>
    %add3A = vector.broadcast %get3A_8 : vector<1x128xf32> to vector<10000x128xf32>
    %add3A_9 = arith.addf %dot_general3A_5, %add3A : vector<10000x128xf32>
    %swap3A = arith.constant 0 : index
    %swap3A_10 = arith.constant 0 : index
    %swap3A_11 = vector.load %arg3[%swap3A, %swap3A_10] : memref<10000x128xf32, #tpu.memory_space<vmem>>, vector<10000x128xf32>
    tpu.vector_store %arg3[%swap3A, %swap3A_10], %add3A_9 {strides = array<i32>} : memref<10000x128xf32, #tpu.memory_space<vmem>>, vector<10000x128xf32>,
    return
  }
}

module attributes {stable_mosaic.version = 14 : i64} {
  func.func @body(%arg0: i32, %arg1: memref<8000x50xf32, #tpu.memory_space<vmem>>, %arg2: memref<2x50x128xf32, #tpu.memory_space<vmem>>, %arg3: memref<2x1x128xf32, #tpu.memory_space<vmem>>, %arg4: memref<8000x128xf32, #tpu.memory_space<vmem>>, %arg5: memref<8000x128xf32, #tpu.memory_space<vmem>>) attributes {dimension_semantics = [#tpu.dimension_semantics<arbitrary>], iteration_bounds = array<i64: 40>, scalar_prefetch = 0 : i64, scratch_operands = 0 : i64, tpu.core_type = #tpu.core_type<tc>, window_params = [{transform_indices = @transform_0, window_bounds = array<i64: 8000, 50>}, {pipeline_mode = #tpu.pipeline_mode<synchronous>, transform_indices = @transform_1, window_bounds = array<i64: 2, 50, 128>}, {pipeline_mode = #tpu.pipeline_mode<synchronous>, transform_indices = @transform_2, window_bounds = array<i64: 2, 1, 128>}, {transform_indices = @transform_3, window_bounds = array<i64: 8000, 128>}, {transform_indices = @transform_4, window_bounds = array<i64: 8000, 128>}]} {
    %get3A = arith.constant 0 : index
    %get3A_0 = arith.constant 0 : index
    %get3A_1 = vector.load %arg1[%get3A, %get3A_0] : memref<8000x50xf32, #tpu.memory_space<vmem>>, vector<8000x50xf32>
    %get3A_2 = arith.constant 0 : index
    %get3A_3 = arith.constant 0 : index
    %get3A_4 = arith.constant 0 : index
    %get3A_5 = vector.load %arg2[%get3A_2, %get3A_3, %get3A_4] : memref<2x50x128xf32, #tpu.memory_space<vmem>>, vector<1x50x128xf32>
    %get3A_6 = vector.shape_cast %get3A_5 : vector<1x50x128xf32> to vector<50x128xf32>
    %dot_general3A = arith.constant dense<0.000000e+00> : vector<8000x128xf32>
    %dot_general3A_7 = tpu.matmul %get3A_1, %get3A_6, %dot_general3A {dimension_numbers = #tpu.dot_dimension_numbers<[1], [0], [0], [1], [0, 0, 1, 1], [], []>, transpose_lhs_hint = false} : vector<8000x50xf32>, vector<50x128xf32>, vector<8000x128xf32> -> vector<8000x128xf32>
    %get3A_8 = arith.constant 0 : index
    %get3A_9 = arith.constant 0 : index
    %get3A_10 = arith.constant 0 : index
    %get3A_11 = vector.load %arg3[%get3A_8, %get3A_9, %get3A_10] : memref<2x1x128xf32, #tpu.memory_space<vmem>>, vector<1x1x128xf32>
    %get3A_12 = vector.shape_cast %get3A_11 : vector<1x1x128xf32> to vector<1x128xf32>
    %add3A = vector.broadcast %get3A_12 : vector<1x128xf32> to vector<8000x128xf32>
    %add3A_13 = arith.addf %dot_general3A_7, %add3A : vector<8000x128xf32>
    %swap3A = arith.constant 0 : index
    %swap3A_14 = arith.constant 0 : index
    %swap3A_15 = vector.load %arg4[%swap3A, %swap3A_14] : memref<8000x128xf32, #tpu.memory_space<vmem>>, vector<8000x128xf32>
    tpu.vector_store %arg4[%swap3A, %swap3A_14], %add3A_13 {strides = array<i32>} : memref<8000x128xf32, #tpu.memory_space<vmem>>, vector<8000x128xf32>,
    %get3A_16 = arith.constant 1 : index
    %get3A_17 = arith.constant 0 : index
    %get3A_18 = arith.constant 0 : index
    %get3A_19 = vector.load %arg2[%get3A_16, %get3A_17, %get3A_18] : memref<2x50x128xf32, #tpu.memory_space<vmem>>, vector<1x50x128xf32>
    %get3A_20 = vector.shape_cast %get3A_19 : vector<1x50x128xf32> to vector<50x128xf32>
    %dot_general3A_21 = arith.constant dense<0.000000e+00> : vector<8000x128xf32>
    %dot_general3A_22 = tpu.matmul %get3A_1, %get3A_20, %dot_general3A_21 {dimension_numbers = #tpu.dot_dimension_numbers<[1], [0], [0], [1], [0, 0, 1, 1], [], []>, transpose_lhs_hint = false} : vector<8000x50xf32>, vector<50x128xf32>, vector<8000x128xf32> -> vector<8000x128xf32>
    %get3A_23 = arith.constant 1 : index
    %get3A_24 = arith.constant 0 : index
    %get3A_25 = arith.constant 0 : index
    %get3A_26 = vector.load %arg3[%get3A_23, %get3A_24, %get3A_25] : memref<2x1x128xf32, #tpu.memory_space<vmem>>, vector<1x1x128xf32>
    %get3A_27 = vector.shape_cast %get3A_26 : vector<1x1x128xf32> to vector<1x128xf32>
    %add3A_28 = vector.broadcast %get3A_27 : vector<1x128xf32> to vector<8000x128xf32>
    %add3A_29 = arith.addf %dot_general3A_22, %add3A_28 : vector<8000x128xf32>
    %swap3A_30 = arith.constant 0 : index
    %swap3A_31 = arith.constant 0 : index
    %swap3A_32 = vector.load %arg5[%swap3A_30, %swap3A_31] : memref<8000x128xf32, #tpu.memory_space<vmem>>, vector<8000x128xf32>
    tpu.vector_store %arg5[%swap3A_30, %swap3A_31], %add3A_29 {strides = array<i32>} : memref<8000x128xf32, #tpu.memory_space<vmem>>, vector<8000x128xf32>,
    return
  }
  func.func @transform_0(%arg0: i32) -> (i32, i32) {
    %c0_i32 = arith.constant 0 : i32
    %c0_i32_0 = arith.constant 0 : i32
    return %arg0, %c0_i32 : i32, i32
  }
  func.func @transform_1(%arg0: i32) -> (i32, i32, i32) {
    %c0_i32 = arith.constant 0 : i32
    %c0_i32_0 = arith.constant 0 : i32
    %c0_i32_1 = arith.constant 0 : i32
    %c0_i32_2 = arith.constant 0 : i32
    return %c0_i32, %c0_i32_0, %c0_i32_1 : i32, i32, i32
  }
  func.func @transform_2(%arg0: i32) -> (i32, i32, i32) {
    %c0_i32 = arith.constant 0 : i32
    %c0_i32_0 = arith.constant 0 : i32
    %c0_i32_1 = arith.constant 0 : i32
    %c0_i32_2 = arith.constant 0 : i32
    return %c0_i32, %c0_i32_0, %c0_i32_1 : i32, i32, i32
  }
  func.func @transform_3(%arg0: i32) -> (i32, i32) {
    %c0_i32 = arith.constant 0 : i32
    %c0_i32_0 = arith.constant 0 : i32
    return %arg0, %c0_i32 : i32, i32
  }
  func.func @transform_4(%arg0: i32) -> (i32, i32) {
    %c0_i32 = arith.constant 0 : i32
    %c0_i32_0 = arith.constant 0 : i32
    return %arg0, %c0_i32 : i32, i32
  }
}

module attributes {stable_mosaic.version = 14 : i64} {
  func.func @body(%arg0: memref<10000x128xf32, #tpu.memory_space<vmem>>, %arg1: memref<2x10000x128xf32, #tpu.memory_space<vmem>>, %arg2: memref<128x128xf32, #tpu.memory_space<vmem>>, %arg3: memref<1x128xf32, #tpu.memory_space<vmem>>, %arg4: memref<128x128xf32, #tpu.memory_space<vmem>>, %arg5: memref<1x128xf32, #tpu.memory_space<vmem>>, %arg6: memref<1x1xf32, #tpu.memory_space<vmem>>, %arg7: memref<1x128xf32, #tpu.memory_space<vmem>>, %arg8: memref<1x128xf32, #tpu.memory_space<vmem>>, %arg9: memref<10000x128xf32, #tpu.memory_space<vmem>>) attributes {dimension_semantics = [], scalar_prefetch = 0 : i64, scratch_operands = 0 : i64, tpu.core_type = #tpu.core_type<tc>} {
    %get3A = arith.constant 0 : index
    %get3A_0 = arith.constant 0 : index
    %get3A_1 = vector.load %arg6[%get3A, %get3A_0] : memref<1x1xf32, #tpu.memory_space<vmem>>, vector<1x1xf32>
    %get3A_2 = vector.extract %get3A_1[0, 0] : f32 from vector<1x1xf32>
    %add3A = arith.constant 1.000000e+00 : f32
    %add3A_3 = arith.addf %add3A, %get3A_2 : f32
    %get3A_4 = arith.constant 0 : index
    %get3A_5 = arith.constant 0 : index
    %get3A_6 = vector.load %arg0[%get3A_4, %get3A_5] : memref<10000x128xf32, #tpu.memory_space<vmem>>, vector<10000x128xf32>
    %mul3A = vector.broadcast %add3A_3 : f32 to vector<10000x128xf32>
    %mul3A_7 = arith.mulf %mul3A, %get3A_6 : vector<10000x128xf32>
    %get3A_8 = arith.constant 0 : index
    %get3A_9 = arith.constant 0 : index
    %get3A_10 = arith.constant 0 : index
    %get3A_11 = vector.load %arg1[%get3A_8, %get3A_9, %get3A_10] : memref<2x10000x128xf32, #tpu.memory_space<vmem>>, vector<1x10000x128xf32>
    %get3A_12 = vector.shape_cast %get3A_11 : vector<1x10000x128xf32> to vector<10000x128xf32>
    %add3A_13 = arith.addf %mul3A_7, %get3A_12 : vector<10000x128xf32>
    %get3A_14 = arith.constant 1 : index
    %get3A_15 = arith.constant 0 : index
    %get3A_16 = arith.constant 0 : index
    %get3A_17 = vector.load %arg1[%get3A_14, %get3A_15, %get3A_16] : memref<2x10000x128xf32, #tpu.memory_space<vmem>>, vector<1x10000x128xf32>
    %get3A_18 = vector.shape_cast %get3A_17 : vector<1x10000x128xf32> to vector<10000x128xf32>
    %add3A_19 = arith.addf %add3A_13, %get3A_18 : vector<10000x128xf32>
    %get3A_20 = arith.constant 0 : index
    %get3A_21 = arith.constant 0 : index
    %get3A_22 = vector.load %arg2[%get3A_20, %get3A_21] : memref<128x128xf32, #tpu.memory_space<vmem>>, vector<128x128xf32>
    %dot_general3A = arith.constant dense<0.000000e+00> : vector<10000x128xf32>
    %dot_general3A_23 = tpu.matmul %add3A_19, %get3A_22, %dot_general3A {dimension_numbers = #tpu.dot_dimension_numbers<[1], [0], [0], [1], [0, 0, 1, 1], [], []>, transpose_lhs_hint = false} : vector<10000x128xf32>, vector<128x128xf32>, vector<10000x128xf32> -> vector<10000x128xf32>
    %get3A_24 = arith.constant 0 : index
    %get3A_25 = arith.constant 0 : index
    %get3A_26 = vector.load %arg3[%get3A_24, %get3A_25] : memref<1x128xf32, #tpu.memory_space<vmem>>, vector<1x128xf32>
    %add3A_27 = vector.broadcast %get3A_26 : vector<1x128xf32> to vector<10000x128xf32>
    %add3A_28 = arith.addf %dot_general3A_23, %add3A_27 : vector<10000x128xf32>
    %max3A = arith.constant 0.000000e+00 : f32
    %max3A_29 = vector.broadcast %max3A : f32 to vector<10000x128xf32>
    %max3A_30 = arith.maximumf %add3A_28, %max3A_29 : vector<10000x128xf32>
    %get3A_31 = arith.constant 0 : index
    %get3A_32 = arith.constant 0 : index
    %get3A_33 = vector.load %arg4[%get3A_31, %get3A_32] : memref<128x128xf32, #tpu.memory_space<vmem>>, vector<128x128xf32>
    %dot_general3A_34 = arith.constant dense<0.000000e+00> : vector<10000x128xf32>
    %dot_general3A_35 = tpu.matmul %max3A_30, %get3A_33, %dot_general3A_34 {dimension_numbers = #tpu.dot_dimension_numbers<[1], [0], [0], [1], [0, 0, 1, 1], [], []>, transpose_lhs_hint = false} : vector<10000x128xf32>, vector<128x128xf32>, vector<10000x128xf32> -> vector<10000x128xf32>
    %get3A_36 = arith.constant 0 : index
    %get3A_37 = arith.constant 0 : index
    %get3A_38 = vector.load %arg5[%get3A_36, %get3A_37] : memref<1x128xf32, #tpu.memory_space<vmem>>, vector<1x128xf32>
    %add3A_39 = vector.broadcast %get3A_38 : vector<1x128xf32> to vector<10000x128xf32>
    %add3A_40 = arith.addf %dot_general3A_35, %add3A_39 : vector<10000x128xf32>
    %reduce_sum3A = arith.constant dense<0.000000e+00> : vector<128xf32>
    %reduce_sum3A_41 = vector.multi_reduction <add>, %add3A_40, %reduce_sum3A [0] : vector<10000x128xf32> to vector<128xf32>
    %broadcast_in_dim3A = vector.shape_cast %reduce_sum3A_41 : vector<128xf32> to vector<1x128xf32>
    %div3A = arith.constant 1.000000e+04 : f32
    %div3A_42 = vector.broadcast %div3A : f32 to vector<1x128xf32>
    %div3A_43 = arith.divf %broadcast_in_dim3A, %div3A_42 : vector<1x128xf32>
    %sub3A = vector.broadcast %div3A_43 : vector<1x128xf32> to vector<10000x128xf32>
    %sub3A_44 = arith.subf %add3A_40, %sub3A : vector<10000x128xf32>
    %mul3A_45 = arith.mulf %sub3A_44, %sub3A_44 : vector<10000x128xf32>
    %reduce_sum3A_46 = arith.constant dense<0.000000e+00> : vector<128xf32>
    %reduce_sum3A_47 = vector.multi_reduction <add>, %mul3A_45, %reduce_sum3A_46 [0] : vector<10000x128xf32> to vector<128xf32>
    %broadcast_in_dim3A_48 = vector.shape_cast %reduce_sum3A_47 : vector<128xf32> to vector<1x128xf32>
    %div3A_49 = arith.constant 1.000000e+04 : f32
    %div3A_50 = vector.broadcast %div3A_49 : f32 to vector<1x128xf32>
    %div3A_51 = arith.divf %broadcast_in_dim3A_48, %div3A_50 : vector<1x128xf32>
    %get3A_52 = arith.constant 0 : index
    %get3A_53 = arith.constant 0 : index
    %get3A_54 = vector.load %arg7[%get3A_52, %get3A_53] : memref<1x128xf32, #tpu.memory_space<vmem>>, vector<1x128xf32>
    %mul3A_55 = vector.broadcast %get3A_54 : vector<1x128xf32> to vector<10000x128xf32>
    %mul3A_56 = arith.mulf %mul3A_55, %sub3A_44 : vector<10000x128xf32>
    %add3A_57 = arith.constant 9.99999974E-6 : f32
    %add3A_58 = vector.broadcast %add3A_57 : f32 to vector<1x128xf32>
    %add3A_59 = arith.addf %div3A_51, %add3A_58 : vector<1x128xf32>
    %rsqrt3A = math.rsqrt %add3A_59 : vector<1x128xf32>
    %mul3A_60 = vector.broadcast %rsqrt3A : vector<1x128xf32> to vector<10000x128xf32>
    %mul3A_61 = arith.mulf %mul3A_56, %mul3A_60 : vector<10000x128xf32>
    %get3A_62 = arith.constant 0 : index
    %get3A_63 = arith.constant 0 : index
    %get3A_64 = vector.load %arg8[%get3A_62, %get3A_63] : memref<1x128xf32, #tpu.memory_space<vmem>>, vector<1x128xf32>
    %add3A_65 = vector.broadcast %get3A_64 : vector<1x128xf32> to vector<10000x128xf32>
    %add3A_66 = arith.addf %mul3A_61, %add3A_65 : vector<10000x128xf32>
    %max3A_67 = arith.constant 0.000000e+00 : f32
    %max3A_68 = vector.broadcast %max3A_67 : f32 to vector<10000x128xf32>
    %max3A_69 = arith.maximumf %add3A_66, %max3A_68 : vector<10000x128xf32>
    %swap3A = arith.constant 0 : index
    %swap3A_70 = arith.constant 0 : index
    %swap3A_71 = vector.load %arg9[%swap3A, %swap3A_70] : memref<10000x128xf32, #tpu.memory_space<vmem>>, vector<10000x128xf32>
    tpu.vector_store %arg9[%swap3A, %swap3A_70], %max3A_69 {strides = array<i32>} : memref<10000x128xf32, #tpu.memory_space<vmem>>, vector<10000x128xf32>,
    return
  }
}

module attributes {stable_mosaic.version = 14 : i64} {
  func.func @body(%arg0: memref<10000x128xf32, #tpu.memory_space<vmem>>, %arg1: memref<2x10000x128xf32, #tpu.memory_space<vmem>>, %arg2: memref<128x128xf32, #tpu.memory_space<vmem>>, %arg3: memref<1x128xf32, #tpu.memory_space<vmem>>, %arg4: memref<128x128xf32, #tpu.memory_space<vmem>>, %arg5: memref<1x128xf32, #tpu.memory_space<vmem>>, %arg6: memref<1x1xf32, #tpu.memory_space<vmem>>, %arg7: memref<1x128xf32, #tpu.memory_space<vmem>>, %arg8: memref<1x128xf32, #tpu.memory_space<vmem>>, %arg9: memref<10000x128xf32, #tpu.memory_space<vmem>>) attributes {dimension_semantics = [], scalar_prefetch = 0 : i64, scratch_operands = 0 : i64, tpu.core_type = #tpu.core_type<tc>} {
    %get3A = arith.constant 0 : index
    %get3A_0 = arith.constant 0 : index
    %get3A_1 = vector.load %arg6[%get3A, %get3A_0] : memref<1x1xf32, #tpu.memory_space<vmem>>, vector<1x1xf32>
    %get3A_2 = vector.extract %get3A_1[0, 0] : f32 from vector<1x1xf32>
    %add3A = arith.constant 1.000000e+00 : f32
    %add3A_3 = arith.addf %add3A, %get3A_2 : f32
    %get3A_4 = arith.constant 0 : index
    %get3A_5 = arith.constant 0 : index
    %get3A_6 = vector.load %arg0[%get3A_4, %get3A_5] : memref<10000x128xf32, #tpu.memory_space<vmem>>, vector<10000x128xf32>
    %mul3A = vector.broadcast %add3A_3 : f32 to vector<10000x128xf32>
    %mul3A_7 = arith.mulf %mul3A, %get3A_6 : vector<10000x128xf32>
    %get3A_8 = arith.constant 0 : index
    %get3A_9 = arith.constant 0 : index
    %get3A_10 = arith.constant 0 : index
    %get3A_11 = vector.load %arg1[%get3A_8, %get3A_9, %get3A_10] : memref<2x10000x128xf32, #tpu.memory_space<vmem>>, vector<1x10000x128xf32>
    %get3A_12 = vector.shape_cast %get3A_11 : vector<1x10000x128xf32> to vector<10000x128xf32>
    %add3A_13 = arith.addf %mul3A_7, %get3A_12 : vector<10000x128xf32>
    %get3A_14 = arith.constant 1 : index
    %get3A_15 = arith.constant 0 : index
    %get3A_16 = arith.constant 0 : index
    %get3A_17 = vector.load %arg1[%get3A_14, %get3A_15, %get3A_16] : memref<2x10000x128xf32, #tpu.memory_space<vmem>>, vector<1x10000x128xf32>
    %get3A_18 = vector.shape_cast %get3A_17 : vector<1x10000x128xf32> to vector<10000x128xf32>
    %add3A_19 = arith.addf %add3A_13, %get3A_18 : vector<10000x128xf32>
    %get3A_20 = arith.constant 0 : index
    %get3A_21 = arith.constant 0 : index
    %get3A_22 = vector.load %arg2[%get3A_20, %get3A_21] : memref<128x128xf32, #tpu.memory_space<vmem>>, vector<128x128xf32>
    %dot_general3A = arith.constant dense<0.000000e+00> : vector<10000x128xf32>
    %dot_general3A_23 = tpu.matmul %add3A_19, %get3A_22, %dot_general3A {dimension_numbers = #tpu.dot_dimension_numbers<[1], [0], [0], [1], [0, 0, 1, 1], [], []>, transpose_lhs_hint = false} : vector<10000x128xf32>, vector<128x128xf32>, vector<10000x128xf32> -> vector<10000x128xf32>
    %get3A_24 = arith.constant 0 : index
    %get3A_25 = arith.constant 0 : index
    %get3A_26 = vector.load %arg3[%get3A_24, %get3A_25] : memref<1x128xf32, #tpu.memory_space<vmem>>, vector<1x128xf32>
    %add3A_27 = vector.broadcast %get3A_26 : vector<1x128xf32> to vector<10000x128xf32>
    %add3A_28 = arith.addf %dot_general3A_23, %add3A_27 : vector<10000x128xf32>
    %max3A = arith.constant 0.000000e+00 : f32
    %max3A_29 = vector.broadcast %max3A : f32 to vector<10000x128xf32>
    %max3A_30 = arith.maximumf %add3A_28, %max3A_29 : vector<10000x128xf32>
    %get3A_31 = arith.constant 0 : index
    %get3A_32 = arith.constant 0 : index
    %get3A_33 = vector.load %arg4[%get3A_31, %get3A_32] : memref<128x128xf32, #tpu.memory_space<vmem>>, vector<128x128xf32>
    %dot_general3A_34 = arith.constant dense<0.000000e+00> : vector<10000x128xf32>
    %dot_general3A_35 = tpu.matmul %max3A_30, %get3A_33, %dot_general3A_34 {dimension_numbers = #tpu.dot_dimension_numbers<[1], [0], [0], [1], [0, 0, 1, 1], [], []>, transpose_lhs_hint = false} : vector<10000x128xf32>, vector<128x128xf32>, vector<10000x128xf32> -> vector<10000x128xf32>
    %get3A_36 = arith.constant 0 : index
    %get3A_37 = arith.constant 0 : index
    %get3A_38 = vector.load %arg5[%get3A_36, %get3A_37] : memref<1x128xf32, #tpu.memory_space<vmem>>, vector<1x128xf32>
    %add3A_39 = vector.broadcast %get3A_38 : vector<1x128xf32> to vector<10000x128xf32>
    %add3A_40 = arith.addf %dot_general3A_35, %add3A_39 : vector<10000x128xf32>
    %reduce_sum3A = arith.constant dense<0.000000e+00> : vector<128xf32>
    %reduce_sum3A_41 = vector.multi_reduction <add>, %add3A_40, %reduce_sum3A [0] : vector<10000x128xf32> to vector<128xf32>
    %broadcast_in_dim3A = vector.shape_cast %reduce_sum3A_41 : vector<128xf32> to vector<1x128xf32>
    %div3A = arith.constant 1.000000e+04 : f32
    %div3A_42 = vector.broadcast %div3A : f32 to vector<1x128xf32>
    %div3A_43 = arith.divf %broadcast_in_dim3A, %div3A_42 : vector<1x128xf32>
    %sub3A = vector.broadcast %div3A_43 : vector<1x128xf32> to vector<10000x128xf32>
    %sub3A_44 = arith.subf %add3A_40, %sub3A : vector<10000x128xf32>
    %mul3A_45 = arith.mulf %sub3A_44, %sub3A_44 : vector<10000x128xf32>
    %reduce_sum3A_46 = arith.constant dense<0.000000e+00> : vector<128xf32>
    %reduce_sum3A_47 = vector.multi_reduction <add>, %mul3A_45, %reduce_sum3A_46 [0] : vector<10000x128xf32> to vector<128xf32>
    %broadcast_in_dim3A_48 = vector.shape_cast %reduce_sum3A_47 : vector<128xf32> to vector<1x128xf32>
    %div3A_49 = arith.constant 1.000000e+04 : f32
    %div3A_50 = vector.broadcast %div3A_49 : f32 to vector<1x128xf32>
    %div3A_51 = arith.divf %broadcast_in_dim3A_48, %div3A_50 : vector<1x128xf32>
    %get3A_52 = arith.constant 0 : index
    %get3A_53 = arith.constant 0 : index
    %get3A_54 = vector.load %arg7[%get3A_52, %get3A_53] : memref<1x128xf32, #tpu.memory_space<vmem>>, vector<1x128xf32>
    %mul3A_55 = vector.broadcast %get3A_54 : vector<1x128xf32> to vector<10000x128xf32>
    %mul3A_56 = arith.mulf %mul3A_55, %sub3A_44 : vector<10000x128xf32>
    %add3A_57 = arith.constant 9.99999974E-6 : f32
    %add3A_58 = vector.broadcast %add3A_57 : f32 to vector<1x128xf32>
    %add3A_59 = arith.addf %div3A_51, %add3A_58 : vector<1x128xf32>
    %rsqrt3A = math.rsqrt %add3A_59 : vector<1x128xf32>
    %mul3A_60 = vector.broadcast %rsqrt3A : vector<1x128xf32> to vector<10000x128xf32>
    %mul3A_61 = arith.mulf %mul3A_56, %mul3A_60 : vector<10000x128xf32>
    %get3A_62 = arith.constant 0 : index
    %get3A_63 = arith.constant 0 : index
    %get3A_64 = vector.load %arg8[%get3A_62, %get3A_63] : memref<1x128xf32, #tpu.memory_space<vmem>>, vector<1x128xf32>
    %add3A_65 = vector.broadcast %get3A_64 : vector<1x128xf32> to vector<10000x128xf32>
    %add3A_66 = arith.addf %mul3A_61, %add3A_65 : vector<10000x128xf32>
    %swap3A = arith.constant 0 : index
    %swap3A_67 = arith.constant 0 : index
    %swap3A_68 = vector.load %arg9[%swap3A, %swap3A_67] : memref<10000x128xf32, #tpu.memory_space<vmem>>, vector<10000x128xf32>
    tpu.vector_store %arg9[%swap3A, %swap3A_67], %add3A_66 {strides = array<i32>} : memref<10000x128xf32, #tpu.memory_space<vmem>>, vector<10000x128xf32>,
    return
  }
}

</mosaic_0001>

<sc_bundles>
// kernel: kernel.11.cloned.1.call-start
scs
__scs_entry_jumppad:
0x0: {  	(pc) =	sbr.rel $0x88, $3  }
0x1: {  	(tag) =	ssettag $0x0;
	lr =	simm.s32 $0x1  }
0x2: {  	[smem:$0x3F93] =	sst lr;
	_ =	strace $0xD0000000  }
0x3: {  	_ = 	snop  }
0x4: {  	_ = 	snop  }
0x5: {  	_ = 	snop  }
0x6: {  	_ = 	snop  }
0x7: {  	_ = 	snop  }
__scs_overlays_trampoline_lowered:
0x8: {  	[smem:$0x3FA2] =	sst s0  }
0x9: {  	[smem:$0x3FA3] =	sst s1  }
0xa: {  	[smem:$0x3FA4] =	sst s2  }
0xb: {  	[smem:$0x3FA5] =	sst s3  }
0xc: {  	[smem:$0x3FA6] =	sst s4  }
0xd: {  	[smem:$0x3FA7] =	sst s5  }
0xe: {  	[smem:$0x3FA8] =	sst s6  }
0xf: {  	[smem:$0x3FA9] =	sst s7  }
0x10: {  	[smem:$0x3FAA] =	sst s8  }
0x11: {  	[smem:$0x3FAB] =	sst s9;
	s0 =	simm.s32 @!p0 $0x0  }
0x12: {  	s1 =	sld [smem:$0x3F91];
	s0 =	simm.s32 @p0 $0x1  }
0x13: {  	[smem:$0x3FAC] =	sst s0;
	s0 =	simm.s32 @!p1 $0x0  }
0x14: {  	s2 =	sld [smem:$0x3F90];
	s0 =	simm.s32 @p1 $0x1  }
0x15: {  	[smem:$0x3FAD] =	sst s0;
	s0 =	simm.s32 @!p2 $0x0  }
0x16: {  	s3 =	sld [smem:$0x3FDB];
	s0 =	simm.s32 @p2 $0x1  }
0x17: {  	s4 =	simm.s32 $0x1BF5;
	[smem:$0x3FAF] =	sst s0  }
0x18: {  	s0 =	sld [smem:$0x3F92];
	_ =	swait.ge [sflag:s4], $0x0  }
0x19: {  	s7 =	sld [smem:$0x3F93]  }
0x1a: {  	s8 =	sadd.s32 $0xFFFFE003, lr  }
0x1b: {  	s9 =	sadd.s32 $0xFFFFFEF7, lr;
	s5 =	simm.s32 $0xFFFFFFFF;
	p2 =	slt.u32 s8, $0xFFFFF086  }
0x1c: {  	p1 =	slt.u32 s9, $0xF7A;
	s5 =	simm.s32 @!p2 $0x0  }
0x1d: {  	s5 =	simm.s32 @p1 $0x1;
	p0 =	seq.s32 s7, s2  }
0x1e: {  	s7 =	smul.u32 @!p0 $0xF7A, s2;
	p2 =	seq.s32 @!p0 s5, $0x0  }
0x1f: {  	s9 =	smul.u32 $0xF7A, s1;
	s8 =	simm.s32 @!p0 $0x1BF5;
	p2 =	por !p2, p0  }
0x20: {  	[sflag:s8] =	ssyncset.s32 @!p0 $0xFFFFF086;
	s6 =	sadd.s32 @!p0 s3, s7;
	s7 =	simm.s32 @!p0 $0x108  }
0x21: {  	s3 =	sadd.s32 s3, s9;
	s6 =	sadd.s32 @!p0 $0x88, s6;
	s7 =	simm.s32 @p2 $0x1082  }
0x22: {  	[simem:s7], [sflag:s8] =	dma.local @!p0 [hbm:s6], $0xF7A  }
0x23: {  	s9 =	sor.u32 $0xD0000000, s2;
	s6 =	simm.s32 $0x108;
	_ =	swait.ge @!p0 [sflag:s8], $0x0  }
0x24: {  	s3 =	sadd.s32 $0x88, s3;
	s6 =	simm.s32 @!p1 $0x1082;
	[sflag:s4] =	ssyncset.s32 $0xFFFFF086  }
0x25: {  	[simem:s6], [sflag:s4] =	dma.local [hbm:s3], $0xF7A  }
0x26: {  	[smem:$0x3F93] =	sst s1;
	(tag) =	ssettag s2;
	_ =	strace s9  }
0x27: {  	s1 =	sld [smem:$0x3FA3]  }
0x28: {  	s2 =	sld [smem:$0x3FA4]  }
0x29: {  	s4 =	sld [smem:$0x3FA6]  }
0x2a: {  	p0 =	seq.s32 s5, $0x0;
	s5 =	sld [smem:$0x3FA7]  }
0x2b: {  	s6 =	sld [smem:$0x3FA8]  }
0x2c: {  	s7 =	sld [smem:$0x3FA9]  }
0x2d: {  	s3 =	simm.s32 $0x108;
	s8 =	sld [smem:$0x3FAA]  }
0x2e: {  	s3 =	simm.s32 @!p0 $0x1082;
	s9 =	sld [smem:$0x3FAB]  }
0x2f: {  	lr =	sadd.s32 s0, s3;
	s0 =	sld [smem:$0x3FA2]  }
0x30: {  	s3 =	sld [smem:$0x3FA5]  }
0x31: {  	[smem:$0x3FAE] =	sst s10  }
0x32: {  	s10 =	sld [smem:$0x3FAC];
	_ =	sdelay $0x3  }
0x33: {  	p0 =	seq.s32 s10, $0x1;
	s10 =	sld [smem:$0x3FAE];
	_ =	sdelay $0x3  }
0x34: {  	[smem:$0x3FAE] =	sst s10  }
0x35: {  	s10 =	sld [smem:$0x3FAD];
	_ =	sdelay $0x3  }
0x36: {  	p1 =	seq.s32 s10, $0x1;
	s10 =	sld [smem:$0x3FAE];
	_ =	sdelay $0x3  }
0x37: {  	[smem:$0x3FAE] =	sst s10  }
0x38: {  	s10 =	sld [smem:$0x3FAF]  }
0x39: {  	_ = 	snop;
	(pc) =	sbr.ind lr, $3  }
0x3a: {  	_ = 	snop  }
0x3b: {  	_ = 	snop  }
0x3c: {  	p2 =	seq.s32 s10, $0x1;
	s10 =	sld [smem:$0x3FAE]  }
0x3d: {  	_ =	shalt  }
0x3e: {  	_ =	shalt  }
0x3f: {  	_ =	shalt  }
0x40: {  	_ =	shalt  }
0x41: {  	_ =	shalt  }
0x42: {  	_ =	shalt  }
0x43: {  	_ =	shalt  }
0x44: {  	_ =	shalt  }
0x45: {  	_ =	shalt  }
0x46: {  	_ =	shalt  }
0x47: {  	_ =	shalt  }
0x48: {  	_ =	shalt  }
0x49: {  	_ =	shalt  }
0x4a: {  	_ =	shalt  }
0x4b: {  	_ =	shalt  }
0x4c: {  	_ =	shalt  }
0x4d: {  	_ =	shalt  }
0x4e: {  	_ =	shalt  }
0x4f: {  	_ =	shalt  }
0x50: {  	_ =	shalt  }
0x51: {  	_ =	shalt  }
0x52: {  	_ =	shalt  }
0x53: {  	_ =	shalt  }
0x54: {  	_ =	shalt  }
0x55: {  	_ =	shalt  }
0x56: {  	_ =	shalt  }
0x57: {  	_ =	shalt  }
0x58: {  	_ =	shalt  }
0x59: {  	_ =	shalt  }
0x5a: {  	_ =	shalt  }
0x5b: {  	_ =	shalt  }
0x5c: {  	_ =	shalt  }
0x5d: {  	_ =	shalt  }
0x5e: {  	_ =	shalt  }
0x5f: {  	_ =	shalt  }
0x60: {  	_ =	shalt  }
0x61: {  	_ =	shalt  }
0x62: {  	_ =	shalt  }
0x63: {  	_ =	shalt  }
0x64: {  	_ =	shalt  }
0x65: {  	_ =	shalt  }
0x66: {  	_ =	shalt  }
0x67: {  	_ =	shalt  }
0x68: {  	_ =	shalt  }
0x69: {  	_ =	shalt  }
0x6a: {  	_ =	shalt  }
0x6b: {  	_ =	shalt  }
0x6c: {  	_ =	shalt  }
0x6d: {  	_ =	shalt  }
0x6e: {  	_ =	shalt  }
0x6f: {  	_ =	shalt  }
0x70: {  	_ =	shalt  }
0x71: {  	_ =	shalt  }
0x72: {  	_ =	shalt  }
0x73: {  	_ =	shalt  }
0x74: {  	_ =	shalt  }
0x75: {  	_ =	shalt  }
0x76: {  	_ =	shalt  }
0x77: {  	_ =	shalt  }
0x78: {  	_ =	shalt  }
0x79: {  	_ =	shalt  }
0x7a: {  	_ =	shalt  }
0x7b: {  	_ =	shalt  }
0x7c: {  	_ =	shalt  }
0x7d: {  	_ =	shalt  }
0x7e: {  	_ =	shalt  }
0x7f: {  	_ =	shalt  }
0x80: {  	_ =	shalt  }
0x81: {  	_ =	shalt  }
0x82: {  	_ =	shalt  }
0x83: {  	_ =	shalt  }
0x84: {  	_ =	shalt  }
0x85: {  	_ =	shalt  }
0x86: {  	_ =	shalt  }
0x87: {  	_ =	shalt  }
.Lfunc_end0:
.L_simem_size_0:
called_computation.1_lowered:
.L_overlay_start_0:
0x88: {  	s2 =	sld [smem:$0x3FD9]  }
0x89: {  	s3 =	sld [smem:$0x3FFE];
	_ =	sdelay $0x1  }
0x8a: {  	s1 =	srdreg.scid  }
0x8b: {  	s0 =	sand.u32 $0x1, s1  }
0x8c: {  	s17 =	sshll.u32 s0, $0xA;
	s2 =	sadd.s32 s3, s2  }
0x8d: {  	s2 =	sadd.s32 s2, s17  }
0x8e: {  	[smem:$0x3FBA] =	sst s2  }
0x8f: {  	_ = 	snop  }
0x90: {  	s2 =	sld [smem:$0x3FD0];
	(tm) =	ssettm $0x1  }
0x91: {  	s18 =	sld [smem:$0x3FFB];
	_ =	sdelay $0x3  }
0x92: {  	_ =	strace s18  }
0x93: {  	s3 =	sld [smem:$0x3FFC];
	_ =	sdelay $0x3  }
0x94: {  	_ =	strace s3  }
0x95: {  	s3 =	sld [smem:$0x3FFD];
	_ =	sdelay $0x3  }
0x96: {  	_ =	strace s3  }
0x97: {  	_ =	strace $0x8FFFFFFF  }
0x98: {  	s19 =	sld [smem:$0x3FDB];
	_ =	sdelay $0x1  }
0x99: {  	s4 =	simm.s32 $_scs_section_size  }
0x9a: {  	s5 =	simm.s32 $_size__tile_overlayer_lowered;
	s6 =	simm.s32 $_tile_overlayer_lowered  }
0x9b: {  	s22 =	simm.s32 $0x1BFF;
	s21 =	sshll.u32 s6, $0x1;
	s3 =	sadd.s32 s4, s19  }
0x9c: {  	s7 =	simm.s32 $0x0;
	s20 =	sshll.u32 s5, $0x1;
	s5 =	sadd.s32 s21, s3  }
0x9d: {  	[timem:s7], [sflag:s22] =	dma.local [hbm:s5], s20  }
0x9e: {  	_ =	swait.ge [sflag:s22], s20  }
0x9f: {  	s4 =	ssub.s32 $0x0, s20;
	[sflag:s22] =	ssyncset.done $0x0  }
0xa0: {  	[sflag:s22] =	ssyncadd.s32 s4;
	_ =	sdelay $0x1  }
0xa1: {  	s23 =	simm.s32 $0x1B8B  }
0xa2: {  	_ =	swait.ge [sflag:s23], $0x1  }
0xa3: {  	[sflag:s23] =	ssyncset.done $0x0  }
0xa4: {  	s25 =	simm.s32 $0x1B8E;
	s24 =	sld [smem:$0x3FFE];
	[sflag:s23] =	ssyncadd.s32 $0xFFFFFFFF  }
0xa5: {  	s26 =	simm.s32 $execute0_lowered;
	[smem:$0x3FD2] =	sst s25  }
0xa6: {  	s5 =	sshll.u32 s26, $0x1;
	_ =	strace $0x80000049;
	[dreg:$0x1] =	wrdreg $0xFFFFFFFF  }
0xa7: {  	s28 =	simm.s32 $_size_execute0_lowered;
	s3 =	sadd.s32 s3, s5;
	[dreg:$0x0] =	wrdreg $0x0  }
0xa8: {  	s5 =	sshll.u32 s28, $0x1;
	[dreg:$0x2] =	wrdreg s3  }
0xa9: {  	[dreg:$0x3] =	wrdreg s5  }
0xaa: {  	[dreg:$0x4] =	wrdreg $0xC0  }
0xab: {  	_ =	task [dreg:s7], $0x5FFFF  }
0xac: {  	[dreg:$0x1] =	wrdreg $0xFFFFFFFF  }
0xad: {  	[dreg:$0x0] =	wrdreg $0x60  }
0xae: {  	[dreg:$0x2] =	wrdreg s2  }
0xaf: {  	[dreg:$0x3] =	wrdreg s24  }
0xb0: {  	[dreg:$0x4] =	wrdreg $0xA2000  }
0xb1: {  	[dreg:$0x5] =	wrdreg $0x9  }
0xb2: {  	_ =	task.clear_ibuf [dreg:s7], $0x6FFFF;
	_ =	strace $0x90000049  }
0xb3: {  	s29 =	simm.s32 $0x9;
	_ =	strace $0x8000004B  }
0xb4: {  	_ =	swait.ge [sflag:s29], $0x1  }
0xb5: {  	[sflag:s29] =	ssyncadd.s32 $0xFFFFFFFF  }
0xb6: {  	_ =	strace $0x9000004B  }
0xb7: {  	_ =	sfence  }
0xb8: {  	s30 =	sld [smem:$0x0];
	_ =	sdelay $0x2  }
0xb9: {  	s31 =	sshll.u32 s1, $0xD;
	s1 =	sshrl.u32 s1, $0x2  }
0xba: {  	s3 =	sand.u32 $0x4000, s31;
	s1 =	sadd.s32 s1, s30  }
0xbb: {  	s0 =	sor.u32 s3, s0;
	s1 =	sshll.u32 s1, $0x11  }
0xbc: {  	s0 =	sor.u32 s1, s0  }
0xbd: {  	s0 =	sadd.s32 $0x8F2B, s0  }
0xbe: {  	[sflag:s0] =	ssyncadd.remote.s32 $0x1  }
0xbf: {  	_ =	sfence.sel $0xFFFF  }
0xc0: {  	[dreg:$0x0] =	wrdreg $0xFFFFFFFF;
	(pc) =	sbr.abs _section_cstart, $3  }
0xc1: {  	[dreg:$0x1] =	wrdreg $0xFFFFFFFF  }
0xc2: {  	_ =	task.clear_ibuf [dreg:s7], $0x2FFFF;
	_ =	strace $0x9FFFFFFF  }
0xc3: {  	(tm) =	ssettm $0x7FFFFFFF  }
tec
execute0_lowered:
.L_overlay_start_1:
0x0: {  	(tag) =	ssettag $0x1  }
0x1: {  	s1 =	rddreg [dreg:$0x0]  }
0x2: {  	s0 =	rddreg [dreg:$0x1]  }
0x3: {  	s2 =	rddreg [dreg:$0x2];
	s3 =	simm.s32 $0x0  }
0x4: {  	s4 =	srdreg.scid;
	s24 =	stileid.u32;
	s31 =	simm.s32 $0x200  }
0x5: {  	[smem:$0x7FF] =	sst s3;
	s4 =	sand.u32 $0x1, s4;
	s9 =	smul.u32 $0x2800, s24  }
0x6: {  	s5 =	sadd.s32 $0x4E6000, s0;
	s8 =	sor.u32 $0x10, s24;
	s7 =	smul.u32 $0x138800, s4  }
0x7: {  	s6 =	sadd.s32 $0x9D1E00, s0;
	s11 =	sor.u32 $0x20, s24;
	s12 =	smul.u32 $0x2800, s8  }
0x8: {  	s0 =	sadd.s32 $0x4000, s0;
	s14 =	sor.u32 $0x30, s24;
	s15 =	smul.u32 $0x2800, s11  }
0x9: {  	s17 =	sor.u32 $0x50, s24;
	s21 =	sor.u32 $0x60, s24;
	s16 =	smul.u32 $0x2800, s14  }
0xa: {  	s22 =	sor.u32 $0x70, s24;
	_ =	strace $0x8000004A;
	s19 =	smul.u32 $0x2800, s17  }
0xb: {  	s10 =	ssub.s32 $0x2, s4;
	s4 =	sshll.u32 s4, $0x4;
	s20 =	smul.u32 $0x2800, s21  }
0xc: {  	s23 =	smul.u32 $0x2800, s22;
	p0 =	sgt.u32 s22, $0x7C;
	s13 =	sshrl.u32 s10, $0x1  }
0xd: {  	s4 =	sor.u32 s24, s4;
	s10 =	ssub.s32 s10, s13;
	s13 =	sor.u32 $0x40, s24  }
0xe: {  	s9 =	sadd.s32 s7, s9;
	s12 =	sadd.s32 s7, s12;
	s15 =	sadd.s32 s7, s15  }
0xf: {  	s16 =	sadd.s32 s7, s16;
	s19 =	sadd.s32 s7, s19;
	s20 =	sadd.s32 s7, s20  }
0x10: {  	s18 =	smul.u32 $0x2800, s13;
	s9 =	sshrl.u32 s9, $0x3;
	s26 =	sshrl.u32 s12, $0x3  }
0x11: {  	s12 =	sshrl.u32 s15, $0x3;
	s15 =	sshrl.u32 s16, $0x3;
	s25 =	sshrl.u32 s19, $0x3  }
0x12: {  	s13 =	smul.u32 $0xA000, s13;
	s9 =	sadd.s32 s0, s9;
	s16 =	sadd.s32 s0, s15  }
0x13: {  	s18 =	sadd.s32 s7, s18;
	s7 =	sadd.s32 s7, s23;
	[dreg:$0x4] =	wrdreg s9  }
0x14: {  	s23 =	smul.u32 $0x2710, s4;
	s9 =	sadd.s32 s0, s26;
	[dreg:$0x7] =	wrdreg s16  }
0x15: {  	s26 =	sshrl.u32 s20, $0x3;
	s4 =	smul.u32 $0x27100, s4;
	[dreg:$0x5] =	wrdreg s9  }
0x16: {  	s9 =	sadd.s32 s0, s12;
	s18 =	sshrl.u32 s18, $0x3;
	s12 =	smul.u32 $0xA000, s14  }
0x17: {  	s15 =	sadd.s32 s0, s26;
	s7 =	sshrl.u32 s7, $0x3;
	s14 =	smul.u32 $0xA000, s17  }
0x18: {  	s17 =	smul.u32 $0xA000, s21;
	[dreg:$0x6] =	wrdreg s9;
	s9 =	sadd.s32 s0, s18  }
0x19: {  	[dreg:$0xa] =	wrdreg s15;
	s16 =	sshrl.u32 s23, $0x3;
	s18 =	smul.u32 $0xA000, s8  }
0x1a: {  	s4 =	sadd.s32 s6, s4;
	s19 =	sadd.s32 $0xA0, s23;
	s20 =	sadd.s32 $0xF0, s23  }
0x1b: {  	[dreg:$0x8] =	wrdreg s9;
	s9 =	sadd.s32 s0, s25;
	s0 =	sadd.s32 s0, s7  }
0x1c: {  	[dreg:$0xd] =	wrdreg s4;
	s25 =	smul.u32 $0xA000, s11;
	s11 =	smax.u32 s10, $0x1  }
0x1d: {  	s15 =	sshrl.u32 s12, $0x2;
	s10 =	simm.s32 $0x3;
	[dreg:$0x9] =	wrdreg s9  }
0x1e: {  	s12 =	simm.s32 $0x2;
	[dreg:$0xb] =	wrdreg s0;
	s0 =	sadd.s32 s5, s16  }
0x1f: {  	s16 =	sadd.s32 $0x50, s23;
	s9 =	smul.u32 $0xA000, s24;
	[dreg:$0xf] =	wrdreg s11  }
0x20: {  	s30 =	sadd.s32 s15, s2;
	s11 =	simm.s32 $0x5;
	s15 =	simm.s32 $0x100  }
0x21: {  	[dreg:$0xc] =	wrdreg s0;
	s8 =	sshrl.u32 s16, $0x3;
	s0 =	sshrl.u32 s18, $0x2  }
0x22: {  	s4 =	sshrl.u32 s25, $0x2;
	s18 =	smul.u32 $0xA000, s22;
	s22 =	sshrl.u32 s17, $0x2  }
0x23: {  	s17 =	simm.s32 $0x4;
	[dreg:$0x13] =	wrdreg s30;
	s7 =	sadd.s32 s5, s8  }
0x24: {  	s28 =	sadd.s32 s0, s2;
	s29 =	sadd.s32 s4, s2;
	s0 =	sshrl.u32 s14, $0x2  }
0x25: {  	s24 =	sadd.s32 s22, s2;
	s4 =	simm.s32 $0x1;
	s8 =	simm.s32 $0x5200  }
0x26: {  	s14 =	simm.s32 $0x7A00;
	s22 =	simm.s32 $0x180;
	[dreg:$0xe] =	wrdreg s7  }
0x27: {  	s7 =	sshrl.u32 s9, $0x2;
	s9 =	sshrl.u32 s13, $0x2;
	[dreg:$0x16] =	wrdreg s24  }
0x28: {  	s23 =	sshrl.u32 s18, $0x2;
	s0 =	sadd.s32 s0, s2;
	[dreg:$0x11] =	wrdreg s28  }
0x29: {  	s13 =	simm.s32 $0x2A00;
	s18 =	simm.s32 $0x6;
	[dreg:$0x12] =	wrdreg s29  }
0x2a: {  	s26 =	sadd.s32 s7, s2;
	s21 =	sadd.s32 s9, s2;
	[dreg:$0x15] =	wrdreg s0  }
0x2b: {  	s25 =	sadd.s32 s23, s2;
	s0 =	simm.s32 $0x9;
	[dreg:$0x14] =	wrdreg s21  }
0x2c: {  	s7 =	simm.s32 $0x50;
	s9 =	simm.s32 $0x80;
	[dreg:$0x17] =	wrdreg s25  }
0x2d: {  	v0 =	vimm.f32 $0.0e+00;
	s21 =	simm.s32 $0x7;
	s25 =	simm.s32 $0x0;
	[dreg:$0x10] =	wrdreg s26  }
.LBB2_1:
0x2e: {  	[dreg:$0x18] =	wrdreg s25;
	s23 =	simm.s32 $0x0;
	s24 =	simm.s32 $0x200  }
.LBB2_2:
0x2f: {  	p1 =	sne.s32 s24, $0x9E00;
	[tilespmem:s23+$0x270] =	vst v0  }
0x30: {  	[tilespmem:s23+$0x200] =	vst v0  }
0x31: {  	[tilespmem:s23+$0x210] =	vst v0  }
.Ltmp0:
0x32: {  	[tilespmem:s23+$0x220] =	vst v0;
	(pc) =	sbr.rel @p1 .LBB2_2-.Ltmp0, $4  }
0x33: {  	[tilespmem:s23+$0x230] =	vst v0  }
0x34: {  	[tilespmem:s23+$0x240] =	vst v0  }
0x35: {  	[tilespmem:s23+$0x250] =	vst v0  }
0x36: {  	[tilespmem:s23+$0x260] =	vst v0;
	s23 =	sshra.s32 s24, $0x2;
	s24 =	sadd.s32 $0x200, s24  }
0x37: {  	[tilespmem:s23+$0x270] =	vst v0  }
0x38: {  	[tilespmem:s23+$0x200] =	vst v0  }
0x39: {  	[tilespmem:s23+$0x210] =	vst v0  }
0x3a: {  	[tilespmem:s23+$0x220] =	vst v0  }
0x3b: {  	[tilespmem:s23+$0x230] =	vst v0  }
0x3c: {  	[tilespmem:s23+$0x240] =	vst v0  }
0x3d: {  	[tilespmem:s23+$0x250] =	vst v0  }
0x3e: {  	[tilespmem:s23+$0x260] =	vst v0  }
0x3f: {  	[spmem:s26] =	stream.linear.scatter [tilespmem:s31], [sflag:$0x9], $0x2800, $0x38;
	[tilespmem:$0x1DA80] =	vst v63  }
0x40: {  	_ =	swait.ge [sflag:s0], $0x2800  }
0x41: {  	[sflag:s0] =	ssyncset.done $0x0  }
0x42: {  	[sflag:s0] =	ssyncadd.s32 $0xFFFFD800  }
0x43: {  	[spmem:s28] =	stream.linear.scatter [tilespmem:s31], [sflag:$0x9], $0x2800, $0x38;
	[tilespmem:$0x1DA80] =	vst v63  }
0x44: {  	_ =	swait.ge [sflag:s0], $0x2800  }
0x45: {  	[sflag:s0] =	ssyncset.done $0x0  }
0x46: {  	[sflag:s0] =	ssyncadd.s32 $0xFFFFD800  }
0x47: {  	[spmem:s29] =	stream.linear.scatter [tilespmem:s31], [sflag:$0x9], $0x2800, $0x38;
	[tilespmem:$0x1DA80] =	vst v63  }
0x48: {  	_ =	swait.ge [sflag:s0], $0x2800  }
0x49: {  	[sflag:s0] =	ssyncset.done $0x0  }
0x4a: {  	[sflag:s0] =	ssyncadd.s32 $0xFFFFD800  }
0x4b: {  	[spmem:s30] =	stream.linear.scatter [tilespmem:s31], [sflag:$0x9], $0x2800, $0x38;
	[tilespmem:$0x1DA80] =	vst v63  }
0x4c: {  	_ =	swait.ge [sflag:s0], $0x2800  }
0x4d: {  	[sflag:s0] =	ssyncset.done $0x0  }
0x4e: {  	s24 =	rddreg [dreg:$0x14];
	[sflag:s0] =	ssyncadd.s32 $0xFFFFD800  }
0x4f: {  	[spmem:s24] =	stream.linear.scatter [tilespmem:s31], [sflag:$0x9], $0x2800, $0x38;
	[tilespmem:$0x1DA80] =	vst v63  }
0x50: {  	_ =	swait.ge [sflag:s0], $0x2800  }
0x51: {  	[sflag:s0] =	ssyncset.done $0x0  }
0x52: {  	s25 =	rddreg [dreg:$0x15];
	[sflag:s0] =	ssyncadd.s32 $0xFFFFD800  }
0x53: {  	[spmem:s25] =	stream.linear.scatter [tilespmem:s31], [sflag:$0x9], $0x2800, $0x38;
	[tilespmem:$0x1DA80] =	vst v63  }
0x54: {  	_ =	swait.ge [sflag:s0], $0x2800  }
0x55: {  	[sflag:s0] =	ssyncset.done $0x0  }
0x56: {  	s26 =	rddreg [dreg:$0x16];
	[sflag:s0] =	ssyncadd.s32 $0xFFFFD800  }
0x57: {  	[spmem:s26] =	stream.linear.scatter [tilespmem:s31], [sflag:$0x9], $0x2800, $0x38;
	[tilespmem:$0x1DA80] =	vst v63  }
0x58: {  	_ =	swait.ge [sflag:s0], $0x2800  }
0x59: {  	[sflag:s0] =	ssyncset.done $0x0  }
0x5a: {  	s23 =	simm.s32 @!p0 $0x200;
	s24 =	rddreg [dreg:$0x17];
	[sflag:s0] =	ssyncadd.s32 $0xFFFFD800  }
0x5b: {  	[spmem:s24] =	stream.linear.scatter @!p0 [tilespmem:s23], [sflag:$0x9], $0x2800, $0x38;
	[tilespmem:$0x1DA80] =	vst v63  }
0x5c: {  	s23 =	simm.s32 @!p0 $0x9  }
0x5d: {  	_ =	swait.ge @!p0 [sflag:s23], $0x2800  }
0x5e: {  	[sflag:s23] =	ssyncset.done @!p0 $0x0  }
0x5f: {  	[sflag:s23] =	ssyncadd.s32 @!p0 $0xFFFFD800  }
0x60: {  	[bflag:$0x0] =	sbarrier.arrive $0xFFFF  }
0x61: {  	s24 =	simm.s32 $0x0;
	s28 =	rddreg [dreg:$0xc]  }
0x62: {  	[tilespmem:s24], [sflag:$0x1] =	stream.linear.gather [hbm4b:s28+s24], $0x50, $0x38;
	[tilespmem:$0x1DA80] =	vst v63  }
0x63: {  	_ =	swait.ge [sflag:s4], $0x50  }
0x64: {  	[sflag:s4] =	ssyncset.done $0x0  }
0x65: {  	[sflag:s4] =	ssyncadd.s32 $0xFFFFFFB0  }
0x66: {  	v1 =	vld [tilespmem:$0x0];
	_ =	sdelay $0x1  }
0x67: {  	v2 =	vld [tilespmem:$0x10];
	_ =	sdelay $0x1  }
0x68: {  	v3 =	vld [tilespmem:$0x20]  }
0x69: {  	v4 =	vand.u32 $0x3FFF, v1  }
0x6a: {  	v63 =	vld [tilespmem:$0x30];
	v1 =	vshrl.u32 v1, $0xE;
	[tilespmem:$0x100] =	vst v4  }
0x6b: {  	[tilespmem:$0x0] =	vst v1;
	v1 =	vand.u32 $0x3FFF, v2  }
0x6c: {  	[tilespmem:$0x110] =	vst v1;
	v1 =	vshrl.u32 v2, $0xE;
	v2 =	vld [tilespmem:$0x40]  }
0x6d: {  	[tilespmem:$0x10] =	vst v1;
	v1 =	vand.u32 $0x3FFF, v3  }
0x6e: {  	[tilespmem:$0x120] =	vst v1;
	v1 =	vshrl.u32 v3, $0xE  }
0x6f: {  	[tilespmem:$0x20] =	vst v1;
	v1 =	vand.u32 $0x3FFF, v63  }
0x70: {  	[tilespmem:$0x130] =	vst v1;
	v1 =	vshrl.u32 v63, $0xE  }
0x71: {  	[tilespmem:$0x30] =	vst v1;
	v1 =	vand.u32 $0x3FFF, v2  }
0x72: {  	[tilespmem:$0x140] =	vst v1;
	v1 =	vshrl.u32 v2, $0xE  }
0x73: {  	[tilespmem:$0x40] =	vst v1  }
0x74: {  	[tilespmem:s31], [sflag:$0x3] =	stream.indirect.gather [hbm4b:s1+s7], $0x80, s24, s7, $0xb8;
	[tilespmem:$0x1DA80] =	vst v63  }
0x75: {  	s29 =	rddreg [dreg:$0xd]  }
0x76: {  	[tilespmem:s8], [sflag:$0x5] =	stream.linear.gather [hbm4b:s29+s24], $0x2800, $0x38;
	[tilespmem:$0x1DA80] =	vst v63  }
0x77: {  	s30 =	rddreg [dreg:$0xe]  }
0x78: {  	[tilespmem:s9], [sflag:$0x2] =	stream.linear.gather [hbm4b:s30+s24], $0x50, $0x38;
	[tilespmem:$0x1DA80] =	vst v63  }
.LBB2_4:
0x79: {  	_ =	swait.ge [sflag:s10], $0x2800  }
0x7a: {  	[sflag:s10] =	ssyncset.done $0x0  }
0x7b: {  	[sflag:s10] =	ssyncadd.s32 $0xFFFFD800  }
0x7c: {  	_ =	swait.ge [sflag:s11], $0x2800  }
0x7d: {  	p1 =	seq.s32 s24, $0x0;
	[sflag:s11] =	ssyncset.done $0x0  }
0x7e: {  	s23 =	simm.s32 @!p1 $0x8;
	[sflag:s11] =	ssyncadd.s32 $0xFFFFD800  }
0x7f: {  	_ =	swait.ge @!p1 [sflag:s23], $0x2800  }
0x80: {  	[sflag:s23] =	ssyncset.done @!p1 $0x0  }
0x81: {  	[sflag:s23] =	ssyncadd.s32 @!p1 $0xFFFFD800  }
0x82: {  	_ =	swait.ge [sflag:s12], $0x50  }
0x83: {  	[sflag:s12] =	ssyncset.done $0x0  }
0x84: {  	[sflag:s12] =	ssyncadd.s32 $0xFFFFFFB0  }
0x85: {  	v1 =	vld [tilespmem:$0x80];
	_ =	sdelay $0x1  }
0x86: {  	v2 =	vld [tilespmem:$0x90];
	_ =	sdelay $0x1  }
0x87: {  	v3 =	vld [tilespmem:$0xA0]  }
0x88: {  	v4 =	vand.u32 $0x3FFF, v1  }
0x89: {  	v1 =	vshrl.u32 v1, $0xE;
	[tilespmem:$0x180] =	vst v4;
	v4 =	vld [tilespmem:$0xB0]  }
0x8a: {  	[tilespmem:$0x80] =	vst v1;
	v1 =	vand.u32 $0x3FFF, v2  }
0x8b: {  	[tilespmem:$0x190] =	vst v1;
	v1 =	vshrl.u32 v2, $0xE;
	v2 =	vld [tilespmem:$0xC0]  }
0x8c: {  	[tilespmem:$0x90] =	vst v1;
	v1 =	vand.u32 $0x3FFF, v3  }
0x8d: {  	[tilespmem:$0x1A0] =	vst v1;
	v1 =	vshrl.u32 v3, $0xE  }
0x8e: {  	s23 =	smul.u32 @!p1 $0xA0, s24;
	[tilespmem:$0xA0] =	vst v1;
	v1 =	vand.u32 $0x3FFF, v4  }
0x8f: {  	[tilespmem:$0x1B0] =	vst v1;
	v1 =	vshrl.u32 v4, $0xE  }
0x90: {  	s23 =	sadd.s32 @!p1 s16, s23;
	[tilespmem:$0xB0] =	vst v1;
	v1 =	vand.u32 $0x3FFF, v2  }
0x91: {  	s23 =	smov.u32 @p1 s16;
	[tilespmem:$0x1C0] =	vst v1;
	v1 =	vshrl.u32 v2, $0xE  }
0x92: {  	s23 =	sshll.u32 s23, $0x4;
	[tilespmem:$0xC0] =	vst v1  }
0x93: {  	[tilespmem:s13], [sflag:$0x4] =	stream.indirect.gather [hbm4b:s1+s7], $0x80, s9, s7, $0xb8;
	[tilespmem:$0x1DA80] =	vst v63  }
0x94: {  	s25 =	simm.s32 $0x300;
	s23 =	sadd.s32 s6, s23  }
0x95: {  	[tilespmem:s14], [sflag:$0x6] =	stream.linear.gather [hbm4b:s23+s3], $0x2800, $0x38;
	[tilespmem:$0x1DA80] =	vst v63  }
0x96: {  	s26 =	simm.s32 $0x5300;
	v1 =	vld [tilespmem:s25+$0x80]  }
0x97: {  	v2 =	vld [tilespmem:s26+$0x80]  }
0x98: {  	v3 =	vld [tilespmem:s26+$0xFFFFFF00]  }
0x99: {  	v4 =	vld [tilespmem:s25+$0xFFFFFF80]  }
0x9a: {  	v5 =	vld [tilespmem:s26+$0xFFFFFF80]  }
0x9b: {  	v6 =	vld [tilespmem:s26+$0x0]  }
0x9c: {  	v1 =	vadd.f32 v2, v1;
	v2 =	vld [tilespmem:s25+$0x0]  }
0x9d: {  	v7 =	vld [tilespmem:s25+$0xFFFFFF00]  }
0x9e: {  	v1 =	vmax.f32 v1, $0.0e+00  }
0x9f: {  	v4 =	vadd.f32 v5, v4;
	[tilespmem:s25+$0x80] =	vst v1;
	v1 =	vld [tilespmem:s25+$0x90]  }
0xa0: {  	v8 =	vld [tilespmem:s26+$0x90]  }
0xa1: {  	v9 =	vld [tilespmem:s25+$0xFFFFFF90];
	v4 =	vmax.f32 v4, $0.0e+00;
	v2 =	vadd.f32 v6, v2  }
0xa2: {  	v5 =	vld [tilespmem:s25+$0xFFFFFF10];
	v3 =	vadd.f32 v3, v7;
	[tilespmem:s25+$0xFFFFFF80] =	vst v4  }
0xa3: {  	v6 =	vld [tilespmem:s26+$0xFFFFFF90];
	v2 =	vmax.f32 v2, $0.0e+00  }
0xa4: {  	v3 =	vmax.f32 v3, $0.0e+00;
	v4 =	vld [tilespmem:s25+$0x10];
	[tilespmem:s25+$0x0] =	vst v2  }
0xa5: {  	[tilespmem:s25+$0xFFFFFF00] =	vst v3;
	v1 =	vadd.f32 v8, v1;
	v2 =	vld [tilespmem:s26+$0x10]  }
0xa6: {  	v3 =	vld [tilespmem:s26+$0xFFFFFF10]  }
0xa7: {  	v1 =	vmax.f32 v1, $0.0e+00  }
0xa8: {  	v6 =	vadd.f32 v6, v9;
	[tilespmem:s25+$0x90] =	vst v1;
	v1 =	vld [tilespmem:s25+$0xA0]  }
0xa9: {  	v8 =	vld [tilespmem:s26+$0xA0]  }
0xaa: {  	v7 =	vld [tilespmem:s25+$0xFFFFFF20];
	v6 =	vmax.f32 v6, $0.0e+00;
	v2 =	vadd.f32 v2, v4  }
0xab: {  	v3 =	vadd.f32 v3, v5;
	v9 =	vld [tilespmem:s25+$0xFFFFFFA0];
	[tilespmem:s25+$0xFFFFFF90] =	vst v6  }
0xac: {  	v5 =	vld [tilespmem:s26+$0xFFFFFFA0];
	v2 =	vmax.f32 v2, $0.0e+00  }
0xad: {  	v3 =	vmax.f32 v3, $0.0e+00;
	v4 =	vld [tilespmem:s25+$0x20];
	[tilespmem:s25+$0x10] =	vst v2  }
0xae: {  	[tilespmem:s25+$0xFFFFFF10] =	vst v3;
	v1 =	vadd.f32 v8, v1;
	v2 =	vld [tilespmem:s26+$0x20]  }
0xaf: {  	v3 =	vld [tilespmem:s26+$0xFFFFFF20]  }
0xb0: {  	v1 =	vmax.f32 v1, $0.0e+00  }
0xb1: {  	v5 =	vadd.f32 v5, v9;
	[tilespmem:s25+$0xA0] =	vst v1;
	v1 =	vld [tilespmem:s25+$0xB0]  }
0xb2: {  	v8 =	vld [tilespmem:s26+$0xB0]  }
0xb3: {  	v10 =	vld [tilespmem:s25+$0x30];
	v5 =	vmax.f32 v5, $0.0e+00;
	v2 =	vadd.f32 v2, v4  }
0xb4: {  	v3 =	vadd.f32 v3, v7;
	v9 =	vld [tilespmem:s25+$0xFFFFFFB0];
	[tilespmem:s25+$0xFFFFFFA0] =	vst v5  }
0xb5: {  	v4 =	vld [tilespmem:s26+$0xFFFFFFB0];
	v2 =	vmax.f32 v2, $0.0e+00  }
0xb6: {  	v6 =	vld [tilespmem:s25+$0xFFFFFF30];
	[tilespmem:s25+$0x20] =	vst v2;
	v2 =	vmax.f32 v3, $0.0e+00  }
0xb7: {  	v1 =	vadd.f32 v8, v1;
	[tilespmem:s25+$0xFFFFFF20] =	vst v2;
	v2 =	vld [tilespmem:s26+$0x30]  }
0xb8: {  	v7 =	vld [tilespmem:s26+$0xFFFFFF30]  }
0xb9: {  	v11 =	vld [tilespmem:s25+$0xFFFFFF40];
	v1 =	vmax.f32 v1, $0.0e+00  }
0xba: {  	v4 =	vadd.f32 v4, v9;
	[tilespmem:s25+$0xB0] =	vst v1;
	v1 =	vld [tilespmem:s25+$0xC0]  }
0xbb: {  	v8 =	vld [tilespmem:s26+$0xC0]  }
0xbc: {  	v12 =	vld [tilespmem:s25+$0xFFFFFFD0];
	v4 =	vmax.f32 v4, $0.0e+00;
	v2 =	vadd.f32 v2, v10  }
0xbd: {  	v5 =	vld [tilespmem:s25+$0xFFFFFFC0];
	[tilespmem:s25+$0xFFFFFFB0] =	vst v4;
	v6 =	vadd.f32 v7, v6  }
0xbe: {  	v7 =	vld [tilespmem:s26+$0xFFFFFFC0];
	v2 =	vmax.f32 v2, $0.0e+00  }
0xbf: {  	v3 =	vld [tilespmem:s25+$0x40];
	[tilespmem:s25+$0x30] =	vst v2;
	v2 =	vmax.f32 v6, $0.0e+00  }
0xc0: {  	v1 =	vadd.f32 v8, v1;
	v6 =	vld [tilespmem:s26+$0x40];
	[tilespmem:s25+$0xFFFFFF30] =	vst v2  }
0xc1: {  	v2 =	vld [tilespmem:s26+$0xFFFFFF40]  }
0xc2: {  	v9 =	vld [tilespmem:s25+$0xFFFFFF50];
	v1 =	vmax.f32 v1, $0.0e+00  }
0xc3: {  	[tilespmem:s25+$0xC0] =	vst v1;
	v1 =	vadd.f32 v7, v5;
	v7 =	vld [tilespmem:s25+$0xD0]  }
0xc4: {  	v8 =	vld [tilespmem:s26+$0xD0]  }
0xc5: {  	v4 =	vld [tilespmem:s25+$0xFFFFFF60];
	v1 =	vmax.f32 v1, $0.0e+00;
	v3 =	vadd.f32 v6, v3  }
0xc6: {  	v10 =	vld [tilespmem:s25+$0x50];
	[tilespmem:s25+$0xFFFFFFC0] =	vst v1;
	v1 =	vadd.f32 v2, v11  }
0xc7: {  	v2 =	vld [tilespmem:s26+$0xFFFFFFD0];
	v3 =	vmax.f32 v3, $0.0e+00  }
0xc8: {  	v5 =	vld [tilespmem:s25+$0xFFFFFFE0];
	[tilespmem:s25+$0x40] =	vst v3;
	v1 =	vmax.f32 v1, $0.0e+00  }
0xc9: {  	v3 =	vld [tilespmem:s26+$0x50];
	v7 =	vadd.f32 v8, v7;
	[tilespmem:s25+$0xFFFFFF40] =	vst v1  }
0xca: {  	v1 =	vld [tilespmem:s26+$0xFFFFFF50]  }
0xcb: {  	v6 =	vld [tilespmem:s25+$0x60];
	v7 =	vmax.f32 v7, $0.0e+00  }
0xcc: {  	v2 =	vadd.f32 v2, v12;
	[tilespmem:s25+$0xD0] =	vst v7;
	v7 =	vld [tilespmem:s25+$0xE0]  }
0xcd: {  	v11 =	vld [tilespmem:s26+$0xE0]  }
0xce: {  	v2 =	vmax.f32 v2, $0.0e+00;
	v8 =	vadd.f32 v3, v10;
	v3 =	vld [tilespmem:s25+$0xFFFFFF70]  }
0xcf: {  	[tilespmem:s25+$0xFFFFFFD0] =	vst v2;
	v1 =	vadd.f32 v1, v9;
	v2 =	vld [tilespmem:s25+$0xFFFFFFF0]  }
0xd0: {  	v9 =	vmax.f32 v8, $0.0e+00;
	v8 =	vld [tilespmem:s26+$0xFFFFFFE0]  }
0xd1: {  	[tilespmem:s25+$0x50] =	vst v9;
	v9 =	vmax.f32 v1, $0.0e+00;
	v1 =	vld [tilespmem:s25+$0x70]  }
0xd2: {  	[tilespmem:s25+$0xFFFFFF50] =	vst v9;
	v9 =	vld [tilespmem:s26+$0x60];
	v7 =	vadd.f32 v11, v7  }
0xd3: {  	v10 =	vld [tilespmem:s26+$0xFFFFFF60]  }
0xd4: {  	s28 =	simm.s32 $0x0;
	s29 =	simm.s32 $0x500;
	s30 =	simm.s32 $0x5300;
	v11 =	vmax.f32 v7, $0.0e+00;
	v7 =	vld [tilespmem:s25+$0xF0]  }
.LBB2_5:
0xd5: {  	v12 =	vld [tilespmem:s29+$0x80];
	v5 =	vadd.f32 v8, v5;
	[tilespmem:s25+$0xE0] =	vst v11  }
0xd6: {  	s30 =	sadd.s32 $0x200, s30;
	v8 =	vld [tilespmem:s26+$0xF0]  }
0xd7: {  	s28 =	sadd.s32 $0x4, s28;
	v11 =	vld [tilespmem:s30+$0x80];
	v5 =	vmax.f32 v5, $0.0e+00;
	v6 =	vadd.f32 v9, v6  }
0xd8: {  	p1 =	slt.u32 s28, $0x4C;
	v9 =	vld [tilespmem:s30+$0xFFFFFF00];
	v4 =	vadd.f32 v10, v4;
	[tilespmem:s25+$0xFFFFFFE0] =	vst v5  }
0xd9: {  	v5 =	vld [tilespmem:s29+$0xFFFFFF80];
	v6 =	vmax.f32 v6, $0.0e+00  }
0xda: {  	v10 =	vld [tilespmem:s30+$0xFFFFFF80];
	v4 =	vmax.f32 v4, $0.0e+00;
	[tilespmem:s25+$0x60] =	vst v6  }
0xdb: {  	v6 =	vld [tilespmem:s29+$0x0];
	[tilespmem:s25+$0xFFFFFF60] =	vst v4;
	v4 =	vadd.f32 v8, v7  }
0xdc: {  	v7 =	vld [tilespmem:s30+$0x0];
	v8 =	vadd.f32 v11, v12  }
0xdd: {  	v11 =	vld [tilespmem:s29+$0xFFFFFF00];
	v4 =	vmax.f32 v4, $0.0e+00  }
0xde: {  	v12 =	vld [tilespmem:s29+$0xFFFFFF10];
	v8 =	vmax.f32 v8, $0.0e+00;
	[tilespmem:s25+$0xF0] =	vst v4  }
0xdf: {  	v4 =	vadd.f32 v10, v5;
	[tilespmem:s29+$0x80] =	vst v8;
	v5 =	vld [tilespmem:s29+$0x90]  }
0xe0: {  	v8 =	vld [tilespmem:s30+$0x90]  }
0xe1: {  	v4 =	vmax.f32 v4, $0.0e+00;
	v10 =	vld [tilespmem:s29+$0xFFFFFF90];
	v6 =	vadd.f32 v7, v6  }
0xe2: {  	v7 =	vadd.f32 v9, v11;
	[tilespmem:s29+$0xFFFFFF80] =	vst v4;
	v4 =	vld [tilespmem:s29+$0x10]  }
0xe3: {  	v9 =	vld [tilespmem:s30+$0xFFFFFF90];
	v6 =	vmax.f32 v6, $0.0e+00  }
0xe4: {  	v7 =	vmax.f32 v7, $0.0e+00;
	v11 =	vld [tilespmem:s29+$0xFFFFFF20];
	[tilespmem:s29+$0x0] =	vst v6  }
0xe5: {  	[tilespmem:s29+$0xFFFFFF00] =	vst v7;
	v6 =	vld [tilespmem:s30+$0x10];
	v5 =	vadd.f32 v8, v5  }
0xe6: {  	v7 =	vld [tilespmem:s30+$0xFFFFFF10]  }
0xe7: {  	v8 =	vld [tilespmem:s29+$0xFFFFFFA0];
	v5 =	vmax.f32 v5, $0.0e+00  }
0xe8: {  	v9 =	vadd.f32 v9, v10;
	[tilespmem:s29+$0x90] =	vst v5;
	v5 =	vld [tilespmem:s29+$0xA0]  }
0xe9: {  	v10 =	vld [tilespmem:s30+$0xA0]  }
0xea: {  	v9 =	vmax.f32 v9, $0.0e+00;
	v4 =	vadd.f32 v6, v4;
	v6 =	vld [tilespmem:s29+$0x20]  }
0xeb: {  	v7 =	vadd.f32 v7, v12;
	v12 =	vld [tilespmem:s29+$0xFFFFFF30];
	[tilespmem:s29+$0xFFFFFF90] =	vst v9  }
0xec: {  	v9 =	vld [tilespmem:s30+$0xFFFFFFA0];
	v4 =	vmax.f32 v4, $0.0e+00  }
0xed: {  	v7 =	vmax.f32 v7, $0.0e+00;
	v13 =	vld [tilespmem:s29+$0xFFFFFFB0];
	[tilespmem:s29+$0x10] =	vst v4  }
0xee: {  	[tilespmem:s29+$0xFFFFFF10] =	vst v7;
	v4 =	vld [tilespmem:s30+$0x20];
	v5 =	vadd.f32 v10, v5  }
0xef: {  	v7 =	vld [tilespmem:s30+$0xFFFFFF20]  }
0xf0: {  	v10 =	vld [tilespmem:s29+$0x30];
	v5 =	vmax.f32 v5, $0.0e+00  }
0xf1: {  	v8 =	vadd.f32 v9, v8;
	[tilespmem:s29+$0xA0] =	vst v5;
	v5 =	vld [tilespmem:s29+$0xB0]  }
0xf2: {  	v9 =	vld [tilespmem:s30+$0xB0]  }
0xf3: {  	v14 =	vld [tilespmem:s29+$0xFFFFFF40];
	v8 =	vmax.f32 v8, $0.0e+00;
	v4 =	vadd.f32 v4, v6  }
0xf4: {  	v6 =	vadd.f32 v7, v11;
	[tilespmem:s29+$0xFFFFFFA0] =	vst v8;
	v7 =	vld [tilespmem:s29+$0xFFFFFFC0]  }
0xf5: {  	v8 =	vld [tilespmem:s30+$0xFFFFFFB0];
	v4 =	vmax.f32 v4, $0.0e+00  }
0xf6: {  	v6 =	vmax.f32 v6, $0.0e+00;
	[tilespmem:s29+$0x20] =	vst v4;
	v11 =	vld [tilespmem:s29+$0x40]  }
0xf7: {  	[tilespmem:s29+$0xFFFFFF20] =	vst v6;
	v4 =	vld [tilespmem:s30+$0x30];
	v5 =	vadd.f32 v9, v5  }
0xf8: {  	v6 =	vld [tilespmem:s30+$0xFFFFFF30]  }
0xf9: {  	v9 =	vld [tilespmem:s29+$0xFFFFFF50];
	v5 =	vmax.f32 v5, $0.0e+00  }
0xfa: {  	v8 =	vadd.f32 v8, v13;
	[tilespmem:s29+$0xB0] =	vst v5;
	v5 =	vld [tilespmem:s29+$0xC0]  }
0xfb: {  	v13 =	vld [tilespmem:s30+$0xC0]  }
0xfc: {  	v8 =	vmax.f32 v8, $0.0e+00;
	v15 =	vld [tilespmem:s29+$0xFFFFFFD0];
	v4 =	vadd.f32 v4, v10  }
0xfd: {  	v6 =	vadd.f32 v6, v12;
	[tilespmem:s29+$0xFFFFFFB0] =	vst v8;
	v8 =	vld [tilespmem:s29+$0x50]  }
0xfe: {  	v10 =	vld [tilespmem:s30+$0xFFFFFFC0];
	v12 =	vmax.f32 v4, $0.0e+00  }
0xff: {  	v6 =	vmax.f32 v6, $0.0e+00;
	v4 =	vld [tilespmem:s29+$0xFFFFFF60];
	[tilespmem:s29+$0x30] =	vst v12  }
0x100: {  	[tilespmem:s29+$0xFFFFFF30] =	vst v6;
	v6 =	vld [tilespmem:s30+$0x40];
	v12 =	vadd.f32 v13, v5  }
0x101: {  	v13 =	vld [tilespmem:s30+$0xFFFFFF40]  }
0x102: {  	v5 =	vld [tilespmem:s29+$0xFFFFFFE0];
	v12 =	vmax.f32 v12, $0.0e+00  }
0x103: {  	v7 =	vadd.f32 v10, v7;
	[tilespmem:s29+$0xC0] =	vst v12;
	v10 =	vld [tilespmem:s29+$0xD0]  }
0x104: {  	v12 =	vld [tilespmem:s30+$0xD0]  }
0x105: {  	v7 =	vmax.f32 v7, $0.0e+00;
	v11 =	vadd.f32 v6, v11;
	v6 =	vld [tilespmem:s29+$0x60]  }
0x106: {  	v13 =	vadd.f32 v13, v14;
	[tilespmem:s29+$0xFFFFFFC0] =	vst v7;
	v7 =	vld [tilespmem:s26+$0xFFFFFF70]  }
0x107: {  	v14 =	vld [tilespmem:s30+$0xFFFFFFD0];
	v11 =	vmax.f32 v11, $0.0e+00  }
0x108: {  	v13 =	vmax.f32 v13, $0.0e+00;
	[tilespmem:s29+$0x40] =	vst v11;
	v11 =	vld [tilespmem:s26+$0xFFFFFFF0]  }
0x109: {  	[tilespmem:s29+$0xFFFFFF40] =	vst v13;
	v13 =	vld [tilespmem:s30+$0x50];
	v10 =	vadd.f32 v12, v10  }
0x10a: {  	v12 =	vld [tilespmem:s30+$0xFFFFFF50]  }
0x10b: {  	v10 =	vmax.f32 v10, $0.0e+00;
	v3 =	vadd.f32 v7, v3;
	v7 =	vld [tilespmem:s26+$0x70];
	s26 =	smov.u32 s30  }
0x10c: {  	v14 =	vadd.f32 v14, v15;
	[tilespmem:s29+$0xD0] =	vst v10;
	v10 =	vld [tilespmem:s29+$0xE0]  }
0x10d: {  	v15 =	vld [tilespmem:s30+$0xE0];
	v16 =	vmax.f32 v3, $0.0e+00;
	v11 =	vadd.f32 v11, v2  }
0x10e: {  	v3 =	vld [tilespmem:s29+$0xFFFFFF70];
	v2 =	vmax.f32 v14, $0.0e+00;
	v13 =	vadd.f32 v13, v8;
	[tilespmem:s25+$0xFFFFFF70] =	vst v16  }
0x10f: {  	v9 =	vadd.f32 v12, v9;
	[tilespmem:s29+$0xFFFFFFD0] =	vst v2;
	v2 =	vld [tilespmem:s29+$0xFFFFFFF0];
	v11 =	vmax.f32 v11, $0.0e+00  }
.Ltmp1:
0x110: {  	v8 =	vld [tilespmem:s30+$0xFFFFFFE0];
	v12 =	vmax.f32 v13, $0.0e+00;
	[tilespmem:s25+$0xFFFFFFF0] =	vst v11;
	v7 =	vadd.f32 v7, v1;
	(pc) =	sbr.rel @p1 .LBB2_5-.Ltmp1, $4  }
0x111: {  	v9 =	vmax.f32 v9, $0.0e+00;
	[tilespmem:s29+$0x50] =	vst v12;
	v1 =	vld [tilespmem:s29+$0x70]  }
0x112: {  	[tilespmem:s29+$0xFFFFFF50] =	vst v9;
	v9 =	vld [tilespmem:s30+$0x60];
	v11 =	vadd.f32 v15, v10;
	v7 =	vmax.f32 v7, $0.0e+00  }
0x113: {  	v10 =	vld [tilespmem:s30+$0xFFFFFF60];
	[tilespmem:s25+$0x70] =	vst v7;
	s25 =	smov.u32 s29  }
0x114: {  	s29 =	sadd.s32 $0x200, s29;
	v11 =	vmax.f32 v11, $0.0e+00;
	v7 =	vld [tilespmem:s25+$0xF0]  }
0x115: {  	_ =	sdelay $0x2  }
0x116: {  	v4 =	vadd.f32 v10, v4  }
0x117: {  	v5 =	vadd.f32 v8, v5  }
0x118: {  	[tilespmem:s25+$0xE0] =	vst v11;
	v6 =	vadd.f32 v9, v6;
	v4 =	vmax.f32 v4, $0.0e+00  }
0x119: {  	v8 =	vld [tilespmem:s26+$0xF0];
	v5 =	vmax.f32 v5, $0.0e+00;
	[tilespmem:s25+$0xFFFFFF60] =	vst v4  }
0x11a: {  	[tilespmem:s25+$0xFFFFFFE0] =	vst v5;
	v4 =	vmax.f32 v6, $0.0e+00;
	v5 =	vld [tilespmem:s26+$0xFFFFFF70]  }
0x11b: {  	[tilespmem:s25+$0x60] =	vst v4;
	v4 =	vld [tilespmem:s26+$0xFFFFFFF0]  }
0x11c: {  	v6 =	vld [tilespmem:s26+$0x70];
	_ =	sdelay $0x1  }
0x11d: {  	v7 =	vadd.f32 v8, v7  }
0x11e: {  	v3 =	vadd.f32 v5, v3  }
0x11f: {  	v5 =	vmax.f32 v7, $0.0e+00;
	v2 =	vadd.f32 v4, v2  }
0x120: {  	[tilespmem:s25+$0xF0] =	vst v5;
	v1 =	vadd.f32 v6, v1;
	v3 =	vmax.f32 v3, $0.0e+00  }
0x121: {  	v2 =	vmax.f32 v2, $0.0e+00;
	[tilespmem:s25+$0xFFFFFF70] =	vst v3  }
0x122: {  	[tilespmem:s25+$0xFFFFFFF0] =	vst v2;
	v1 =	vmax.f32 v1, $0.0e+00  }
0x123: {  	[tilespmem:s25+$0x70] =	vst v1;
	s25 =	smul.u32 $0xA0, s24  }
0x124: {  	[spmem:s2] =	stream.indirect.scatter.add.f32 [tilespmem:s31], [sflag:$0x7], $0x80, s15, s7, $0xb8;
	[tilespmem:$0x1DA80] =	vst v63  }
0x125: {  	s23 =	sadd.s32 s25, s19  }
0x126: {  	s26 =	sshrl.u32 s23, $0x3  }
0x127: {  	s26 =	sadd.s32 s5, s26  }
0x128: {  	[tilespmem:s3], [sflag:$0x1] =	stream.linear.gather [hbm4b:s26+s3], $0x50, $0x38;
	[tilespmem:$0x1DA80] =	vst v63  }
0x129: {  	_ =	swait.ge [sflag:s17], $0x2800  }
0x12a: {  	[sflag:s17] =	ssyncset.done $0x0  }
0x12b: {  	[sflag:s17] =	ssyncadd.s32 $0xFFFFD800  }
0x12c: {  	_ =	swait.ge [sflag:s18], $0x2800  }
0x12d: {  	[sflag:s18] =	ssyncset.done $0x0  }
0x12e: {  	[sflag:s18] =	ssyncadd.s32 $0xFFFFD800  }
0x12f: {  	_ =	swait.ge [sflag:s21], $0x2800  }
0x130: {  	[sflag:s21] =	ssyncset.done $0x0  }
0x131: {  	[sflag:s21] =	ssyncadd.s32 $0xFFFFD800  }
0x132: {  	_ =	swait.ge [sflag:s4], $0x50  }
0x133: {  	[sflag:s4] =	ssyncset.done $0x0  }
0x134: {  	[sflag:s4] =	ssyncadd.s32 $0xFFFFFFB0  }
0x135: {  	v1 =	vld [tilespmem:$0x0];
	_ =	sdelay $0x1  }
0x136: {  	v2 =	vld [tilespmem:$0x10];
	_ =	sdelay $0x1  }
0x137: {  	v3 =	vld [tilespmem:$0x20]  }
0x138: {  	v4 =	vand.u32 $0x3FFF, v1  }
0x139: {  	v1 =	vshrl.u32 v1, $0xE;
	[tilespmem:$0x100] =	vst v4;
	v4 =	vld [tilespmem:$0x30]  }
0x13a: {  	[tilespmem:$0x0] =	vst v1;
	v1 =	vand.u32 $0x3FFF, v2  }
0x13b: {  	[tilespmem:$0x110] =	vst v1;
	v1 =	vshrl.u32 v2, $0xE;
	v2 =	vld [tilespmem:$0x40]  }
0x13c: {  	[tilespmem:$0x10] =	vst v1;
	v1 =	vand.u32 $0x3FFF, v3  }
0x13d: {  	[tilespmem:$0x120] =	vst v1;
	v1 =	vshrl.u32 v3, $0xE  }
0x13e: {  	[tilespmem:$0x20] =	vst v1;
	v1 =	vand.u32 $0x3FFF, v4  }
0x13f: {  	[tilespmem:$0x130] =	vst v1;
	v1 =	vshrl.u32 v4, $0xE  }
0x140: {  	[tilespmem:$0x30] =	vst v1;
	v1 =	vand.u32 $0x3FFF, v2  }
0x141: {  	[tilespmem:$0x140] =	vst v1;
	v1 =	vshrl.u32 v2, $0xE  }
0x142: {  	s23 =	sshll.u32 s23, $0x4;
	[tilespmem:$0x40] =	vst v1  }
0x143: {  	[tilespmem:s31], [sflag:$0x3] =	stream.indirect.gather [hbm4b:s1+s7], $0x80, s3, s7, $0xb8;
	[tilespmem:$0x1DA80] =	vst v63  }
0x144: {  	s23 =	sadd.s32 s6, s23;
	s26 =	simm.s32 $0x2B00  }
0x145: {  	[tilespmem:s8], [sflag:$0x5] =	stream.linear.gather [hbm4b:s23+s3], $0x2800, $0x38;
	[tilespmem:$0x1DA80] =	vst v63  }
0x146: {  	s28 =	simm.s32 $0x7B00;
	v1 =	vld [tilespmem:s26+$0x80]  }
0x147: {  	v2 =	vld [tilespmem:s28+$0x80]  }
0x148: {  	v3 =	vld [tilespmem:s28+$0xFFFFFF00]  }
0x149: {  	v4 =	vld [tilespmem:s26+$0xFFFFFF80]  }
0x14a: {  	v5 =	vld [tilespmem:s28+$0xFFFFFF80]  }
0x14b: {  	v6 =	vld [tilespmem:s28+$0x0]  }
0x14c: {  	v1 =	vadd.f32 v2, v1;
	v2 =	vld [tilespmem:s26+$0x0]  }
0x14d: {  	v7 =	vld [tilespmem:s26+$0xFFFFFF00]  }
0x14e: {  	v1 =	vmax.f32 v1, $0.0e+00  }
0x14f: {  	v4 =	vadd.f32 v5, v4;
	[tilespmem:s26+$0x80] =	vst v1;
	v1 =	vld [tilespmem:s26+$0x90]  }
0x150: {  	v8 =	vld [tilespmem:s28+$0x90]  }
0x151: {  	v9 =	vld [tilespmem:s26+$0xFFFFFF90];
	v4 =	vmax.f32 v4, $0.0e+00;
	v2 =	vadd.f32 v6, v2  }
0x152: {  	v5 =	vld [tilespmem:s26+$0xFFFFFF10];
	v3 =	vadd.f32 v3, v7;
	[tilespmem:s26+$0xFFFFFF80] =	vst v4  }
0x153: {  	v6 =	vld [tilespmem:s28+$0xFFFFFF90];
	v2 =	vmax.f32 v2, $0.0e+00  }
0x154: {  	v3 =	vmax.f32 v3, $0.0e+00;
	v4 =	vld [tilespmem:s26+$0x10];
	[tilespmem:s26+$0x0] =	vst v2  }
0x155: {  	[tilespmem:s26+$0xFFFFFF00] =	vst v3;
	v1 =	vadd.f32 v8, v1;
	v2 =	vld [tilespmem:s28+$0x10]  }
0x156: {  	v3 =	vld [tilespmem:s28+$0xFFFFFF10]  }
0x157: {  	v1 =	vmax.f32 v1, $0.0e+00  }
0x158: {  	v6 =	vadd.f32 v6, v9;
	[tilespmem:s26+$0x90] =	vst v1;
	v1 =	vld [tilespmem:s26+$0xA0]  }
0x159: {  	v8 =	vld [tilespmem:s28+$0xA0]  }
0x15a: {  	v7 =	vld [tilespmem:s26+$0xFFFFFF20];
	v6 =	vmax.f32 v6, $0.0e+00;
	v2 =	vadd.f32 v2, v4  }
0x15b: {  	v3 =	vadd.f32 v3, v5;
	v9 =	vld [tilespmem:s26+$0xFFFFFFA0];
	[tilespmem:s26+$0xFFFFFF90] =	vst v6  }
0x15c: {  	v5 =	vld [tilespmem:s28+$0xFFFFFFA0];
	v2 =	vmax.f32 v2, $0.0e+00  }
0x15d: {  	v3 =	vmax.f32 v3, $0.0e+00;
	v4 =	vld [tilespmem:s26+$0x20];
	[tilespmem:s26+$0x10] =	vst v2  }
0x15e: {  	[tilespmem:s26+$0xFFFFFF10] =	vst v3;
	v1 =	vadd.f32 v8, v1;
	v2 =	vld [tilespmem:s28+$0x20]  }
0x15f: {  	v3 =	vld [tilespmem:s28+$0xFFFFFF20]  }
0x160: {  	v1 =	vmax.f32 v1, $0.0e+00  }
0x161: {  	v5 =	vadd.f32 v5, v9;
	[tilespmem:s26+$0xA0] =	vst v1;
	v1 =	vld [tilespmem:s26+$0xB0]  }
0x162: {  	v8 =	vld [tilespmem:s28+$0xB0]  }
0x163: {  	v10 =	vld [tilespmem:s26+$0x30];
	v5 =	vmax.f32 v5, $0.0e+00;
	v2 =	vadd.f32 v2, v4  }
0x164: {  	v3 =	vadd.f32 v3, v7;
	v9 =	vld [tilespmem:s26+$0xFFFFFFB0];
	[tilespmem:s26+$0xFFFFFFA0] =	vst v5  }
0x165: {  	v4 =	vld [tilespmem:s28+$0xFFFFFFB0];
	v2 =	vmax.f32 v2, $0.0e+00  }
0x166: {  	v6 =	vld [tilespmem:s26+$0xFFFFFF30];
	[tilespmem:s26+$0x20] =	vst v2;
	v2 =	vmax.f32 v3, $0.0e+00  }
0x167: {  	v1 =	vadd.f32 v8, v1;
	[tilespmem:s26+$0xFFFFFF20] =	vst v2;
	v2 =	vld [tilespmem:s28+$0x30]  }
0x168: {  	v7 =	vld [tilespmem:s28+$0xFFFFFF30]  }
0x169: {  	v11 =	vld [tilespmem:s26+$0xFFFFFF40];
	v1 =	vmax.f32 v1, $0.0e+00  }
0x16a: {  	v4 =	vadd.f32 v4, v9;
	[tilespmem:s26+$0xB0] =	vst v1;
	v1 =	vld [tilespmem:s26+$0xC0]  }
0x16b: {  	v8 =	vld [tilespmem:s28+$0xC0]  }
0x16c: {  	v12 =	vld [tilespmem:s26+$0xFFFFFFD0];
	v4 =	vmax.f32 v4, $0.0e+00;
	v2 =	vadd.f32 v2, v10  }
0x16d: {  	v5 =	vld [tilespmem:s26+$0xFFFFFFC0];
	[tilespmem:s26+$0xFFFFFFB0] =	vst v4;
	v6 =	vadd.f32 v7, v6  }
0x16e: {  	v7 =	vld [tilespmem:s28+$0xFFFFFFC0];
	v2 =	vmax.f32 v2, $0.0e+00  }
0x16f: {  	v3 =	vld [tilespmem:s26+$0x40];
	[tilespmem:s26+$0x30] =	vst v2;
	v2 =	vmax.f32 v6, $0.0e+00  }
0x170: {  	v1 =	vadd.f32 v8, v1;
	v6 =	vld [tilespmem:s28+$0x40];
	[tilespmem:s26+$0xFFFFFF30] =	vst v2  }
0x171: {  	v2 =	vld [tilespmem:s28+$0xFFFFFF40]  }
0x172: {  	v9 =	vld [tilespmem:s26+$0xFFFFFF50];
	v1 =	vmax.f32 v1, $0.0e+00  }
0x173: {  	[tilespmem:s26+$0xC0] =	vst v1;
	v1 =	vadd.f32 v7, v5;
	v7 =	vld [tilespmem:s26+$0xD0]  }
0x174: {  	v8 =	vld [tilespmem:s28+$0xD0]  }
0x175: {  	v4 =	vld [tilespmem:s26+$0xFFFFFF60];
	v1 =	vmax.f32 v1, $0.0e+00;
	v3 =	vadd.f32 v6, v3  }
0x176: {  	v10 =	vld [tilespmem:s26+$0x50];
	[tilespmem:s26+$0xFFFFFFC0] =	vst v1;
	v1 =	vadd.f32 v2, v11  }
0x177: {  	v2 =	vld [tilespmem:s28+$0xFFFFFFD0];
	v3 =	vmax.f32 v3, $0.0e+00  }
0x178: {  	v5 =	vld [tilespmem:s26+$0xFFFFFFE0];
	[tilespmem:s26+$0x40] =	vst v3;
	v1 =	vmax.f32 v1, $0.0e+00  }
0x179: {  	v3 =	vld [tilespmem:s28+$0x50];
	v7 =	vadd.f32 v8, v7;
	[tilespmem:s26+$0xFFFFFF40] =	vst v1  }
0x17a: {  	v1 =	vld [tilespmem:s28+$0xFFFFFF50]  }
0x17b: {  	v6 =	vld [tilespmem:s26+$0x60];
	v7 =	vmax.f32 v7, $0.0e+00  }
0x17c: {  	v2 =	vadd.f32 v2, v12;
	[tilespmem:s26+$0xD0] =	vst v7;
	v7 =	vld [tilespmem:s26+$0xE0]  }
0x17d: {  	v11 =	vld [tilespmem:s28+$0xE0]  }
0x17e: {  	v2 =	vmax.f32 v2, $0.0e+00;
	v8 =	vadd.f32 v3, v10;
	v3 =	vld [tilespmem:s26+$0xFFFFFF70]  }
0x17f: {  	[tilespmem:s26+$0xFFFFFFD0] =	vst v2;
	v1 =	vadd.f32 v1, v9;
	v2 =	vld [tilespmem:s26+$0xFFFFFFF0]  }
0x180: {  	v9 =	vmax.f32 v8, $0.0e+00;
	v8 =	vld [tilespmem:s28+$0xFFFFFFE0]  }
0x181: {  	[tilespmem:s26+$0x50] =	vst v9;
	v9 =	vmax.f32 v1, $0.0e+00;
	v1 =	vld [tilespmem:s26+$0x70]  }
0x182: {  	[tilespmem:s26+$0xFFFFFF50] =	vst v9;
	v9 =	vld [tilespmem:s28+$0x60];
	v7 =	vadd.f32 v11, v7  }
0x183: {  	v10 =	vld [tilespmem:s28+$0xFFFFFF60]  }
0x184: {  	s29 =	simm.s32 $0x0;
	s30 =	simm.s32 $0x2D00;
	s23 =	simm.s32 $0x7B00;
	v11 =	vmax.f32 v7, $0.0e+00;
	v7 =	vld [tilespmem:s26+$0xF0]  }
.LBB2_7:
0x185: {  	v12 =	vld [tilespmem:s30+$0x80];
	v5 =	vadd.f32 v8, v5;
	[tilespmem:s26+$0xE0] =	vst v11  }
0x186: {  	s23 =	sadd.s32 $0x200, s23;
	v8 =	vld [tilespmem:s28+$0xF0]  }
0x187: {  	s29 =	sadd.s32 $0x4, s29;
	v11 =	vld [tilespmem:s23+$0x80];
	v5 =	vmax.f32 v5, $0.0e+00;
	v6 =	vadd.f32 v9, v6  }
0x188: {  	p1 =	slt.u32 s29, $0x4C;
	v9 =	vld [tilespmem:s23+$0xFFFFFF00];
	v4 =	vadd.f32 v10, v4;
	[tilespmem:s26+$0xFFFFFFE0] =	vst v5  }
0x189: {  	v5 =	vld [tilespmem:s30+$0xFFFFFF80];
	v6 =	vmax.f32 v6, $0.0e+00  }
0x18a: {  	v10 =	vld [tilespmem:s23+$0xFFFFFF80];
	v4 =	vmax.f32 v4, $0.0e+00;
	[tilespmem:s26+$0x60] =	vst v6  }
0x18b: {  	v6 =	vld [tilespmem:s30+$0x0];
	[tilespmem:s26+$0xFFFFFF60] =	vst v4;
	v4 =	vadd.f32 v8, v7  }
0x18c: {  	v7 =	vld [tilespmem:s23+$0x0];
	v8 =	vadd.f32 v11, v12  }
0x18d: {  	v11 =	vld [tilespmem:s30+$0xFFFFFF00];
	v4 =	vmax.f32 v4, $0.0e+00  }
0x18e: {  	v12 =	vld [tilespmem:s30+$0xFFFFFF10];
	v8 =	vmax.f32 v8, $0.0e+00;
	[tilespmem:s26+$0xF0] =	vst v4  }
0x18f: {  	v4 =	vadd.f32 v10, v5;
	[tilespmem:s30+$0x80] =	vst v8;
	v5 =	vld [tilespmem:s30+$0x90]  }
0x190: {  	v8 =	vld [tilespmem:s23+$0x90]  }
0x191: {  	v4 =	vmax.f32 v4, $0.0e+00;
	v10 =	vld [tilespmem:s30+$0xFFFFFF90];
	v6 =	vadd.f32 v7, v6  }
0x192: {  	v7 =	vadd.f32 v9, v11;
	[tilespmem:s30+$0xFFFFFF80] =	vst v4;
	v4 =	vld [tilespmem:s30+$0x10]  }
0x193: {  	v9 =	vld [tilespmem:s23+$0xFFFFFF90];
	v6 =	vmax.f32 v6, $0.0e+00  }
0x194: {  	v7 =	vmax.f32 v7, $0.0e+00;
	v11 =	vld [tilespmem:s30+$0xFFFFFF20];
	[tilespmem:s30+$0x0] =	vst v6  }
0x195: {  	[tilespmem:s30+$0xFFFFFF00] =	vst v7;
	v6 =	vld [tilespmem:s23+$0x10];
	v5 =	vadd.f32 v8, v5  }
0x196: {  	v7 =	vld [tilespmem:s23+$0xFFFFFF10]  }
0x197: {  	v8 =	vld [tilespmem:s30+$0xFFFFFFA0];
	v5 =	vmax.f32 v5, $0.0e+00  }
0x198: {  	v9 =	vadd.f32 v9, v10;
	[tilespmem:s30+$0x90] =	vst v5;
	v5 =	vld [tilespmem:s30+$0xA0]  }
0x199: {  	v10 =	vld [tilespmem:s23+$0xA0]  }
0x19a: {  	v9 =	vmax.f32 v9, $0.0e+00;
	v4 =	vadd.f32 v6, v4;
	v6 =	vld [tilespmem:s30+$0x20]  }
0x19b: {  	v7 =	vadd.f32 v7, v12;
	v12 =	vld [tilespmem:s30+$0xFFFFFF30];
	[tilespmem:s30+$0xFFFFFF90] =	vst v9  }
0x19c: {  	v9 =	vld [tilespmem:s23+$0xFFFFFFA0];
	v4 =	vmax.f32 v4, $0.0e+00  }
0x19d: {  	v7 =	vmax.f32 v7, $0.0e+00;
	v13 =	vld [tilespmem:s30+$0xFFFFFFB0];
	[tilespmem:s30+$0x10] =	vst v4  }
0x19e: {  	[tilespmem:s30+$0xFFFFFF10] =	vst v7;
	v4 =	vld [tilespmem:s23+$0x20];
	v5 =	vadd.f32 v10, v5  }
0x19f: {  	v7 =	vld [tilespmem:s23+$0xFFFFFF20]  }
0x1a0: {  	v10 =	vld [tilespmem:s30+$0x30];
	v5 =	vmax.f32 v5, $0.0e+00  }
0x1a1: {  	v8 =	vadd.f32 v9, v8;
	[tilespmem:s30+$0xA0] =	vst v5;
	v5 =	vld [tilespmem:s30+$0xB0]  }
0x1a2: {  	v9 =	vld [tilespmem:s23+$0xB0]  }
0x1a3: {  	v14 =	vld [tilespmem:s30+$0xFFFFFF40];
	v8 =	vmax.f32 v8, $0.0e+00;
	v4 =	vadd.f32 v4, v6  }
0x1a4: {  	v6 =	vadd.f32 v7, v11;
	[tilespmem:s30+$0xFFFFFFA0] =	vst v8;
	v7 =	vld [tilespmem:s30+$0xFFFFFFC0]  }
0x1a5: {  	v8 =	vld [tilespmem:s23+$0xFFFFFFB0];
	v4 =	vmax.f32 v4, $0.0e+00  }
0x1a6: {  	v6 =	vmax.f32 v6, $0.0e+00;
	[tilespmem:s30+$0x20] =	vst v4;
	v11 =	vld [tilespmem:s30+$0x40]  }
0x1a7: {  	[tilespmem:s30+$0xFFFFFF20] =	vst v6;
	v4 =	vld [tilespmem:s23+$0x30];
	v5 =	vadd.f32 v9, v5  }
0x1a8: {  	v6 =	vld [tilespmem:s23+$0xFFFFFF30]  }
0x1a9: {  	v9 =	vld [tilespmem:s30+$0xFFFFFF50];
	v5 =	vmax.f32 v5, $0.0e+00  }
0x1aa: {  	v8 =	vadd.f32 v8, v13;
	[tilespmem:s30+$0xB0] =	vst v5;
	v5 =	vld [tilespmem:s30+$0xC0]  }
0x1ab: {  	v13 =	vld [tilespmem:s23+$0xC0]  }
0x1ac: {  	v8 =	vmax.f32 v8, $0.0e+00;
	v15 =	vld [tilespmem:s30+$0xFFFFFFD0];
	v4 =	vadd.f32 v4, v10  }
0x1ad: {  	v6 =	vadd.f32 v6, v12;
	[tilespmem:s30+$0xFFFFFFB0] =	vst v8;
	v8 =	vld [tilespmem:s30+$0x50]  }
0x1ae: {  	v10 =	vld [tilespmem:s23+$0xFFFFFFC0];
	v12 =	vmax.f32 v4, $0.0e+00  }
0x1af: {  	v6 =	vmax.f32 v6, $0.0e+00;
	v4 =	vld [tilespmem:s30+$0xFFFFFF60];
	[tilespmem:s30+$0x30] =	vst v12  }
0x1b0: {  	[tilespmem:s30+$0xFFFFFF30] =	vst v6;
	v6 =	vld [tilespmem:s23+$0x40];
	v12 =	vadd.f32 v13, v5  }
0x1b1: {  	v13 =	vld [tilespmem:s23+$0xFFFFFF40]  }
0x1b2: {  	v5 =	vld [tilespmem:s30+$0xFFFFFFE0];
	v12 =	vmax.f32 v12, $0.0e+00  }
0x1b3: {  	v7 =	vadd.f32 v10, v7;
	[tilespmem:s30+$0xC0] =	vst v12;
	v10 =	vld [tilespmem:s30+$0xD0]  }
0x1b4: {  	v12 =	vld [tilespmem:s23+$0xD0]  }
0x1b5: {  	v7 =	vmax.f32 v7, $0.0e+00;
	v11 =	vadd.f32 v6, v11;
	v6 =	vld [tilespmem:s30+$0x60]  }
0x1b6: {  	v13 =	vadd.f32 v13, v14;
	[tilespmem:s30+$0xFFFFFFC0] =	vst v7;
	v7 =	vld [tilespmem:s28+$0xFFFFFF70]  }
0x1b7: {  	v14 =	vld [tilespmem:s23+$0xFFFFFFD0];
	v11 =	vmax.f32 v11, $0.0e+00  }
0x1b8: {  	v13 =	vmax.f32 v13, $0.0e+00;
	[tilespmem:s30+$0x40] =	vst v11;
	v11 =	vld [tilespmem:s28+$0xFFFFFFF0]  }
0x1b9: {  	[tilespmem:s30+$0xFFFFFF40] =	vst v13;
	v13 =	vld [tilespmem:s23+$0x50];
	v10 =	vadd.f32 v12, v10  }
0x1ba: {  	v12 =	vld [tilespmem:s23+$0xFFFFFF50]  }
0x1bb: {  	v10 =	vmax.f32 v10, $0.0e+00;
	v3 =	vadd.f32 v7, v3;
	v7 =	vld [tilespmem:s28+$0x70];
	s28 =	smov.u32 s23  }
0x1bc: {  	v14 =	vadd.f32 v14, v15;
	[tilespmem:s30+$0xD0] =	vst v10;
	v10 =	vld [tilespmem:s30+$0xE0]  }
0x1bd: {  	v15 =	vld [tilespmem:s23+$0xE0];
	v16 =	vmax.f32 v3, $0.0e+00;
	v11 =	vadd.f32 v11, v2  }
0x1be: {  	v3 =	vld [tilespmem:s30+$0xFFFFFF70];
	v2 =	vmax.f32 v14, $0.0e+00;
	v13 =	vadd.f32 v13, v8;
	[tilespmem:s26+$0xFFFFFF70] =	vst v16  }
0x1bf: {  	v9 =	vadd.f32 v12, v9;
	[tilespmem:s30+$0xFFFFFFD0] =	vst v2;
	v2 =	vld [tilespmem:s30+$0xFFFFFFF0];
	v11 =	vmax.f32 v11, $0.0e+00  }
.Ltmp2:
0x1c0: {  	v8 =	vld [tilespmem:s23+$0xFFFFFFE0];
	v12 =	vmax.f32 v13, $0.0e+00;
	[tilespmem:s26+$0xFFFFFFF0] =	vst v11;
	v7 =	vadd.f32 v7, v1;
	(pc) =	sbr.rel @p1 .LBB2_7-.Ltmp2, $4  }
0x1c1: {  	v9 =	vmax.f32 v9, $0.0e+00;
	[tilespmem:s30+$0x50] =	vst v12;
	v1 =	vld [tilespmem:s30+$0x70]  }
0x1c2: {  	[tilespmem:s30+$0xFFFFFF50] =	vst v9;
	v9 =	vld [tilespmem:s23+$0x60];
	v11 =	vadd.f32 v15, v10;
	v7 =	vmax.f32 v7, $0.0e+00  }
0x1c3: {  	v10 =	vld [tilespmem:s23+$0xFFFFFF60];
	[tilespmem:s26+$0x70] =	vst v7;
	s26 =	smov.u32 s30  }
0x1c4: {  	s30 =	sadd.s32 $0x200, s30;
	v11 =	vmax.f32 v11, $0.0e+00;
	v7 =	vld [tilespmem:s26+$0xF0]  }
0x1c5: {  	_ = 	snop  }
0x1c6: {  	v5 =	vadd.f32 v8, v5  }
0x1c7: {  	v6 =	vadd.f32 v9, v6  }
0x1c8: {  	[tilespmem:s26+$0xE0] =	vst v11;
	v5 =	vmax.f32 v5, $0.0e+00;
	v4 =	vadd.f32 v10, v4  }
0x1c9: {  	v58 =	vld [tilespmem:s28+$0xF0];
	[tilespmem:s26+$0xFFFFFFE0] =	vst v5;
	v59 =	vmax.f32 v6, $0.0e+00  }
0x1ca: {  	v61 =	vld [tilespmem:s28+$0xFFFFFFF0];
	v4 =	vmax.f32 v4, $0.0e+00;
	[tilespmem:s26+$0x60] =	vst v59  }
0x1cb: {  	[tilespmem:s26+$0xFFFFFF60] =	vst v4;
	v62 =	vld [tilespmem:s28+$0x70]  }
0x1cc: {  	v60 =	vld [tilespmem:s28+$0xFFFFFF70];
	_ =	sdelay $0x1  }
0x1cd: {  	v7 =	vadd.f32 v58, v7  }
0x1ce: {  	v2 =	vadd.f32 v61, v2  }
0x1cf: {  	p1 =	seq.s32 s24, $0x3D;
	v63 =	vmax.f32 v7, $0.0e+00;
	v1 =	vadd.f32 v62, v1  }
.Ltmp3:
0x1d0: {  	[tilespmem:s26+$0xF0] =	vst v63;
	v2 =	vmax.f32 v2, $0.0e+00;
	v3 =	vadd.f32 v60, v3;
	(pc) =	sbr.rel @p1 .LBB2_10-.Ltmp3, $4  }
0x1d1: {  	[tilespmem:s26+$0xFFFFFFF0] =	vst v2;
	v1 =	vmax.f32 v1, $0.0e+00  }
0x1d2: {  	v3 =	vmax.f32 v3, $0.0e+00;
	[tilespmem:s26+$0x70] =	vst v1  }
0x1d3: {  	[tilespmem:s26+$0xFFFFFF70] =	vst v3  }
0x1d4: {  	[spmem:s2] =	stream.indirect.scatter.add.f32 [tilespmem:s13], [sflag:$0x8], $0x80, s22, s7, $0xb8;
	[tilespmem:$0x1DA80] =	vst v63  }
.Ltmp4:
0x1d5: {  	(pc) =	sbr.rel .LBB2_4-.Ltmp4, $4  }
0x1d6: {  	s23 =	sadd.s32 s25, s20  }
0x1d7: {  	s23 =	sshrl.u32 s23, $0x3  }
0x1d8: {  	s24 =	sadd.s32 $0x1, s24;
	s23 =	sadd.s32 s5, s23  }
0x1d9: {  	[tilespmem:s9], [sflag:$0x2] =	stream.linear.gather [hbm4b:s23+s3], $0x50, $0x38;
	[tilespmem:$0x1DA80] =	vst v63  }
.LBB2_10:
0x1da: {  	_ =	swait.ge [sflag:s10], $0x2800  }
0x1db: {  	[sflag:s10] =	ssyncset.done $0x0  }
0x1dc: {  	[sflag:s10] =	ssyncadd.s32 $0xFFFFD800  }
0x1dd: {  	_ =	swait.ge [sflag:s11], $0x2800  }
0x1de: {  	[sflag:s11] =	ssyncset.done $0x0  }
0x1df: {  	s23 =	simm.s32 $0x8;
	[sflag:s11] =	ssyncadd.s32 $0xFFFFD800  }
0x1e0: {  	_ =	swait.ge [sflag:s23], $0x2800  }
0x1e1: {  	[sflag:s23] =	ssyncset.done $0x0  }
0x1e2: {  	s24 =	simm.s32 $0x300;
	[sflag:s23] =	ssyncadd.s32 $0xFFFFD800  }
0x1e3: {  	s25 =	simm.s32 $0x5300;
	v1 =	vld [tilespmem:s24+$0x80]  }
0x1e4: {  	v2 =	vld [tilespmem:s25+$0x80]  }
0x1e5: {  	v3 =	vld [tilespmem:s25+$0xFFFFFF00]  }
0x1e6: {  	v4 =	vld [tilespmem:s24+$0xFFFFFF80]  }
0x1e7: {  	v5 =	vld [tilespmem:s25+$0xFFFFFF80]  }
0x1e8: {  	v6 =	vld [tilespmem:s25+$0x0]  }
0x1e9: {  	v1 =	vadd.f32 v2, v1;
	v2 =	vld [tilespmem:s24+$0x0]  }
0x1ea: {  	v7 =	vld [tilespmem:s24+$0xFFFFFF00]  }
0x1eb: {  	v1 =	vmax.f32 v1, $0.0e+00  }
0x1ec: {  	v4 =	vadd.f32 v5, v4;
	[tilespmem:s24+$0x80] =	vst v1;
	v1 =	vld [tilespmem:s24+$0x90]  }
0x1ed: {  	v8 =	vld [tilespmem:s25+$0x90]  }
0x1ee: {  	v9 =	vld [tilespmem:s24+$0xFFFFFF90];
	v4 =	vmax.f32 v4, $0.0e+00;
	v2 =	vadd.f32 v6, v2  }
0x1ef: {  	v5 =	vld [tilespmem:s24+$0xFFFFFF10];
	v3 =	vadd.f32 v3, v7;
	[tilespmem:s24+$0xFFFFFF80] =	vst v4  }
0x1f0: {  	v6 =	vld [tilespmem:s25+$0xFFFFFF90];
	v2 =	vmax.f32 v2, $0.0e+00  }
0x1f1: {  	v3 =	vmax.f32 v3, $0.0e+00;
	v4 =	vld [tilespmem:s24+$0x10];
	[tilespmem:s24+$0x0] =	vst v2  }
0x1f2: {  	[tilespmem:s24+$0xFFFFFF00] =	vst v3;
	v1 =	vadd.f32 v8, v1;
	v2 =	vld [tilespmem:s25+$0x10]  }
0x1f3: {  	v3 =	vld [tilespmem:s25+$0xFFFFFF10]  }
0x1f4: {  	v1 =	vmax.f32 v1, $0.0e+00  }
0x1f5: {  	v6 =	vadd.f32 v6, v9;
	[tilespmem:s24+$0x90] =	vst v1;
	v1 =	vld [tilespmem:s24+$0xA0]  }
0x1f6: {  	v8 =	vld [tilespmem:s25+$0xA0]  }
0x1f7: {  	v7 =	vld [tilespmem:s24+$0xFFFFFF20];
	v6 =	vmax.f32 v6, $0.0e+00;
	v2 =	vadd.f32 v2, v4  }
0x1f8: {  	v3 =	vadd.f32 v3, v5;
	v9 =	vld [tilespmem:s24+$0xFFFFFFA0];
	[tilespmem:s24+$0xFFFFFF90] =	vst v6  }
0x1f9: {  	v5 =	vld [tilespmem:s25+$0xFFFFFFA0];
	v2 =	vmax.f32 v2, $0.0e+00  }
0x1fa: {  	v3 =	vmax.f32 v3, $0.0e+00;
	v4 =	vld [tilespmem:s24+$0x20];
	[tilespmem:s24+$0x10] =	vst v2  }
0x1fb: {  	[tilespmem:s24+$0xFFFFFF10] =	vst v3;
	v1 =	vadd.f32 v8, v1;
	v2 =	vld [tilespmem:s25+$0x20]  }
0x1fc: {  	v3 =	vld [tilespmem:s25+$0xFFFFFF20]  }
0x1fd: {  	v1 =	vmax.f32 v1, $0.0e+00  }
0x1fe: {  	v5 =	vadd.f32 v5, v9;
	[tilespmem:s24+$0xA0] =	vst v1;
	v1 =	vld [tilespmem:s24+$0xB0]  }
0x1ff: {  	v8 =	vld [tilespmem:s25+$0xB0]  }
0x200: {  	v10 =	vld [tilespmem:s24+$0x30];
	v5 =	vmax.f32 v5, $0.0e+00;
	v2 =	vadd.f32 v2, v4  }
0x201: {  	v3 =	vadd.f32 v3, v7;
	v9 =	vld [tilespmem:s24+$0xFFFFFFB0];
	[tilespmem:s24+$0xFFFFFFA0] =	vst v5  }
0x202: {  	v4 =	vld [tilespmem:s25+$0xFFFFFFB0];
	v2 =	vmax.f32 v2, $0.0e+00  }
0x203: {  	v6 =	vld [tilespmem:s24+$0xFFFFFF30];
	[tilespmem:s24+$0x20] =	vst v2;
	v2 =	vmax.f32 v3, $0.0e+00  }
0x204: {  	v1 =	vadd.f32 v8, v1;
	[tilespmem:s24+$0xFFFFFF20] =	vst v2;
	v2 =	vld [tilespmem:s25+$0x30]  }
0x205: {  	v7 =	vld [tilespmem:s25+$0xFFFFFF30]  }
0x206: {  	v11 =	vld [tilespmem:s24+$0xFFFFFF40];
	v1 =	vmax.f32 v1, $0.0e+00  }
0x207: {  	v4 =	vadd.f32 v4, v9;
	[tilespmem:s24+$0xB0] =	vst v1;
	v1 =	vld [tilespmem:s24+$0xC0]  }
0x208: {  	v8 =	vld [tilespmem:s25+$0xC0]  }
0x209: {  	v12 =	vld [tilespmem:s24+$0xFFFFFFD0];
	v4 =	vmax.f32 v4, $0.0e+00;
	v2 =	vadd.f32 v2, v10  }
0x20a: {  	v5 =	vld [tilespmem:s24+$0xFFFFFFC0];
	[tilespmem:s24+$0xFFFFFFB0] =	vst v4;
	v6 =	vadd.f32 v7, v6  }
0x20b: {  	v7 =	vld [tilespmem:s25+$0xFFFFFFC0];
	v2 =	vmax.f32 v2, $0.0e+00  }
0x20c: {  	v3 =	vld [tilespmem:s24+$0x40];
	[tilespmem:s24+$0x30] =	vst v2;
	v2 =	vmax.f32 v6, $0.0e+00  }
0x20d: {  	v1 =	vadd.f32 v8, v1;
	v6 =	vld [tilespmem:s25+$0x40];
	[tilespmem:s24+$0xFFFFFF30] =	vst v2  }
0x20e: {  	v2 =	vld [tilespmem:s25+$0xFFFFFF40]  }
0x20f: {  	v9 =	vld [tilespmem:s24+$0xFFFFFF50];
	v1 =	vmax.f32 v1, $0.0e+00  }
0x210: {  	[tilespmem:s24+$0xC0] =	vst v1;
	v1 =	vadd.f32 v7, v5;
	v7 =	vld [tilespmem:s24+$0xD0]  }
0x211: {  	v8 =	vld [tilespmem:s25+$0xD0]  }
0x212: {  	v4 =	vld [tilespmem:s24+$0xFFFFFF60];
	v1 =	vmax.f32 v1, $0.0e+00;
	v3 =	vadd.f32 v6, v3  }
0x213: {  	v10 =	vld [tilespmem:s24+$0x50];
	[tilespmem:s24+$0xFFFFFFC0] =	vst v1;
	v1 =	vadd.f32 v2, v11  }
0x214: {  	v2 =	vld [tilespmem:s25+$0xFFFFFFD0];
	v3 =	vmax.f32 v3, $0.0e+00  }
0x215: {  	v5 =	vld [tilespmem:s24+$0xFFFFFFE0];
	[tilespmem:s24+$0x40] =	vst v3;
	v1 =	vmax.f32 v1, $0.0e+00  }
0x216: {  	v3 =	vld [tilespmem:s25+$0x50];
	v7 =	vadd.f32 v8, v7;
	[tilespmem:s24+$0xFFFFFF40] =	vst v1  }
0x217: {  	v1 =	vld [tilespmem:s25+$0xFFFFFF50]  }
0x218: {  	v6 =	vld [tilespmem:s24+$0x60];
	v7 =	vmax.f32 v7, $0.0e+00  }
0x219: {  	v2 =	vadd.f32 v2, v12;
	[tilespmem:s24+$0xD0] =	vst v7;
	v7 =	vld [tilespmem:s24+$0xE0]  }
0x21a: {  	v11 =	vld [tilespmem:s25+$0xE0]  }
0x21b: {  	v2 =	vmax.f32 v2, $0.0e+00;
	v8 =	vadd.f32 v3, v10;
	v3 =	vld [tilespmem:s24+$0xFFFFFF70]  }
0x21c: {  	[tilespmem:s24+$0xFFFFFFD0] =	vst v2;
	v1 =	vadd.f32 v1, v9;
	v2 =	vld [tilespmem:s24+$0xFFFFFFF0]  }
0x21d: {  	v9 =	vmax.f32 v8, $0.0e+00;
	v8 =	vld [tilespmem:s25+$0xFFFFFFE0]  }
0x21e: {  	[tilespmem:s24+$0x50] =	vst v9;
	v9 =	vmax.f32 v1, $0.0e+00;
	v1 =	vld [tilespmem:s24+$0x70]  }
0x21f: {  	[tilespmem:s24+$0xFFFFFF50] =	vst v9;
	v9 =	vld [tilespmem:s25+$0x60];
	v7 =	vadd.f32 v11, v7  }
0x220: {  	v10 =	vld [tilespmem:s25+$0xFFFFFF60]  }
0x221: {  	s26 =	simm.s32 $0x0;
	s28 =	simm.s32 $0x500;
	s23 =	simm.s32 $0x5300;
	v11 =	vmax.f32 v7, $0.0e+00;
	v7 =	vld [tilespmem:s24+$0xF0]  }
.LBB2_11:
0x222: {  	v12 =	vld [tilespmem:s28+$0x80];
	v5 =	vadd.f32 v8, v5;
	[tilespmem:s24+$0xE0] =	vst v11  }
0x223: {  	s23 =	sadd.s32 $0x200, s23;
	v8 =	vld [tilespmem:s25+$0xF0]  }
0x224: {  	s26 =	sadd.s32 $0x4, s26;
	v11 =	vld [tilespmem:s23+$0x80];
	v5 =	vmax.f32 v5, $0.0e+00;
	v6 =	vadd.f32 v9, v6  }
0x225: {  	p1 =	slt.u32 s26, $0x4C;
	v9 =	vld [tilespmem:s23+$0xFFFFFF00];
	v4 =	vadd.f32 v10, v4;
	[tilespmem:s24+$0xFFFFFFE0] =	vst v5  }
0x226: {  	v5 =	vld [tilespmem:s28+$0xFFFFFF80];
	v6 =	vmax.f32 v6, $0.0e+00  }
0x227: {  	v10 =	vld [tilespmem:s23+$0xFFFFFF80];
	v4 =	vmax.f32 v4, $0.0e+00;
	[tilespmem:s24+$0x60] =	vst v6  }
0x228: {  	v6 =	vld [tilespmem:s28+$0x0];
	[tilespmem:s24+$0xFFFFFF60] =	vst v4;
	v4 =	vadd.f32 v8, v7  }
0x229: {  	v7 =	vld [tilespmem:s23+$0x0];
	v8 =	vadd.f32 v11, v12  }
0x22a: {  	v11 =	vld [tilespmem:s28+$0xFFFFFF00];
	v4 =	vmax.f32 v4, $0.0e+00  }
0x22b: {  	v12 =	vld [tilespmem:s28+$0xFFFFFF10];
	v8 =	vmax.f32 v8, $0.0e+00;
	[tilespmem:s24+$0xF0] =	vst v4  }
0x22c: {  	v4 =	vadd.f32 v10, v5;
	[tilespmem:s28+$0x80] =	vst v8;
	v5 =	vld [tilespmem:s28+$0x90]  }
0x22d: {  	v8 =	vld [tilespmem:s23+$0x90]  }
0x22e: {  	v4 =	vmax.f32 v4, $0.0e+00;
	v10 =	vld [tilespmem:s28+$0xFFFFFF90];
	v6 =	vadd.f32 v7, v6  }
0x22f: {  	v7 =	vadd.f32 v9, v11;
	[tilespmem:s28+$0xFFFFFF80] =	vst v4;
	v4 =	vld [tilespmem:s28+$0x10]  }
0x230: {  	v9 =	vld [tilespmem:s23+$0xFFFFFF90];
	v6 =	vmax.f32 v6, $0.0e+00  }
0x231: {  	v7 =	vmax.f32 v7, $0.0e+00;
	v11 =	vld [tilespmem:s28+$0xFFFFFF20];
	[tilespmem:s28+$0x0] =	vst v6  }
0x232: {  	[tilespmem:s28+$0xFFFFFF00] =	vst v7;
	v6 =	vld [tilespmem:s23+$0x10];
	v5 =	vadd.f32 v8, v5  }
0x233: {  	v7 =	vld [tilespmem:s23+$0xFFFFFF10]  }
0x234: {  	v8 =	vld [tilespmem:s28+$0xFFFFFFA0];
	v5 =	vmax.f32 v5, $0.0e+00  }
0x235: {  	v9 =	vadd.f32 v9, v10;
	[tilespmem:s28+$0x90] =	vst v5;
	v5 =	vld [tilespmem:s28+$0xA0]  }
0x236: {  	v10 =	vld [tilespmem:s23+$0xA0]  }
0x237: {  	v9 =	vmax.f32 v9, $0.0e+00;
	v4 =	vadd.f32 v6, v4;
	v6 =	vld [tilespmem:s28+$0x20]  }
0x238: {  	v7 =	vadd.f32 v7, v12;
	v12 =	vld [tilespmem:s28+$0xFFFFFF30];
	[tilespmem:s28+$0xFFFFFF90] =	vst v9  }
0x239: {  	v9 =	vld [tilespmem:s23+$0xFFFFFFA0];
	v4 =	vmax.f32 v4, $0.0e+00  }
0x23a: {  	v7 =	vmax.f32 v7, $0.0e+00;
	v13 =	vld [tilespmem:s28+$0xFFFFFFB0];
	[tilespmem:s28+$0x10] =	vst v4  }
0x23b: {  	[tilespmem:s28+$0xFFFFFF10] =	vst v7;
	v4 =	vld [tilespmem:s23+$0x20];
	v5 =	vadd.f32 v10, v5  }
0x23c: {  	v7 =	vld [tilespmem:s23+$0xFFFFFF20]  }
0x23d: {  	v10 =	vld [tilespmem:s28+$0x30];
	v5 =	vmax.f32 v5, $0.0e+00  }
0x23e: {  	v8 =	vadd.f32 v9, v8;
	[tilespmem:s28+$0xA0] =	vst v5;
	v5 =	vld [tilespmem:s28+$0xB0]  }
0x23f: {  	v9 =	vld [tilespmem:s23+$0xB0]  }
0x240: {  	v14 =	vld [tilespmem:s28+$0xFFFFFF40];
	v8 =	vmax.f32 v8, $0.0e+00;
	v4 =	vadd.f32 v4, v6  }
0x241: {  	v6 =	vadd.f32 v7, v11;
	[tilespmem:s28+$0xFFFFFFA0] =	vst v8;
	v7 =	vld [tilespmem:s28+$0xFFFFFFC0]  }
0x242: {  	v8 =	vld [tilespmem:s23+$0xFFFFFFB0];
	v4 =	vmax.f32 v4, $0.0e+00  }
0x243: {  	v6 =	vmax.f32 v6, $0.0e+00;
	[tilespmem:s28+$0x20] =	vst v4;
	v11 =	vld [tilespmem:s28+$0x40]  }
0x244: {  	[tilespmem:s28+$0xFFFFFF20] =	vst v6;
	v4 =	vld [tilespmem:s23+$0x30];
	v5 =	vadd.f32 v9, v5  }
0x245: {  	v6 =	vld [tilespmem:s23+$0xFFFFFF30]  }
0x246: {  	v9 =	vld [tilespmem:s28+$0xFFFFFF50];
	v5 =	vmax.f32 v5, $0.0e+00  }
0x247: {  	v8 =	vadd.f32 v8, v13;
	[tilespmem:s28+$0xB0] =	vst v5;
	v5 =	vld [tilespmem:s28+$0xC0]  }
0x248: {  	v13 =	vld [tilespmem:s23+$0xC0]  }
0x249: {  	v8 =	vmax.f32 v8, $0.0e+00;
	v15 =	vld [tilespmem:s28+$0xFFFFFFD0];
	v4 =	vadd.f32 v4, v10  }
0x24a: {  	v6 =	vadd.f32 v6, v12;
	[tilespmem:s28+$0xFFFFFFB0] =	vst v8;
	v8 =	vld [tilespmem:s28+$0x50]  }
0x24b: {  	v10 =	vld [tilespmem:s23+$0xFFFFFFC0];
	v12 =	vmax.f32 v4, $0.0e+00  }
0x24c: {  	v6 =	vmax.f32 v6, $0.0e+00;
	v4 =	vld [tilespmem:s28+$0xFFFFFF60];
	[tilespmem:s28+$0x30] =	vst v12  }
0x24d: {  	[tilespmem:s28+$0xFFFFFF30] =	vst v6;
	v6 =	vld [tilespmem:s23+$0x40];
	v12 =	vadd.f32 v13, v5  }
0x24e: {  	v13 =	vld [tilespmem:s23+$0xFFFFFF40]  }
0x24f: {  	v5 =	vld [tilespmem:s28+$0xFFFFFFE0];
	v12 =	vmax.f32 v12, $0.0e+00  }
0x250: {  	v7 =	vadd.f32 v10, v7;
	[tilespmem:s28+$0xC0] =	vst v12;
	v10 =	vld [tilespmem:s28+$0xD0]  }
0x251: {  	v12 =	vld [tilespmem:s23+$0xD0]  }
0x252: {  	v7 =	vmax.f32 v7, $0.0e+00;
	v11 =	vadd.f32 v6, v11;
	v6 =	vld [tilespmem:s28+$0x60]  }
0x253: {  	v13 =	vadd.f32 v13, v14;
	[tilespmem:s28+$0xFFFFFFC0] =	vst v7;
	v7 =	vld [tilespmem:s25+$0xFFFFFF70]  }
0x254: {  	v14 =	vld [tilespmem:s23+$0xFFFFFFD0];
	v11 =	vmax.f32 v11, $0.0e+00  }
0x255: {  	v13 =	vmax.f32 v13, $0.0e+00;
	[tilespmem:s28+$0x40] =	vst v11;
	v11 =	vld [tilespmem:s25+$0xFFFFFFF0]  }
0x256: {  	[tilespmem:s28+$0xFFFFFF40] =	vst v13;
	v13 =	vld [tilespmem:s23+$0x50];
	v10 =	vadd.f32 v12, v10  }
0x257: {  	v12 =	vld [tilespmem:s23+$0xFFFFFF50]  }
0x258: {  	v10 =	vmax.f32 v10, $0.0e+00;
	v3 =	vadd.f32 v7, v3;
	v7 =	vld [tilespmem:s25+$0x70];
	s25 =	smov.u32 s23  }
0x259: {  	v14 =	vadd.f32 v14, v15;
	[tilespmem:s28+$0xD0] =	vst v10;
	v10 =	vld [tilespmem:s28+$0xE0]  }
0x25a: {  	v15 =	vld [tilespmem:s23+$0xE0];
	v16 =	vmax.f32 v3, $0.0e+00;
	v11 =	vadd.f32 v11, v2  }
0x25b: {  	v3 =	vld [tilespmem:s28+$0xFFFFFF70];
	v2 =	vmax.f32 v14, $0.0e+00;
	v13 =	vadd.f32 v13, v8;
	[tilespmem:s24+$0xFFFFFF70] =	vst v16  }
0x25c: {  	v9 =	vadd.f32 v12, v9;
	[tilespmem:s28+$0xFFFFFFD0] =	vst v2;
	v2 =	vld [tilespmem:s28+$0xFFFFFFF0];
	v11 =	vmax.f32 v11, $0.0e+00  }
.Ltmp5:
0x25d: {  	v8 =	vld [tilespmem:s23+$0xFFFFFFE0];
	v12 =	vmax.f32 v13, $0.0e+00;
	[tilespmem:s24+$0xFFFFFFF0] =	vst v11;
	v7 =	vadd.f32 v7, v1;
	(pc) =	sbr.rel @p1 .LBB2_11-.Ltmp5, $4  }
0x25e: {  	v9 =	vmax.f32 v9, $0.0e+00;
	[tilespmem:s28+$0x50] =	vst v12;
	v1 =	vld [tilespmem:s28+$0x70]  }
0x25f: {  	[tilespmem:s28+$0xFFFFFF50] =	vst v9;
	v9 =	vld [tilespmem:s23+$0x60];
	v11 =	vadd.f32 v15, v10;
	v7 =	vmax.f32 v7, $0.0e+00  }
0x260: {  	v10 =	vld [tilespmem:s23+$0xFFFFFF60];
	[tilespmem:s24+$0x70] =	vst v7;
	s24 =	smov.u32 s28  }
0x261: {  	s28 =	sadd.s32 $0x200, s28;
	v11 =	vmax.f32 v11, $0.0e+00;
	v7 =	vld [tilespmem:s24+$0xF0]  }
0x262: {  	_ = 	snop  }
0x263: {  	v5 =	vadd.f32 v8, v5  }
0x264: {  	v6 =	vadd.f32 v9, v6  }
0x265: {  	[tilespmem:s24+$0xE0] =	vst v11;
	v5 =	vmax.f32 v5, $0.0e+00;
	v4 =	vadd.f32 v10, v4  }
0x266: {  	v58 =	vld [tilespmem:s25+$0xF0];
	[tilespmem:s24+$0xFFFFFFE0] =	vst v5;
	v59 =	vmax.f32 v6, $0.0e+00  }
0x267: {  	v61 =	vld [tilespmem:s25+$0xFFFFFFF0];
	v4 =	vmax.f32 v4, $0.0e+00;
	[tilespmem:s24+$0x60] =	vst v59  }
0x268: {  	[tilespmem:s24+$0xFFFFFF60] =	vst v4;
	v62 =	vld [tilespmem:s25+$0x70]  }
0x269: {  	v60 =	vld [tilespmem:s25+$0xFFFFFF70];
	_ =	sdelay $0x1  }
0x26a: {  	v7 =	vadd.f32 v58, v7  }
0x26b: {  	v2 =	vadd.f32 v61, v2  }
0x26c: {  	v63 =	vmax.f32 v7, $0.0e+00;
	v1 =	vadd.f32 v62, v1  }
0x26d: {  	[tilespmem:s24+$0xF0] =	vst v63;
	v2 =	vmax.f32 v2, $0.0e+00;
	v3 =	vadd.f32 v60, v3  }
0x26e: {  	[tilespmem:s24+$0xFFFFFFF0] =	vst v2;
	v1 =	vmax.f32 v1, $0.0e+00  }
0x26f: {  	v3 =	vmax.f32 v3, $0.0e+00;
	[tilespmem:s24+$0x70] =	vst v1  }
0x270: {  	[tilespmem:s24+$0xFFFFFF70] =	vst v3  }
0x271: {  	[spmem:s2] =	stream.indirect.scatter.add.f32 [tilespmem:s31], [sflag:$0x7], $0x80, s15, s7, $0xb8;
	[tilespmem:$0x1DA80] =	vst v63  }
0x272: {  	_ =	swait.ge [sflag:s21], $0x2800  }
0x273: {  	[sflag:s21] =	ssyncset.done $0x0  }
0x274: {  	[sflag:s21] =	ssyncadd.s32 $0xFFFFD800  }
0x275: {  	s23 =	stileid.u32;
	[bflag:$0x0] =	sbarrier.arrive $0xFFFF  }
0x276: {  	s23 =	sshll.u32 s23, $0x6;
	s26 =	rddreg [dreg:$0x10]  }
0x277: {  	s23 =	sor.u32 $0x1C09, s23;
	s25 =	rddreg [dreg:$0x4];
	s24 =	sshrl.u32 s26, $0x3  }
0x278: {  	[hbm:s25], [sflag:s23] =	dma.local [spmem:s24], $0x500  }
0x279: {  	_ =	swait.ge [sflag:s0], $0x500  }
0x27a: {  	[sflag:s0] =	ssyncset.done $0x0;
	s28 =	rddreg [dreg:$0x11]  }
0x27b: {  	s25 =	rddreg [dreg:$0x5];
	[sflag:s0] =	ssyncadd.s32 $0xFFFFFB00;
	s24 =	sshrl.u32 s28, $0x3  }
0x27c: {  	[hbm:s25], [sflag:s23] =	dma.local [spmem:s24], $0x500  }
0x27d: {  	_ =	swait.ge [sflag:s0], $0x500  }
0x27e: {  	[sflag:s0] =	ssyncset.done $0x0;
	s29 =	rddreg [dreg:$0x12]  }
0x27f: {  	s25 =	rddreg [dreg:$0x6];
	[sflag:s0] =	ssyncadd.s32 $0xFFFFFB00;
	s24 =	sshrl.u32 s29, $0x3  }
0x280: {  	[hbm:s25], [sflag:s23] =	dma.local [spmem:s24], $0x500  }
0x281: {  	_ =	swait.ge [sflag:s0], $0x500  }
0x282: {  	[sflag:s0] =	ssyncset.done $0x0;
	s30 =	rddreg [dreg:$0x13]  }
0x283: {  	s25 =	rddreg [dreg:$0x7];
	[sflag:s0] =	ssyncadd.s32 $0xFFFFFB00;
	s24 =	sshrl.u32 s30, $0x3  }
0x284: {  	[hbm:s25], [sflag:s23] =	dma.local [spmem:s24], $0x500  }
0x285: {  	_ =	swait.ge [sflag:s0], $0x500  }
0x286: {  	[sflag:s0] =	ssyncset.done $0x0;
	s25 =	rddreg [dreg:$0x14]  }
0x287: {  	[sflag:s0] =	ssyncadd.s32 $0xFFFFFB00;
	s24 =	sshrl.u32 s25, $0x3;
	s25 =	rddreg [dreg:$0x8]  }
0x288: {  	[hbm:s25], [sflag:s23] =	dma.local [spmem:s24], $0x500  }
0x289: {  	_ =	swait.ge [sflag:s0], $0x500  }
0x28a: {  	[sflag:s0] =	ssyncset.done $0x0;
	s25 =	rddreg [dreg:$0x15]  }
0x28b: {  	[sflag:s0] =	ssyncadd.s32 $0xFFFFFB00;
	s24 =	sshrl.u32 s25, $0x3;
	s25 =	rddreg [dreg:$0x9]  }
0x28c: {  	[hbm:s25], [sflag:s23] =	dma.local [spmem:s24], $0x500  }
0x28d: {  	_ =	swait.ge [sflag:s0], $0x500  }
0x28e: {  	[sflag:s0] =	ssyncset.done $0x0;
	s25 =	rddreg [dreg:$0x16]  }
0x28f: {  	[sflag:s0] =	ssyncadd.s32 $0xFFFFFB00;
	s24 =	sshrl.u32 s25, $0x3;
	s25 =	rddreg [dreg:$0xa]  }
0x290: {  	[hbm:s25], [sflag:s23] =	dma.local [spmem:s24], $0x500  }
0x291: {  	_ =	swait.ge [sflag:s0], $0x500  }
0x292: {  	[sflag:s0] =	ssyncset.done $0x0;
	s24 =	rddreg [dreg:$0x17]  }
0x293: {  	s25 =	rddreg [dreg:$0xb];
	[sflag:s0] =	ssyncadd.s32 $0xFFFFFB00;
	s24 =	sshrl.u32 @!p0 s24, $0x3  }
0x294: {  	[hbm:s25], [sflag:s23] =	dma.local @!p0 [spmem:s24], $0x500  }
0x295: {  	s23 =	simm.s32 @!p0 $0x9  }
0x296: {  	_ =	swait.ge @!p0 [sflag:s23], $0x500  }
0x297: {  	s24 =	rddreg [dreg:$0x18]  }
0x298: {  	s25 =	sadd.s32 $0x1, s24;
	s24 =	rddreg [dreg:$0xf]  }
0x299: {  	p1 =	sne.s32 s25, s24  }
.Ltmp6:
0x29a: {  	_ = 	snop;
	(pc) =	sbr.rel @p1 .LBB2_1-.Ltmp6, $3  }
0x29b: {  	_ =	sdelay $0x1  }
0x29c: {  	[sflag:s23] =	ssyncset.done @!p0 $0x0  }
0x29d: {  	[sflag:s23] =	ssyncadd.s32 @!p0 $0xFFFFFB00  }
0x29e: {  	_ =	sfence.sel $0x180000  }
0x29f: {  	[bflag:$0x0] =	sbarrier.arrive $0xFFFF  }
0x2a0: {  	_ =	strace $0x9000004A  }
0x2a1: {  	s0 =	stileid.u32;
	[bflag:$0x2] =	sbarrier.arrive $0xFFFF  }
0x2a2: {  	p0 =	sne.s32 s0, $0x0;
	s0 =	rddreg [dreg:$0x3]  }
0x2a3: {  	s0 =	sadd.s32 @!p0 $0x100000, s0  }
0x2a4: {  	[sflag:s0] =	ssyncadd.tile.s32 @!p0 $0x1;
	_ =	shalt  }
.Lfunc_end2:
_tile_overlayer_lowered:
.L_overlay_start_2:
0x2a5: {  	(tag) =	ssettag $0x2  }
0x2a6: {  	s0 =	rddreg [dreg:$0x0];
	s2 =	stileid.u32  }
0x2a7: {  	s1 =	rddreg [dreg:$0x1];
	p0 =	sne.s32 s2, $0x0  }
0x2a8: {  	s3 =	rddreg [dreg:$0x2];
	[bflag:$0x3] =	sbarrier.arrive $0xFFFF;
	s2 =	simm.s32 @!p0 $0x1C09  }
0x2a9: {  	[timem:s3], [sflag:s2] =	dma.local @!p0 [hbm:s0], s1  }
0x2aa: {  	s0 =	simm.s32 @!p0 $0x9  }
0x2ab: {  	_ =	swait.ge @!p0 [sflag:s0], s1  }
0x2ac: {  	s1 =	ssub.s32 @!p0 $0x0, s1;
	[sflag:s0] =	ssyncset.done @!p0 $0x0  }
0x2ad: {  	[sflag:s0] =	ssyncadd.s32 @!p0 s1  }
0x2ae: {  	[bflag:$0x3] =	sbarrier.arrive $0xFFFF  }
0x2af: {  	_ =	shalt  }

// kernel: kernel.8.cloned.1.call-start
scs
__scs_entry_jumppad:
0x0: {  	(pc) =	sbr.rel $0x88, $3  }
0x1: {  	(tag) =	ssettag $0x0;
	lr =	simm.s32 $0x1  }
0x2: {  	[smem:$0x3F93] =	sst lr;
	_ =	strace $0xD0000000  }
0x3: {  	_ = 	snop  }
0x4: {  	_ = 	snop  }
0x5: {  	_ = 	snop  }
0x6: {  	_ = 	snop  }
0x7: {  	_ = 	snop  }
__scs_overlays_trampoline_lowered:
0x8: {  	[smem:$0x3FA2] =	sst s0  }
0x9: {  	[smem:$0x3FA3] =	sst s1  }
0xa: {  	[smem:$0x3FA4] =	sst s2  }
0xb: {  	[smem:$0x3FA5] =	sst s3  }
0xc: {  	[smem:$0x3FA6] =	sst s4  }
0xd: {  	[smem:$0x3FA7] =	sst s5  }
0xe: {  	[smem:$0x3FA8] =	sst s6  }
0xf: {  	[smem:$0x3FA9] =	sst s7  }
0x10: {  	[smem:$0x3FAA] =	sst s8  }
0x11: {  	[smem:$0x3FAB] =	sst s9;
	s0 =	simm.s32 @!p0 $0x0  }
0x12: {  	s1 =	sld [smem:$0x3F91];
	s0 =	simm.s32 @p0 $0x1  }
0x13: {  	[smem:$0x3FAC] =	sst s0;
	s0 =	simm.s32 @!p1 $0x0  }
0x14: {  	s2 =	sld [smem:$0x3F90];
	s0 =	simm.s32 @p1 $0x1  }
0x15: {  	[smem:$0x3FAD] =	sst s0;
	s0 =	simm.s32 @!p2 $0x0  }
0x16: {  	s3 =	sld [smem:$0x3FDB];
	s0 =	simm.s32 @p2 $0x1  }
0x17: {  	s4 =	simm.s32 $0x1BF5;
	[smem:$0x3FAF] =	sst s0  }
0x18: {  	s0 =	sld [smem:$0x3F92];
	_ =	swait.ge [sflag:s4], $0x0  }
0x19: {  	s7 =	sld [smem:$0x3F93]  }
0x1a: {  	s8 =	sadd.s32 $0xFFFFE003, lr  }
0x1b: {  	s9 =	sadd.s32 $0xFFFFFEF7, lr;
	s5 =	simm.s32 $0xFFFFFFFF;
	p2 =	slt.u32 s8, $0xFFFFF086  }
0x1c: {  	p1 =	slt.u32 s9, $0xF7A;
	s5 =	simm.s32 @!p2 $0x0  }
0x1d: {  	s5 =	simm.s32 @p1 $0x1;
	p0 =	seq.s32 s7, s2  }
0x1e: {  	s7 =	smul.u32 @!p0 $0xF7A, s2;
	p2 =	seq.s32 @!p0 s5, $0x0  }
0x1f: {  	s9 =	smul.u32 $0xF7A, s1;
	s8 =	simm.s32 @!p0 $0x1BF5;
	p2 =	por !p2, p0  }
0x20: {  	[sflag:s8] =	ssyncset.s32 @!p0 $0xFFFFF086;
	s6 =	sadd.s32 @!p0 s3, s7;
	s7 =	simm.s32 @!p0 $0x108  }
0x21: {  	s3 =	sadd.s32 s3, s9;
	s6 =	sadd.s32 @!p0 $0x88, s6;
	s7 =	simm.s32 @p2 $0x1082  }
0x22: {  	[simem:s7], [sflag:s8] =	dma.local @!p0 [hbm:s6], $0xF7A  }
0x23: {  	s9 =	sor.u32 $0xD0000000, s2;
	s6 =	simm.s32 $0x108;
	_ =	swait.ge @!p0 [sflag:s8], $0x0  }
0x24: {  	s3 =	sadd.s32 $0x88, s3;
	s6 =	simm.s32 @!p1 $0x1082;
	[sflag:s4] =	ssyncset.s32 $0xFFFFF086  }
0x25: {  	[simem:s6], [sflag:s4] =	dma.local [hbm:s3], $0xF7A  }
0x26: {  	[smem:$0x3F93] =	sst s1;
	(tag) =	ssettag s2;
	_ =	strace s9  }
0x27: {  	s1 =	sld [smem:$0x3FA3]  }
0x28: {  	s2 =	sld [smem:$0x3FA4]  }
0x29: {  	s4 =	sld [smem:$0x3FA6]  }
0x2a: {  	p0 =	seq.s32 s5, $0x0;
	s5 =	sld [smem:$0x3FA7]  }
0x2b: {  	s6 =	sld [smem:$0x3FA8]  }
0x2c: {  	s7 =	sld [smem:$0x3FA9]  }
0x2d: {  	s3 =	simm.s32 $0x108;
	s8 =	sld [smem:$0x3FAA]  }
0x2e: {  	s3 =	simm.s32 @!p0 $0x1082;
	s9 =	sld [smem:$0x3FAB]  }
0x2f: {  	lr =	sadd.s32 s0, s3;
	s0 =	sld [smem:$0x3FA2]  }
0x30: {  	s3 =	sld [smem:$0x3FA5]  }
0x31: {  	[smem:$0x3FAE] =	sst s10  }
0x32: {  	s10 =	sld [smem:$0x3FAC];
	_ =	sdelay $0x3  }
0x33: {  	p0 =	seq.s32 s10, $0x1;
	s10 =	sld [smem:$0x3FAE];
	_ =	sdelay $0x3  }
0x34: {  	[smem:$0x3FAE] =	sst s10  }
0x35: {  	s10 =	sld [smem:$0x3FAD];
	_ =	sdelay $0x3  }
0x36: {  	p1 =	seq.s32 s10, $0x1;
	s10 =	sld [smem:$0x3FAE];
	_ =	sdelay $0x3  }
0x37: {  	[smem:$0x3FAE] =	sst s10  }
0x38: {  	s10 =	sld [smem:$0x3FAF]  }
0x39: {  	_ = 	snop;
	(pc) =	sbr.ind lr, $3  }
0x3a: {  	_ = 	snop  }
0x3b: {  	_ = 	snop  }
0x3c: {  	p2 =	seq.s32 s10, $0x1;
	s10 =	sld [smem:$0x3FAE]  }
0x3d: {  	_ =	shalt  }
0x3e: {  	_ =	shalt  }
0x3f: {  	_ =	shalt  }
0x40: {  	_ =	shalt  }
0x41: {  	_ =	shalt  }
0x42: {  	_ =	shalt  }
0x43: {  	_ =	shalt  }
0x44: {  	_ =	shalt  }
0x45: {  	_ =	shalt  }
0x46: {  	_ =	shalt  }
0x47: {  	_ =	shalt  }
0x48: {  	_ =	shalt  }
0x49: {  	_ =	shalt  }
0x4a: {  	_ =	shalt  }
0x4b: {  	_ =	shalt  }
0x4c: {  	_ =	shalt  }
0x4d: {  	_ =	shalt  }
0x4e: {  	_ =	shalt  }
0x4f: {  	_ =	shalt  }
0x50: {  	_ =	shalt  }
0x51: {  	_ =	shalt  }
0x52: {  	_ =	shalt  }
0x53: {  	_ =	shalt  }
0x54: {  	_ =	shalt  }
0x55: {  	_ =	shalt  }
0x56: {  	_ =	shalt  }
0x57: {  	_ =	shalt  }
0x58: {  	_ =	shalt  }
0x59: {  	_ =	shalt  }
0x5a: {  	_ =	shalt  }
0x5b: {  	_ =	shalt  }
0x5c: {  	_ =	shalt  }
0x5d: {  	_ =	shalt  }
0x5e: {  	_ =	shalt  }
0x5f: {  	_ =	shalt  }
0x60: {  	_ =	shalt  }
0x61: {  	_ =	shalt  }
0x62: {  	_ =	shalt  }
0x63: {  	_ =	shalt  }
0x64: {  	_ =	shalt  }
0x65: {  	_ =	shalt  }
0x66: {  	_ =	shalt  }
0x67: {  	_ =	shalt  }
0x68: {  	_ =	shalt  }
0x69: {  	_ =	shalt  }
0x6a: {  	_ =	shalt  }
0x6b: {  	_ =	shalt  }
0x6c: {  	_ =	shalt  }
0x6d: {  	_ =	shalt  }
0x6e: {  	_ =	shalt  }
0x6f: {  	_ =	shalt  }
0x70: {  	_ =	shalt  }
0x71: {  	_ =	shalt  }
0x72: {  	_ =	shalt  }
0x73: {  	_ =	shalt  }
0x74: {  	_ =	shalt  }
0x75: {  	_ =	shalt  }
0x76: {  	_ =	shalt  }
0x77: {  	_ =	shalt  }
0x78: {  	_ =	shalt  }
0x79: {  	_ =	shalt  }
0x7a: {  	_ =	shalt  }
0x7b: {  	_ =	shalt  }
0x7c: {  	_ =	shalt  }
0x7d: {  	_ =	shalt  }
0x7e: {  	_ =	shalt  }
0x7f: {  	_ =	shalt  }
0x80: {  	_ =	shalt  }
0x81: {  	_ =	shalt  }
0x82: {  	_ =	shalt  }
0x83: {  	_ =	shalt  }
0x84: {  	_ =	shalt  }
0x85: {  	_ =	shalt  }
0x86: {  	_ =	shalt  }
0x87: {  	_ =	shalt  }
.Lfunc_end0:
.L_simem_size_0:
called_computation_lowered:
.L_overlay_start_0:
0x88: {  	s2 =	sld [smem:$0x3FD9]  }
0x89: {  	s3 =	sld [smem:$0x3FFE];
	_ =	sdelay $0x1  }
0x8a: {  	s1 =	srdreg.scid  }
0x8b: {  	s0 =	sand.u32 $0x1, s1  }
0x8c: {  	s17 =	sshll.u32 s0, $0xA;
	s2 =	sadd.s32 s3, s2  }
0x8d: {  	s2 =	sadd.s32 s2, s17  }
0x8e: {  	[smem:$0x3FBA] =	sst s2  }
0x8f: {  	_ = 	snop  }
0x90: {  	s2 =	sld [smem:$0x3FD0];
	(tm) =	ssettm $0x1  }
0x91: {  	s18 =	sld [smem:$0x3FFB];
	_ =	sdelay $0x3  }
0x92: {  	_ =	strace s18  }
0x93: {  	s3 =	sld [smem:$0x3FFC];
	_ =	sdelay $0x3  }
0x94: {  	_ =	strace s3  }
0x95: {  	s3 =	sld [smem:$0x3FFD];
	_ =	sdelay $0x3  }
0x96: {  	_ =	strace s3  }
0x97: {  	_ =	strace $0x8FFFFFFF  }
0x98: {  	s19 =	sld [smem:$0x3FDB];
	_ =	sdelay $0x1  }
0x99: {  	s4 =	simm.s32 $_scs_section_size  }
0x9a: {  	s5 =	simm.s32 $_size__tile_overlayer_lowered;
	s6 =	simm.s32 $_tile_overlayer_lowered  }
0x9b: {  	s22 =	simm.s32 $0x1BFF;
	s21 =	sshll.u32 s6, $0x1;
	s3 =	sadd.s32 s4, s19  }
0x9c: {  	s7 =	simm.s32 $0x0;
	s20 =	sshll.u32 s5, $0x1;
	s5 =	sadd.s32 s21, s3  }
0x9d: {  	[timem:s7], [sflag:s22] =	dma.local [hbm:s5], s20  }
0x9e: {  	_ =	swait.ge [sflag:s22], s20  }
0x9f: {  	s4 =	ssub.s32 $0x0, s20;
	[sflag:s22] =	ssyncset.done $0x0  }
0xa0: {  	[sflag:s22] =	ssyncadd.s32 s4;
	_ =	sdelay $0x1  }
0xa1: {  	s23 =	simm.s32 $0x1B8B  }
0xa2: {  	_ =	swait.ge [sflag:s23], $0x1  }
0xa3: {  	[sflag:s23] =	ssyncset.done $0x0  }
0xa4: {  	s25 =	simm.s32 $0x1B8E;
	s24 =	sld [smem:$0x3FFE];
	[sflag:s23] =	ssyncadd.s32 $0xFFFFFFFF  }
0xa5: {  	s26 =	simm.s32 $execute0_lowered;
	[smem:$0x3FD2] =	sst s25  }
0xa6: {  	s5 =	sshll.u32 s26, $0x1;
	_ =	strace $0x80000046;
	[dreg:$0x1] =	wrdreg $0xFFFFFFFF  }
0xa7: {  	s28 =	simm.s32 $_size_execute0_lowered;
	s3 =	sadd.s32 s3, s5;
	[dreg:$0x0] =	wrdreg $0x0  }
0xa8: {  	s5 =	sshll.u32 s28, $0x1;
	[dreg:$0x2] =	wrdreg s3  }
0xa9: {  	[dreg:$0x3] =	wrdreg s5  }
0xaa: {  	[dreg:$0x4] =	wrdreg $0xC0  }
0xab: {  	_ =	task [dreg:s7], $0x5FFFF  }
0xac: {  	[dreg:$0x1] =	wrdreg $0xFFFFFFFF  }
0xad: {  	[dreg:$0x0] =	wrdreg $0x60  }
0xae: {  	[dreg:$0x2] =	wrdreg s2  }
0xaf: {  	[dreg:$0x3] =	wrdreg s24  }
0xb0: {  	[dreg:$0x4] =	wrdreg $0xA2000  }
0xb1: {  	[dreg:$0x5] =	wrdreg $0x9  }
0xb2: {  	_ =	task.clear_ibuf [dreg:s7], $0x6FFFF;
	_ =	strace $0x90000046  }
0xb3: {  	s29 =	simm.s32 $0x9;
	_ =	strace $0x80000048  }
0xb4: {  	_ =	swait.ge [sflag:s29], $0x1  }
0xb5: {  	[sflag:s29] =	ssyncadd.s32 $0xFFFFFFFF  }
0xb6: {  	_ =	strace $0x90000048  }
0xb7: {  	_ =	sfence  }
0xb8: {  	s30 =	sld [smem:$0x0];
	_ =	sdelay $0x2  }
0xb9: {  	s31 =	sshll.u32 s1, $0xD;
	s1 =	sshrl.u32 s1, $0x2  }
0xba: {  	s3 =	sand.u32 $0x4000, s31;
	s1 =	sadd.s32 s1, s30  }
0xbb: {  	s0 =	sor.u32 s3, s0;
	s1 =	sshll.u32 s1, $0x11  }
0xbc: {  	s0 =	sor.u32 s1, s0  }
0xbd: {  	s0 =	sadd.s32 $0x8F2B, s0  }
0xbe: {  	[sflag:s0] =	ssyncadd.remote.s32 $0x1  }
0xbf: {  	_ =	sfence.sel $0xFFFF  }
0xc0: {  	[dreg:$0x0] =	wrdreg $0xFFFFFFFF;
	(pc) =	sbr.abs _section_cstart, $3  }
0xc1: {  	[dreg:$0x1] =	wrdreg $0xFFFFFFFF  }
0xc2: {  	_ =	task.clear_ibuf [dreg:s7], $0x2FFFF;
	_ =	strace $0x9FFFFFFF  }
0xc3: {  	(tm) =	ssettm $0x7FFFFFFF  }
tec
execute0_lowered:
.L_overlay_start_1:
0x0: {  	(tag) =	ssettag $0x1  }
0x1: {  	s1 =	rddreg [dreg:$0x0]  }
0x2: {  	s0 =	rddreg [dreg:$0x1]  }
0x3: {  	s2 =	rddreg [dreg:$0x2];
	s3 =	simm.s32 $0x0  }
0x4: {  	s4 =	srdreg.scid;
	s24 =	stileid.u32;
	s31 =	simm.s32 $0x200  }
0x5: {  	[smem:$0x7FF] =	sst s3;
	s4 =	sand.u32 $0x1, s4;
	s9 =	smul.u32 $0x2800, s24  }
0x6: {  	s5 =	sadd.s32 $0x4E6000, s0;
	s8 =	sor.u32 $0x10, s24;
	s7 =	smul.u32 $0x138800, s4  }
0x7: {  	s6 =	sadd.s32 $0x4EFE00, s0;
	s11 =	sor.u32 $0x20, s24;
	s12 =	smul.u32 $0x2800, s8  }
0x8: {  	s0 =	sadd.s32 $0x4000, s0;
	s14 =	sor.u32 $0x30, s24;
	s15 =	smul.u32 $0x2800, s11  }
0x9: {  	s17 =	sor.u32 $0x50, s24;
	s21 =	sor.u32 $0x60, s24;
	s16 =	smul.u32 $0x2800, s14  }
0xa: {  	s22 =	sor.u32 $0x70, s24;
	_ =	strace $0x80000047;
	s19 =	smul.u32 $0x2800, s17  }
0xb: {  	s10 =	ssub.s32 $0x2, s4;
	s4 =	sshll.u32 s4, $0x4;
	s20 =	smul.u32 $0x2800, s21  }
0xc: {  	s23 =	smul.u32 $0x2800, s22;
	p0 =	sgt.u32 s22, $0x7C;
	s13 =	sshrl.u32 s10, $0x1  }
0xd: {  	s4 =	sor.u32 s24, s4;
	s10 =	ssub.s32 s10, s13;
	s13 =	sor.u32 $0x40, s24  }
0xe: {  	s9 =	sadd.s32 s7, s9;
	s12 =	sadd.s32 s7, s12;
	s15 =	sadd.s32 s7, s15  }
0xf: {  	s16 =	sadd.s32 s7, s16;
	s19 =	sadd.s32 s7, s19;
	s20 =	sadd.s32 s7, s20  }
0x10: {  	s18 =	smul.u32 $0x2800, s13;
	s9 =	sshrl.u32 s9, $0x3;
	s26 =	sshrl.u32 s12, $0x3  }
0x11: {  	s12 =	sshrl.u32 s15, $0x3;
	s15 =	sshrl.u32 s16, $0x3;
	s25 =	sshrl.u32 s19, $0x3  }
0x12: {  	s13 =	smul.u32 $0xA000, s13;
	s9 =	sadd.s32 s0, s9;
	s16 =	sadd.s32 s0, s15  }
0x13: {  	s18 =	sadd.s32 s7, s18;
	s7 =	sadd.s32 s7, s23;
	[dreg:$0x4] =	wrdreg s9  }
0x14: {  	s23 =	smul.u32 $0x2710, s4;
	s9 =	sadd.s32 s0, s26;
	[dreg:$0x7] =	wrdreg s16  }
0x15: {  	s26 =	sshrl.u32 s20, $0x3;
	s4 =	smul.u32 $0x27100, s4;
	[dreg:$0x5] =	wrdreg s9  }
0x16: {  	s9 =	sadd.s32 s0, s12;
	s18 =	sshrl.u32 s18, $0x3;
	s12 =	smul.u32 $0xA000, s14  }
0x17: {  	s15 =	sadd.s32 s0, s26;
	s7 =	sshrl.u32 s7, $0x3;
	s14 =	smul.u32 $0xA000, s17  }
0x18: {  	s17 =	smul.u32 $0xA000, s21;
	[dreg:$0x6] =	wrdreg s9;
	s9 =	sadd.s32 s0, s18  }
0x19: {  	[dreg:$0xa] =	wrdreg s15;
	s16 =	sshrl.u32 s23, $0x3;
	s18 =	smul.u32 $0xA000, s8  }
0x1a: {  	s4 =	sadd.s32 s6, s4;
	s19 =	sadd.s32 $0xA0, s23;
	s20 =	sadd.s32 $0xF0, s23  }
0x1b: {  	[dreg:$0x8] =	wrdreg s9;
	s9 =	sadd.s32 s0, s25;
	s0 =	sadd.s32 s0, s7  }
0x1c: {  	[dreg:$0xd] =	wrdreg s4;
	s25 =	smul.u32 $0xA000, s11;
	s11 =	smax.u32 s10, $0x1  }
0x1d: {  	s15 =	sshrl.u32 s12, $0x2;
	s10 =	simm.s32 $0x3;
	[dreg:$0x9] =	wrdreg s9  }
0x1e: {  	s12 =	simm.s32 $0x2;
	[dreg:$0xb] =	wrdreg s0;
	s0 =	sadd.s32 s5, s16  }
0x1f: {  	s16 =	sadd.s32 $0x50, s23;
	s9 =	smul.u32 $0xA000, s24;
	[dreg:$0xf] =	wrdreg s11  }
0x20: {  	s30 =	sadd.s32 s15, s2;
	s11 =	simm.s32 $0x5;
	s15 =	simm.s32 $0x100  }
0x21: {  	[dreg:$0xc] =	wrdreg s0;
	s8 =	sshrl.u32 s16, $0x3;
	s0 =	sshrl.u32 s18, $0x2  }
0x22: {  	s4 =	sshrl.u32 s25, $0x2;
	s18 =	smul.u32 $0xA000, s22;
	s22 =	sshrl.u32 s17, $0x2  }
0x23: {  	s17 =	simm.s32 $0x4;
	[dreg:$0x13] =	wrdreg s30;
	s7 =	sadd.s32 s5, s8  }
0x24: {  	s28 =	sadd.s32 s0, s2;
	s29 =	sadd.s32 s4, s2;
	s0 =	sshrl.u32 s14, $0x2  }
0x25: {  	s24 =	sadd.s32 s22, s2;
	s4 =	simm.s32 $0x1;
	s8 =	simm.s32 $0x5200  }
0x26: {  	s14 =	simm.s32 $0x7A00;
	s22 =	simm.s32 $0x180;
	[dreg:$0xe] =	wrdreg s7  }
0x27: {  	s7 =	sshrl.u32 s9, $0x2;
	s9 =	sshrl.u32 s13, $0x2;
	[dreg:$0x16] =	wrdreg s24  }
0x28: {  	s23 =	sshrl.u32 s18, $0x2;
	s0 =	sadd.s32 s0, s2;
	[dreg:$0x11] =	wrdreg s28  }
0x29: {  	s13 =	simm.s32 $0x2A00;
	s18 =	simm.s32 $0x6;
	[dreg:$0x12] =	wrdreg s29  }
0x2a: {  	s26 =	sadd.s32 s7, s2;
	s21 =	sadd.s32 s9, s2;
	[dreg:$0x15] =	wrdreg s0  }
0x2b: {  	s25 =	sadd.s32 s23, s2;
	s0 =	simm.s32 $0x9;
	[dreg:$0x14] =	wrdreg s21  }
0x2c: {  	s7 =	simm.s32 $0x50;
	s9 =	simm.s32 $0x80;
	[dreg:$0x17] =	wrdreg s25  }
0x2d: {  	v0 =	vimm.f32 $0.0e+00;
	s21 =	simm.s32 $0x7;
	s25 =	simm.s32 $0x0;
	[dreg:$0x10] =	wrdreg s26  }
.LBB2_1:
0x2e: {  	[dreg:$0x18] =	wrdreg s25;
	s23 =	simm.s32 $0x0;
	s24 =	simm.s32 $0x200  }
.LBB2_2:
0x2f: {  	p1 =	sne.s32 s24, $0x9E00;
	[tilespmem:s23+$0x270] =	vst v0  }
0x30: {  	[tilespmem:s23+$0x200] =	vst v0  }
0x31: {  	[tilespmem:s23+$0x210] =	vst v0  }
.Ltmp0:
0x32: {  	[tilespmem:s23+$0x220] =	vst v0;
	(pc) =	sbr.rel @p1 .LBB2_2-.Ltmp0, $4  }
0x33: {  	[tilespmem:s23+$0x230] =	vst v0  }
0x34: {  	[tilespmem:s23+$0x240] =	vst v0  }
0x35: {  	[tilespmem:s23+$0x250] =	vst v0  }
0x36: {  	[tilespmem:s23+$0x260] =	vst v0;
	s23 =	sshra.s32 s24, $0x2;
	s24 =	sadd.s32 $0x200, s24  }
0x37: {  	[tilespmem:s23+$0x270] =	vst v0  }
0x38: {  	[tilespmem:s23+$0x200] =	vst v0  }
0x39: {  	[tilespmem:s23+$0x210] =	vst v0  }
0x3a: {  	[tilespmem:s23+$0x220] =	vst v0  }
0x3b: {  	[tilespmem:s23+$0x230] =	vst v0  }
0x3c: {  	[tilespmem:s23+$0x240] =	vst v0  }
0x3d: {  	[tilespmem:s23+$0x250] =	vst v0  }
0x3e: {  	[tilespmem:s23+$0x260] =	vst v0  }
0x3f: {  	[spmem:s26] =	stream.linear.scatter [tilespmem:s31], [sflag:$0x9], $0x2800, $0x38;
	[tilespmem:$0x1DA80] =	vst v63  }
0x40: {  	_ =	swait.ge [sflag:s0], $0x2800  }
0x41: {  	[sflag:s0] =	ssyncset.done $0x0  }
0x42: {  	[sflag:s0] =	ssyncadd.s32 $0xFFFFD800  }
0x43: {  	[spmem:s28] =	stream.linear.scatter [tilespmem:s31], [sflag:$0x9], $0x2800, $0x38;
	[tilespmem:$0x1DA80] =	vst v63  }
0x44: {  	_ =	swait.ge [sflag:s0], $0x2800  }
0x45: {  	[sflag:s0] =	ssyncset.done $0x0  }
0x46: {  	[sflag:s0] =	ssyncadd.s32 $0xFFFFD800  }
0x47: {  	[spmem:s29] =	stream.linear.scatter [tilespmem:s31], [sflag:$0x9], $0x2800, $0x38;
	[tilespmem:$0x1DA80] =	vst v63  }
0x48: {  	_ =	swait.ge [sflag:s0], $0x2800  }
0x49: {  	[sflag:s0] =	ssyncset.done $0x0  }
0x4a: {  	[sflag:s0] =	ssyncadd.s32 $0xFFFFD800  }
0x4b: {  	[spmem:s30] =	stream.linear.scatter [tilespmem:s31], [sflag:$0x9], $0x2800, $0x38;
	[tilespmem:$0x1DA80] =	vst v63  }
0x4c: {  	_ =	swait.ge [sflag:s0], $0x2800  }
0x4d: {  	[sflag:s0] =	ssyncset.done $0x0  }
0x4e: {  	s24 =	rddreg [dreg:$0x14];
	[sflag:s0] =	ssyncadd.s32 $0xFFFFD800  }
0x4f: {  	[spmem:s24] =	stream.linear.scatter [tilespmem:s31], [sflag:$0x9], $0x2800, $0x38;
	[tilespmem:$0x1DA80] =	vst v63  }
0x50: {  	_ =	swait.ge [sflag:s0], $0x2800  }
0x51: {  	[sflag:s0] =	ssyncset.done $0x0  }
0x52: {  	s25 =	rddreg [dreg:$0x15];
	[sflag:s0] =	ssyncadd.s32 $0xFFFFD800  }
0x53: {  	[spmem:s25] =	stream.linear.scatter [tilespmem:s31], [sflag:$0x9], $0x2800, $0x38;
	[tilespmem:$0x1DA80] =	vst v63  }
0x54: {  	_ =	swait.ge [sflag:s0], $0x2800  }
0x55: {  	[sflag:s0] =	ssyncset.done $0x0  }
0x56: {  	s26 =	rddreg [dreg:$0x16];
	[sflag:s0] =	ssyncadd.s32 $0xFFFFD800  }
0x57: {  	[spmem:s26] =	stream.linear.scatter [tilespmem:s31], [sflag:$0x9], $0x2800, $0x38;
	[tilespmem:$0x1DA80] =	vst v63  }
0x58: {  	_ =	swait.ge [sflag:s0], $0x2800  }
0x59: {  	[sflag:s0] =	ssyncset.done $0x0  }
0x5a: {  	s23 =	simm.s32 @!p0 $0x200;
	s24 =	rddreg [dreg:$0x17];
	[sflag:s0] =	ssyncadd.s32 $0xFFFFD800  }
0x5b: {  	[spmem:s24] =	stream.linear.scatter @!p0 [tilespmem:s23], [sflag:$0x9], $0x2800, $0x38;
	[tilespmem:$0x1DA80] =	vst v63  }
0x5c: {  	s23 =	simm.s32 @!p0 $0x9  }
0x5d: {  	_ =	swait.ge @!p0 [sflag:s23], $0x2800  }
0x5e: {  	[sflag:s23] =	ssyncset.done @!p0 $0x0  }
0x5f: {  	[sflag:s23] =	ssyncadd.s32 @!p0 $0xFFFFD800  }
0x60: {  	[bflag:$0x0] =	sbarrier.arrive $0xFFFF  }
0x61: {  	s24 =	simm.s32 $0x0;
	s28 =	rddreg [dreg:$0xc]  }
0x62: {  	[tilespmem:s24], [sflag:$0x1] =	stream.linear.gather [hbm4b:s28+s24], $0x50, $0x38;
	[tilespmem:$0x1DA80] =	vst v63  }
0x63: {  	_ =	swait.ge [sflag:s4], $0x50  }
0x64: {  	[sflag:s4] =	ssyncset.done $0x0  }
0x65: {  	[sflag:s4] =	ssyncadd.s32 $0xFFFFFFB0  }
0x66: {  	v1 =	vld [tilespmem:$0x0];
	_ =	sdelay $0x1  }
0x67: {  	v2 =	vld [tilespmem:$0x10];
	_ =	sdelay $0x1  }
0x68: {  	v3 =	vld [tilespmem:$0x20]  }
0x69: {  	v4 =	vand.u32 $0x3FFF, v1  }
0x6a: {  	v63 =	vld [tilespmem:$0x30];
	v1 =	vshrl.u32 v1, $0xE;
	[tilespmem:$0x100] =	vst v4  }
0x6b: {  	[tilespmem:$0x0] =	vst v1;
	v1 =	vand.u32 $0x3FFF, v2  }
0x6c: {  	[tilespmem:$0x110] =	vst v1;
	v1 =	vshrl.u32 v2, $0xE;
	v2 =	vld [tilespmem:$0x40]  }
0x6d: {  	[tilespmem:$0x10] =	vst v1;
	v1 =	vand.u32 $0x3FFF, v3  }
0x6e: {  	[tilespmem:$0x120] =	vst v1;
	v1 =	vshrl.u32 v3, $0xE  }
0x6f: {  	[tilespmem:$0x20] =	vst v1;
	v1 =	vand.u32 $0x3FFF, v63  }
0x70: {  	[tilespmem:$0x130] =	vst v1;
	v1 =	vshrl.u32 v63, $0xE  }
0x71: {  	[tilespmem:$0x30] =	vst v1;
	v1 =	vand.u32 $0x3FFF, v2  }
0x72: {  	[tilespmem:$0x140] =	vst v1;
	v1 =	vshrl.u32 v2, $0xE  }
0x73: {  	[tilespmem:$0x40] =	vst v1  }
0x74: {  	[tilespmem:s31], [sflag:$0x3] =	stream.indirect.gather [hbm4b:s1+s7], $0x80, s24, s7, $0xb8;
	[tilespmem:$0x1DA80] =	vst v63  }
0x75: {  	s29 =	rddreg [dreg:$0xd]  }
0x76: {  	[tilespmem:s8], [sflag:$0x5] =	stream.linear.gather [hbm4b:s29+s24], $0x2800, $0x38;
	[tilespmem:$0x1DA80] =	vst v63  }
0x77: {  	s30 =	rddreg [dreg:$0xe]  }
0x78: {  	[tilespmem:s9], [sflag:$0x2] =	stream.linear.gather [hbm4b:s30+s24], $0x50, $0x38;
	[tilespmem:$0x1DA80] =	vst v63  }
.LBB2_4:
0x79: {  	_ =	swait.ge [sflag:s10], $0x2800  }
0x7a: {  	[sflag:s10] =	ssyncset.done $0x0  }
0x7b: {  	[sflag:s10] =	ssyncadd.s32 $0xFFFFD800  }
0x7c: {  	_ =	swait.ge [sflag:s11], $0x2800  }
0x7d: {  	p1 =	seq.s32 s24, $0x0;
	[sflag:s11] =	ssyncset.done $0x0  }
0x7e: {  	s23 =	simm.s32 @!p1 $0x8;
	[sflag:s11] =	ssyncadd.s32 $0xFFFFD800  }
0x7f: {  	_ =	swait.ge @!p1 [sflag:s23], $0x2800  }
0x80: {  	[sflag:s23] =	ssyncset.done @!p1 $0x0  }
0x81: {  	[sflag:s23] =	ssyncadd.s32 @!p1 $0xFFFFD800  }
0x82: {  	_ =	swait.ge [sflag:s12], $0x50  }
0x83: {  	[sflag:s12] =	ssyncset.done $0x0  }
0x84: {  	[sflag:s12] =	ssyncadd.s32 $0xFFFFFFB0  }
0x85: {  	v1 =	vld [tilespmem:$0x80];
	_ =	sdelay $0x1  }
0x86: {  	v2 =	vld [tilespmem:$0x90];
	_ =	sdelay $0x1  }
0x87: {  	v3 =	vld [tilespmem:$0xA0]  }
0x88: {  	v4 =	vand.u32 $0x3FFF, v1  }
0x89: {  	v1 =	vshrl.u32 v1, $0xE;
	[tilespmem:$0x180] =	vst v4;
	v4 =	vld [tilespmem:$0xB0]  }
0x8a: {  	[tilespmem:$0x80] =	vst v1;
	v1 =	vand.u32 $0x3FFF, v2  }
0x8b: {  	[tilespmem:$0x190] =	vst v1;
	v1 =	vshrl.u32 v2, $0xE;
	v2 =	vld [tilespmem:$0xC0]  }
0x8c: {  	[tilespmem:$0x90] =	vst v1;
	v1 =	vand.u32 $0x3FFF, v3  }
0x8d: {  	[tilespmem:$0x1A0] =	vst v1;
	v1 =	vshrl.u32 v3, $0xE  }
0x8e: {  	s23 =	smul.u32 @!p1 $0xA0, s24;
	[tilespmem:$0xA0] =	vst v1;
	v1 =	vand.u32 $0x3FFF, v4  }
0x8f: {  	[tilespmem:$0x1B0] =	vst v1;
	v1 =	vshrl.u32 v4, $0xE  }
0x90: {  	s23 =	sadd.s32 @!p1 s16, s23;
	[tilespmem:$0xB0] =	vst v1;
	v1 =	vand.u32 $0x3FFF, v2  }
0x91: {  	s23 =	smov.u32 @p1 s16;
	[tilespmem:$0x1C0] =	vst v1;
	v1 =	vshrl.u32 v2, $0xE  }
0x92: {  	s23 =	sshll.u32 s23, $0x4;
	[tilespmem:$0xC0] =	vst v1  }
0x93: {  	[tilespmem:s13], [sflag:$0x4] =	stream.indirect.gather [hbm4b:s1+s7], $0x80, s9, s7, $0xb8;
	[tilespmem:$0x1DA80] =	vst v63  }
0x94: {  	s25 =	simm.s32 $0x300;
	s23 =	sadd.s32 s6, s23  }
0x95: {  	[tilespmem:s14], [sflag:$0x6] =	stream.linear.gather [hbm4b:s23+s3], $0x2800, $0x38;
	[tilespmem:$0x1DA80] =	vst v63  }
0x96: {  	s26 =	simm.s32 $0x5300;
	v1 =	vld [tilespmem:s25+$0x80]  }
0x97: {  	v2 =	vld [tilespmem:s26+$0x80]  }
0x98: {  	v3 =	vld [tilespmem:s26+$0xFFFFFF00]  }
0x99: {  	v4 =	vld [tilespmem:s25+$0xFFFFFF80]  }
0x9a: {  	v5 =	vld [tilespmem:s26+$0xFFFFFF80]  }
0x9b: {  	v6 =	vld [tilespmem:s26+$0x0]  }
0x9c: {  	v1 =	vadd.f32 v2, v1;
	v2 =	vld [tilespmem:s25+$0x0]  }
0x9d: {  	v7 =	vld [tilespmem:s25+$0xFFFFFF00]  }
0x9e: {  	v1 =	vmax.f32 v1, $0.0e+00  }
0x9f: {  	v4 =	vadd.f32 v5, v4;
	[tilespmem:s25+$0x80] =	vst v1;
	v1 =	vld [tilespmem:s25+$0x90]  }
0xa0: {  	v8 =	vld [tilespmem:s26+$0x90]  }
0xa1: {  	v9 =	vld [tilespmem:s25+$0xFFFFFF90];
	v4 =	vmax.f32 v4, $0.0e+00;
	v2 =	vadd.f32 v6, v2  }
0xa2: {  	v5 =	vld [tilespmem:s25+$0xFFFFFF10];
	v3 =	vadd.f32 v3, v7;
	[tilespmem:s25+$0xFFFFFF80] =	vst v4  }
0xa3: {  	v6 =	vld [tilespmem:s26+$0xFFFFFF90];
	v2 =	vmax.f32 v2, $0.0e+00  }
0xa4: {  	v3 =	vmax.f32 v3, $0.0e+00;
	v4 =	vld [tilespmem:s25+$0x10];
	[tilespmem:s25+$0x0] =	vst v2  }
0xa5: {  	[tilespmem:s25+$0xFFFFFF00] =	vst v3;
	v1 =	vadd.f32 v8, v1;
	v2 =	vld [tilespmem:s26+$0x10]  }
0xa6: {  	v3 =	vld [tilespmem:s26+$0xFFFFFF10]  }
0xa7: {  	v1 =	vmax.f32 v1, $0.0e+00  }
0xa8: {  	v6 =	vadd.f32 v6, v9;
	[tilespmem:s25+$0x90] =	vst v1;
	v1 =	vld [tilespmem:s25+$0xA0]  }
0xa9: {  	v8 =	vld [tilespmem:s26+$0xA0]  }
0xaa: {  	v7 =	vld [tilespmem:s25+$0xFFFFFF20];
	v6 =	vmax.f32 v6, $0.0e+00;
	v2 =	vadd.f32 v2, v4  }
0xab: {  	v3 =	vadd.f32 v3, v5;
	v9 =	vld [tilespmem:s25+$0xFFFFFFA0];
	[tilespmem:s25+$0xFFFFFF90] =	vst v6  }
0xac: {  	v5 =	vld [tilespmem:s26+$0xFFFFFFA0];
	v2 =	vmax.f32 v2, $0.0e+00  }
0xad: {  	v3 =	vmax.f32 v3, $0.0e+00;
	v4 =	vld [tilespmem:s25+$0x20];
	[tilespmem:s25+$0x10] =	vst v2  }
0xae: {  	[tilespmem:s25+$0xFFFFFF10] =	vst v3;
	v1 =	vadd.f32 v8, v1;
	v2 =	vld [tilespmem:s26+$0x20]  }
0xaf: {  	v3 =	vld [tilespmem:s26+$0xFFFFFF20]  }
0xb0: {  	v1 =	vmax.f32 v1, $0.0e+00  }
0xb1: {  	v5 =	vadd.f32 v5, v9;
	[tilespmem:s25+$0xA0] =	vst v1;
	v1 =	vld [tilespmem:s25+$0xB0]  }
0xb2: {  	v8 =	vld [tilespmem:s26+$0xB0]  }
0xb3: {  	v10 =	vld [tilespmem:s25+$0x30];
	v5 =	vmax.f32 v5, $0.0e+00;
	v2 =	vadd.f32 v2, v4  }
0xb4: {  	v3 =	vadd.f32 v3, v7;
	v9 =	vld [tilespmem:s25+$0xFFFFFFB0];
	[tilespmem:s25+$0xFFFFFFA0] =	vst v5  }
0xb5: {  	v4 =	vld [tilespmem:s26+$0xFFFFFFB0];
	v2 =	vmax.f32 v2, $0.0e+00  }
0xb6: {  	v6 =	vld [tilespmem:s25+$0xFFFFFF30];
	[tilespmem:s25+$0x20] =	vst v2;
	v2 =	vmax.f32 v3, $0.0e+00  }
0xb7: {  	v1 =	vadd.f32 v8, v1;
	[tilespmem:s25+$0xFFFFFF20] =	vst v2;
	v2 =	vld [tilespmem:s26+$0x30]  }
0xb8: {  	v7 =	vld [tilespmem:s26+$0xFFFFFF30]  }
0xb9: {  	v11 =	vld [tilespmem:s25+$0xFFFFFF40];
	v1 =	vmax.f32 v1, $0.0e+00  }
0xba: {  	v4 =	vadd.f32 v4, v9;
	[tilespmem:s25+$0xB0] =	vst v1;
	v1 =	vld [tilespmem:s25+$0xC0]  }
0xbb: {  	v8 =	vld [tilespmem:s26+$0xC0]  }
0xbc: {  	v12 =	vld [tilespmem:s25+$0xFFFFFFD0];
	v4 =	vmax.f32 v4, $0.0e+00;
	v2 =	vadd.f32 v2, v10  }
0xbd: {  	v5 =	vld [tilespmem:s25+$0xFFFFFFC0];
	[tilespmem:s25+$0xFFFFFFB0] =	vst v4;
	v6 =	vadd.f32 v7, v6  }
0xbe: {  	v7 =	vld [tilespmem:s26+$0xFFFFFFC0];
	v2 =	vmax.f32 v2, $0.0e+00  }
0xbf: {  	v3 =	vld [tilespmem:s25+$0x40];
	[tilespmem:s25+$0x30] =	vst v2;
	v2 =	vmax.f32 v6, $0.0e+00  }
0xc0: {  	v1 =	vadd.f32 v8, v1;
	v6 =	vld [tilespmem:s26+$0x40];
	[tilespmem:s25+$0xFFFFFF30] =	vst v2  }
0xc1: {  	v2 =	vld [tilespmem:s26+$0xFFFFFF40]  }
0xc2: {  	v9 =	vld [tilespmem:s25+$0xFFFFFF50];
	v1 =	vmax.f32 v1, $0.0e+00  }
0xc3: {  	[tilespmem:s25+$0xC0] =	vst v1;
	v1 =	vadd.f32 v7, v5;
	v7 =	vld [tilespmem:s25+$0xD0]  }
0xc4: {  	v8 =	vld [tilespmem:s26+$0xD0]  }
0xc5: {  	v4 =	vld [tilespmem:s25+$0xFFFFFF60];
	v1 =	vmax.f32 v1, $0.0e+00;
	v3 =	vadd.f32 v6, v3  }
0xc6: {  	v10 =	vld [tilespmem:s25+$0x50];
	[tilespmem:s25+$0xFFFFFFC0] =	vst v1;
	v1 =	vadd.f32 v2, v11  }
0xc7: {  	v2 =	vld [tilespmem:s26+$0xFFFFFFD0];
	v3 =	vmax.f32 v3, $0.0e+00  }
0xc8: {  	v5 =	vld [tilespmem:s25+$0xFFFFFFE0];
	[tilespmem:s25+$0x40] =	vst v3;
	v1 =	vmax.f32 v1, $0.0e+00  }
0xc9: {  	v3 =	vld [tilespmem:s26+$0x50];
	v7 =	vadd.f32 v8, v7;
	[tilespmem:s25+$0xFFFFFF40] =	vst v1  }
0xca: {  	v1 =	vld [tilespmem:s26+$0xFFFFFF50]  }
0xcb: {  	v6 =	vld [tilespmem:s25+$0x60];
	v7 =	vmax.f32 v7, $0.0e+00  }
0xcc: {  	v2 =	vadd.f32 v2, v12;
	[tilespmem:s25+$0xD0] =	vst v7;
	v7 =	vld [tilespmem:s25+$0xE0]  }
0xcd: {  	v11 =	vld [tilespmem:s26+$0xE0]  }
0xce: {  	v2 =	vmax.f32 v2, $0.0e+00;
	v8 =	vadd.f32 v3, v10;
	v3 =	vld [tilespmem:s25+$0xFFFFFF70]  }
0xcf: {  	[tilespmem:s25+$0xFFFFFFD0] =	vst v2;
	v1 =	vadd.f32 v1, v9;
	v2 =	vld [tilespmem:s25+$0xFFFFFFF0]  }
0xd0: {  	v9 =	vmax.f32 v8, $0.0e+00;
	v8 =	vld [tilespmem:s26+$0xFFFFFFE0]  }
0xd1: {  	[tilespmem:s25+$0x50] =	vst v9;
	v9 =	vmax.f32 v1, $0.0e+00;
	v1 =	vld [tilespmem:s25+$0x70]  }
0xd2: {  	[tilespmem:s25+$0xFFFFFF50] =	vst v9;
	v9 =	vld [tilespmem:s26+$0x60];
	v7 =	vadd.f32 v11, v7  }
0xd3: {  	v10 =	vld [tilespmem:s26+$0xFFFFFF60]  }
0xd4: {  	s28 =	simm.s32 $0x0;
	s29 =	simm.s32 $0x500;
	s30 =	simm.s32 $0x5300;
	v11 =	vmax.f32 v7, $0.0e+00;
	v7 =	vld [tilespmem:s25+$0xF0]  }
.LBB2_5:
0xd5: {  	v12 =	vld [tilespmem:s29+$0x80];
	v5 =	vadd.f32 v8, v5;
	[tilespmem:s25+$0xE0] =	vst v11  }
0xd6: {  	s30 =	sadd.s32 $0x200, s30;
	v8 =	vld [tilespmem:s26+$0xF0]  }
0xd7: {  	s28 =	sadd.s32 $0x4, s28;
	v11 =	vld [tilespmem:s30+$0x80];
	v5 =	vmax.f32 v5, $0.0e+00;
	v6 =	vadd.f32 v9, v6  }
0xd8: {  	p1 =	slt.u32 s28, $0x4C;
	v9 =	vld [tilespmem:s30+$0xFFFFFF00];
	v4 =	vadd.f32 v10, v4;
	[tilespmem:s25+$0xFFFFFFE0] =	vst v5  }
0xd9: {  	v5 =	vld [tilespmem:s29+$0xFFFFFF80];
	v6 =	vmax.f32 v6, $0.0e+00  }
0xda: {  	v10 =	vld [tilespmem:s30+$0xFFFFFF80];
	v4 =	vmax.f32 v4, $0.0e+00;
	[tilespmem:s25+$0x60] =	vst v6  }
0xdb: {  	v6 =	vld [tilespmem:s29+$0x0];
	[tilespmem:s25+$0xFFFFFF60] =	vst v4;
	v4 =	vadd.f32 v8, v7  }
0xdc: {  	v7 =	vld [tilespmem:s30+$0x0];
	v8 =	vadd.f32 v11, v12  }
0xdd: {  	v11 =	vld [tilespmem:s29+$0xFFFFFF00];
	v4 =	vmax.f32 v4, $0.0e+00  }
0xde: {  	v12 =	vld [tilespmem:s29+$0xFFFFFF10];
	v8 =	vmax.f32 v8, $0.0e+00;
	[tilespmem:s25+$0xF0] =	vst v4  }
0xdf: {  	v4 =	vadd.f32 v10, v5;
	[tilespmem:s29+$0x80] =	vst v8;
	v5 =	vld [tilespmem:s29+$0x90]  }
0xe0: {  	v8 =	vld [tilespmem:s30+$0x90]  }
0xe1: {  	v4 =	vmax.f32 v4, $0.0e+00;
	v10 =	vld [tilespmem:s29+$0xFFFFFF90];
	v6 =	vadd.f32 v7, v6  }
0xe2: {  	v7 =	vadd.f32 v9, v11;
	[tilespmem:s29+$0xFFFFFF80] =	vst v4;
	v4 =	vld [tilespmem:s29+$0x10]  }
0xe3: {  	v9 =	vld [tilespmem:s30+$0xFFFFFF90];
	v6 =	vmax.f32 v6, $0.0e+00  }
0xe4: {  	v7 =	vmax.f32 v7, $0.0e+00;
	v11 =	vld [tilespmem:s29+$0xFFFFFF20];
	[tilespmem:s29+$0x0] =	vst v6  }
0xe5: {  	[tilespmem:s29+$0xFFFFFF00] =	vst v7;
	v6 =	vld [tilespmem:s30+$0x10];
	v5 =	vadd.f32 v8, v5  }
0xe6: {  	v7 =	vld [tilespmem:s30+$0xFFFFFF10]  }
0xe7: {  	v8 =	vld [tilespmem:s29+$0xFFFFFFA0];
	v5 =	vmax.f32 v5, $0.0e+00  }
0xe8: {  	v9 =	vadd.f32 v9, v10;
	[tilespmem:s29+$0x90] =	vst v5;
	v5 =	vld [tilespmem:s29+$0xA0]  }
0xe9: {  	v10 =	vld [tilespmem:s30+$0xA0]  }
0xea: {  	v9 =	vmax.f32 v9, $0.0e+00;
	v4 =	vadd.f32 v6, v4;
	v6 =	vld [tilespmem:s29+$0x20]  }
0xeb: {  	v7 =	vadd.f32 v7, v12;
	v12 =	vld [tilespmem:s29+$0xFFFFFF30];
	[tilespmem:s29+$0xFFFFFF90] =	vst v9  }
0xec: {  	v9 =	vld [tilespmem:s30+$0xFFFFFFA0];
	v4 =	vmax.f32 v4, $0.0e+00  }
0xed: {  	v7 =	vmax.f32 v7, $0.0e+00;
	v13 =	vld [tilespmem:s29+$0xFFFFFFB0];
	[tilespmem:s29+$0x10] =	vst v4  }
0xee: {  	[tilespmem:s29+$0xFFFFFF10] =	vst v7;
	v4 =	vld [tilespmem:s30+$0x20];
	v5 =	vadd.f32 v10, v5  }
0xef: {  	v7 =	vld [tilespmem:s30+$0xFFFFFF20]  }
0xf0: {  	v10 =	vld [tilespmem:s29+$0x30];
	v5 =	vmax.f32 v5, $0.0e+00  }
0xf1: {  	v8 =	vadd.f32 v9, v8;
	[tilespmem:s29+$0xA0] =	vst v5;
	v5 =	vld [tilespmem:s29+$0xB0]  }
0xf2: {  	v9 =	vld [tilespmem:s30+$0xB0]  }
0xf3: {  	v14 =	vld [tilespmem:s29+$0xFFFFFF40];
	v8 =	vmax.f32 v8, $0.0e+00;
	v4 =	vadd.f32 v4, v6  }
0xf4: {  	v6 =	vadd.f32 v7, v11;
	[tilespmem:s29+$0xFFFFFFA0] =	vst v8;
	v7 =	vld [tilespmem:s29+$0xFFFFFFC0]  }
0xf5: {  	v8 =	vld [tilespmem:s30+$0xFFFFFFB0];
	v4 =	vmax.f32 v4, $0.0e+00  }
0xf6: {  	v6 =	vmax.f32 v6, $0.0e+00;
	[tilespmem:s29+$0x20] =	vst v4;
	v11 =	vld [tilespmem:s29+$0x40]  }
0xf7: {  	[tilespmem:s29+$0xFFFFFF20] =	vst v6;
	v4 =	vld [tilespmem:s30+$0x30];
	v5 =	vadd.f32 v9, v5  }
0xf8: {  	v6 =	vld [tilespmem:s30+$0xFFFFFF30]  }
0xf9: {  	v9 =	vld [tilespmem:s29+$0xFFFFFF50];
	v5 =	vmax.f32 v5, $0.0e+00  }
0xfa: {  	v8 =	vadd.f32 v8, v13;
	[tilespmem:s29+$0xB0] =	vst v5;
	v5 =	vld [tilespmem:s29+$0xC0]  }
0xfb: {  	v13 =	vld [tilespmem:s30+$0xC0]  }
0xfc: {  	v8 =	vmax.f32 v8, $0.0e+00;
	v15 =	vld [tilespmem:s29+$0xFFFFFFD0];
	v4 =	vadd.f32 v4, v10  }
0xfd: {  	v6 =	vadd.f32 v6, v12;
	[tilespmem:s29+$0xFFFFFFB0] =	vst v8;
	v8 =	vld [tilespmem:s29+$0x50]  }
0xfe: {  	v10 =	vld [tilespmem:s30+$0xFFFFFFC0];
	v12 =	vmax.f32 v4, $0.0e+00  }
0xff: {  	v6 =	vmax.f32 v6, $0.0e+00;
	v4 =	vld [tilespmem:s29+$0xFFFFFF60];
	[tilespmem:s29+$0x30] =	vst v12  }
0x100: {  	[tilespmem:s29+$0xFFFFFF30] =	vst v6;
	v6 =	vld [tilespmem:s30+$0x40];
	v12 =	vadd.f32 v13, v5  }
0x101: {  	v13 =	vld [tilespmem:s30+$0xFFFFFF40]  }
0x102: {  	v5 =	vld [tilespmem:s29+$0xFFFFFFE0];
	v12 =	vmax.f32 v12, $0.0e+00  }
0x103: {  	v7 =	vadd.f32 v10, v7;
	[tilespmem:s29+$0xC0] =	vst v12;
	v10 =	vld [tilespmem:s29+$0xD0]  }
0x104: {  	v12 =	vld [tilespmem:s30+$0xD0]  }
0x105: {  	v7 =	vmax.f32 v7, $0.0e+00;
	v11 =	vadd.f32 v6, v11;
	v6 =	vld [tilespmem:s29+$0x60]  }
0x106: {  	v13 =	vadd.f32 v13, v14;
	[tilespmem:s29+$0xFFFFFFC0] =	vst v7;
	v7 =	vld [tilespmem:s26+$0xFFFFFF70]  }
0x107: {  	v14 =	vld [tilespmem:s30+$0xFFFFFFD0];
	v11 =	vmax.f32 v11, $0.0e+00  }
0x108: {  	v13 =	vmax.f32 v13, $0.0e+00;
	[tilespmem:s29+$0x40] =	vst v11;
	v11 =	vld [tilespmem:s26+$0xFFFFFFF0]  }
0x109: {  	[tilespmem:s29+$0xFFFFFF40] =	vst v13;
	v13 =	vld [tilespmem:s30+$0x50];
	v10 =	vadd.f32 v12, v10  }
0x10a: {  	v12 =	vld [tilespmem:s30+$0xFFFFFF50]  }
0x10b: {  	v10 =	vmax.f32 v10, $0.0e+00;
	v3 =	vadd.f32 v7, v3;
	v7 =	vld [tilespmem:s26+$0x70];
	s26 =	smov.u32 s30  }
0x10c: {  	v14 =	vadd.f32 v14, v15;
	[tilespmem:s29+$0xD0] =	vst v10;
	v10 =	vld [tilespmem:s29+$0xE0]  }
0x10d: {  	v15 =	vld [tilespmem:s30+$0xE0];
	v16 =	vmax.f32 v3, $0.0e+00;
	v11 =	vadd.f32 v11, v2  }
0x10e: {  	v3 =	vld [tilespmem:s29+$0xFFFFFF70];
	v2 =	vmax.f32 v14, $0.0e+00;
	v13 =	vadd.f32 v13, v8;
	[tilespmem:s25+$0xFFFFFF70] =	vst v16  }
0x10f: {  	v9 =	vadd.f32 v12, v9;
	[tilespmem:s29+$0xFFFFFFD0] =	vst v2;
	v2 =	vld [tilespmem:s29+$0xFFFFFFF0];
	v11 =	vmax.f32 v11, $0.0e+00  }
.Ltmp1:
0x110: {  	v8 =	vld [tilespmem:s30+$0xFFFFFFE0];
	v12 =	vmax.f32 v13, $0.0e+00;
	[tilespmem:s25+$0xFFFFFFF0] =	vst v11;
	v7 =	vadd.f32 v7, v1;
	(pc) =	sbr.rel @p1 .LBB2_5-.Ltmp1, $4  }
0x111: {  	v9 =	vmax.f32 v9, $0.0e+00;
	[tilespmem:s29+$0x50] =	vst v12;
	v1 =	vld [tilespmem:s29+$0x70]  }
0x112: {  	[tilespmem:s29+$0xFFFFFF50] =	vst v9;
	v9 =	vld [tilespmem:s30+$0x60];
	v11 =	vadd.f32 v15, v10;
	v7 =	vmax.f32 v7, $0.0e+00  }
0x113: {  	v10 =	vld [tilespmem:s30+$0xFFFFFF60];
	[tilespmem:s25+$0x70] =	vst v7;
	s25 =	smov.u32 s29  }
0x114: {  	s29 =	sadd.s32 $0x200, s29;
	v11 =	vmax.f32 v11, $0.0e+00;
	v7 =	vld [tilespmem:s25+$0xF0]  }
0x115: {  	_ =	sdelay $0x2  }
0x116: {  	v4 =	vadd.f32 v10, v4  }
0x117: {  	v5 =	vadd.f32 v8, v5  }
0x118: {  	[tilespmem:s25+$0xE0] =	vst v11;
	v6 =	vadd.f32 v9, v6;
	v4 =	vmax.f32 v4, $0.0e+00  }
0x119: {  	v8 =	vld [tilespmem:s26+$0xF0];
	v5 =	vmax.f32 v5, $0.0e+00;
	[tilespmem:s25+$0xFFFFFF60] =	vst v4  }
0x11a: {  	[tilespmem:s25+$0xFFFFFFE0] =	vst v5;
	v4 =	vmax.f32 v6, $0.0e+00;
	v5 =	vld [tilespmem:s26+$0xFFFFFF70]  }
0x11b: {  	[tilespmem:s25+$0x60] =	vst v4;
	v4 =	vld [tilespmem:s26+$0xFFFFFFF0]  }
0x11c: {  	v6 =	vld [tilespmem:s26+$0x70];
	_ =	sdelay $0x1  }
0x11d: {  	v7 =	vadd.f32 v8, v7  }
0x11e: {  	v3 =	vadd.f32 v5, v3  }
0x11f: {  	v5 =	vmax.f32 v7, $0.0e+00;
	v2 =	vadd.f32 v4, v2  }
0x120: {  	[tilespmem:s25+$0xF0] =	vst v5;
	v1 =	vadd.f32 v6, v1;
	v3 =	vmax.f32 v3, $0.0e+00  }
0x121: {  	v2 =	vmax.f32 v2, $0.0e+00;
	[tilespmem:s25+$0xFFFFFF70] =	vst v3  }
0x122: {  	[tilespmem:s25+$0xFFFFFFF0] =	vst v2;
	v1 =	vmax.f32 v1, $0.0e+00  }
0x123: {  	[tilespmem:s25+$0x70] =	vst v1;
	s25 =	smul.u32 $0xA0, s24  }
0x124: {  	[spmem:s2] =	stream.indirect.scatter.add.f32 [tilespmem:s31], [sflag:$0x7], $0x80, s15, s7, $0xb8;
	[tilespmem:$0x1DA80] =	vst v63  }
0x125: {  	s23 =	sadd.s32 s25, s19  }
0x126: {  	s26 =	sshrl.u32 s23, $0x3  }
0x127: {  	s26 =	sadd.s32 s5, s26  }
0x128: {  	[tilespmem:s3], [sflag:$0x1] =	stream.linear.gather [hbm4b:s26+s3], $0x50, $0x38;
	[tilespmem:$0x1DA80] =	vst v63  }
0x129: {  	_ =	swait.ge [sflag:s17], $0x2800  }
0x12a: {  	[sflag:s17] =	ssyncset.done $0x0  }
0x12b: {  	[sflag:s17] =	ssyncadd.s32 $0xFFFFD800  }
0x12c: {  	_ =	swait.ge [sflag:s18], $0x2800  }
0x12d: {  	[sflag:s18] =	ssyncset.done $0x0  }
0x12e: {  	[sflag:s18] =	ssyncadd.s32 $0xFFFFD800  }
0x12f: {  	_ =	swait.ge [sflag:s21], $0x2800  }
0x130: {  	[sflag:s21] =	ssyncset.done $0x0  }
0x131: {  	[sflag:s21] =	ssyncadd.s32 $0xFFFFD800  }
0x132: {  	_ =	swait.ge [sflag:s4], $0x50  }
0x133: {  	[sflag:s4] =	ssyncset.done $0x0  }
0x134: {  	[sflag:s4] =	ssyncadd.s32 $0xFFFFFFB0  }
0x135: {  	v1 =	vld [tilespmem:$0x0];
	_ =	sdelay $0x1  }
0x136: {  	v2 =	vld [tilespmem:$0x10];
	_ =	sdelay $0x1  }
0x137: {  	v3 =	vld [tilespmem:$0x20]  }
0x138: {  	v4 =	vand.u32 $0x3FFF, v1  }
0x139: {  	v1 =	vshrl.u32 v1, $0xE;
	[tilespmem:$0x100] =	vst v4;
	v4 =	vld [tilespmem:$0x30]  }
0x13a: {  	[tilespmem:$0x0] =	vst v1;
	v1 =	vand.u32 $0x3FFF, v2  }
0x13b: {  	[tilespmem:$0x110] =	vst v1;
	v1 =	vshrl.u32 v2, $0xE;
	v2 =	vld [tilespmem:$0x40]  }
0x13c: {  	[tilespmem:$0x10] =	vst v1;
	v1 =	vand.u32 $0x3FFF, v3  }
0x13d: {  	[tilespmem:$0x120] =	vst v1;
	v1 =	vshrl.u32 v3, $0xE  }
0x13e: {  	[tilespmem:$0x20] =	vst v1;
	v1 =	vand.u32 $0x3FFF, v4  }
0x13f: {  	[tilespmem:$0x130] =	vst v1;
	v1 =	vshrl.u32 v4, $0xE  }
0x140: {  	[tilespmem:$0x30] =	vst v1;
	v1 =	vand.u32 $0x3FFF, v2  }
0x141: {  	[tilespmem:$0x140] =	vst v1;
	v1 =	vshrl.u32 v2, $0xE  }
0x142: {  	s23 =	sshll.u32 s23, $0x4;
	[tilespmem:$0x40] =	vst v1  }
0x143: {  	[tilespmem:s31], [sflag:$0x3] =	stream.indirect.gather [hbm4b:s1+s7], $0x80, s3, s7, $0xb8;
	[tilespmem:$0x1DA80] =	vst v63  }
0x144: {  	s23 =	sadd.s32 s6, s23;
	s26 =	simm.s32 $0x2B00  }
0x145: {  	[tilespmem:s8], [sflag:$0x5] =	stream.linear.gather [hbm4b:s23+s3], $0x2800, $0x38;
	[tilespmem:$0x1DA80] =	vst v63  }
0x146: {  	s28 =	simm.s32 $0x7B00;
	v1 =	vld [tilespmem:s26+$0x80]  }
0x147: {  	v2 =	vld [tilespmem:s28+$0x80]  }
0x148: {  	v3 =	vld [tilespmem:s28+$0xFFFFFF00]  }
0x149: {  	v4 =	vld [tilespmem:s26+$0xFFFFFF80]  }
0x14a: {  	v5 =	vld [tilespmem:s28+$0xFFFFFF80]  }
0x14b: {  	v6 =	vld [tilespmem:s28+$0x0]  }
0x14c: {  	v1 =	vadd.f32 v2, v1;
	v2 =	vld [tilespmem:s26+$0x0]  }
0x14d: {  	v7 =	vld [tilespmem:s26+$0xFFFFFF00]  }
0x14e: {  	v1 =	vmax.f32 v1, $0.0e+00  }
0x14f: {  	v4 =	vadd.f32 v5, v4;
	[tilespmem:s26+$0x80] =	vst v1;
	v1 =	vld [tilespmem:s26+$0x90]  }
0x150: {  	v8 =	vld [tilespmem:s28+$0x90]  }
0x151: {  	v9 =	vld [tilespmem:s26+$0xFFFFFF90];
	v4 =	vmax.f32 v4, $0.0e+00;
	v2 =	vadd.f32 v6, v2  }
0x152: {  	v5 =	vld [tilespmem:s26+$0xFFFFFF10];
	v3 =	vadd.f32 v3, v7;
	[tilespmem:s26+$0xFFFFFF80] =	vst v4  }
0x153: {  	v6 =	vld [tilespmem:s28+$0xFFFFFF90];
	v2 =	vmax.f32 v2, $0.0e+00  }
0x154: {  	v3 =	vmax.f32 v3, $0.0e+00;
	v4 =	vld [tilespmem:s26+$0x10];
	[tilespmem:s26+$0x0] =	vst v2  }
0x155: {  	[tilespmem:s26+$0xFFFFFF00] =	vst v3;
	v1 =	vadd.f32 v8, v1;
	v2 =	vld [tilespmem:s28+$0x10]  }
0x156: {  	v3 =	vld [tilespmem:s28+$0xFFFFFF10]  }
0x157: {  	v1 =	vmax.f32 v1, $0.0e+00  }
0x158: {  	v6 =	vadd.f32 v6, v9;
	[tilespmem:s26+$0x90] =	vst v1;
	v1 =	vld [tilespmem:s26+$0xA0]  }
0x159: {  	v8 =	vld [tilespmem:s28+$0xA0]  }
0x15a: {  	v7 =	vld [tilespmem:s26+$0xFFFFFF20];
	v6 =	vmax.f32 v6, $0.0e+00;
	v2 =	vadd.f32 v2, v4  }
0x15b: {  	v3 =	vadd.f32 v3, v5;
	v9 =	vld [tilespmem:s26+$0xFFFFFFA0];
	[tilespmem:s26+$0xFFFFFF90] =	vst v6  }
0x15c: {  	v5 =	vld [tilespmem:s28+$0xFFFFFFA0];
	v2 =	vmax.f32 v2, $0.0e+00  }
0x15d: {  	v3 =	vmax.f32 v3, $0.0e+00;
	v4 =	vld [tilespmem:s26+$0x20];
	[tilespmem:s26+$0x10] =	vst v2  }
0x15e: {  	[tilespmem:s26+$0xFFFFFF10] =	vst v3;
	v1 =	vadd.f32 v8, v1;
	v2 =	vld [tilespmem:s28+$0x20]  }
0x15f: {  	v3 =	vld [tilespmem:s28+$0xFFFFFF20]  }
0x160: {  	v1 =	vmax.f32 v1, $0.0e+00  }
0x161: {  	v5 =	vadd.f32 v5, v9;
	[tilespmem:s26+$0xA0] =	vst v1;
	v1 =	vld [tilespmem:s26+$0xB0]  }
0x162: {  	v8 =	vld [tilespmem:s28+$0xB0]  }
0x163: {  	v10 =	vld [tilespmem:s26+$0x30];
	v5 =	vmax.f32 v5, $0.0e+00;
	v2 =	vadd.f32 v2, v4  }
0x164: {  	v3 =	vadd.f32 v3, v7;
	v9 =	vld [tilespmem:s26+$0xFFFFFFB0];
	[tilespmem:s26+$0xFFFFFFA0] =	vst v5  }
0x165: {  	v4 =	vld [tilespmem:s28+$0xFFFFFFB0];
	v2 =	vmax.f32 v2, $0.0e+00  }
0x166: {  	v6 =	vld [tilespmem:s26+$0xFFFFFF30];
	[tilespmem:s26+$0x20] =	vst v2;
	v2 =	vmax.f32 v3, $0.0e+00  }
0x167: {  	v1 =	vadd.f32 v8, v1;
	[tilespmem:s26+$0xFFFFFF20] =	vst v2;
	v2 =	vld [tilespmem:s28+$0x30]  }
0x168: {  	v7 =	vld [tilespmem:s28+$0xFFFFFF30]  }
0x169: {  	v11 =	vld [tilespmem:s26+$0xFFFFFF40];
	v1 =	vmax.f32 v1, $0.0e+00  }
0x16a: {  	v4 =	vadd.f32 v4, v9;
	[tilespmem:s26+$0xB0] =	vst v1;
	v1 =	vld [tilespmem:s26+$0xC0]  }
0x16b: {  	v8 =	vld [tilespmem:s28+$0xC0]  }
0x16c: {  	v12 =	vld [tilespmem:s26+$0xFFFFFFD0];
	v4 =	vmax.f32 v4, $0.0e+00;
	v2 =	vadd.f32 v2, v10  }
0x16d: {  	v5 =	vld [tilespmem:s26+$0xFFFFFFC0];
	[tilespmem:s26+$0xFFFFFFB0] =	vst v4;
	v6 =	vadd.f32 v7, v6  }
0x16e: {  	v7 =	vld [tilespmem:s28+$0xFFFFFFC0];
	v2 =	vmax.f32 v2, $0.0e+00  }
0x16f: {  	v3 =	vld [tilespmem:s26+$0x40];
	[tilespmem:s26+$0x30] =	vst v2;
	v2 =	vmax.f32 v6, $0.0e+00  }
0x170: {  	v1 =	vadd.f32 v8, v1;
	v6 =	vld [tilespmem:s28+$0x40];
	[tilespmem:s26+$0xFFFFFF30] =	vst v2  }
0x171: {  	v2 =	vld [tilespmem:s28+$0xFFFFFF40]  }
0x172: {  	v9 =	vld [tilespmem:s26+$0xFFFFFF50];
	v1 =	vmax.f32 v1, $0.0e+00  }
0x173: {  	[tilespmem:s26+$0xC0] =	vst v1;
	v1 =	vadd.f32 v7, v5;
	v7 =	vld [tilespmem:s26+$0xD0]  }
0x174: {  	v8 =	vld [tilespmem:s28+$0xD0]  }
0x175: {  	v4 =	vld [tilespmem:s26+$0xFFFFFF60];
	v1 =	vmax.f32 v1, $0.0e+00;
	v3 =	vadd.f32 v6, v3  }
0x176: {  	v10 =	vld [tilespmem:s26+$0x50];
	[tilespmem:s26+$0xFFFFFFC0] =	vst v1;
	v1 =	vadd.f32 v2, v11  }
0x177: {  	v2 =	vld [tilespmem:s28+$0xFFFFFFD0];
	v3 =	vmax.f32 v3, $0.0e+00  }
0x178: {  	v5 =	vld [tilespmem:s26+$0xFFFFFFE0];
	[tilespmem:s26+$0x40] =	vst v3;
	v1 =	vmax.f32 v1, $0.0e+00  }
0x179: {  	v3 =	vld [tilespmem:s28+$0x50];
	v7 =	vadd.f32 v8, v7;
	[tilespmem:s26+$0xFFFFFF40] =	vst v1  }
0x17a: {  	v1 =	vld [tilespmem:s28+$0xFFFFFF50]  }
0x17b: {  	v6 =	vld [tilespmem:s26+$0x60];
	v7 =	vmax.f32 v7, $0.0e+00  }
0x17c: {  	v2 =	vadd.f32 v2, v12;
	[tilespmem:s26+$0xD0] =	vst v7;
	v7 =	vld [tilespmem:s26+$0xE0]  }
0x17d: {  	v11 =	vld [tilespmem:s28+$0xE0]  }
0x17e: {  	v2 =	vmax.f32 v2, $0.0e+00;
	v8 =	vadd.f32 v3, v10;
	v3 =	vld [tilespmem:s26+$0xFFFFFF70]  }
0x17f: {  	[tilespmem:s26+$0xFFFFFFD0] =	vst v2;
	v1 =	vadd.f32 v1, v9;
	v2 =	vld [tilespmem:s26+$0xFFFFFFF0]  }
0x180: {  	v9 =	vmax.f32 v8, $0.0e+00;
	v8 =	vld [tilespmem:s28+$0xFFFFFFE0]  }
0x181: {  	[tilespmem:s26+$0x50] =	vst v9;
	v9 =	vmax.f32 v1, $0.0e+00;
	v1 =	vld [tilespmem:s26+$0x70]  }
0x182: {  	[tilespmem:s26+$0xFFFFFF50] =	vst v9;
	v9 =	vld [tilespmem:s28+$0x60];
	v7 =	vadd.f32 v11, v7  }
0x183: {  	v10 =	vld [tilespmem:s28+$0xFFFFFF60]  }
0x184: {  	s29 =	simm.s32 $0x0;
	s30 =	simm.s32 $0x2D00;
	s23 =	simm.s32 $0x7B00;
	v11 =	vmax.f32 v7, $0.0e+00;
	v7 =	vld [tilespmem:s26+$0xF0]  }
.LBB2_7:
0x185: {  	v12 =	vld [tilespmem:s30+$0x80];
	v5 =	vadd.f32 v8, v5;
	[tilespmem:s26+$0xE0] =	vst v11  }
0x186: {  	s23 =	sadd.s32 $0x200, s23;
	v8 =	vld [tilespmem:s28+$0xF0]  }
0x187: {  	s29 =	sadd.s32 $0x4, s29;
	v11 =	vld [tilespmem:s23+$0x80];
	v5 =	vmax.f32 v5, $0.0e+00;
	v6 =	vadd.f32 v9, v6  }
0x188: {  	p1 =	slt.u32 s29, $0x4C;
	v9 =	vld [tilespmem:s23+$0xFFFFFF00];
	v4 =	vadd.f32 v10, v4;
	[tilespmem:s26+$0xFFFFFFE0] =	vst v5  }
0x189: {  	v5 =	vld [tilespmem:s30+$0xFFFFFF80];
	v6 =	vmax.f32 v6, $0.0e+00  }
0x18a: {  	v10 =	vld [tilespmem:s23+$0xFFFFFF80];
	v4 =	vmax.f32 v4, $0.0e+00;
	[tilespmem:s26+$0x60] =	vst v6  }
0x18b: {  	v6 =	vld [tilespmem:s30+$0x0];
	[tilespmem:s26+$0xFFFFFF60] =	vst v4;
	v4 =	vadd.f32 v8, v7  }
0x18c: {  	v7 =	vld [tilespmem:s23+$0x0];
	v8 =	vadd.f32 v11, v12  }
0x18d: {  	v11 =	vld [tilespmem:s30+$0xFFFFFF00];
	v4 =	vmax.f32 v4, $0.0e+00  }
0x18e: {  	v12 =	vld [tilespmem:s30+$0xFFFFFF10];
	v8 =	vmax.f32 v8, $0.0e+00;
	[tilespmem:s26+$0xF0] =	vst v4  }
0x18f: {  	v4 =	vadd.f32 v10, v5;
	[tilespmem:s30+$0x80] =	vst v8;
	v5 =	vld [tilespmem:s30+$0x90]  }
0x190: {  	v8 =	vld [tilespmem:s23+$0x90]  }
0x191: {  	v4 =	vmax.f32 v4, $0.0e+00;
	v10 =	vld [tilespmem:s30+$0xFFFFFF90];
	v6 =	vadd.f32 v7, v6  }
0x192: {  	v7 =	vadd.f32 v9, v11;
	[tilespmem:s30+$0xFFFFFF80] =	vst v4;
	v4 =	vld [tilespmem:s30+$0x10]  }
0x193: {  	v9 =	vld [tilespmem:s23+$0xFFFFFF90];
	v6 =	vmax.f32 v6, $0.0e+00  }
0x194: {  	v7 =	vmax.f32 v7, $0.0e+00;
	v11 =	vld [tilespmem:s30+$0xFFFFFF20];
	[tilespmem:s30+$0x0] =	vst v6  }
0x195: {  	[tilespmem:s30+$0xFFFFFF00] =	vst v7;
	v6 =	vld [tilespmem:s23+$0x10];
	v5 =	vadd.f32 v8, v5  }
0x196: {  	v7 =	vld [tilespmem:s23+$0xFFFFFF10]  }
0x197: {  	v8 =	vld [tilespmem:s30+$0xFFFFFFA0];
	v5 =	vmax.f32 v5, $0.0e+00  }
0x198: {  	v9 =	vadd.f32 v9, v10;
	[tilespmem:s30+$0x90] =	vst v5;
	v5 =	vld [tilespmem:s30+$0xA0]  }
0x199: {  	v10 =	vld [tilespmem:s23+$0xA0]  }
0x19a: {  	v9 =	vmax.f32 v9, $0.0e+00;
	v4 =	vadd.f32 v6, v4;
	v6 =	vld [tilespmem:s30+$0x20]  }
0x19b: {  	v7 =	vadd.f32 v7, v12;
	v12 =	vld [tilespmem:s30+$0xFFFFFF30];
	[tilespmem:s30+$0xFFFFFF90] =	vst v9  }
0x19c: {  	v9 =	vld [tilespmem:s23+$0xFFFFFFA0];
	v4 =	vmax.f32 v4, $0.0e+00  }
0x19d: {  	v7 =	vmax.f32 v7, $0.0e+00;
	v13 =	vld [tilespmem:s30+$0xFFFFFFB0];
	[tilespmem:s30+$0x10] =	vst v4  }
0x19e: {  	[tilespmem:s30+$0xFFFFFF10] =	vst v7;
	v4 =	vld [tilespmem:s23+$0x20];
	v5 =	vadd.f32 v10, v5  }
0x19f: {  	v7 =	vld [tilespmem:s23+$0xFFFFFF20]  }
0x1a0: {  	v10 =	vld [tilespmem:s30+$0x30];
	v5 =	vmax.f32 v5, $0.0e+00  }
0x1a1: {  	v8 =	vadd.f32 v9, v8;
	[tilespmem:s30+$0xA0] =	vst v5;
	v5 =	vld [tilespmem:s30+$0xB0]  }
0x1a2: {  	v9 =	vld [tilespmem:s23+$0xB0]  }
0x1a3: {  	v14 =	vld [tilespmem:s30+$0xFFFFFF40];
	v8 =	vmax.f32 v8, $0.0e+00;
	v4 =	vadd.f32 v4, v6  }
0x1a4: {  	v6 =	vadd.f32 v7, v11;
	[tilespmem:s30+$0xFFFFFFA0] =	vst v8;
	v7 =	vld [tilespmem:s30+$0xFFFFFFC0]  }
0x1a5: {  	v8 =	vld [tilespmem:s23+$0xFFFFFFB0];
	v4 =	vmax.f32 v4, $0.0e+00  }
0x1a6: {  	v6 =	vmax.f32 v6, $0.0e+00;
	[tilespmem:s30+$0x20] =	vst v4;
	v11 =	vld [tilespmem:s30+$0x40]  }
0x1a7: {  	[tilespmem:s30+$0xFFFFFF20] =	vst v6;
	v4 =	vld [tilespmem:s23+$0x30];
	v5 =	vadd.f32 v9, v5  }
0x1a8: {  	v6 =	vld [tilespmem:s23+$0xFFFFFF30]  }
0x1a9: {  	v9 =	vld [tilespmem:s30+$0xFFFFFF50];
	v5 =	vmax.f32 v5, $0.0e+00  }
0x1aa: {  	v8 =	vadd.f32 v8, v13;
	[tilespmem:s30+$0xB0] =	vst v5;
	v5 =	vld [tilespmem:s30+$0xC0]  }
0x1ab: {  	v13 =	vld [tilespmem:s23+$0xC0]  }
0x1ac: {  	v8 =	vmax.f32 v8, $0.0e+00;
	v15 =	vld [tilespmem:s30+$0xFFFFFFD0];
	v4 =	vadd.f32 v4, v10  }
0x1ad: {  	v6 =	vadd.f32 v6, v12;
	[tilespmem:s30+$0xFFFFFFB0] =	vst v8;
	v8 =	vld [tilespmem:s30+$0x50]  }
0x1ae: {  	v10 =	vld [tilespmem:s23+$0xFFFFFFC0];
	v12 =	vmax.f32 v4, $0.0e+00  }
0x1af: {  	v6 =	vmax.f32 v6, $0.0e+00;
	v4 =	vld [tilespmem:s30+$0xFFFFFF60];
	[tilespmem:s30+$0x30] =	vst v12  }
0x1b0: {  	[tilespmem:s30+$0xFFFFFF30] =	vst v6;
	v6 =	vld [tilespmem:s23+$0x40];
	v12 =	vadd.f32 v13, v5  }
0x1b1: {  	v13 =	vld [tilespmem:s23+$0xFFFFFF40]  }
0x1b2: {  	v5 =	vld [tilespmem:s30+$0xFFFFFFE0];
	v12 =	vmax.f32 v12, $0.0e+00  }
0x1b3: {  	v7 =	vadd.f32 v10, v7;
	[tilespmem:s30+$0xC0] =	vst v12;
	v10 =	vld [tilespmem:s30+$0xD0]  }
0x1b4: {  	v12 =	vld [tilespmem:s23+$0xD0]  }
0x1b5: {  	v7 =	vmax.f32 v7, $0.0e+00;
	v11 =	vadd.f32 v6, v11;
	v6 =	vld [tilespmem:s30+$0x60]  }
0x1b6: {  	v13 =	vadd.f32 v13, v14;
	[tilespmem:s30+$0xFFFFFFC0] =	vst v7;
	v7 =	vld [tilespmem:s28+$0xFFFFFF70]  }
0x1b7: {  	v14 =	vld [tilespmem:s23+$0xFFFFFFD0];
	v11 =	vmax.f32 v11, $0.0e+00  }
0x1b8: {  	v13 =	vmax.f32 v13, $0.0e+00;
	[tilespmem:s30+$0x40] =	vst v11;
	v11 =	vld [tilespmem:s28+$0xFFFFFFF0]  }
0x1b9: {  	[tilespmem:s30+$0xFFFFFF40] =	vst v13;
	v13 =	vld [tilespmem:s23+$0x50];
	v10 =	vadd.f32 v12, v10  }
0x1ba: {  	v12 =	vld [tilespmem:s23+$0xFFFFFF50]  }
0x1bb: {  	v10 =	vmax.f32 v10, $0.0e+00;
	v3 =	vadd.f32 v7, v3;
	v7 =	vld [tilespmem:s28+$0x70];
	s28 =	smov.u32 s23  }
0x1bc: {  	v14 =	vadd.f32 v14, v15;
	[tilespmem:s30+$0xD0] =	vst v10;
	v10 =	vld [tilespmem:s30+$0xE0]  }
0x1bd: {  	v15 =	vld [tilespmem:s23+$0xE0];
	v16 =	vmax.f32 v3, $0.0e+00;
	v11 =	vadd.f32 v11, v2  }
0x1be: {  	v3 =	vld [tilespmem:s30+$0xFFFFFF70];
	v2 =	vmax.f32 v14, $0.0e+00;
	v13 =	vadd.f32 v13, v8;
	[tilespmem:s26+$0xFFFFFF70] =	vst v16  }
0x1bf: {  	v9 =	vadd.f32 v12, v9;
	[tilespmem:s30+$0xFFFFFFD0] =	vst v2;
	v2 =	vld [tilespmem:s30+$0xFFFFFFF0];
	v11 =	vmax.f32 v11, $0.0e+00  }
.Ltmp2:
0x1c0: {  	v8 =	vld [tilespmem:s23+$0xFFFFFFE0];
	v12 =	vmax.f32 v13, $0.0e+00;
	[tilespmem:s26+$0xFFFFFFF0] =	vst v11;
	v7 =	vadd.f32 v7, v1;
	(pc) =	sbr.rel @p1 .LBB2_7-.Ltmp2, $4  }
0x1c1: {  	v9 =	vmax.f32 v9, $0.0e+00;
	[tilespmem:s30+$0x50] =	vst v12;
	v1 =	vld [tilespmem:s30+$0x70]  }
0x1c2: {  	[tilespmem:s30+$0xFFFFFF50] =	vst v9;
	v9 =	vld [tilespmem:s23+$0x60];
	v11 =	vadd.f32 v15, v10;
	v7 =	vmax.f32 v7, $0.0e+00  }
0x1c3: {  	v10 =	vld [tilespmem:s23+$0xFFFFFF60];
	[tilespmem:s26+$0x70] =	vst v7;
	s26 =	smov.u32 s30  }
0x1c4: {  	s30 =	sadd.s32 $0x200, s30;
	v11 =	vmax.f32 v11, $0.0e+00;
	v7 =	vld [tilespmem:s26+$0xF0]  }
0x1c5: {  	_ = 	snop  }
0x1c6: {  	v5 =	vadd.f32 v8, v5  }
0x1c7: {  	v6 =	vadd.f32 v9, v6  }
0x1c8: {  	[tilespmem:s26+$0xE0] =	vst v11;
	v5 =	vmax.f32 v5, $0.0e+00;
	v4 =	vadd.f32 v10, v4  }
0x1c9: {  	v58 =	vld [tilespmem:s28+$0xF0];
	[tilespmem:s26+$0xFFFFFFE0] =	vst v5;
	v59 =	vmax.f32 v6, $0.0e+00  }
0x1ca: {  	v61 =	vld [tilespmem:s28+$0xFFFFFFF0];
	v4 =	vmax.f32 v4, $0.0e+00;
	[tilespmem:s26+$0x60] =	vst v59  }
0x1cb: {  	[tilespmem:s26+$0xFFFFFF60] =	vst v4;
	v62 =	vld [tilespmem:s28+$0x70]  }
0x1cc: {  	v60 =	vld [tilespmem:s28+$0xFFFFFF70];
	_ =	sdelay $0x1  }
0x1cd: {  	v7 =	vadd.f32 v58, v7  }
0x1ce: {  	v2 =	vadd.f32 v61, v2  }
0x1cf: {  	p1 =	seq.s32 s24, $0x3D;
	v63 =	vmax.f32 v7, $0.0e+00;
	v1 =	vadd.f32 v62, v1  }
.Ltmp3:
0x1d0: {  	[tilespmem:s26+$0xF0] =	vst v63;
	v2 =	vmax.f32 v2, $0.0e+00;
	v3 =	vadd.f32 v60, v3;
	(pc) =	sbr.rel @p1 .LBB2_10-.Ltmp3, $4  }
0x1d1: {  	[tilespmem:s26+$0xFFFFFFF0] =	vst v2;
	v1 =	vmax.f32 v1, $0.0e+00  }
0x1d2: {  	v3 =	vmax.f32 v3, $0.0e+00;
	[tilespmem:s26+$0x70] =	vst v1  }
0x1d3: {  	[tilespmem:s26+$0xFFFFFF70] =	vst v3  }
0x1d4: {  	[spmem:s2] =	stream.indirect.scatter.add.f32 [tilespmem:s13], [sflag:$0x8], $0x80, s22, s7, $0xb8;
	[tilespmem:$0x1DA80] =	vst v63  }
.Ltmp4:
0x1d5: {  	(pc) =	sbr.rel .LBB2_4-.Ltmp4, $4  }
0x1d6: {  	s23 =	sadd.s32 s25, s20  }
0x1d7: {  	s23 =	sshrl.u32 s23, $0x3  }
0x1d8: {  	s24 =	sadd.s32 $0x1, s24;
	s23 =	sadd.s32 s5, s23  }
0x1d9: {  	[tilespmem:s9], [sflag:$0x2] =	stream.linear.gather [hbm4b:s23+s3], $0x50, $0x38;
	[tilespmem:$0x1DA80] =	vst v63  }
.LBB2_10:
0x1da: {  	_ =	swait.ge [sflag:s10], $0x2800  }
0x1db: {  	[sflag:s10] =	ssyncset.done $0x0  }
0x1dc: {  	[sflag:s10] =	ssyncadd.s32 $0xFFFFD800  }
0x1dd: {  	_ =	swait.ge [sflag:s11], $0x2800  }
0x1de: {  	[sflag:s11] =	ssyncset.done $0x0  }
0x1df: {  	s23 =	simm.s32 $0x8;
	[sflag:s11] =	ssyncadd.s32 $0xFFFFD800  }
0x1e0: {  	_ =	swait.ge [sflag:s23], $0x2800  }
0x1e1: {  	[sflag:s23] =	ssyncset.done $0x0  }
0x1e2: {  	s24 =	simm.s32 $0x300;
	[sflag:s23] =	ssyncadd.s32 $0xFFFFD800  }
0x1e3: {  	s25 =	simm.s32 $0x5300;
	v1 =	vld [tilespmem:s24+$0x80]  }
0x1e4: {  	v2 =	vld [tilespmem:s25+$0x80]  }
0x1e5: {  	v3 =	vld [tilespmem:s25+$0xFFFFFF00]  }
0x1e6: {  	v4 =	vld [tilespmem:s24+$0xFFFFFF80]  }
0x1e7: {  	v5 =	vld [tilespmem:s25+$0xFFFFFF80]  }
0x1e8: {  	v6 =	vld [tilespmem:s25+$0x0]  }
0x1e9: {  	v1 =	vadd.f32 v2, v1;
	v2 =	vld [tilespmem:s24+$0x0]  }
0x1ea: {  	v7 =	vld [tilespmem:s24+$0xFFFFFF00]  }
0x1eb: {  	v1 =	vmax.f32 v1, $0.0e+00  }
0x1ec: {  	v4 =	vadd.f32 v5, v4;
	[tilespmem:s24+$0x80] =	vst v1;
	v1 =	vld [tilespmem:s24+$0x90]  }
0x1ed: {  	v8 =	vld [tilespmem:s25+$0x90]  }
0x1ee: {  	v9 =	vld [tilespmem:s24+$0xFFFFFF90];
	v4 =	vmax.f32 v4, $0.0e+00;
	v2 =	vadd.f32 v6, v2  }
0x1ef: {  	v5 =	vld [tilespmem:s24+$0xFFFFFF10];
	v3 =	vadd.f32 v3, v7;
	[tilespmem:s24+$0xFFFFFF80] =	vst v4  }
0x1f0: {  	v6 =	vld [tilespmem:s25+$0xFFFFFF90];
	v2 =	vmax.f32 v2, $0.0e+00  }
0x1f1: {  	v3 =	vmax.f32 v3, $0.0e+00;
	v4 =	vld [tilespmem:s24+$0x10];
	[tilespmem:s24+$0x0] =	vst v2  }
0x1f2: {  	[tilespmem:s24+$0xFFFFFF00] =	vst v3;
	v1 =	vadd.f32 v8, v1;
	v2 =	vld [tilespmem:s25+$0x10]  }
0x1f3: {  	v3 =	vld [tilespmem:s25+$0xFFFFFF10]  }
0x1f4: {  	v1 =	vmax.f32 v1, $0.0e+00  }
0x1f5: {  	v6 =	vadd.f32 v6, v9;
	[tilespmem:s24+$0x90] =	vst v1;
	v1 =	vld [tilespmem:s24+$0xA0]  }
0x1f6: {  	v8 =	vld [tilespmem:s25+$0xA0]  }
0x1f7: {  	v7 =	vld [tilespmem:s24+$0xFFFFFF20];
	v6 =	vmax.f32 v6, $0.0e+00;
	v2 =	vadd.f32 v2, v4  }
0x1f8: {  	v3 =	vadd.f32 v3, v5;
	v9 =	vld [tilespmem:s24+$0xFFFFFFA0];
	[tilespmem:s24+$0xFFFFFF90] =	vst v6  }
0x1f9: {  	v5 =	vld [tilespmem:s25+$0xFFFFFFA0];
	v2 =	vmax.f32 v2, $0.0e+00  }
0x1fa: {  	v3 =	vmax.f32 v3, $0.0e+00;
	v4 =	vld [tilespmem:s24+$0x20];
	[tilespmem:s24+$0x10] =	vst v2  }
0x1fb: {  	[tilespmem:s24+$0xFFFFFF10] =	vst v3;
	v1 =	vadd.f32 v8, v1;
	v2 =	vld [tilespmem:s25+$0x20]  }
0x1fc: {  	v3 =	vld [tilespmem:s25+$0xFFFFFF20]  }
0x1fd: {  	v1 =	vmax.f32 v1, $0.0e+00  }
0x1fe: {  	v5 =	vadd.f32 v5, v9;
	[tilespmem:s24+$0xA0] =	vst v1;
	v1 =	vld [tilespmem:s24+$0xB0]  }
0x1ff: {  	v8 =	vld [tilespmem:s25+$0xB0]  }
0x200: {  	v10 =	vld [tilespmem:s24+$0x30];
	v5 =	vmax.f32 v5, $0.0e+00;
	v2 =	vadd.f32 v2, v4  }
0x201: {  	v3 =	vadd.f32 v3, v7;
	v9 =	vld [tilespmem:s24+$0xFFFFFFB0];
	[tilespmem:s24+$0xFFFFFFA0] =	vst v5  }
0x202: {  	v4 =	vld [tilespmem:s25+$0xFFFFFFB0];
	v2 =	vmax.f32 v2, $0.0e+00  }
0x203: {  	v6 =	vld [tilespmem:s24+$0xFFFFFF30];
	[tilespmem:s24+$0x20] =	vst v2;
	v2 =	vmax.f32 v3, $0.0e+00  }
0x204: {  	v1 =	vadd.f32 v8, v1;
	[tilespmem:s24+$0xFFFFFF20] =	vst v2;
	v2 =	vld [tilespmem:s25+$0x30]  }
0x205: {  	v7 =	vld [tilespmem:s25+$0xFFFFFF30]  }
0x206: {  	v11 =	vld [tilespmem:s24+$0xFFFFFF40];
	v1 =	vmax.f32 v1, $0.0e+00  }
0x207: {  	v4 =	vadd.f32 v4, v9;
	[tilespmem:s24+$0xB0] =	vst v1;
	v1 =	vld [tilespmem:s24+$0xC0]  }
0x208: {  	v8 =	vld [tilespmem:s25+$0xC0]  }
0x209: {  	v12 =	vld [tilespmem:s24+$0xFFFFFFD0];
	v4 =	vmax.f32 v4, $0.0e+00;
	v2 =	vadd.f32 v2, v10  }
0x20a: {  	v5 =	vld [tilespmem:s24+$0xFFFFFFC0];
	[tilespmem:s24+$0xFFFFFFB0] =	vst v4;
	v6 =	vadd.f32 v7, v6  }
0x20b: {  	v7 =	vld [tilespmem:s25+$0xFFFFFFC0];
	v2 =	vmax.f32 v2, $0.0e+00  }
0x20c: {  	v3 =	vld [tilespmem:s24+$0x40];
	[tilespmem:s24+$0x30] =	vst v2;
	v2 =	vmax.f32 v6, $0.0e+00  }
0x20d: {  	v1 =	vadd.f32 v8, v1;
	v6 =	vld [tilespmem:s25+$0x40];
	[tilespmem:s24+$0xFFFFFF30] =	vst v2  }
0x20e: {  	v2 =	vld [tilespmem:s25+$0xFFFFFF40]  }
0x20f: {  	v9 =	vld [tilespmem:s24+$0xFFFFFF50];
	v1 =	vmax.f32 v1, $0.0e+00  }
0x210: {  	[tilespmem:s24+$0xC0] =	vst v1;
	v1 =	vadd.f32 v7, v5;
	v7 =	vld [tilespmem:s24+$0xD0]  }
0x211: {  	v8 =	vld [tilespmem:s25+$0xD0]  }
0x212: {  	v4 =	vld [tilespmem:s24+$0xFFFFFF60];
	v1 =	vmax.f32 v1, $0.0e+00;
	v3 =	vadd.f32 v6, v3  }
0x213: {  	v10 =	vld [tilespmem:s24+$0x50];
	[tilespmem:s24+$0xFFFFFFC0] =	vst v1;
	v1 =	vadd.f32 v2, v11  }
0x214: {  	v2 =	vld [tilespmem:s25+$0xFFFFFFD0];
	v3 =	vmax.f32 v3, $0.0e+00  }
0x215: {  	v5 =	vld [tilespmem:s24+$0xFFFFFFE0];
	[tilespmem:s24+$0x40] =	vst v3;
	v1 =	vmax.f32 v1, $0.0e+00  }
0x216: {  	v3 =	vld [tilespmem:s25+$0x50];
	v7 =	vadd.f32 v8, v7;
	[tilespmem:s24+$0xFFFFFF40] =	vst v1  }
0x217: {  	v1 =	vld [tilespmem:s25+$0xFFFFFF50]  }
0x218: {  	v6 =	vld [tilespmem:s24+$0x60];
	v7 =	vmax.f32 v7, $0.0e+00  }
0x219: {  	v2 =	vadd.f32 v2, v12;
	[tilespmem:s24+$0xD0] =	vst v7;
	v7 =	vld [tilespmem:s24+$0xE0]  }
0x21a: {  	v11 =	vld [tilespmem:s25+$0xE0]  }
0x21b: {  	v2 =	vmax.f32 v2, $0.0e+00;
	v8 =	vadd.f32 v3, v10;
	v3 =	vld [tilespmem:s24+$0xFFFFFF70]  }
0x21c: {  	[tilespmem:s24+$0xFFFFFFD0] =	vst v2;
	v1 =	vadd.f32 v1, v9;
	v2 =	vld [tilespmem:s24+$0xFFFFFFF0]  }
0x21d: {  	v9 =	vmax.f32 v8, $0.0e+00;
	v8 =	vld [tilespmem:s25+$0xFFFFFFE0]  }
0x21e: {  	[tilespmem:s24+$0x50] =	vst v9;
	v9 =	vmax.f32 v1, $0.0e+00;
	v1 =	vld [tilespmem:s24+$0x70]  }
0x21f: {  	[tilespmem:s24+$0xFFFFFF50] =	vst v9;
	v9 =	vld [tilespmem:s25+$0x60];
	v7 =	vadd.f32 v11, v7  }
0x220: {  	v10 =	vld [tilespmem:s25+$0xFFFFFF60]  }
0x221: {  	s26 =	simm.s32 $0x0;
	s28 =	simm.s32 $0x500;
	s23 =	simm.s32 $0x5300;
	v11 =	vmax.f32 v7, $0.0e+00;
	v7 =	vld [tilespmem:s24+$0xF0]  }
.LBB2_11:
0x222: {  	v12 =	vld [tilespmem:s28+$0x80];
	v5 =	vadd.f32 v8, v5;
	[tilespmem:s24+$0xE0] =	vst v11  }
0x223: {  	s23 =	sadd.s32 $0x200, s23;
	v8 =	vld [tilespmem:s25+$0xF0]  }
0x224: {  	s26 =	sadd.s32 $0x4, s26;
	v11 =	vld [tilespmem:s23+$0x80];
	v5 =	vmax.f32 v5, $0.0e+00;
	v6 =	vadd.f32 v9, v6  }
0x225: {  	p1 =	slt.u32 s26, $0x4C;
	v9 =	vld [tilespmem:s23+$0xFFFFFF00];
	v4 =	vadd.f32 v10, v4;
	[tilespmem:s24+$0xFFFFFFE0] =	vst v5  }
0x226: {  	v5 =	vld [tilespmem:s28+$0xFFFFFF80];
	v6 =	vmax.f32 v6, $0.0e+00  }
0x227: {  	v10 =	vld [tilespmem:s23+$0xFFFFFF80];
	v4 =	vmax.f32 v4, $0.0e+00;
	[tilespmem:s24+$0x60] =	vst v6  }
0x228: {  	v6 =	vld [tilespmem:s28+$0x0];
	[tilespmem:s24+$0xFFFFFF60] =	vst v4;
	v4 =	vadd.f32 v8, v7  }
0x229: {  	v7 =	vld [tilespmem:s23+$0x0];
	v8 =	vadd.f32 v11, v12  }
0x22a: {  	v11 =	vld [tilespmem:s28+$0xFFFFFF00];
	v4 =	vmax.f32 v4, $0.0e+00  }
0x22b: {  	v12 =	vld [tilespmem:s28+$0xFFFFFF10];
	v8 =	vmax.f32 v8, $0.0e+00;
	[tilespmem:s24+$0xF0] =	vst v4  }
0x22c: {  	v4 =	vadd.f32 v10, v5;
	[tilespmem:s28+$0x80] =	vst v8;
	v5 =	vld [tilespmem:s28+$0x90]  }
0x22d: {  	v8 =	vld [tilespmem:s23+$0x90]  }
0x22e: {  	v4 =	vmax.f32 v4, $0.0e+00;
	v10 =	vld [tilespmem:s28+$0xFFFFFF90];
	v6 =	vadd.f32 v7, v6  }
0x22f: {  	v7 =	vadd.f32 v9, v11;
	[tilespmem:s28+$0xFFFFFF80] =	vst v4;
	v4 =	vld [tilespmem:s28+$0x10]  }
0x230: {  	v9 =	vld [tilespmem:s23+$0xFFFFFF90];
	v6 =	vmax.f32 v6, $0.0e+00  }
0x231: {  	v7 =	vmax.f32 v7, $0.0e+00;
	v11 =	vld [tilespmem:s28+$0xFFFFFF20];
	[tilespmem:s28+$0x0] =	vst v6  }
0x232: {  	[tilespmem:s28+$0xFFFFFF00] =	vst v7;
	v6 =	vld [tilespmem:s23+$0x10];
	v5 =	vadd.f32 v8, v5  }
0x233: {  	v7 =	vld [tilespmem:s23+$0xFFFFFF10]  }
0x234: {  	v8 =	vld [tilespmem:s28+$0xFFFFFFA0];
	v5 =	vmax.f32 v5, $0.0e+00  }
0x235: {  	v9 =	vadd.f32 v9, v10;
	[tilespmem:s28+$0x90] =	vst v5;
	v5 =	vld [tilespmem:s28+$0xA0]  }
0x236: {  	v10 =	vld [tilespmem:s23+$0xA0]  }
0x237: {  	v9 =	vmax.f32 v9, $0.0e+00;
	v4 =	vadd.f32 v6, v4;
	v6 =	vld [tilespmem:s28+$0x20]  }
0x238: {  	v7 =	vadd.f32 v7, v12;
	v12 =	vld [tilespmem:s28+$0xFFFFFF30];
	[tilespmem:s28+$0xFFFFFF90] =	vst v9  }
0x239: {  	v9 =	vld [tilespmem:s23+$0xFFFFFFA0];
	v4 =	vmax.f32 v4, $0.0e+00  }
0x23a: {  	v7 =	vmax.f32 v7, $0.0e+00;
	v13 =	vld [tilespmem:s28+$0xFFFFFFB0];
	[tilespmem:s28+$0x10] =	vst v4  }
0x23b: {  	[tilespmem:s28+$0xFFFFFF10] =	vst v7;
	v4 =	vld [tilespmem:s23+$0x20];
	v5 =	vadd.f32 v10, v5  }
0x23c: {  	v7 =	vld [tilespmem:s23+$0xFFFFFF20]  }
0x23d: {  	v10 =	vld [tilespmem:s28+$0x30];
	v5 =	vmax.f32 v5, $0.0e+00  }
0x23e: {  	v8 =	vadd.f32 v9, v8;
	[tilespmem:s28+$0xA0] =	vst v5;
	v5 =	vld [tilespmem:s28+$0xB0]  }
0x23f: {  	v9 =	vld [tilespmem:s23+$0xB0]  }
0x240: {  	v14 =	vld [tilespmem:s28+$0xFFFFFF40];
	v8 =	vmax.f32 v8, $0.0e+00;
	v4 =	vadd.f32 v4, v6  }
0x241: {  	v6 =	vadd.f32 v7, v11;
	[tilespmem:s28+$0xFFFFFFA0] =	vst v8;
	v7 =	vld [tilespmem:s28+$0xFFFFFFC0]  }
0x242: {  	v8 =	vld [tilespmem:s23+$0xFFFFFFB0];
	v4 =	vmax.f32 v4, $0.0e+00  }
0x243: {  	v6 =	vmax.f32 v6, $0.0e+00;
	[tilespmem:s28+$0x20] =	vst v4;
	v11 =	vld [tilespmem:s28+$0x40]  }
0x244: {  	[tilespmem:s28+$0xFFFFFF20] =	vst v6;
	v4 =	vld [tilespmem:s23+$0x30];
	v5 =	vadd.f32 v9, v5  }
0x245: {  	v6 =	vld [tilespmem:s23+$0xFFFFFF30]  }
0x246: {  	v9 =	vld [tilespmem:s28+$0xFFFFFF50];
	v5 =	vmax.f32 v5, $0.0e+00  }
0x247: {  	v8 =	vadd.f32 v8, v13;
	[tilespmem:s28+$0xB0] =	vst v5;
	v5 =	vld [tilespmem:s28+$0xC0]  }
0x248: {  	v13 =	vld [tilespmem:s23+$0xC0]  }
0x249: {  	v8 =	vmax.f32 v8, $0.0e+00;
	v15 =	vld [tilespmem:s28+$0xFFFFFFD0];
	v4 =	vadd.f32 v4, v10  }
0x24a: {  	v6 =	vadd.f32 v6, v12;
	[tilespmem:s28+$0xFFFFFFB0] =	vst v8;
	v8 =	vld [tilespmem:s28+$0x50]  }
0x24b: {  	v10 =	vld [tilespmem:s23+$0xFFFFFFC0];
	v12 =	vmax.f32 v4, $0.0e+00  }
0x24c: {  	v6 =	vmax.f32 v6, $0.0e+00;
	v4 =	vld [tilespmem:s28+$0xFFFFFF60];
	[tilespmem:s28+$0x30] =	vst v12  }
0x24d: {  	[tilespmem:s28+$0xFFFFFF30] =	vst v6;
	v6 =	vld [tilespmem:s23+$0x40];
	v12 =	vadd.f32 v13, v5  }
0x24e: {  	v13 =	vld [tilespmem:s23+$0xFFFFFF40]  }
0x24f: {  	v5 =	vld [tilespmem:s28+$0xFFFFFFE0];
	v12 =	vmax.f32 v12, $0.0e+00  }
0x250: {  	v7 =	vadd.f32 v10, v7;
	[tilespmem:s28+$0xC0] =	vst v12;
	v10 =	vld [tilespmem:s28+$0xD0]  }
0x251: {  	v12 =	vld [tilespmem:s23+$0xD0]  }
0x252: {  	v7 =	vmax.f32 v7, $0.0e+00;
	v11 =	vadd.f32 v6, v11;
	v6 =	vld [tilespmem:s28+$0x60]  }
0x253: {  	v13 =	vadd.f32 v13, v14;
	[tilespmem:s28+$0xFFFFFFC0] =	vst v7;
	v7 =	vld [tilespmem:s25+$0xFFFFFF70]  }
0x254: {  	v14 =	vld [tilespmem:s23+$0xFFFFFFD0];
	v11 =	vmax.f32 v11, $0.0e+00  }
0x255: {  	v13 =	vmax.f32 v13, $0.0e+00;
	[tilespmem:s28+$0x40] =	vst v11;
	v11 =	vld [tilespmem:s25+$0xFFFFFFF0]  }
0x256: {  	[tilespmem:s28+$0xFFFFFF40] =	vst v13;
	v13 =	vld [tilespmem:s23+$0x50];
	v10 =	vadd.f32 v12, v10  }
0x257: {  	v12 =	vld [tilespmem:s23+$0xFFFFFF50]  }
0x258: {  	v10 =	vmax.f32 v10, $0.0e+00;
	v3 =	vadd.f32 v7, v3;
	v7 =	vld [tilespmem:s25+$0x70];
	s25 =	smov.u32 s23  }
0x259: {  	v14 =	vadd.f32 v14, v15;
	[tilespmem:s28+$0xD0] =	vst v10;
	v10 =	vld [tilespmem:s28+$0xE0]  }
0x25a: {  	v15 =	vld [tilespmem:s23+$0xE0];
	v16 =	vmax.f32 v3, $0.0e+00;
	v11 =	vadd.f32 v11, v2  }
0x25b: {  	v3 =	vld [tilespmem:s28+$0xFFFFFF70];
	v2 =	vmax.f32 v14, $0.0e+00;
	v13 =	vadd.f32 v13, v8;
	[tilespmem:s24+$0xFFFFFF70] =	vst v16  }
0x25c: {  	v9 =	vadd.f32 v12, v9;
	[tilespmem:s28+$0xFFFFFFD0] =	vst v2;
	v2 =	vld [tilespmem:s28+$0xFFFFFFF0];
	v11 =	vmax.f32 v11, $0.0e+00  }
.Ltmp5:
0x25d: {  	v8 =	vld [tilespmem:s23+$0xFFFFFFE0];
	v12 =	vmax.f32 v13, $0.0e+00;
	[tilespmem:s24+$0xFFFFFFF0] =	vst v11;
	v7 =	vadd.f32 v7, v1;
	(pc) =	sbr.rel @p1 .LBB2_11-.Ltmp5, $4  }
0x25e: {  	v9 =	vmax.f32 v9, $0.0e+00;
	[tilespmem:s28+$0x50] =	vst v12;
	v1 =	vld [tilespmem:s28+$0x70]  }
0x25f: {  	[tilespmem:s28+$0xFFFFFF50] =	vst v9;
	v9 =	vld [tilespmem:s23+$0x60];
	v11 =	vadd.f32 v15, v10;
	v7 =	vmax.f32 v7, $0.0e+00  }
0x260: {  	v10 =	vld [tilespmem:s23+$0xFFFFFF60];
	[tilespmem:s24+$0x70] =	vst v7;
	s24 =	smov.u32 s28  }
0x261: {  	s28 =	sadd.s32 $0x200, s28;
	v11 =	vmax.f32 v11, $0.0e+00;
	v7 =	vld [tilespmem:s24+$0xF0]  }
0x262: {  	_ = 	snop  }
0x263: {  	v5 =	vadd.f32 v8, v5  }
0x264: {  	v6 =	vadd.f32 v9, v6  }
0x265: {  	[tilespmem:s24+$0xE0] =	vst v11;
	v5 =	vmax.f32 v5, $0.0e+00;
	v4 =	vadd.f32 v10, v4  }
0x266: {  	v58 =	vld [tilespmem:s25+$0xF0];
	[tilespmem:s24+$0xFFFFFFE0] =	vst v5;
	v59 =	vmax.f32 v6, $0.0e+00  }
0x267: {  	v61 =	vld [tilespmem:s25+$0xFFFFFFF0];
	v4 =	vmax.f32 v4, $0.0e+00;
	[tilespmem:s24+$0x60] =	vst v59  }
0x268: {  	[tilespmem:s24+$0xFFFFFF60] =	vst v4;
	v62 =	vld [tilespmem:s25+$0x70]  }
0x269: {  	v60 =	vld [tilespmem:s25+$0xFFFFFF70];
	_ =	sdelay $0x1  }
0x26a: {  	v7 =	vadd.f32 v58, v7  }
0x26b: {  	v2 =	vadd.f32 v61, v2  }
0x26c: {  	v63 =	vmax.f32 v7, $0.0e+00;
	v1 =	vadd.f32 v62, v1  }
0x26d: {  	[tilespmem:s24+$0xF0] =	vst v63;
	v2 =	vmax.f32 v2, $0.0e+00;
	v3 =	vadd.f32 v60, v3  }
0x26e: {  	[tilespmem:s24+$0xFFFFFFF0] =	vst v2;
	v1 =	vmax.f32 v1, $0.0e+00  }
0x26f: {  	v3 =	vmax.f32 v3, $0.0e+00;
	[tilespmem:s24+$0x70] =	vst v1  }
0x270: {  	[tilespmem:s24+$0xFFFFFF70] =	vst v3  }
0x271: {  	[spmem:s2] =	stream.indirect.scatter.add.f32 [tilespmem:s31], [sflag:$0x7], $0x80, s15, s7, $0xb8;
	[tilespmem:$0x1DA80] =	vst v63  }
0x272: {  	_ =	swait.ge [sflag:s21], $0x2800  }
0x273: {  	[sflag:s21] =	ssyncset.done $0x0  }
0x274: {  	[sflag:s21] =	ssyncadd.s32 $0xFFFFD800  }
0x275: {  	s23 =	stileid.u32;
	[bflag:$0x0] =	sbarrier.arrive $0xFFFF  }
0x276: {  	s23 =	sshll.u32 s23, $0x6;
	s26 =	rddreg [dreg:$0x10]  }
0x277: {  	s23 =	sor.u32 $0x1C09, s23;
	s25 =	rddreg [dreg:$0x4];
	s24 =	sshrl.u32 s26, $0x3  }
0x278: {  	[hbm:s25], [sflag:s23] =	dma.local [spmem:s24], $0x500  }
0x279: {  	_ =	swait.ge [sflag:s0], $0x500  }
0x27a: {  	[sflag:s0] =	ssyncset.done $0x0;
	s28 =	rddreg [dreg:$0x11]  }
0x27b: {  	s25 =	rddreg [dreg:$0x5];
	[sflag:s0] =	ssyncadd.s32 $0xFFFFFB00;
	s24 =	sshrl.u32 s28, $0x3  }
0x27c: {  	[hbm:s25], [sflag:s23] =	dma.local [spmem:s24], $0x500  }
0x27d: {  	_ =	swait.ge [sflag:s0], $0x500  }
0x27e: {  	[sflag:s0] =	ssyncset.done $0x0;
	s29 =	rddreg [dreg:$0x12]  }
0x27f: {  	s25 =	rddreg [dreg:$0x6];
	[sflag:s0] =	ssyncadd.s32 $0xFFFFFB00;
	s24 =	sshrl.u32 s29, $0x3  }
0x280: {  	[hbm:s25], [sflag:s23] =	dma.local [spmem:s24], $0x500  }
0x281: {  	_ =	swait.ge [sflag:s0], $0x500  }
0x282: {  	[sflag:s0] =	ssyncset.done $0x0;
	s30 =	rddreg [dreg:$0x13]  }
0x283: {  	s25 =	rddreg [dreg:$0x7];
	[sflag:s0] =	ssyncadd.s32 $0xFFFFFB00;
	s24 =	sshrl.u32 s30, $0x3  }
0x284: {  	[hbm:s25], [sflag:s23] =	dma.local [spmem:s24], $0x500  }
0x285: {  	_ =	swait.ge [sflag:s0], $0x500  }
0x286: {  	[sflag:s0] =	ssyncset.done $0x0;
	s25 =	rddreg [dreg:$0x14]  }
0x287: {  	[sflag:s0] =	ssyncadd.s32 $0xFFFFFB00;
	s24 =	sshrl.u32 s25, $0x3;
	s25 =	rddreg [dreg:$0x8]  }
0x288: {  	[hbm:s25], [sflag:s23] =	dma.local [spmem:s24], $0x500  }
0x289: {  	_ =	swait.ge [sflag:s0], $0x500  }
0x28a: {  	[sflag:s0] =	ssyncset.done $0x0;
	s25 =	rddreg [dreg:$0x15]  }
0x28b: {  	[sflag:s0] =	ssyncadd.s32 $0xFFFFFB00;
	s24 =	sshrl.u32 s25, $0x3;
	s25 =	rddreg [dreg:$0x9]  }
0x28c: {  	[hbm:s25], [sflag:s23] =	dma.local [spmem:s24], $0x500  }
0x28d: {  	_ =	swait.ge [sflag:s0], $0x500  }
0x28e: {  	[sflag:s0] =	ssyncset.done $0x0;
	s25 =	rddreg [dreg:$0x16]  }
0x28f: {  	[sflag:s0] =	ssyncadd.s32 $0xFFFFFB00;
	s24 =	sshrl.u32 s25, $0x3;
	s25 =	rddreg [dreg:$0xa]  }
0x290: {  	[hbm:s25], [sflag:s23] =	dma.local [spmem:s24], $0x500  }
0x291: {  	_ =	swait.ge [sflag:s0], $0x500  }
0x292: {  	[sflag:s0] =	ssyncset.done $0x0;
	s24 =	rddreg [dreg:$0x17]  }
0x293: {  	s25 =	rddreg [dreg:$0xb];
	[sflag:s0] =	ssyncadd.s32 $0xFFFFFB00;
	s24 =	sshrl.u32 @!p0 s24, $0x3  }
0x294: {  	[hbm:s25], [sflag:s23] =	dma.local @!p0 [spmem:s24], $0x500  }
0x295: {  	s23 =	simm.s32 @!p0 $0x9  }
0x296: {  	_ =	swait.ge @!p0 [sflag:s23], $0x500  }
0x297: {  	s24 =	rddreg [dreg:$0x18]  }
0x298: {  	s25 =	sadd.s32 $0x1, s24;
	s24 =	rddreg [dreg:$0xf]  }
0x299: {  	p1 =	sne.s32 s25, s24  }
.Ltmp6:
0x29a: {  	_ = 	snop;
	(pc) =	sbr.rel @p1 .LBB2_1-.Ltmp6, $3  }
0x29b: {  	_ =	sdelay $0x1  }
0x29c: {  	[sflag:s23] =	ssyncset.done @!p0 $0x0  }
0x29d: {  	[sflag:s23] =	ssyncadd.s32 @!p0 $0xFFFFFB00  }
0x29e: {  	_ =	sfence.sel $0x180000  }
0x29f: {  	[bflag:$0x0] =	sbarrier.arrive $0xFFFF  }
0x2a0: {  	_ =	strace $0x90000047  }
0x2a1: {  	s0 =	stileid.u32;
	[bflag:$0x2] =	sbarrier.arrive $0xFFFF  }
0x2a2: {  	p0 =	sne.s32 s0, $0x0;
	s0 =	rddreg [dreg:$0x3]  }
0x2a3: {  	s0 =	sadd.s32 @!p0 $0x100000, s0  }
0x2a4: {  	[sflag:s0] =	ssyncadd.tile.s32 @!p0 $0x1;
	_ =	shalt  }
.Lfunc_end2:
_tile_overlayer_lowered:
.L_overlay_start_2:
0x2a5: {  	(tag) =	ssettag $0x2  }
0x2a6: {  	s0 =	rddreg [dreg:$0x0];
	s2 =	stileid.u32  }
0x2a7: {  	s1 =	rddreg [dreg:$0x1];
	p0 =	sne.s32 s2, $0x0  }
0x2a8: {  	s3 =	rddreg [dreg:$0x2];
	[bflag:$0x3] =	sbarrier.arrive $0xFFFF;
	s2 =	simm.s32 @!p0 $0x1C09  }
0x2a9: {  	[timem:s3], [sflag:s2] =	dma.local @!p0 [hbm:s0], s1  }
0x2aa: {  	s0 =	simm.s32 @!p0 $0x9  }
0x2ab: {  	_ =	swait.ge @!p0 [sflag:s0], s1  }
0x2ac: {  	s1 =	ssub.s32 @!p0 $0x0, s1;
	[sflag:s0] =	ssyncset.done @!p0 $0x0  }
0x2ad: {  	[sflag:s0] =	ssyncadd.s32 @!p0 s1  }
0x2ae: {  	[bflag:$0x3] =	sbarrier.arrive $0xFFFF  }
0x2af: {  	_ =	shalt  }

</sc_bundles>
